<compile_context>
chip_gen: v7x
topology: tpu7x:2x2x1
jax: 0.10.2.dev20260603
libtpu: 0.0.44.dev20260713+nightly
codegen_flags: <defaults>
</compile_context>

<pallas_src>
import dataclasses
import functools

import jax
import jax.numpy as jnp
from jax import lax
from jax.experimental import pallas as pl
from jax.experimental.pallas import tpu as pltpu
from jax.experimental.pallas import tpu_sc as plsc

N = 10000
E = 320000
D = 128
DE = 16
NEG = 0.2

NC = 2
NS = 16
NW = NC * NS
EPW = E // NW
CE = 80
NCHUNK = EPW // CE
RPS = N // NS


def _pre_body(er_ref, at_ref, sel_ref, f_ref, wn_ref, ws_ref, b_ref,
              z_ref, fw_ref, sp_ref):
    t = er_ref[...] * at_ref[...]
    l = lax.dot_general(t, sel_ref[...], (((1,), (0,)), ((), ())),
                        preferred_element_type=jnp.float32)
    l = jnp.where(l >= 0, l, NEG * l)
    z_ref[...] = jnp.exp(l)

    f = f_ref[...]
    fw_ref[...] = lax.dot_general(f, wn_ref[...], (((1,), (1,)), ((), ())),
                                  preferred_element_type=jnp.float32)
    sp_ref[...] = lax.dot_general(f, ws_ref[...], (((1,), (1,)), ((), ())),
                                  preferred_element_type=jnp.float32) + b_ref[...]


def _prologue(edge_r, attn_e, feat, W_neigh, W_self, bias):
    er2 = edge_r.reshape(E // 8, 8 * DE)
    at_tiled = jnp.tile(attn_e[:, 0], 8).reshape(1, 8 * DE)
    sel = jnp.kron(jnp.eye(8, dtype=jnp.float32),
                   jnp.ones((DE, 1), dtype=jnp.float32))
    G = 10
    BE = E // 8 // G
    BN = N // G
    z8, fw, sp = pl.pallas_call(
        _pre_body,
        grid=(G,),
        in_specs=[pl.BlockSpec((BE, 8 * DE), lambda i: (i, 0)),
                  pl.BlockSpec((1, 8 * DE), lambda i: (0, 0)),
                  pl.BlockSpec((8 * DE, 8), lambda i: (0, 0)),
                  pl.BlockSpec((BN, D), lambda i: (i, 0)),
                  pl.BlockSpec((D, D), lambda i: (0, 0)),
                  pl.BlockSpec((D, D), lambda i: (0, 0)),
                  pl.BlockSpec((1, D), lambda i: (0, 0))],
        out_specs=[pl.BlockSpec((BE, 8), lambda i: (i, 0)),
                   pl.BlockSpec((BN, D), lambda i: (i, 0)),
                   pl.BlockSpec((BN, D), lambda i: (i, 0))],
        out_shape=[jax.ShapeDtypeStruct((E // 8, 8), jnp.float32),
                   jax.ShapeDtypeStruct((N, D), jnp.float32),
                   jax.ShapeDtypeStruct((N, D), jnp.float32)],
    )(er2, at_tiled, sel, feat, W_neigh, W_self, bias.reshape(1, D))
    return z8.reshape(E), fw, sp


def _splat(vec16, j):
    idx = jnp.full((16,), j, dtype=jnp.int32)
    return lax.gather(
        vec16, idx[:, None],
        lax.GatherDimensionNumbers(offset_dims=(), collapsed_slice_dims=(0,),
                                   start_index_map=(0,)),
        slice_sizes=(1,), mode=lax.GatherScatterMode.PROMISE_IN_BOUNDS)


def _sc_body(fw_hbm, ei_hbm, z_hbm, U_hbm, s_hbm,
             src_loc, z_loc, s_loc, rows0, rows1, db0, db1, U_sh,
             sem_st, sem_g, sem_d, sem_s0, sem_s1):
    c = lax.axis_index("c")
    sid = lax.axis_index("s")
    wid = sid * NC + c
    ebase = wid * EPW
    zero16 = jnp.zeros((16,), jnp.float32)

    st_src = pltpu.make_async_copy(ei_hbm.at[pl.ds(ebase, EPW)], src_loc,
                                   sem_st)
    st_z = pltpu.make_async_copy(z_hbm.at[pl.ds(ebase, EPW)], z_loc, sem_st)
    st_src.start()
    st_z.start()

    @pl.loop(0, N, step=16)
    def _(i):
        s_loc[pl.ds(i, 16)] = zero16

    @pl.loop(0, CE)
    def _(r):
        for v in range(D // 16):
            rows0[r, pl.ds(v * 16, 16)] = zero16

    base_row = sid * 624
    for t in range(7):
        pltpu.sync_copy(rows0.at[pl.ds(0, 80)],
                        U_sh.at[pl.ds(base_row + t * 80, 80)])

    @pl.when(sid < NS - 1)
    def _():
        pltpu.sync_copy(rows0.at[pl.ds(0, 64)],
                        U_sh.at[pl.ds(base_row + 560, 64)])

    @pl.when(sid == NS - 1)
    def _():
        pltpu.sync_copy(rows0.at[pl.ds(0, 80)],
                        U_sh.at[pl.ds(base_row + 560, 80)])

    plsc.subcore_barrier()
    st_src.wait()
    st_z.wait()

    def dst_start(k, db):
        pltpu.async_copy(ei_hbm.at[pl.ds(E + ebase + k * CE, CE)], db, sem_d)

    def dst_wait(db):
        pltpu.make_async_copy(ei_hbm.at[pl.ds(E, CE)], db, sem_d).wait()

    H = CE // 2

    def gather_start(k, rows):
        pltpu.async_copy(fw_hbm.at[src_loc.at[pl.ds(k * CE, H)]],
                         rows.at[pl.ds(0, H)], sem_g)
        pltpu.async_copy(fw_hbm.at[src_loc.at[pl.ds(k * CE + H, H)]],
                         rows.at[pl.ds(H, H)], sem_g)

    def gather_wait(rows):
        pltpu.make_async_copy(fw_hbm.at[src_loc.at[pl.ds(0, H)]],
                              rows.at[pl.ds(0, H)], sem_g).wait()
        pltpu.make_async_copy(fw_hbm.at[src_loc.at[pl.ds(0, H)]],
                              rows.at[pl.ds(H, H)], sem_g).wait()

    def scatter_start(rows, db, sem):
        pltpu.make_async_copy(rows, U_sh.at[db], sem).start(add=True)

    def scatter_wait(rows, db, sem):
        pltpu.make_async_copy(rows, U_sh.at[db], sem).wait()

    dst_start(0, db0)
    gather_start(0, rows0)

    def chunk_body(k, rows_b, db_b, sem_b, rows_o, db_o, sem_o):
        gather_wait(rows_b)
        dst_wait(db_b)

        @pl.when(k >= 1)
        def _():
            scatter_wait(rows_o, db_o, sem_o)

        @pl.when(k + 1 < NCHUNK)
        def _():
            dst_start(k + 1, db_o)
            gather_start(k + 1, rows_o)

        @pl.loop(0, CE // 16)
        def _(g):
            off = k * CE + g * 16
            z16 = z_loc[pl.ds(off, 16)]
            d16 = db_b[pl.ds(g * 16, 16)]
            plsc.addupdate_scatter(s_loc, [d16], z16)
            for j in range(16):
                zj = _splat(z16, j)
                e = g * 16 + j
                for v in range(D // 16):
                    sl = pl.ds(v * 16, 16)
                    rows_b[e, sl] = rows_b[e, sl] * zj

        scatter_start(rows_b, db_b, sem_b)

    @pl.loop(0, NCHUNK)
    def _(k):
        @pl.when(k % 2 == 0)
        def _():
            chunk_body(k, rows0, db0, sem_s0, rows1, db1, sem_s1)

        @pl.when(k % 2 == 1)
        def _():
            chunk_body(k, rows1, db1, sem_s1, rows0, db0, sem_s0)

    scatter_wait(rows0, db0, sem_s0)
    plsc.subcore_barrier()
    pltpu.sync_copy(s_loc, s_hbm.at[wid])
    for t in range(7):
        pltpu.sync_copy(U_sh.at[pl.ds(base_row + t * 80, 80)],
                        U_hbm.at[c, pl.ds(base_row + t * 80, 80)])

    @pl.when(sid < NS - 1)
    def _():
        pltpu.sync_copy(U_sh.at[pl.ds(base_row + 560, 64)],
                        U_hbm.at[c, pl.ds(base_row + 560, 64)])

    @pl.when(sid == NS - 1)
    def _():
        pltpu.sync_copy(U_sh.at[pl.ds(base_row + 560, 80)],
                        U_hbm.at[c, pl.ds(base_row + 560, 80)])


def _sc_aggregate(fw, ei_flat, z):
    mesh = plsc.VectorSubcoreMesh(core_axis_name="c", subcore_axis_name="s")
    cp = pltpu.CompilerParams()
    if "needs_layout_passes" in pltpu.CompilerParams.__dataclass_fields__:
        cp = dataclasses.replace(cp, needs_layout_passes=False)
    kern = pl.kernel(
        _sc_body,
        out_type=[jax.ShapeDtypeStruct((NC, N, D), jnp.float32),
                  jax.ShapeDtypeStruct((NW, N), jnp.float32)],
        mesh=mesh,
        scratch_types=[
            pltpu.VMEM((EPW,), jnp.int32),
            pltpu.VMEM((EPW,), jnp.float32),
            pltpu.VMEM((N,), jnp.float32),
            pltpu.VMEM((CE, D), jnp.float32),
            pltpu.VMEM((CE, D), jnp.float32),
            pltpu.VMEM((CE,), jnp.int32),
            pltpu.VMEM((CE,), jnp.int32),
            pltpu.VMEM_SHARED((N, D), jnp.float32),
            pltpu.SemaphoreType.DMA,
            pltpu.SemaphoreType.DMA,
            pltpu.SemaphoreType.DMA,
            pltpu.SemaphoreType.DMA,
            pltpu.SemaphoreType.DMA,
        ],
        compiler_params=cp)
    return kern(fw, ei_flat, z)


def _fin_body(sp_ref, U_ref, spart_ref, out_ref):
    s = jnp.sum(spart_ref[0], axis=0)
    Usum = U_ref[0] + U_ref[1]
    inv = jnp.where(s > 0, 1.0 / s, 0.0)
    out_ref[...] = sp_ref[...] + Usum * inv[:, None]


def _finalize(self_pre, U, s_part):
    B = N // 10
    s_t = s_part.reshape(NW, N // B, B).transpose(1, 0, 2)
    return pl.pallas_call(
        _fin_body,
        grid=(N // B,),
        in_specs=[pl.BlockSpec((B, D), lambda i: (i, 0)),
                  pl.BlockSpec((NC, B, D), lambda i: (0, i, 0)),
                  pl.BlockSpec((1, NW, B), lambda i: (i, 0, 0))],
        out_specs=pl.BlockSpec((B, D), lambda i: (i, 0)),
        out_shape=jax.ShapeDtypeStruct((N, D), jnp.float32),
    )(self_pre, U, s_t)


def kernel(feat, edge_index, edge_r, attn_e, W_self, b_self, W_neigh, b_neigh):
    ei_flat = edge_index.astype(jnp.int32).reshape(2 * E)
    z, fw, self_pre = _prologue(edge_r, attn_e, feat, W_neigh, W_self,
                                b_self + b_neigh)
    U, s_part = _sc_aggregate(fw, ei_flat, z)
    return _finalize(self_pre, U, s_part)

# --- scband reference (transcript-rebuilt; emitter-appended) ---
"""Pipeline reference for scband-my-rel-conv-77214922048099 (READ-ONLY COPY).

The authoritative reference and input builder live on the scoring server;
editing this copy changes nothing except your own understanding.
"""

import jax, jax.numpy as jnp
import numpy as np

N_NODES = 10000
N_EDGES = 320000
D_FEAT = 128
D_EDGE = 16
D_OUT = 128
NEG_SLOPE = 0.2


def setup_inputs(seed: int = 0) -> dict:
    key = jax.random.key(seed)
    ks = jax.random.split(key, 8)
    feat = jax.random.normal(ks[0], (N_NODES, D_FEAT), dtype=jnp.float32)
    edge_index = jax.random.randint(ks[1], (2, N_EDGES), 0, N_NODES).astype(jnp.int64)
    edge_r = jax.random.normal(ks[2], (N_EDGES, D_EDGE), dtype=jnp.float32)
    # learned parameters
    attn_e = jax.random.normal(ks[3], (D_EDGE, 1), dtype=jnp.float32) * 0.1
    gain = np.sqrt(2.0)
    W_self = jax.random.uniform(ks[4], (D_OUT, D_FEAT), dtype=jnp.float32, minval=-1.0, maxval=1.0) * (gain * np.sqrt(6.0 / (D_OUT + D_FEAT)))
    b_self = jnp.zeros((D_OUT,), dtype=jnp.float32)
    W_neigh = jax.random.uniform(ks[5], (D_OUT, D_FEAT), dtype=jnp.float32, minval=-1.0, maxval=1.0) * (gain * np.sqrt(6.0 / (D_OUT + D_FEAT)))
    b_neigh = jnp.zeros((D_OUT,), dtype=jnp.float32)
    return {"feat": feat, "edge_index": edge_index, "edge_r": edge_r,
            "attn_e": attn_e, "W_self": W_self, "b_self": b_self,
            "W_neigh": W_neigh, "b_neigh": b_neigh}


def reference(feat, edge_index, edge_r, attn_e, W_self, b_self, W_neigh, b_neigh):
    # aggregator_type='mean', attn_type='edge', dropout=0 (eval), include=True
    src = edge_index[0]
    dst = edge_index[1]
    n = feat.shape[0]
    # attn_e path: logits per edge from edge features
    logits = jnp.matmul(edge_r, attn_e)[:, 0]                    # [E]
    logits = jnp.where(logits >= 0, logits, NEG_SLOPE * logits)   # leaky_relu
    # edge_softmax over incoming edges of each dst node (numerically stable)
    m = jax.ops.segment_max(logits, dst, num_segments=n)
    m = jnp.where(jnp.isfinite(m), m, 0.0)
    z = jnp.exp(logits - m[dst])
    s = jax.ops.segment_sum(z, dst, num_segments=n)
    a = z / s[dst]                                                # [E]
    # message passing: u_mul_e then sum -> weighted scatter-add
    msg = feat[src] * a[:, None]                                  # [E, D]
    neigh = jax.ops.segment_sum(msg, dst, num_segments=n)         # [N, D]
    rst = feat @ W_self.T + b_self + neigh @ W_neigh.T + b_neigh
    return rst

if __name__ == "__main__":
    import jax
    _d = setup_inputs()
    print(jax.jit(kernel)(*tuple(_d.values())))

</pallas_src>

<mosaic_0001>
#map = affine_map<(d0, d1) -> (0, 0)>
#map1 = affine_map<(d0, d1) -> (0)>
#map2 = affine_map<(d0, d1) -> (0, 0, 0)>
module attributes {stable_mosaic.version = 14 : i64} {
  func.func @_sc_body(%arg0: i32, %arg1: i32, %arg2: memref<10000x128xf32, #tpu.memory_space<hbm>>, %arg3: memref<640000xi32, #tpu.memory_space<hbm>>, %arg4: memref<320000xf32, #tpu.memory_space<hbm>>, %arg5: memref<2x10000x128xf32, #tpu.memory_space<hbm>>, %arg6: memref<32x10000xf32, #tpu.memory_space<hbm>>, %arg7: memref<10000xi32, #tpu.memory_space<vmem>>, %arg8: memref<10000xf32, #tpu.memory_space<vmem>>, %arg9: memref<10000xf32, #tpu.memory_space<vmem>>, %arg10: memref<80x128xf32, #tpu.memory_space<vmem>>, %arg11: memref<80x128xf32, #tpu.memory_space<vmem>>, %arg12: memref<80xi32, #tpu.memory_space<vmem>>, %arg13: memref<80xi32, #tpu.memory_space<vmem>>, %arg14: memref<10000x128xf32, #tpu.memory_space<vmem_shared>>, %arg15: memref<!tpu.dma_semaphore, #tpu.memory_space<semaphore_mem>>, %arg16: memref<!tpu.dma_semaphore, #tpu.memory_space<semaphore_mem>>, %arg17: memref<!tpu.dma_semaphore, #tpu.memory_space<semaphore_mem>>, %arg18: memref<!tpu.dma_semaphore, #tpu.memory_space<semaphore_mem>>, %arg19: memref<!tpu.dma_semaphore, #tpu.memory_space<semaphore_mem>>) attributes {dimension_semantics = [#tpu.dimension_semantics<core_parallel>, #tpu.dimension_semantics<subcore_parallel>], iteration_bounds = array<i64: 2, 16>, scalar_prefetch = 0 : i64, scratch_operands = 13 : i64, tpu.core_type = #tpu.core_type<sc_vector_subcore>, window_params = [{transform_indices = #map}, {transform_indices = #map1}, {transform_indices = #map1}, {transform_indices = #map2}, {transform_indices = #map}]} {
    %mul3A = arith.constant 2 : i32
    %mul3A_0 = arith.muli %arg1, %mul3A : i32
    %add3A = arith.addi %mul3A_0, %arg0 : i32
    %mul3A_1 = arith.constant 10000 : i32
    %mul3A_2 = arith.muli %add3A, %mul3A_1 : i32
    %broadcast_in_dim3A = arith.constant 0.000000e+00 : f32
    %broadcast_in_dim3A_3 = vector.broadcast %broadcast_in_dim3A : f32 to vector<16xf32>
    %dma_start3A = tpu.memref_slice %arg3[%mul3A_2] : memref<640000xi32, #tpu.memory_space<hbm>> -> memref<10000xi32, #tpu.memory_space<hbm>>
    %dma_start3A_4 = tpu.memref_slice %arg3[%mul3A_2] : memref<640000xi32, #tpu.memory_space<hbm>> -> memref<10000xi32, #tpu.memory_space<hbm>>
    tpu.enqueue_dma source(%dma_start3A_4 : memref<10000xi32, #tpu.memory_space<hbm>>) target(%arg7 : memref<10000xi32, #tpu.memory_space<vmem>>) target_semaphore(%arg15 : memref<!tpu.dma_semaphore, #tpu.memory_space<semaphore_mem>>)
    %dma_start3A_5 = tpu.memref_slice %arg4[%mul3A_2] : memref<320000xf32, #tpu.memory_space<hbm>> -> memref<10000xf32, #tpu.memory_space<hbm>>
    %dma_start3A_6 = tpu.memref_slice %arg4[%mul3A_2] : memref<320000xf32, #tpu.memory_space<hbm>> -> memref<10000xf32, #tpu.memory_space<hbm>>
    tpu.enqueue_dma source(%dma_start3A_6 : memref<10000xf32, #tpu.memory_space<hbm>>) target(%arg8 : memref<10000xf32, #tpu.memory_space<vmem>>) target_semaphore(%arg15 : memref<!tpu.dma_semaphore, #tpu.memory_space<semaphore_mem>>)
    %scan3A = arith.constant 0 : i32
    %scan3A_7 = arith.constant 625 : i32
    %scan3A_8 = arith.addi %scan3A, %scan3A_7 : i32
    %scan3A_9 = arith.constant 1 : i32
    scf.for %scan3A_110 = %scan3A to %scan3A_8 step %scan3A_9  : i32 {
      %mul3A_111 = arith.constant 16 : i32
      %mul3A_112 = arith.muli %scan3A_110, %mul3A_111 : i32
      %add3A_113 = arith.constant 0 : i32
      %add3A_114 = arith.addi %add3A_113, %mul3A_112 : i32
      %swap3A = arith.index_cast %add3A_114 : i32 to index
      %swap3A_115 = tpu.vector_load %arg9[%swap3A] {strides = array<i32>} : memref<10000xf32, #tpu.memory_space<vmem>>, vector<16xf32>,
      tpu.vector_store %arg9[%swap3A], %broadcast_in_dim3A_3 {strides = array<i32>} : memref<10000xf32, #tpu.memory_space<vmem>>, vector<16xf32>,
    }
    %scan3A_10 = arith.constant 625 : i32
    %scan3A_11 = arith.constant 0 : i32
    %scan3A_12 = arith.constant 80 : i32
    %scan3A_13 = arith.addi %scan3A_11, %scan3A_12 : i32
    %scan3A_14 = arith.constant 1 : i32
    scf.for %scan3A_110 = %scan3A_11 to %scan3A_13 step %scan3A_14  : i32 {
      %mul3A_111 = arith.constant 1 : i32
      %mul3A_112 = arith.muli %scan3A_110, %mul3A_111 : i32
      %add3A_113 = arith.constant 0 : i32
      %add3A_114 = arith.addi %add3A_113, %mul3A_112 : i32
      %swap3A = arith.index_cast %add3A_114 : i32 to index
      %swap3A_115 = arith.constant 0 : index
      %swap3A_116 = tpu.vector_load %arg10[%swap3A, %swap3A_115] {strides = array<i32>} : memref<80x128xf32, #tpu.memory_space<vmem>>, vector<16xf32>,
      tpu.vector_store %arg10[%swap3A, %swap3A_115], %broadcast_in_dim3A_3 {strides = array<i32>} : memref<80x128xf32, #tpu.memory_space<vmem>>, vector<16xf32>,
      %swap3A_117 = arith.index_cast %add3A_114 : i32 to index
      %swap3A_118 = arith.constant 16 : index
      %swap3A_119 = tpu.vector_load %arg10[%swap3A_117, %swap3A_118] {strides = array<i32>} : memref<80x128xf32, #tpu.memory_space<vmem>>, vector<16xf32>,
      tpu.vector_store %arg10[%swap3A_117, %swap3A_118], %broadcast_in_dim3A_3 {strides = array<i32>} : memref<80x128xf32, #tpu.memory_space<vmem>>, vector<16xf32>,
      %swap3A_120 = arith.index_cast %add3A_114 : i32 to index
      %swap3A_121 = arith.constant 32 : index
      %swap3A_122 = tpu.vector_load %arg10[%swap3A_120, %swap3A_121] {strides = array<i32>} : memref<80x128xf32, #tpu.memory_space<vmem>>, vector<16xf32>,
      tpu.vector_store %arg10[%swap3A_120, %swap3A_121], %broadcast_in_dim3A_3 {strides = array<i32>} : memref<80x128xf32, #tpu.memory_space<vmem>>, vector<16xf32>,
      %swap3A_123 = arith.index_cast %add3A_114 : i32 to index
      %swap3A_124 = arith.constant 48 : index
      %swap3A_125 = tpu.vector_load %arg10[%swap3A_123, %swap3A_124] {strides = array<i32>} : memref<80x128xf32, #tpu.memory_space<vmem>>, vector<16xf32>,
      tpu.vector_store %arg10[%swap3A_123, %swap3A_124], %broadcast_in_dim3A_3 {strides = array<i32>} : memref<80x128xf32, #tpu.memory_space<vmem>>, vector<16xf32>,
      %swap3A_126 = arith.index_cast %add3A_114 : i32 to index
      %swap3A_127 = arith.constant 64 : index
      %swap3A_128 = tpu.vector_load %arg10[%swap3A_126, %swap3A_127] {strides = array<i32>} : memref<80x128xf32, #tpu.memory_space<vmem>>, vector<16xf32>,
      tpu.vector_store %arg10[%swap3A_126, %swap3A_127], %broadcast_in_dim3A_3 {strides = array<i32>} : memref<80x128xf32, #tpu.memory_space<vmem>>, vector<16xf32>,
      %swap3A_129 = arith.index_cast %add3A_114 : i32 to index
      %swap3A_130 = arith.constant 80 : index
      %swap3A_131 = tpu.vector_load %arg10[%swap3A_129, %swap3A_130] {strides = array<i32>} : memref<80x128xf32, #tpu.memory_space<vmem>>, vector<16xf32>,
      tpu.vector_store %arg10[%swap3A_129, %swap3A_130], %broadcast_in_dim3A_3 {strides = array<i32>} : memref<80x128xf32, #tpu.memory_space<vmem>>, vector<16xf32>,
      %swap3A_132 = arith.index_cast %add3A_114 : i32 to index
      %swap3A_133 = arith.constant 96 : index
      %swap3A_134 = tpu.vector_load %arg10[%swap3A_132, %swap3A_133] {strides = array<i32>} : memref<80x128xf32, #tpu.memory_space<vmem>>, vector<16xf32>,
      tpu.vector_store %arg10[%swap3A_132, %swap3A_133], %broadcast_in_dim3A_3 {strides = array<i32>} : memref<80x128xf32, #tpu.memory_space<vmem>>, vector<16xf32>,
      %swap3A_135 = arith.index_cast %add3A_114 : i32 to index
      %swap3A_136 = arith.constant 112 : index
      %swap3A_137 = tpu.vector_load %arg10[%swap3A_135, %swap3A_136] {strides = array<i32>} : memref<80x128xf32, #tpu.memory_space<vmem>>, vector<16xf32>,
      tpu.vector_store %arg10[%swap3A_135, %swap3A_136], %broadcast_in_dim3A_3 {strides = array<i32>} : memref<80x128xf32, #tpu.memory_space<vmem>>, vector<16xf32>,
    }
    %scan3A_15 = arith.constant 80 : i32
    %mul3A_16 = arith.constant 624 : i32
    %mul3A_17 = arith.muli %arg1, %mul3A_16 : i32
    %add3A_18 = arith.constant 0 : i32
    %add3A_19 = arith.addi %mul3A_17, %add3A_18 : i32
    "tpu.region"() ({
      %run_scoped3A = tpu.sem_alloc : memref<!tpu.dma_semaphore, #tpu.memory_space<semaphore_mem>>
      %dma_start3A_110 = arith.constant 0 : i32
      %dma_start3A_111 = arith.constant 0 : i32
      %dma_start3A_112 = tpu.memref_slice %arg10[%dma_start3A_110, %dma_start3A_111] : memref<80x128xf32, #tpu.memory_space<vmem>> -> memref<80x128xf32, #tpu.memory_space<vmem>>
      %dma_start3A_113 = arith.constant 0 : i32
      %dma_start3A_114 = tpu.memref_slice %arg14[%add3A_19, %dma_start3A_113] : memref<10000x128xf32, #tpu.memory_space<vmem_shared>> -> memref<80x128xf32, #tpu.memory_space<vmem_shared>>
      %dma_start3A_115 = arith.constant 0 : i32
      %dma_start3A_116 = tpu.memref_slice %arg14[%add3A_19, %dma_start3A_115] : memref<10000x128xf32, #tpu.memory_space<vmem_shared>> -> memref<80x128xf32, #tpu.memory_space<vmem_shared>>
      %dma_start3A_117 = arith.constant 0 : i32
      %dma_start3A_118 = arith.constant 0 : i32
      %dma_start3A_119 = tpu.memref_slice %arg10[%dma_start3A_117, %dma_start3A_118] : memref<80x128xf32, #tpu.memory_space<vmem>> -> memref<80x128xf32, #tpu.memory_space<vmem>>
      tpu.enqueue_dma source(%dma_start3A_119 : memref<80x128xf32, #tpu.memory_space<vmem>>) target(%dma_start3A_116 : memref<80x128xf32, #tpu.memory_space<vmem_shared>>) target_semaphore(%run_scoped3A : memref<!tpu.dma_semaphore, #tpu.memory_space<semaphore_mem>>)
      %dma_wait3A_120 = arith.constant 0 : i32
      %dma_wait3A_121 = arith.constant 0 : i32
      %dma_wait3A_122 = tpu.memref_slice %arg10[%dma_wait3A_120, %dma_wait3A_121] : memref<80x128xf32, #tpu.memory_space<vmem>> -> memref<80x128xf32, #tpu.memory_space<vmem>>
      %dma_wait3A_123 = arith.constant 0 : i32
      %dma_wait3A_124 = tpu.memref_slice %arg14[%add3A_19, %dma_wait3A_123] : memref<10000x128xf32, #tpu.memory_space<vmem_shared>> -> memref<80x128xf32, #tpu.memory_space<vmem_shared>>
      %dma_wait3A_125 = arith.constant 0 : i32
      %dma_wait3A_126 = tpu.memref_slice %arg14[%add3A_19, %dma_wait3A_125] : memref<10000x128xf32, #tpu.memory_space<vmem_shared>> -> memref<80x128xf32, #tpu.memory_space<vmem_shared>>
      %dma_wait3A_127 = arith.constant 0 : i32
      %dma_wait3A_128 = arith.constant 0 : i32
      %dma_wait3A_129 = tpu.memref_slice %arg10[%dma_wait3A_127, %dma_wait3A_128] : memref<80x128xf32, #tpu.memory_space<vmem>> -> memref<80x128xf32, #tpu.memory_space<vmem>>
      tpu.wait_dma2 semaphore(%run_scoped3A : memref<!tpu.dma_semaphore, #tpu.memory_space<semaphore_mem>>) src(%dma_wait3A_129 : memref<80x128xf32, #tpu.memory_space<vmem>>) dst(%dma_wait3A_126 : memref<80x128xf32, #tpu.memory_space<vmem_shared>>)
      tpu.yield
    }) : () -> ()
    %add3A_20 = arith.constant 80 : i32
    %add3A_21 = arith.addi %mul3A_17, %add3A_20 : i32
    "tpu.region"() ({
      %run_scoped3A = tpu.sem_alloc : memref<!tpu.dma_semaphore, #tpu.memory_space<semaphore_mem>>
      %dma_start3A_110 = arith.constant 0 : i32
      %dma_start3A_111 = arith.constant 0 : i32
      %dma_start3A_112 = tpu.memref_slice %arg10[%dma_start3A_110, %dma_start3A_111] : memref<80x128xf32, #tpu.memory_space<vmem>> -> memref<80x128xf32, #tpu.memory_space<vmem>>
      %dma_start3A_113 = arith.constant 0 : i32
      %dma_start3A_114 = tpu.memref_slice %arg14[%add3A_21, %dma_start3A_113] : memref<10000x128xf32, #tpu.memory_space<vmem_shared>> -> memref<80x128xf32, #tpu.memory_space<vmem_shared>>
      %dma_start3A_115 = arith.constant 0 : i32
      %dma_start3A_116 = tpu.memref_slice %arg14[%add3A_21, %dma_start3A_115] : memref<10000x128xf32, #tpu.memory_space<vmem_shared>> -> memref<80x128xf32, #tpu.memory_space<vmem_shared>>
      %dma_start3A_117 = arith.constant 0 : i32
      %dma_start3A_118 = arith.constant 0 : i32
      %dma_start3A_119 = tpu.memref_slice %arg10[%dma_start3A_117, %dma_start3A_118] : memref<80x128xf32, #tpu.memory_space<vmem>> -> memref<80x128xf32, #tpu.memory_space<vmem>>
      tpu.enqueue_dma source(%dma_start3A_119 : memref<80x128xf32, #tpu.memory_space<vmem>>) target(%dma_start3A_116 : memref<80x128xf32, #tpu.memory_space<vmem_shared>>) target_semaphore(%run_scoped3A : memref<!tpu.dma_semaphore, #tpu.memory_space<semaphore_mem>>)
      %dma_wait3A_120 = arith.constant 0 : i32
      %dma_wait3A_121 = arith.constant 0 : i32
      %dma_wait3A_122 = tpu.memref_slice %arg10[%dma_wait3A_120, %dma_wait3A_121] : memref<80x128xf32, #tpu.memory_space<vmem>> -> memref<80x128xf32, #tpu.memory_space<vmem>>
      %dma_wait3A_123 = arith.constant 0 : i32
      %dma_wait3A_124 = tpu.memref_slice %arg14[%add3A_21, %dma_wait3A_123] : memref<10000x128xf32, #tpu.memory_space<vmem_shared>> -> memref<80x128xf32, #tpu.memory_space<vmem_shared>>
      %dma_wait3A_125 = arith.constant 0 : i32
      %dma_wait3A_126 = tpu.memref_slice %arg14[%add3A_21, %dma_wait3A_125] : memref<10000x128xf32, #tpu.memory_space<vmem_shared>> -> memref<80x128xf32, #tpu.memory_space<vmem_shared>>
      %dma_wait3A_127 = arith.constant 0 : i32
      %dma_wait3A_128 = arith.constant 0 : i32
      %dma_wait3A_129 = tpu.memref_slice %arg10[%dma_wait3A_127, %dma_wait3A_128] : memref<80x128xf32, #tpu.memory_space<vmem>> -> memref<80x128xf32, #tpu.memory_space<vmem>>
      tpu.wait_dma2 semaphore(%run_scoped3A : memref<!tpu.dma_semaphore, #tpu.memory_space<semaphore_mem>>) src(%dma_wait3A_129 : memref<80x128xf32, #tpu.memory_space<vmem>>) dst(%dma_wait3A_126 : memref<80x128xf32, #tpu.memory_space<vmem_shared>>)
      tpu.yield
    }) : () -> ()
    %add3A_22 = arith.constant 160 : i32
    %add3A_23 = arith.addi %mul3A_17, %add3A_22 : i32
    "tpu.region"() ({
      %run_scoped3A = tpu.sem_alloc : memref<!tpu.dma_semaphore, #tpu.memory_space<semaphore_mem>>
      %dma_start3A_110 = arith.constant 0 : i32
      %dma_start3A_111 = arith.constant 0 : i32
      %dma_start3A_112 = tpu.memref_slice %arg10[%dma_start3A_110, %dma_start3A_111] : memref<80x128xf32, #tpu.memory_space<vmem>> -> memref<80x128xf32, #tpu.memory_space<vmem>>
      %dma_start3A_113 = arith.constant 0 : i32
      %dma_start3A_114 = tpu.memref_slice %arg14[%add3A_23, %dma_start3A_113] : memref<10000x128xf32, #tpu.memory_space<vmem_shared>> -> memref<80x128xf32, #tpu.memory_space<vmem_shared>>
      %dma_start3A_115 = arith.constant 0 : i32
      %dma_start3A_116 = tpu.memref_slice %arg14[%add3A_23, %dma_start3A_115] : memref<10000x128xf32, #tpu.memory_space<vmem_shared>> -> memref<80x128xf32, #tpu.memory_space<vmem_shared>>
      %dma_start3A_117 = arith.constant 0 : i32
      %dma_start3A_118 = arith.constant 0 : i32
      %dma_start3A_119 = tpu.memref_slice %arg10[%dma_start3A_117, %dma_start3A_118] : memref<80x128xf32, #tpu.memory_space<vmem>> -> memref<80x128xf32, #tpu.memory_space<vmem>>
      tpu.enqueue_dma source(%dma_start3A_119 : memref<80x128xf32, #tpu.memory_space<vmem>>) target(%dma_start3A_116 : memref<80x128xf32, #tpu.memory_space<vmem_shared>>) target_semaphore(%run_scoped3A : memref<!tpu.dma_semaphore, #tpu.memory_space<semaphore_mem>>)
      %dma_wait3A_120 = arith.constant 0 : i32
      %dma_wait3A_121 = arith.constant 0 : i32
      %dma_wait3A_122 = tpu.memref_slice %arg10[%dma_wait3A_120, %dma_wait3A_121] : memref<80x128xf32, #tpu.memory_space<vmem>> -> memref<80x128xf32, #tpu.memory_space<vmem>>
      %dma_wait3A_123 = arith.constant 0 : i32
      %dma_wait3A_124 = tpu.memref_slice %arg14[%add3A_23, %dma_wait3A_123] : memref<10000x128xf32, #tpu.memory_space<vmem_shared>> -> memref<80x128xf32, #tpu.memory_space<vmem_shared>>
      %dma_wait3A_125 = arith.constant 0 : i32
      %dma_wait3A_126 = tpu.memref_slice %arg14[%add3A_23, %dma_wait3A_125] : memref<10000x128xf32, #tpu.memory_space<vmem_shared>> -> memref<80x128xf32, #tpu.memory_space<vmem_shared>>
      %dma_wait3A_127 = arith.constant 0 : i32
      %dma_wait3A_128 = arith.constant 0 : i32
      %dma_wait3A_129 = tpu.memref_slice %arg10[%dma_wait3A_127, %dma_wait3A_128] : memref<80x128xf32, #tpu.memory_space<vmem>> -> memref<80x128xf32, #tpu.memory_space<vmem>>
      tpu.wait_dma2 semaphore(%run_scoped3A : memref<!tpu.dma_semaphore, #tpu.memory_space<semaphore_mem>>) src(%dma_wait3A_129 : memref<80x128xf32, #tpu.memory_space<vmem>>) dst(%dma_wait3A_126 : memref<80x128xf32, #tpu.memory_space<vmem_shared>>)
      tpu.yield
    }) : () -> ()
    %add3A_24 = arith.constant 240 : i32
    %add3A_25 = arith.addi %mul3A_17, %add3A_24 : i32
    "tpu.region"() ({
      %run_scoped3A = tpu.sem_alloc : memref<!tpu.dma_semaphore, #tpu.memory_space<semaphore_mem>>
      %dma_start3A_110 = arith.constant 0 : i32
      %dma_start3A_111 = arith.constant 0 : i32
      %dma_start3A_112 = tpu.memref_slice %arg10[%dma_start3A_110, %dma_start3A_111] : memref<80x128xf32, #tpu.memory_space<vmem>> -> memref<80x128xf32, #tpu.memory_space<vmem>>
      %dma_start3A_113 = arith.constant 0 : i32
      %dma_start3A_114 = tpu.memref_slice %arg14[%add3A_25, %dma_start3A_113] : memref<10000x128xf32, #tpu.memory_space<vmem_shared>> -> memref<80x128xf32, #tpu.memory_space<vmem_shared>>
      %dma_start3A_115 = arith.constant 0 : i32
      %dma_start3A_116 = tpu.memref_slice %arg14[%add3A_25, %dma_start3A_115] : memref<10000x128xf32, #tpu.memory_space<vmem_shared>> -> memref<80x128xf32, #tpu.memory_space<vmem_shared>>
      %dma_start3A_117 = arith.constant 0 : i32
      %dma_start3A_118 = arith.constant 0 : i32
      %dma_start3A_119 = tpu.memref_slice %arg10[%dma_start3A_117, %dma_start3A_118] : memref<80x128xf32, #tpu.memory_space<vmem>> -> memref<80x128xf32, #tpu.memory_space<vmem>>
      tpu.enqueue_dma source(%dma_start3A_119 : memref<80x128xf32, #tpu.memory_space<vmem>>) target(%dma_start3A_116 : memref<80x128xf32, #tpu.memory_space<vmem_shared>>) target_semaphore(%run_scoped3A : memref<!tpu.dma_semaphore, #tpu.memory_space<semaphore_mem>>)
      %dma_wait3A_120 = arith.constant 0 : i32
      %dma_wait3A_121 = arith.constant 0 : i32
      %dma_wait3A_122 = tpu.memref_slice %arg10[%dma_wait3A_120, %dma_wait3A_121] : memref<80x128xf32, #tpu.memory_space<vmem>> -> memref<80x128xf32, #tpu.memory_space<vmem>>
      %dma_wait3A_123 = arith.constant 0 : i32
      %dma_wait3A_124 = tpu.memref_slice %arg14[%add3A_25, %dma_wait3A_123] : memref<10000x128xf32, #tpu.memory_space<vmem_shared>> -> memref<80x128xf32, #tpu.memory_space<vmem_shared>>
      %dma_wait3A_125 = arith.constant 0 : i32
      %dma_wait3A_126 = tpu.memref_slice %arg14[%add3A_25, %dma_wait3A_125] : memref<10000x128xf32, #tpu.memory_space<vmem_shared>> -> memref<80x128xf32, #tpu.memory_space<vmem_shared>>
      %dma_wait3A_127 = arith.constant 0 : i32
      %dma_wait3A_128 = arith.constant 0 : i32
      %dma_wait3A_129 = tpu.memref_slice %arg10[%dma_wait3A_127, %dma_wait3A_128] : memref<80x128xf32, #tpu.memory_space<vmem>> -> memref<80x128xf32, #tpu.memory_space<vmem>>
      tpu.wait_dma2 semaphore(%run_scoped3A : memref<!tpu.dma_semaphore, #tpu.memory_space<semaphore_mem>>) src(%dma_wait3A_129 : memref<80x128xf32, #tpu.memory_space<vmem>>) dst(%dma_wait3A_126 : memref<80x128xf32, #tpu.memory_space<vmem_shared>>)
      tpu.yield
    }) : () -> ()
    %add3A_26 = arith.constant 320 : i32
    %add3A_27 = arith.addi %mul3A_17, %add3A_26 : i32
    "tpu.region"() ({
      %run_scoped3A = tpu.sem_alloc : memref<!tpu.dma_semaphore, #tpu.memory_space<semaphore_mem>>
      %dma_start3A_110 = arith.constant 0 : i32
      %dma_start3A_111 = arith.constant 0 : i32
      %dma_start3A_112 = tpu.memref_slice %arg10[%dma_start3A_110, %dma_start3A_111] : memref<80x128xf32, #tpu.memory_space<vmem>> -> memref<80x128xf32, #tpu.memory_space<vmem>>
      %dma_start3A_113 = arith.constant 0 : i32
      %dma_start3A_114 = tpu.memref_slice %arg14[%add3A_27, %dma_start3A_113] : memref<10000x128xf32, #tpu.memory_space<vmem_shared>> -> memref<80x128xf32, #tpu.memory_space<vmem_shared>>
      %dma_start3A_115 = arith.constant 0 : i32
      %dma_start3A_116 = tpu.memref_slice %arg14[%add3A_27, %dma_start3A_115] : memref<10000x128xf32, #tpu.memory_space<vmem_shared>> -> memref<80x128xf32, #tpu.memory_space<vmem_shared>>
      %dma_start3A_117 = arith.constant 0 : i32
      %dma_start3A_118 = arith.constant 0 : i32
      %dma_start3A_119 = tpu.memref_slice %arg10[%dma_start3A_117, %dma_start3A_118] : memref<80x128xf32, #tpu.memory_space<vmem>> -> memref<80x128xf32, #tpu.memory_space<vmem>>
      tpu.enqueue_dma source(%dma_start3A_119 : memref<80x128xf32, #tpu.memory_space<vmem>>) target(%dma_start3A_116 : memref<80x128xf32, #tpu.memory_space<vmem_shared>>) target_semaphore(%run_scoped3A : memref<!tpu.dma_semaphore, #tpu.memory_space<semaphore_mem>>)
      %dma_wait3A_120 = arith.constant 0 : i32
      %dma_wait3A_121 = arith.constant 0 : i32
      %dma_wait3A_122 = tpu.memref_slice %arg10[%dma_wait3A_120, %dma_wait3A_121] : memref<80x128xf32, #tpu.memory_space<vmem>> -> memref<80x128xf32, #tpu.memory_space<vmem>>
      %dma_wait3A_123 = arith.constant 0 : i32
      %dma_wait3A_124 = tpu.memref_slice %arg14[%add3A_27, %dma_wait3A_123] : memref<10000x128xf32, #tpu.memory_space<vmem_shared>> -> memref<80x128xf32, #tpu.memory_space<vmem_shared>>
      %dma_wait3A_125 = arith.constant 0 : i32
      %dma_wait3A_126 = tpu.memref_slice %arg14[%add3A_27, %dma_wait3A_125] : memref<10000x128xf32, #tpu.memory_space<vmem_shared>> -> memref<80x128xf32, #tpu.memory_space<vmem_shared>>
      %dma_wait3A_127 = arith.constant 0 : i32
      %dma_wait3A_128 = arith.constant 0 : i32
      %dma_wait3A_129 = tpu.memref_slice %arg10[%dma_wait3A_127, %dma_wait3A_128] : memref<80x128xf32, #tpu.memory_space<vmem>> -> memref<80x128xf32, #tpu.memory_space<vmem>>
      tpu.wait_dma2 semaphore(%run_scoped3A : memref<!tpu.dma_semaphore, #tpu.memory_space<semaphore_mem>>) src(%dma_wait3A_129 : memref<80x128xf32, #tpu.memory_space<vmem>>) dst(%dma_wait3A_126 : memref<80x128xf32, #tpu.memory_space<vmem_shared>>)
      tpu.yield
    }) : () -> ()
    %add3A_28 = arith.constant 400 : i32
    %add3A_29 = arith.addi %mul3A_17, %add3A_28 : i32
    "tpu.region"() ({
      %run_scoped3A = tpu.sem_alloc : memref<!tpu.dma_semaphore, #tpu.memory_space<semaphore_mem>>
      %dma_start3A_110 = arith.constant 0 : i32
      %dma_start3A_111 = arith.constant 0 : i32
      %dma_start3A_112 = tpu.memref_slice %arg10[%dma_start3A_110, %dma_start3A_111] : memref<80x128xf32, #tpu.memory_space<vmem>> -> memref<80x128xf32, #tpu.memory_space<vmem>>
      %dma_start3A_113 = arith.constant 0 : i32
      %dma_start3A_114 = tpu.memref_slice %arg14[%add3A_29, %dma_start3A_113] : memref<10000x128xf32, #tpu.memory_space<vmem_shared>> -> memref<80x128xf32, #tpu.memory_space<vmem_shared>>
      %dma_start3A_115 = arith.constant 0 : i32
      %dma_start3A_116 = tpu.memref_slice %arg14[%add3A_29, %dma_start3A_115] : memref<10000x128xf32, #tpu.memory_space<vmem_shared>> -> memref<80x128xf32, #tpu.memory_space<vmem_shared>>
      %dma_start3A_117 = arith.constant 0 : i32
      %dma_start3A_118 = arith.constant 0 : i32
      %dma_start3A_119 = tpu.memref_slice %arg10[%dma_start3A_117, %dma_start3A_118] : memref<80x128xf32, #tpu.memory_space<vmem>> -> memref<80x128xf32, #tpu.memory_space<vmem>>
      tpu.enqueue_dma source(%dma_start3A_119 : memref<80x128xf32, #tpu.memory_space<vmem>>) target(%dma_start3A_116 : memref<80x128xf32, #tpu.memory_space<vmem_shared>>) target_semaphore(%run_scoped3A : memref<!tpu.dma_semaphore, #tpu.memory_space<semaphore_mem>>)
      %dma_wait3A_120 = arith.constant 0 : i32
      %dma_wait3A_121 = arith.constant 0 : i32
      %dma_wait3A_122 = tpu.memref_slice %arg10[%dma_wait3A_120, %dma_wait3A_121] : memref<80x128xf32, #tpu.memory_space<vmem>> -> memref<80x128xf32, #tpu.memory_space<vmem>>
      %dma_wait3A_123 = arith.constant 0 : i32
      %dma_wait3A_124 = tpu.memref_slice %arg14[%add3A_29, %dma_wait3A_123] : memref<10000x128xf32, #tpu.memory_space<vmem_shared>> -> memref<80x128xf32, #tpu.memory_space<vmem_shared>>
      %dma_wait3A_125 = arith.constant 0 : i32
      %dma_wait3A_126 = tpu.memref_slice %arg14[%add3A_29, %dma_wait3A_125] : memref<10000x128xf32, #tpu.memory_space<vmem_shared>> -> memref<80x128xf32, #tpu.memory_space<vmem_shared>>
      %dma_wait3A_127 = arith.constant 0 : i32
      %dma_wait3A_128 = arith.constant 0 : i32
      %dma_wait3A_129 = tpu.memref_slice %arg10[%dma_wait3A_127, %dma_wait3A_128] : memref<80x128xf32, #tpu.memory_space<vmem>> -> memref<80x128xf32, #tpu.memory_space<vmem>>
      tpu.wait_dma2 semaphore(%run_scoped3A : memref<!tpu.dma_semaphore, #tpu.memory_space<semaphore_mem>>) src(%dma_wait3A_129 : memref<80x128xf32, #tpu.memory_space<vmem>>) dst(%dma_wait3A_126 : memref<80x128xf32, #tpu.memory_space<vmem_shared>>)
      tpu.yield
    }) : () -> ()
    %add3A_30 = arith.constant 480 : i32
    %add3A_31 = arith.addi %mul3A_17, %add3A_30 : i32
    "tpu.region"() ({
      %run_scoped3A = tpu.sem_alloc : memref<!tpu.dma_semaphore, #tpu.memory_space<semaphore_mem>>
      %dma_start3A_110 = arith.constant 0 : i32
      %dma_start3A_111 = arith.constant 0 : i32
      %dma_start3A_112 = tpu.memref_slice %arg10[%dma_start3A_110, %dma_start3A_111] : memref<80x128xf32, #tpu.memory_space<vmem>> -> memref<80x128xf32, #tpu.memory_space<vmem>>
      %dma_start3A_113 = arith.constant 0 : i32
      %dma_start3A_114 = tpu.memref_slice %arg14[%add3A_31, %dma_start3A_113] : memref<10000x128xf32, #tpu.memory_space<vmem_shared>> -> memref<80x128xf32, #tpu.memory_space<vmem_shared>>
      %dma_start3A_115 = arith.constant 0 : i32
      %dma_start3A_116 = tpu.memref_slice %arg14[%add3A_31, %dma_start3A_115] : memref<10000x128xf32, #tpu.memory_space<vmem_shared>> -> memref<80x128xf32, #tpu.memory_space<vmem_shared>>
      %dma_start3A_117 = arith.constant 0 : i32
      %dma_start3A_118 = arith.constant 0 : i32
      %dma_start3A_119 = tpu.memref_slice %arg10[%dma_start3A_117, %dma_start3A_118] : memref<80x128xf32, #tpu.memory_space<vmem>> -> memref<80x128xf32, #tpu.memory_space<vmem>>
      tpu.enqueue_dma source(%dma_start3A_119 : memref<80x128xf32, #tpu.memory_space<vmem>>) target(%dma_start3A_116 : memref<80x128xf32, #tpu.memory_space<vmem_shared>>) target_semaphore(%run_scoped3A : memref<!tpu.dma_semaphore, #tpu.memory_space<semaphore_mem>>)
      %dma_wait3A_120 = arith.constant 0 : i32
      %dma_wait3A_121 = arith.constant 0 : i32
      %dma_wait3A_122 = tpu.memref_slice %arg10[%dma_wait3A_120, %dma_wait3A_121] : memref<80x128xf32, #tpu.memory_space<vmem>> -> memref<80x128xf32, #tpu.memory_space<vmem>>
      %dma_wait3A_123 = arith.constant 0 : i32
      %dma_wait3A_124 = tpu.memref_slice %arg14[%add3A_31, %dma_wait3A_123] : memref<10000x128xf32, #tpu.memory_space<vmem_shared>> -> memref<80x128xf32, #tpu.memory_space<vmem_shared>>
      %dma_wait3A_125 = arith.constant 0 : i32
      %dma_wait3A_126 = tpu.memref_slice %arg14[%add3A_31, %dma_wait3A_125] : memref<10000x128xf32, #tpu.memory_space<vmem_shared>> -> memref<80x128xf32, #tpu.memory_space<vmem_shared>>
      %dma_wait3A_127 = arith.constant 0 : i32
      %dma_wait3A_128 = arith.constant 0 : i32
      %dma_wait3A_129 = tpu.memref_slice %arg10[%dma_wait3A_127, %dma_wait3A_128] : memref<80x128xf32, #tpu.memory_space<vmem>> -> memref<80x128xf32, #tpu.memory_space<vmem>>
      tpu.wait_dma2 semaphore(%run_scoped3A : memref<!tpu.dma_semaphore, #tpu.memory_space<semaphore_mem>>) src(%dma_wait3A_129 : memref<80x128xf32, #tpu.memory_space<vmem>>) dst(%dma_wait3A_126 : memref<80x128xf32, #tpu.memory_space<vmem_shared>>)
      tpu.yield
    }) : () -> ()
    %lt3A = arith.constant 15 : i32
    %lt3A_32 = arith.cmpi slt, %arg1, %lt3A : i32
    %convert_element_type3A = arith.extui %lt3A_32 : i1 to i32
    %cond3A = arith.constant 0 : i32
    %cond3A_33 = arith.cmpi ne, %convert_element_type3A, %cond3A : i32
    scf.if %cond3A_33 {
      %add3A_110 = arith.constant 560 : i32
      %add3A_111 = arith.addi %mul3A_17, %add3A_110 : i32
      "tpu.region"() ({
        %run_scoped3A = tpu.sem_alloc : memref<!tpu.dma_semaphore, #tpu.memory_space<semaphore_mem>>
        %dma_start3A_112 = arith.constant 0 : i32
        %dma_start3A_113 = arith.constant 0 : i32
        %dma_start3A_114 = tpu.memref_slice %arg10[%dma_start3A_112, %dma_start3A_113] : memref<80x128xf32, #tpu.memory_space<vmem>> -> memref<64x128xf32, #tpu.memory_space<vmem>>
        %dma_start3A_115 = arith.constant 0 : i32
        %dma_start3A_116 = tpu.memref_slice %arg14[%add3A_111, %dma_start3A_115] : memref<10000x128xf32, #tpu.memory_space<vmem_shared>> -> memref<64x128xf32, #tpu.memory_space<vmem_shared>>
        %dma_start3A_117 = arith.constant 0 : i32
        %dma_start3A_118 = tpu.memref_slice %arg14[%add3A_111, %dma_start3A_117] : memref<10000x128xf32, #tpu.memory_space<vmem_shared>> -> memref<64x128xf32, #tpu.memory_space<vmem_shared>>
        %dma_start3A_119 = arith.constant 0 : i32
        %dma_start3A_120 = arith.constant 0 : i32
        %dma_start3A_121 = tpu.memref_slice %arg10[%dma_start3A_119, %dma_start3A_120] : memref<80x128xf32, #tpu.memory_space<vmem>> -> memref<64x128xf32, #tpu.memory_space<vmem>>
        tpu.enqueue_dma source(%dma_start3A_121 : memref<64x128xf32, #tpu.memory_space<vmem>>) target(%dma_start3A_118 : memref<64x128xf32, #tpu.memory_space<vmem_shared>>) target_semaphore(%run_scoped3A : memref<!tpu.dma_semaphore, #tpu.memory_space<semaphore_mem>>)
        %dma_wait3A_122 = arith.constant 0 : i32
        %dma_wait3A_123 = arith.constant 0 : i32
        %dma_wait3A_124 = tpu.memref_slice %arg10[%dma_wait3A_122, %dma_wait3A_123] : memref<80x128xf32, #tpu.memory_space<vmem>> -> memref<64x128xf32, #tpu.memory_space<vmem>>
        %dma_wait3A_125 = arith.constant 0 : i32
        %dma_wait3A_126 = tpu.memref_slice %arg14[%add3A_111, %dma_wait3A_125] : memref<10000x128xf32, #tpu.memory_space<vmem_shared>> -> memref<64x128xf32, #tpu.memory_space<vmem_shared>>
        %dma_wait3A_127 = arith.constant 0 : i32
        %dma_wait3A_128 = tpu.memref_slice %arg14[%add3A_111, %dma_wait3A_127] : memref<10000x128xf32, #tpu.memory_space<vmem_shared>> -> memref<64x128xf32, #tpu.memory_space<vmem_shared>>
        %dma_wait3A_129 = arith.constant 0 : i32
        %dma_wait3A_130 = arith.constant 0 : i32
        %dma_wait3A_131 = tpu.memref_slice %arg10[%dma_wait3A_129, %dma_wait3A_130] : memref<80x128xf32, #tpu.memory_space<vmem>> -> memref<64x128xf32, #tpu.memory_space<vmem>>
        tpu.wait_dma2 semaphore(%run_scoped3A : memref<!tpu.dma_semaphore, #tpu.memory_space<semaphore_mem>>) src(%dma_wait3A_131 : memref<64x128xf32, #tpu.memory_space<vmem>>) dst(%dma_wait3A_128 : memref<64x128xf32, #tpu.memory_space<vmem_shared>>)
        tpu.yield
      }) : () -> ()
    } else {
    }
    %eq3A = arith.constant 15 : i32
    %eq3A_34 = arith.cmpi eq, %arg1, %eq3A : i32
    %convert_element_type3A_35 = arith.extui %eq3A_34 : i1 to i32
    %cond3A_36 = arith.constant 0 : i32
    %cond3A_37 = arith.cmpi ne, %convert_element_type3A_35, %cond3A_36 : i32
    scf.if %cond3A_37 {
      %add3A_110 = arith.constant 560 : i32
      %add3A_111 = arith.addi %mul3A_17, %add3A_110 : i32
      "tpu.region"() ({
        %run_scoped3A = tpu.sem_alloc : memref<!tpu.dma_semaphore, #tpu.memory_space<semaphore_mem>>
        %dma_start3A_112 = arith.constant 0 : i32
        %dma_start3A_113 = arith.constant 0 : i32
        %dma_start3A_114 = tpu.memref_slice %arg10[%dma_start3A_112, %dma_start3A_113] : memref<80x128xf32, #tpu.memory_space<vmem>> -> memref<80x128xf32, #tpu.memory_space<vmem>>
        %dma_start3A_115 = arith.constant 0 : i32
        %dma_start3A_116 = tpu.memref_slice %arg14[%add3A_111, %dma_start3A_115] : memref<10000x128xf32, #tpu.memory_space<vmem_shared>> -> memref<80x128xf32, #tpu.memory_space<vmem_shared>>
        %dma_start3A_117 = arith.constant 0 : i32
        %dma_start3A_118 = tpu.memref_slice %arg14[%add3A_111, %dma_start3A_117] : memref<10000x128xf32, #tpu.memory_space<vmem_shared>> -> memref<80x128xf32, #tpu.memory_space<vmem_shared>>
        %dma_start3A_119 = arith.constant 0 : i32
        %dma_start3A_120 = arith.constant 0 : i32
        %dma_start3A_121 = tpu.memref_slice %arg10[%dma_start3A_119, %dma_start3A_120] : memref<80x128xf32, #tpu.memory_space<vmem>> -> memref<80x128xf32, #tpu.memory_space<vmem>>
        tpu.enqueue_dma source(%dma_start3A_121 : memref<80x128xf32, #tpu.memory_space<vmem>>) target(%dma_start3A_118 : memref<80x128xf32, #tpu.memory_space<vmem_shared>>) target_semaphore(%run_scoped3A : memref<!tpu.dma_semaphore, #tpu.memory_space<semaphore_mem>>)
        %dma_wait3A_122 = arith.constant 0 : i32
        %dma_wait3A_123 = arith.constant 0 : i32
        %dma_wait3A_124 = tpu.memref_slice %arg10[%dma_wait3A_122, %dma_wait3A_123] : memref<80x128xf32, #tpu.memory_space<vmem>> -> memref<80x128xf32, #tpu.memory_space<vmem>>
        %dma_wait3A_125 = arith.constant 0 : i32
        %dma_wait3A_126 = tpu.memref_slice %arg14[%add3A_111, %dma_wait3A_125] : memref<10000x128xf32, #tpu.memory_space<vmem_shared>> -> memref<80x128xf32, #tpu.memory_space<vmem_shared>>
        %dma_wait3A_127 = arith.constant 0 : i32
        %dma_wait3A_128 = tpu.memref_slice %arg14[%add3A_111, %dma_wait3A_127] : memref<10000x128xf32, #tpu.memory_space<vmem_shared>> -> memref<80x128xf32, #tpu.memory_space<vmem_shared>>
        %dma_wait3A_129 = arith.constant 0 : i32
        %dma_wait3A_130 = arith.constant 0 : i32
        %dma_wait3A_131 = tpu.memref_slice %arg10[%dma_wait3A_129, %dma_wait3A_130] : memref<80x128xf32, #tpu.memory_space<vmem>> -> memref<80x128xf32, #tpu.memory_space<vmem>>
        tpu.wait_dma2 semaphore(%run_scoped3A : memref<!tpu.dma_semaphore, #tpu.memory_space<semaphore_mem>>) src(%dma_wait3A_131 : memref<80x128xf32, #tpu.memory_space<vmem>>) dst(%dma_wait3A_128 : memref<80x128xf32, #tpu.memory_space<vmem_shared>>)
        tpu.yield
      }) : () -> ()
    } else {
    }
    %barrier3A = arith.constant 0 : index
    tpu.barrier barrier_id(%barrier3A)
    %dma_wait3A = tpu.memref_slice %arg3[%mul3A_2] : memref<640000xi32, #tpu.memory_space<hbm>> -> memref<10000xi32, #tpu.memory_space<hbm>>
    %dma_wait3A_38 = tpu.memref_slice %arg3[%mul3A_2] : memref<640000xi32, #tpu.memory_space<hbm>> -> memref<10000xi32, #tpu.memory_space<hbm>>
    tpu.wait_dma2 semaphore(%arg15 : memref<!tpu.dma_semaphore, #tpu.memory_space<semaphore_mem>>) src(%dma_wait3A_38 : memref<10000xi32, #tpu.memory_space<hbm>>) dst(%arg7 : memref<10000xi32, #tpu.memory_space<vmem>>)
    %dma_wait3A_39 = tpu.memref_slice %arg4[%mul3A_2] : memref<320000xf32, #tpu.memory_space<hbm>> -> memref<10000xf32, #tpu.memory_space<hbm>>
    %dma_wait3A_40 = tpu.memref_slice %arg4[%mul3A_2] : memref<320000xf32, #tpu.memory_space<hbm>> -> memref<10000xf32, #tpu.memory_space<hbm>>
    tpu.wait_dma2 semaphore(%arg15 : memref<!tpu.dma_semaphore, #tpu.memory_space<semaphore_mem>>) src(%dma_wait3A_40 : memref<10000xf32, #tpu.memory_space<hbm>>) dst(%arg8 : memref<10000xf32, #tpu.memory_space<vmem>>)
    %add3A_41 = arith.constant 320000 : i32
    %add3A_42 = arith.addi %add3A_41, %mul3A_2 : i32
    %add3A_43 = arith.constant 0 : i32
    %add3A_44 = arith.addi %add3A_42, %add3A_43 : i32
    %dma_start3A_45 = tpu.memref_slice %arg3[%add3A_44] : memref<640000xi32, #tpu.memory_space<hbm>> -> memref<80xi32, #tpu.memory_space<hbm>>
    %dma_start3A_46 = tpu.memref_slice %arg3[%add3A_44] : memref<640000xi32, #tpu.memory_space<hbm>> -> memref<80xi32, #tpu.memory_space<hbm>>
    tpu.enqueue_dma source(%dma_start3A_46 : memref<80xi32, #tpu.memory_space<hbm>>) target(%arg12 : memref<80xi32, #tpu.memory_space<vmem>>) target_semaphore(%arg17 : memref<!tpu.dma_semaphore, #tpu.memory_space<semaphore_mem>>)
    %dma_start3A_47 = arith.constant 0 : i32
    %dma_start3A_48 = arith.constant 0 : i32
    %dma_start3A_49 = tpu.memref_slice %arg10[%dma_start3A_47, %dma_start3A_48] : memref<80x128xf32, #tpu.memory_space<vmem>> -> memref<40x128xf32, #tpu.memory_space<vmem>>
    %dma_start3A_50 = arith.constant 0 : i32
    %dma_start3A_51 = tpu.memref_slice %arg7[%dma_start3A_50] : memref<10000xi32, #tpu.memory_space<vmem>> -> memref<40xi32, #tpu.memory_space<vmem>>
    %dma_start3A_52 = arith.constant 0 : i32
    %dma_start3A_53 = arith.constant 0 : i32
    %dma_start3A_54 = tpu.memref_slice %arg2[%dma_start3A_52, %dma_start3A_53] : memref<10000x128xf32, #tpu.memory_space<hbm>> -> memref<10000x128xf32, #tpu.memory_space<hbm>>
    tpu.enqueue_indirect_dma source(%dma_start3A_54 : memref<10000x128xf32, #tpu.memory_space<hbm>>) target(%dma_start3A_49 : memref<40x128xf32, #tpu.memory_space<vmem>>) offsets(%dma_start3A_51 : memref<40xi32, #tpu.memory_space<vmem>>) semaphore(%arg16 : memref<!tpu.dma_semaphore, #tpu.memory_space<semaphore_mem>>)
    %dma_start3A_55 = arith.constant 40 : i32
    %dma_start3A_56 = arith.constant 0 : i32
    %dma_start3A_57 = tpu.memref_slice %arg10[%dma_start3A_55, %dma_start3A_56] : memref<80x128xf32, #tpu.memory_space<vmem>> -> memref<40x128xf32, #tpu.memory_space<vmem>>
    %dma_start3A_58 = arith.constant 40 : i32
    %dma_start3A_59 = tpu.memref_slice %arg7[%dma_start3A_58] : memref<10000xi32, #tpu.memory_space<vmem>> -> memref<40xi32, #tpu.memory_space<vmem>>
    %dma_start3A_60 = arith.constant 0 : i32
    %dma_start3A_61 = arith.constant 0 : i32
    %dma_start3A_62 = tpu.memref_slice %arg2[%dma_start3A_60, %dma_start3A_61] : memref<10000x128xf32, #tpu.memory_space<hbm>> -> memref<10000x128xf32, #tpu.memory_space<hbm>>
    tpu.enqueue_indirect_dma source(%dma_start3A_62 : memref<10000x128xf32, #tpu.memory_space<hbm>>) target(%dma_start3A_57 : memref<40x128xf32, #tpu.memory_space<vmem>>) offsets(%dma_start3A_59 : memref<40xi32, #tpu.memory_space<vmem>>) semaphore(%arg16 : memref<!tpu.dma_semaphore, #tpu.memory_space<semaphore_mem>>)
    %scan3A_63 = arith.constant 0 : i32
    %scan3A_64 = arith.constant 125 : i32
    %scan3A_65 = arith.addi %scan3A_63, %scan3A_64 : i32
    %scan3A_66 = arith.constant 1 : i32
    scf.for %scan3A_110 = %scan3A_63 to %scan3A_65 step %scan3A_66  : i32 {
      %mul3A_111 = arith.constant 1 : i32
      %mul3A_112 = arith.muli %scan3A_110, %mul3A_111 : i32
      %add3A_113 = arith.constant 0 : i32
      %add3A_114 = arith.addi %add3A_113, %mul3A_112 : i32
      %jit3A = arith.constant 2 : i32
      %eq3A_115 = arith.constant 0 : i32
      %eq3A_116 = arith.cmpi eq, %jit3A, %eq3A_115 : i32
      %jit3A_117 = arith.constant 1 : i32
      %select_n3A = arith.select %eq3A_116, %jit3A_117, %jit3A : i32
      %rem3A = arith.remsi %add3A_114, %select_n3A : i32
      %ne3A = arith.constant 0 : i32
      %ne3A_118 = arith.cmpi ne, %rem3A, %ne3A : i32
      %lt3A_119 = arith.constant 0 : i32
      %lt3A_120 = arith.cmpi slt, %rem3A, %lt3A_119 : i32
      %lt3A_121 = arith.constant 0 : i32
      %lt3A_122 = arith.cmpi slt, %select_n3A, %lt3A_121 : i32
      %ne3A_123 = arith.xori %lt3A_120, %lt3A_122 : i1
      %and3A = arith.andi %ne3A_123, %ne3A_118 : i1
      %add3A_124 = arith.addi %rem3A, %select_n3A : i32
      %select_n3A_125 = arith.select %and3A, %add3A_124, %rem3A : i32
      %eq3A_126 = arith.constant 0 : i32
      %eq3A_127 = arith.cmpi eq, %select_n3A_125, %eq3A_126 : i32
      %convert_element_type3A_128 = arith.extui %eq3A_127 : i1 to i32
      %cond3A_129 = arith.constant 0 : i32
      %cond3A_130 = arith.cmpi ne, %convert_element_type3A_128, %cond3A_129 : i32
      scf.if %cond3A_130 {
        %dma_wait3A_152 = arith.constant 0 : i32
        %dma_wait3A_153 = arith.constant 0 : i32
        %dma_wait3A_154 = tpu.memref_slice %arg10[%dma_wait3A_152, %dma_wait3A_153] : memref<80x128xf32, #tpu.memory_space<vmem>> -> memref<40x128xf32, #tpu.memory_space<vmem>>
        %dma_wait3A_155 = arith.constant 0 : i32
        %dma_wait3A_156 = tpu.memref_slice %arg7[%dma_wait3A_155] : memref<10000xi32, #tpu.memory_space<vmem>> -> memref<40xi32, #tpu.memory_space<vmem>>
        %dma_wait3A_157 = arith.constant 0 : i32
        %dma_wait3A_158 = arith.constant 0 : i32
        %dma_wait3A_159 = tpu.memref_slice %arg2[%dma_wait3A_157, %dma_wait3A_158] : memref<10000x128xf32, #tpu.memory_space<hbm>> -> memref<10000x128xf32, #tpu.memory_space<hbm>>
        tpu.wait_indirect_dma semaphore(%arg16 : memref<!tpu.dma_semaphore, #tpu.memory_space<semaphore_mem>>) src(%dma_wait3A_159 : memref<10000x128xf32, #tpu.memory_space<hbm>>) dst(%dma_wait3A_154 : memref<40x128xf32, #tpu.memory_space<vmem>>)
        %dma_wait3A_160 = arith.constant 40 : i32
        %dma_wait3A_161 = arith.constant 0 : i32
        %dma_wait3A_162 = tpu.memref_slice %arg10[%dma_wait3A_160, %dma_wait3A_161] : memref<80x128xf32, #tpu.memory_space<vmem>> -> memref<40x128xf32, #tpu.memory_space<vmem>>
        %dma_wait3A_163 = arith.constant 0 : i32
        %dma_wait3A_164 = tpu.memref_slice %arg7[%dma_wait3A_163] : memref<10000xi32, #tpu.memory_space<vmem>> -> memref<40xi32, #tpu.memory_space<vmem>>
        %dma_wait3A_165 = arith.constant 0 : i32
        %dma_wait3A_166 = arith.constant 0 : i32
        %dma_wait3A_167 = tpu.memref_slice %arg2[%dma_wait3A_165, %dma_wait3A_166] : memref<10000x128xf32, #tpu.memory_space<hbm>> -> memref<10000x128xf32, #tpu.memory_space<hbm>>
        tpu.wait_indirect_dma semaphore(%arg16 : memref<!tpu.dma_semaphore, #tpu.memory_space<semaphore_mem>>) src(%dma_wait3A_167 : memref<10000x128xf32, #tpu.memory_space<hbm>>) dst(%dma_wait3A_162 : memref<40x128xf32, #tpu.memory_space<vmem>>)
        %dma_wait3A_168 = arith.constant 320000 : i32
        %dma_wait3A_169 = tpu.memref_slice %arg3[%dma_wait3A_168] : memref<640000xi32, #tpu.memory_space<hbm>> -> memref<80xi32, #tpu.memory_space<hbm>>
        %dma_wait3A_170 = arith.constant 320000 : i32
        %dma_wait3A_171 = tpu.memref_slice %arg3[%dma_wait3A_170] : memref<640000xi32, #tpu.memory_space<hbm>> -> memref<80xi32, #tpu.memory_space<hbm>>
        tpu.wait_dma2 semaphore(%arg17 : memref<!tpu.dma_semaphore, #tpu.memory_space<semaphore_mem>>) src(%dma_wait3A_171 : memref<80xi32, #tpu.memory_space<hbm>>) dst(%arg12 : memref<80xi32, #tpu.memory_space<vmem>>)
        %ge3A = arith.constant 1 : i32
        %ge3A_172 = arith.cmpi sge, %add3A_114, %ge3A : i32
        %convert_element_type3A_173 = arith.extui %ge3A_172 : i1 to i32
        %cond3A_174 = arith.constant 0 : i32
        %cond3A_175 = arith.cmpi ne, %convert_element_type3A_173, %cond3A_174 : i32
        scf.if %cond3A_175 {
          %dma_wait3A_191 = arith.constant 0 : i32
          %dma_wait3A_192 = arith.constant 0 : i32
          %dma_wait3A_193 = tpu.memref_slice %arg14[%dma_wait3A_191, %dma_wait3A_192] : memref<10000x128xf32, #tpu.memory_space<vmem_shared>> -> memref<10000x128xf32, #tpu.memory_space<vmem_shared>>
          tpu.wait_indirect_dma semaphore(%arg19 : memref<!tpu.dma_semaphore, #tpu.memory_space<semaphore_mem>>) src(%arg11 : memref<80x128xf32, #tpu.memory_space<vmem>>) dst(%dma_wait3A_193 : memref<10000x128xf32, #tpu.memory_space<vmem_shared>>)
        } else {
        }
        %add3A_176 = arith.constant 1 : i32
        %add3A_177 = arith.addi %add3A_114, %add3A_176 : i32
        %lt3A_178 = arith.constant 125 : i32
        %lt3A_179 = arith.cmpi slt, %add3A_177, %lt3A_178 : i32
        %convert_element_type3A_180 = arith.extui %lt3A_179 : i1 to i32
        %cond3A_181 = arith.constant 0 : i32
        %cond3A_182 = arith.cmpi ne, %convert_element_type3A_180, %cond3A_181 : i32
        scf.if %cond3A_182 {
          %add3A_191 = arith.constant 1 : i32
          %add3A_192 = arith.addi %add3A_114, %add3A_191 : i32
          %add3A_193 = arith.constant 320000 : i32
          %add3A_194 = arith.addi %add3A_193, %mul3A_2 : i32
          %mul3A_195 = arith.constant 80 : i32
          %mul3A_196 = arith.muli %add3A_192, %mul3A_195 : i32
          %add3A_197 = arith.addi %add3A_194, %mul3A_196 : i32
          %dma_start3A_198 = tpu.memref_slice %arg3[%add3A_197] : memref<640000xi32, #tpu.memory_space<hbm>> -> memref<80xi32, #tpu.memory_space<hbm>>
          %dma_start3A_199 = tpu.memref_slice %arg3[%add3A_197] : memref<640000xi32, #tpu.memory_space<hbm>> -> memref<80xi32, #tpu.memory_space<hbm>>
          tpu.enqueue_dma source(%dma_start3A_199 : memref<80xi32, #tpu.memory_space<hbm>>) target(%arg13 : memref<80xi32, #tpu.memory_space<vmem>>) target_semaphore(%arg17 : memref<!tpu.dma_semaphore, #tpu.memory_space<semaphore_mem>>)
          %add3A_200 = arith.constant 1 : i32
          %add3A_201 = arith.addi %add3A_114, %add3A_200 : i32
          %mul3A_202 = arith.constant 80 : i32
          %mul3A_203 = arith.muli %add3A_201, %mul3A_202 : i32
          %dma_start3A_204 = arith.constant 0 : i32
          %dma_start3A_205 = arith.constant 0 : i32
          %dma_start3A_206 = tpu.memref_slice %arg11[%dma_start3A_204, %dma_start3A_205] : memref<80x128xf32, #tpu.memory_space<vmem>> -> memref<40x128xf32, #tpu.memory_space<vmem>>
          %dma_start3A_207 = tpu.memref_slice %arg7[%mul3A_203] : memref<10000xi32, #tpu.memory_space<vmem>> -> memref<40xi32, #tpu.memory_space<vmem>>
          %dma_start3A_208 = arith.constant 0 : i32
          %dma_start3A_209 = arith.constant 0 : i32
          %dma_start3A_210 = tpu.memref_slice %arg2[%dma_start3A_208, %dma_start3A_209] : memref<10000x128xf32, #tpu.memory_space<hbm>> -> memref<10000x128xf32, #tpu.memory_space<hbm>>
          tpu.enqueue_indirect_dma source(%dma_start3A_210 : memref<10000x128xf32, #tpu.memory_space<hbm>>) target(%dma_start3A_206 : memref<40x128xf32, #tpu.memory_space<vmem>>) offsets(%dma_start3A_207 : memref<40xi32, #tpu.memory_space<vmem>>) semaphore(%arg16 : memref<!tpu.dma_semaphore, #tpu.memory_space<semaphore_mem>>)
          %mul3A_211 = arith.constant 80 : i32
          %mul3A_212 = arith.muli %add3A_201, %mul3A_211 : i32
          %add3A_213 = arith.constant 40 : i32
          %add3A_214 = arith.addi %mul3A_212, %add3A_213 : i32
          %dma_start3A_215 = arith.constant 40 : i32
          %dma_start3A_216 = arith.constant 0 : i32
          %dma_start3A_217 = tpu.memref_slice %arg11[%dma_start3A_215, %dma_start3A_216] : memref<80x128xf32, #tpu.memory_space<vmem>> -> memref<40x128xf32, #tpu.memory_space<vmem>>
          %dma_start3A_218 = tpu.memref_slice %arg7[%add3A_214] : memref<10000xi32, #tpu.memory_space<vmem>> -> memref<40xi32, #tpu.memory_space<vmem>>
          %dma_start3A_219 = arith.constant 0 : i32
          %dma_start3A_220 = arith.constant 0 : i32
          %dma_start3A_221 = tpu.memref_slice %arg2[%dma_start3A_219, %dma_start3A_220] : memref<10000x128xf32, #tpu.memory_space<hbm>> -> memref<10000x128xf32, #tpu.memory_space<hbm>>
          tpu.enqueue_indirect_dma source(%dma_start3A_221 : memref<10000x128xf32, #tpu.memory_space<hbm>>) target(%dma_start3A_217 : memref<40x128xf32, #tpu.memory_space<vmem>>) offsets(%dma_start3A_218 : memref<40xi32, #tpu.memory_space<vmem>>) semaphore(%arg16 : memref<!tpu.dma_semaphore, #tpu.memory_space<semaphore_mem>>)
        } else {
        }
        %scan3A_183 = arith.constant 0 : i32
        %scan3A_184 = arith.constant 5 : i32
        %scan3A_185 = arith.addi %scan3A_183, %scan3A_184 : i32
        %scan3A_186 = arith.constant 1 : i32
        scf.for %scan3A_191 = %scan3A_183 to %scan3A_185 step %scan3A_186  : i32 {
          %mul3A_192 = arith.constant 1 : i32
          %mul3A_193 = arith.muli %scan3A_191, %mul3A_192 : i32
          %add3A_194 = arith.constant 0 : i32
          %add3A_195 = arith.addi %add3A_194, %mul3A_193 : i32
          %mul3A_196 = arith.constant 80 : i32
          %mul3A_197 = arith.muli %add3A_114, %mul3A_196 : i32
          %mul3A_198 = arith.constant 16 : i32
          %mul3A_199 = arith.muli %add3A_195, %mul3A_198 : i32
          %add3A_200 = arith.addi %mul3A_197, %mul3A_199 : i32
          %get3A = arith.index_cast %add3A_200 : i32 to index
          %get3A_201 = tpu.vector_load %arg8[%get3A] {strides = array<i32>} : memref<10000xf32, #tpu.memory_space<vmem>>, vector<16xf32>,
          %mul3A_202 = arith.constant 16 : i32
          %mul3A_203 = arith.muli %add3A_195, %mul3A_202 : i32
          %get3A_204 = arith.index_cast %mul3A_203 : i32 to index
          %get3A_205 = tpu.vector_load %arg12[%get3A_204] {strides = array<i32>} : memref<80xi32, #tpu.memory_space<vmem>>, vector<16xi32>,
          tpu.vector_store_idx %arg9[%get3A_205], %get3A_201 {add = true} : memref<10000xf32, #tpu.memory_space<vmem>>[vector<16xi32>], vector<16xf32>,
          %broadcast_in_dim3A_206 = arith.constant 0 : i32
          %broadcast_in_dim3A_207 = vector.broadcast %broadcast_in_dim3A_206 : i32 to vector<16xi32>
          %broadcast_in_dim3A_208 = vector.shape_cast %broadcast_in_dim3A_207 : vector<16xi32> to vector<16x1xi32>
          %gather3A = vector.shape_cast %broadcast_in_dim3A_208 : vector<16x1xi32> to vector<16xi32>
          %gather3A_209 = tpu.dynamic_gather %get3A_201[%gather3A] in [0] : vector<16xf32>, vector<16xi32> -> vector<16xf32>
          %mul3A_210 = arith.constant 16 : i32
          %mul3A_211 = arith.muli %add3A_195, %mul3A_210 : i32
          %add3A_212 = arith.constant 0 : i32
          %add3A_213 = arith.addi %mul3A_211, %add3A_212 : i32
          %get3A_214 = arith.index_cast %add3A_213 : i32 to index
          %get3A_215 = arith.constant 0 : index
          %get3A_216 = tpu.vector_load %arg10[%get3A_214, %get3A_215] {strides = array<i32>} : memref<80x128xf32, #tpu.memory_space<vmem>>, vector<16xf32>,
          %mul3A_217 = arith.mulf %get3A_216, %gather3A_209 : vector<16xf32>
          %swap3A = arith.index_cast %add3A_213 : i32 to index
          %swap3A_218 = arith.constant 0 : index
          %swap3A_219 = tpu.vector_load %arg10[%swap3A, %swap3A_218] {strides = array<i32>} : memref<80x128xf32, #tpu.memory_space<vmem>>, vector<16xf32>,
          tpu.vector_store %arg10[%swap3A, %swap3A_218], %mul3A_217 {strides = array<i32>} : memref<80x128xf32, #tpu.memory_space<vmem>>, vector<16xf32>,
          %get3A_220 = arith.index_cast %add3A_213 : i32 to index
          %get3A_221 = arith.constant 16 : index
          %get3A_222 = tpu.vector_load %arg10[%get3A_220, %get3A_221] {strides = array<i32>} : memref<80x128xf32, #tpu.memory_space<vmem>>, vector<16xf32>,
          %mul3A_223 = arith.mulf %get3A_222, %gather3A_209 : vector<16xf32>
          %swap3A_224 = arith.index_cast %add3A_213 : i32 to index
          %swap3A_225 = arith.constant 16 : index
          %swap3A_226 = tpu.vector_load %arg10[%swap3A_224, %swap3A_225] {strides = array<i32>} : memref<80x128xf32, #tpu.memory_space<vmem>>, vector<16xf32>,
          tpu.vector_store %arg10[%swap3A_224, %swap3A_225], %mul3A_223 {strides = array<i32>} : memref<80x128xf32, #tpu.memory_space<vmem>>, vector<16xf32>,
          %get3A_227 = arith.index_cast %add3A_213 : i32 to index
          %get3A_228 = arith.constant 32 : index
          %get3A_229 = tpu.vector_load %arg10[%get3A_227, %get3A_228] {strides = array<i32>} : memref<80x128xf32, #tpu.memory_space<vmem>>, vector<16xf32>,
          %mul3A_230 = arith.mulf %get3A_229, %gather3A_209 : vector<16xf32>
          %swap3A_231 = arith.index_cast %add3A_213 : i32 to index
          %swap3A_232 = arith.constant 32 : index
          %swap3A_233 = tpu.vector_load %arg10[%swap3A_231, %swap3A_232] {strides = array<i32>} : memref<80x128xf32, #tpu.memory_space<vmem>>, vector<16xf32>,
          tpu.vector_store %arg10[%swap3A_231, %swap3A_232], %mul3A_230 {strides = array<i32>} : memref<80x128xf32, #tpu.memory_space<vmem>>, vector<16xf32>,
          %get3A_234 = arith.index_cast %add3A_213 : i32 to index
          %get3A_235 = arith.constant 48 : index
          %get3A_236 = tpu.vector_load %arg10[%get3A_234, %get3A_235] {strides = array<i32>} : memref<80x128xf32, #tpu.memory_space<vmem>>, vector<16xf32>,
          %mul3A_237 = arith.mulf %get3A_236, %gather3A_209 : vector<16xf32>
          %swap3A_238 = arith.index_cast %add3A_213 : i32 to index
          %swap3A_239 = arith.constant 48 : index
          %swap3A_240 = tpu.vector_load %arg10[%swap3A_238, %swap3A_239] {strides = array<i32>} : memref<80x128xf32, #tpu.memory_space<vmem>>, vector<16xf32>,
          tpu.vector_store %arg10[%swap3A_238, %swap3A_239], %mul3A_237 {strides = array<i32>} : memref<80x128xf32, #tpu.memory_space<vmem>>, vector<16xf32>,
          %get3A_241 = arith.index_cast %add3A_213 : i32 to index
          %get3A_242 = arith.constant 64 : index
          %get3A_243 = tpu.vector_load %arg10[%get3A_241, %get3A_242] {strides = array<i32>} : memref<80x128xf32, #tpu.memory_space<vmem>>, vector<16xf32>,
          %mul3A_244 = arith.mulf %get3A_243, %gather3A_209 : vector<16xf32>
          %swap3A_245 = arith.index_cast %add3A_213 : i32 to index
          %swap3A_246 = arith.constant 64 : index
          %swap3A_247 = tpu.vector_load %arg10[%swap3A_245, %swap3A_246] {strides = array<i32>} : memref<80x128xf32, #tpu.memory_space<vmem>>, vector<16xf32>,
          tpu.vector_store %arg10[%swap3A_245, %swap3A_246], %mul3A_244 {strides = array<i32>} : memref<80x128xf32, #tpu.memory_space<vmem>>, vector<16xf32>,
          %get3A_248 = arith.index_cast %add3A_213 : i32 to index
          %get3A_249 = arith.constant 80 : index
          %get3A_250 = tpu.vector_load %arg10[%get3A_248, %get3A_249] {strides = array<i32>} : memref<80x128xf32, #tpu.memory_space<vmem>>, vector<16xf32>,
          %mul3A_251 = arith.mulf %get3A_250, %gather3A_209 : vector<16xf32>
          %swap3A_252 = arith.index_cast %add3A_213 : i32 to index
          %swap3A_253 = arith.constant 80 : index
          %swap3A_254 = tpu.vector_load %arg10[%swap3A_252, %swap3A_253] {strides = array<i32>} : memref<80x128xf32, #tpu.memory_space<vmem>>, vector<16xf32>,
          tpu.vector_store %arg10[%swap3A_252, %swap3A_253], %mul3A_251 {strides = array<i32>} : memref<80x128xf32, #tpu.memory_space<vmem>>, vector<16xf32>,
          %get3A_255 = arith.index_cast %add3A_213 : i32 to index
          %get3A_256 = arith.constant 96 : index
          %get3A_257 = tpu.vector_load %arg10[%get3A_255, %get3A_256] {strides = array<i32>} : memref<80x128xf32, #tpu.memory_space<vmem>>, vector<16xf32>,
          %mul3A_258 = arith.mulf %get3A_257, %gather3A_209 : vector<16xf32>
          %swap3A_259 = arith.index_cast %add3A_213 : i32 to index
          %swap3A_260 = arith.constant 96 : index
          %swap3A_261 = tpu.vector_load %arg10[%swap3A_259, %swap3A_260] {strides = array<i32>} : memref<80x128xf32, #tpu.memory_space<vmem>>, vector<16xf32>,
          tpu.vector_store %arg10[%swap3A_259, %swap3A_260], %mul3A_258 {strides = array<i32>} : memref<80x128xf32, #tpu.memory_space<vmem>>, vector<16xf32>,
          %get3A_262 = arith.index_cast %add3A_213 : i32 to index
          %get3A_263 = arith.constant 112 : index
          %get3A_264 = tpu.vector_load %arg10[%get3A_262, %get3A_263] {strides = array<i32>} : memref<80x128xf32, #tpu.memory_space<vmem>>, vector<16xf32>,
          %mul3A_265 = arith.mulf %get3A_264, %gather3A_209 : vector<16xf32>
          %swap3A_266 = arith.index_cast %add3A_213 : i32 to index
          %swap3A_267 = arith.constant 112 : index
          %swap3A_268 = tpu.vector_load %arg10[%swap3A_266, %swap3A_267] {strides = array<i32>} : memref<80x128xf32, #tpu.memory_space<vmem>>, vector<16xf32>,
          tpu.vector_store %arg10[%swap3A_266, %swap3A_267], %mul3A_265 {strides = array<i32>} : memref<80x128xf32, #tpu.memory_space<vmem>>, vector<16xf32>,
          %broadcast_in_dim3A_269 = arith.constant 1 : i32
          %broadcast_in_dim3A_270 = vector.broadcast %broadcast_in_dim3A_269 : i32 to vector<16xi32>
          %broadcast_in_dim3A_271 = vector.shape_cast %broadcast_in_dim3A_270 : vector<16xi32> to vector<16x1xi32>
          %gather3A_272 = vector.shape_cast %broadcast_in_dim3A_271 : vector<16x1xi32> to vector<16xi32>
          %gather3A_273 = tpu.dynamic_gather %get3A_201[%gather3A_272] in [0] : vector<16xf32>, vector<16xi32> -> vector<16xf32>
          %mul3A_274 = arith.constant 16 : i32
          %mul3A_275 = arith.muli %add3A_195, %mul3A_274 : i32
          %add3A_276 = arith.constant 1 : i32
          %add3A_277 = arith.addi %mul3A_275, %add3A_276 : i32
          %get3A_278 = arith.index_cast %add3A_277 : i32 to index
          %get3A_279 = arith.constant 0 : index
          %get3A_280 = tpu.vector_load %arg10[%get3A_278, %get3A_279] {strides = array<i32>} : memref<80x128xf32, #tpu.memory_space<vmem>>, vector<16xf32>,
          %mul3A_281 = arith.mulf %get3A_280, %gather3A_273 : vector<16xf32>
          %swap3A_282 = arith.index_cast %add3A_277 : i32 to index
          %swap3A_283 = arith.constant 0 : index
          %swap3A_284 = tpu.vector_load %arg10[%swap3A_282, %swap3A_283] {strides = array<i32>} : memref<80x128xf32, #tpu.memory_space<vmem>>, vector<16xf32>,
          tpu.vector_store %arg10[%swap3A_282, %swap3A_283], %mul3A_281 {strides = array<i32>} : memref<80x128xf32, #tpu.memory_space<vmem>>, vector<16xf32>,
          %get3A_285 = arith.index_cast %add3A_277 : i32 to index
          %get3A_286 = arith.constant 16 : index
          %get3A_287 = tpu.vector_load %arg10[%get3A_285, %get3A_286] {strides = array<i32>} : memref<80x128xf32, #tpu.memory_space<vmem>>, vector<16xf32>,
          %mul3A_288 = arith.mulf %get3A_287, %gather3A_273 : vector<16xf32>
          %swap3A_289 = arith.index_cast %add3A_277 : i32 to index
          %swap3A_290 = arith.constant 16 : index
          %swap3A_291 = tpu.vector_load %arg10[%swap3A_289, %swap3A_290] {strides = array<i32>} : memref<80x128xf32, #tpu.memory_space<vmem>>, vector<16xf32>,
          tpu.vector_store %arg10[%swap3A_289, %swap3A_290], %mul3A_288 {strides = array<i32>} : memref<80x128xf32, #tpu.memory_space<vmem>>, vector<16xf32>,
          %get3A_292 = arith.index_cast %add3A_277 : i32 to index
          %get3A_293 = arith.constant 32 : index
          %get3A_294 = tpu.vector_load %arg10[%get3A_292, %get3A_293] {strides = array<i32>} : memref<80x128xf32, #tpu.memory_space<vmem>>, vector<16xf32>,
          %mul3A_295 = arith.mulf %get3A_294, %gather3A_273 : vector<16xf32>
          %swap3A_296 = arith.index_cast %add3A_277 : i32 to index
          %swap3A_297 = arith.constant 32 : index
          %swap3A_298 = tpu.vector_load %arg10[%swap3A_296, %swap3A_297] {strides = array<i32>} : memref<80x128xf32, #tpu.memory_space<vmem>>, vector<16xf32>,
          tpu.vector_store %arg10[%swap3A_296, %swap3A_297], %mul3A_295 {strides = array<i32>} : memref<80x128xf32, #tpu.memory_space<vmem>>, vector<16xf32>,
          %get3A_299 = arith.index_cast %add3A_277 : i32 to index
          %get3A_300 = arith.constant 48 : index
          %get3A_301 = tpu.vector_load %arg10[%get3A_299, %get3A_300] {strides = array<i32>} : memref<80x128xf32, #tpu.memory_space<vmem>>, vector<16xf32>,
          %mul3A_302 = arith.mulf %get3A_301, %gather3A_273 : vector<16xf32>
          %swap3A_303 = arith.index_cast %add3A_277 : i32 to index
          %swap3A_304 = arith.constant 48 : index
          %swap3A_305 = tpu.vector_load %arg10[%swap3A_303, %swap3A_304] {strides = array<i32>} : memref<80x128xf32, #tpu.memory_space<vmem>>, vector<16xf32>,
          tpu.vector_store %arg10[%swap3A_303, %swap3A_304], %mul3A_302 {strides = array<i32>} : memref<80x128xf32, #tpu.memory_space<vmem>>, vector<16xf32>,
          %get3A_306 = arith.index_cast %add3A_277 : i32 to index
          %get3A_307 = arith.constant 64 : index
          %get3A_308 = tpu.vector_load %arg10[%get3A_306, %get3A_307] {strides = array<i32>} : memref<80x128xf32, #tpu.memory_space<vmem>>, vector<16xf32>,
          %mul3A_309 = arith.mulf %get3A_308, %gather3A_273 : vector<16xf32>
          %swap3A_310 = arith.index_cast %add3A_277 : i32 to index
          %swap3A_311 = arith.constant 64 : index
          %swap3A_312 = tpu.vector_load %arg10[%swap3A_310, %swap3A_311] {strides = array<i32>} : memref<80x128xf32, #tpu.memory_space<vmem>>, vector<16xf32>,
          tpu.vector_store %arg10[%swap3A_310, %swap3A_311], %mul3A_309 {strides = array<i32>} : memref<80x128xf32, #tpu.memory_space<vmem>>, vector<16xf32>,
          %get3A_313 = arith.index_cast %add3A_277 : i32 to index
          %get3A_314 = arith.constant 80 : index
          %get3A_315 = tpu.vector_load %arg10[%get3A_313, %get3A_314] {strides = array<i32>} : memref<80x128xf32, #tpu.memory_space<vmem>>, vector<16xf32>,
          %mul3A_316 = arith.mulf %get3A_315, %gather3A_273 : vector<16xf32>
          %swap3A_317 = arith.index_cast %add3A_277 : i32 to index
          %swap3A_318 = arith.constant 80 : index
          %swap3A_319 = tpu.vector_load %arg10[%swap3A_317, %swap3A_318] {strides = array<i32>} : memref<80x128xf32, #tpu.memory_space<vmem>>, vector<16xf32>,
          tpu.vector_store %arg10[%swap3A_317, %swap3A_318], %mul3A_316 {strides = array<i32>} : memref<80x128xf32, #tpu.memory_space<vmem>>, vector<16xf32>,
          %get3A_320 = arith.index_cast %add3A_277 : i32 to index
          %get3A_321 = arith.constant 96 : index
          %get3A_322 = tpu.vector_load %arg10[%get3A_320, %get3A_321] {strides = array<i32>} : memref<80x128xf32, #tpu.memory_space<vmem>>, vector<16xf32>,
          %mul3A_323 = arith.mulf %get3A_322, %gather3A_273 : vector<16xf32>
          %swap3A_324 = arith.index_cast %add3A_277 : i32 to index
          %swap3A_325 = arith.constant 96 : index
          %swap3A_326 = tpu.vector_load %arg10[%swap3A_324, %swap3A_325] {strides = array<i32>} : memref<80x128xf32, #tpu.memory_space<vmem>>, vector<16xf32>,
          tpu.vector_store %arg10[%swap3A_324, %swap3A_325], %mul3A_323 {strides = array<i32>} : memref<80x128xf32, #tpu.memory_space<vmem>>, vector<16xf32>,
          %get3A_327 = arith.index_cast %add3A_277 : i32 to index
          %get3A_328 = arith.constant 112 : index
          %get3A_329 = tpu.vector_load %arg10[%get3A_327, %get3A_328] {strides = array<i32>} : memref<80x128xf32, #tpu.memory_space<vmem>>, vector<16xf32>,
          %mul3A_330 = arith.mulf %get3A_329, %gather3A_273 : vector<16xf32>
          %swap3A_331 = arith.index_cast %add3A_277 : i32 to index
          %swap3A_332 = arith.constant 112 : index
          %swap3A_333 = tpu.vector_load %arg10[%swap3A_331, %swap3A_332] {strides = array<i32>} : memref<80x128xf32, #tpu.memory_space<vmem>>, vector<16xf32>,
          tpu.vector_store %arg10[%swap3A_331, %swap3A_332], %mul3A_330 {strides = array<i32>} : memref<80x128xf32, #tpu.memory_space<vmem>>, vector<16xf32>,
          %broadcast_in_dim3A_334 = arith.constant 2 : i32
          %broadcast_in_dim3A_335 = vector.broadcast %broadcast_in_dim3A_334 : i32 to vector<16xi32>
          %broadcast_in_dim3A_336 = vector.shape_cast %broadcast_in_dim3A_335 : vector<16xi32> to vector<16x1xi32>
          %gather3A_337 = vector.shape_cast %broadcast_in_dim3A_336 : vector<16x1xi32> to vector<16xi32>
          %gather3A_338 = tpu.dynamic_gather %get3A_201[%gather3A_337] in [0] : vector<16xf32>, vector<16xi32> -> vector<16xf32>
          %mul3A_339 = arith.constant 16 : i32
          %mul3A_340 = arith.muli %add3A_195, %mul3A_339 : i32
          %add3A_341 = arith.constant 2 : i32
          %add3A_342 = arith.addi %mul3A_340, %add3A_341 : i32
          %get3A_343 = arith.index_cast %add3A_342 : i32 to index
          %get3A_344 = arith.constant 0 : index
          %get3A_345 = tpu.vector_load %arg10[%get3A_343, %get3A_344] {strides = array<i32>} : memref<80x128xf32, #tpu.memory_space<vmem>>, vector<16xf32>,
          %mul3A_346 = arith.mulf %get3A_345, %gather3A_338 : vector<16xf32>
          %swap3A_347 = arith.index_cast %add3A_342 : i32 to index
          %swap3A_348 = arith.constant 0 : index
          %swap3A_349 = tpu.vector_load %arg10[%swap3A_347, %swap3A_348] {strides = array<i32>} : memref<80x128xf32, #tpu.memory_space<vmem>>, vector<16xf32>,
          tpu.vector_store %arg10[%swap3A_347, %swap3A_348], %mul3A_346 {strides = array<i32>} : memref<80x128xf32, #tpu.memory_space<vmem>>, vector<16xf32>,
          %get3A_350 = arith.index_cast %add3A_342 : i32 to index
          %get3A_351 = arith.constant 16 : index
          %get3A_352 = tpu.vector_load %arg10[%get3A_350, %get3A_351] {strides = array<i32>} : memref<80x128xf32, #tpu.memory_space<vmem>>, vector<16xf32>,
          %mul3A_353 = arith.mulf %get3A_352, %gather3A_338 : vector<16xf32>
          %swap3A_354 = arith.index_cast %add3A_342 : i32 to index
          %swap3A_355 = arith.constant 16 : index
          %swap3A_356 = tpu.vector_load %arg10[%swap3A_354, %swap3A_355] {strides = array<i32>} : memref<80x128xf32, #tpu.memory_space<vmem>>, vector<16xf32>,
          tpu.vector_store %arg10[%swap3A_354, %swap3A_355], %mul3A_353 {strides = array<i32>} : memref<80x128xf32, #tpu.memory_space<vmem>>, vector<16xf32>,
          %get3A_357 = arith.index_cast %add3A_342 : i32 to index
          %get3A_358 = arith.constant 32 : index
          %get3A_359 = tpu.vector_load %arg10[%get3A_357, %get3A_358] {strides = array<i32>} : memref<80x128xf32, #tpu.memory_space<vmem>>, vector<16xf32>,
          %mul3A_360 = arith.mulf %get3A_359, %gather3A_338 : vector<16xf32>
          %swap3A_361 = arith.index_cast %add3A_342 : i32 to index
          %swap3A_362 = arith.constant 32 : index
          %swap3A_363 = tpu.vector_load %arg10[%swap3A_361, %swap3A_362] {strides = array<i32>} : memref<80x128xf32, #tpu.memory_space<vmem>>, vector<16xf32>,
          tpu.vector_store %arg10[%swap3A_361, %swap3A_362], %mul3A_360 {strides = array<i32>} : memref<80x128xf32, #tpu.memory_space<vmem>>, vector<16xf32>,
          %get3A_364 = arith.index_cast %add3A_342 : i32 to index
          %get3A_365 = arith.constant 48 : index
          %get3A_366 = tpu.vector_load %arg10[%get3A_364, %get3A_365] {strides = array<i32>} : memref<80x128xf32, #tpu.memory_space<vmem>>, vector<16xf32>,
          %mul3A_367 = arith.mulf %get3A_366, %gather3A_338 : vector<16xf32>
          %swap3A_368 = arith.index_cast %add3A_342 : i32 to index
          %swap3A_369 = arith.constant 48 : index
          %swap3A_370 = tpu.vector_load %arg10[%swap3A_368, %swap3A_369] {strides = array<i32>} : memref<80x128xf32, #tpu.memory_space<vmem>>, vector<16xf32>,
          tpu.vector_store %arg10[%swap3A_368, %swap3A_369], %mul3A_367 {strides = array<i32>} : memref<80x128xf32, #tpu.memory_space<vmem>>, vector<16xf32>,
          %get3A_371 = arith.index_cast %add3A_342 : i32 to index
          %get3A_372 = arith.constant 64 : index
          %get3A_373 = tpu.vector_load %arg10[%get3A_371, %get3A_372] {strides = array<i32>} : memref<80x128xf32, #tpu.memory_space<vmem>>, vector<16xf32>,
          %mul3A_374 = arith.mulf %get3A_373, %gather3A_338 : vector<16xf32>
          %swap3A_375 = arith.index_cast %add3A_342 : i32 to index
          %swap3A_376 = arith.constant 64 : index
          %swap3A_377 = tpu.vector_load %arg10[%swap3A_375, %swap3A_376] {strides = array<i32>} : memref<80x128xf32, #tpu.memory_space<vmem>>, vector<16xf32>,
          tpu.vector_store %arg10[%swap3A_375, %swap3A_376], %mul3A_374 {strides = array<i32>} : memref<80x128xf32, #tpu.memory_space<vmem>>, vector<16xf32>,
          %get3A_378 = arith.index_cast %add3A_342 : i32 to index
          %get3A_379 = arith.constant 80 : index
          %get3A_380 = tpu.vector_load %arg10[%get3A_378, %get3A_379] {strides = array<i32>} : memref<80x128xf32, #tpu.memory_space<vmem>>, vector<16xf32>,
          %mul3A_381 = arith.mulf %get3A_380, %gather3A_338 : vector<16xf32>
          %swap3A_382 = arith.index_cast %add3A_342 : i32 to index
          %swap3A_383 = arith.constant 80 : index
          %swap3A_384 = tpu.vector_load %arg10[%swap3A_382, %swap3A_383] {strides = array<i32>} : memref<80x128xf32, #tpu.memory_space<vmem>>, vector<16xf32>,
          tpu.vector_store %arg10[%swap3A_382, %swap3A_383], %mul3A_381 {strides = array<i32>} : memref<80x128xf32, #tpu.memory_space<vmem>>, vector<16xf32>,
          %get3A_385 = arith.index_cast %add3A_342 : i32 to index
          %get3A_386 = arith.constant 96 : index
          %get3A_387 = tpu.vector_load %arg10[%get3A_385, %get3A_386] {strides = array<i32>} : memref<80x128xf32, #tpu.memory_space<vmem>>, vector<16xf32>,
          %mul3A_388 = arith.mulf %get3A_387, %gather3A_338 : vector<16xf32>
          %swap3A_389 = arith.index_cast %add3A_342 : i32 to index
          %swap3A_390 = arith.constant 96 : index
          %swap3A_391 = tpu.vector_load %arg10[%swap3A_389, %swap3A_390] {strides = array<i32>} : memref<80x128xf32, #tpu.memory_space<vmem>>, vector<16xf32>,
          tpu.vector_store %arg10[%swap3A_389, %swap3A_390], %mul3A_388 {strides = array<i32>} : memref<80x128xf32, #tpu.memory_space<vmem>>, vector<16xf32>,
          %get3A_392 = arith.index_cast %add3A_342 : i32 to index
          %get3A_393 = arith.constant 112 : index
          %get3A_394 = tpu.vector_load %arg10[%get3A_392, %get3A_393] {strides = array<i32>} : memref<80x128xf32, #tpu.memory_space<vmem>>, vector<16xf32>,
          %mul3A_395 = arith.mulf %get3A_394, %gather3A_338 : vector<16xf32>
          %swap3A_396 = arith.index_cast %add3A_342 : i32 to index
          %swap3A_397 = arith.constant 112 : index
          %swap3A_398 = tpu.vector_load %arg10[%swap3A_396, %swap3A_397] {strides = array<i32>} : memref<80x128xf32, #tpu.memory_space<vmem>>, vector<16xf32>,
          tpu.vector_store %arg10[%swap3A_396, %swap3A_397], %mul3A_395 {strides = array<i32>} : memref<80x128xf32, #tpu.memory_space<vmem>>, vector<16xf32>,
          %broadcast_in_dim3A_399 = arith.constant 3 : i32
          %broadcast_in_dim3A_400 = vector.broadcast %broadcast_in_dim3A_399 : i32 to vector<16xi32>
          %broadcast_in_dim3A_401 = vector.shape_cast %broadcast_in_dim3A_400 : vector<16xi32> to vector<16x1xi32>
          %gather3A_402 = vector.shape_cast %broadcast_in_dim3A_401 : vector<16x1xi32> to vector<16xi32>
          %gather3A_403 = tpu.dynamic_gather %get3A_201[%gather3A_402] in [0] : vector<16xf32>, vector<16xi32> -> vector<16xf32>
          %mul3A_404 = arith.constant 16 : i32
          %mul3A_405 = arith.muli %add3A_195, %mul3A_404 : i32
          %add3A_406 = arith.constant 3 : i32
          %add3A_407 = arith.addi %mul3A_405, %add3A_406 : i32
          %get3A_408 = arith.index_cast %add3A_407 : i32 to index
          %get3A_409 = arith.constant 0 : index
          %get3A_410 = tpu.vector_load %arg10[%get3A_408, %get3A_409] {strides = array<i32>} : memref<80x128xf32, #tpu.memory_space<vmem>>, vector<16xf32>,
          %mul3A_411 = arith.mulf %get3A_410, %gather3A_403 : vector<16xf32>
          %swap3A_412 = arith.index_cast %add3A_407 : i32 to index
          %swap3A_413 = arith.constant 0 : index
          %swap3A_414 = tpu.vector_load %arg10[%swap3A_412, %swap3A_413] {strides = array<i32>} : memref<80x128xf32, #tpu.memory_space<vmem>>, vector<16xf32>,
          tpu.vector_store %arg10[%swap3A_412, %swap3A_413], %mul3A_411 {strides = array<i32>} : memref<80x128xf32, #tpu.memory_space<vmem>>, vector<16xf32>,
          %get3A_415 = arith.index_cast %add3A_407 : i32 to index
          %get3A_416 = arith.constant 16 : index
          %get3A_417 = tpu.vector_load %arg10[%get3A_415, %get3A_416] {strides = array<i32>} : memref<80x128xf32, #tpu.memory_space<vmem>>, vector<16xf32>,
          %mul3A_418 = arith.mulf %get3A_417, %gather3A_403 : vector<16xf32>
          %swap3A_419 = arith.index_cast %add3A_407 : i32 to index
          %swap3A_420 = arith.constant 16 : index
          %swap3A_421 = tpu.vector_load %arg10[%swap3A_419, %swap3A_420] {strides = array<i32>} : memref<80x128xf32, #tpu.memory_space<vmem>>, vector<16xf32>,
          tpu.vector_store %arg10[%swap3A_419, %swap3A_420], %mul3A_418 {strides = array<i32>} : memref<80x128xf32, #tpu.memory_space<vmem>>, vector<16xf32>,
          %get3A_422 = arith.index_cast %add3A_407 : i32 to index
          %get3A_423 = arith.constant 32 : index
          %get3A_424 = tpu.vector_load %arg10[%get3A_422, %get3A_423] {strides = array<i32>} : memref<80x128xf32, #tpu.memory_space<vmem>>, vector<16xf32>,
          %mul3A_425 = arith.mulf %get3A_424, %gather3A_403 : vector<16xf32>
          %swap3A_426 = arith.index_cast %add3A_407 : i32 to index
          %swap3A_427 = arith.constant 32 : index
          %swap3A_428 = tpu.vector_load %arg10[%swap3A_426, %swap3A_427] {strides = array<i32>} : memref<80x128xf32, #tpu.memory_space<vmem>>, vector<16xf32>,
          tpu.vector_store %arg10[%swap3A_426, %swap3A_427], %mul3A_425 {strides = array<i32>} : memref<80x128xf32, #tpu.memory_space<vmem>>, vector<16xf32>,
          %get3A_429 = arith.index_cast %add3A_407 : i32 to index
          %get3A_430 = arith.constant 48 : index
          %get3A_431 = tpu.vector_load %arg10[%get3A_429, %get3A_430] {strides = array<i32>} : memref<80x128xf32, #tpu.memory_space<vmem>>, vector<16xf32>,
          %mul3A_432 = arith.mulf %get3A_431, %gather3A_403 : vector<16xf32>
          %swap3A_433 = arith.index_cast %add3A_407 : i32 to index
          %swap3A_434 = arith.constant 48 : index
          %swap3A_435 = tpu.vector_load %arg10[%swap3A_433, %swap3A_434] {strides = array<i32>} : memref<80x128xf32, #tpu.memory_space<vmem>>, vector<16xf32>,
          tpu.vector_store %arg10[%swap3A_433, %swap3A_434], %mul3A_432 {strides = array<i32>} : memref<80x128xf32, #tpu.memory_space<vmem>>, vector<16xf32>,
          %get3A_436 = arith.index_cast %add3A_407 : i32 to index
          %get3A_437 = arith.constant 64 : index
          %get3A_438 = tpu.vector_load %arg10[%get3A_436, %get3A_437] {strides = array<i32>} : memref<80x128xf32, #tpu.memory_space<vmem>>, vector<16xf32>,
          %mul3A_439 = arith.mulf %get3A_438, %gather3A_403 : vector<16xf32>
          %swap3A_440 = arith.index_cast %add3A_407 : i32 to index
          %swap3A_441 = arith.constant 64 : index
          %swap3A_442 = tpu.vector_load %arg10[%swap3A_440, %swap3A_441] {strides = array<i32>} : memref<80x128xf32, #tpu.memory_space<vmem>>, vector<16xf32>,
          tpu.vector_store %arg10[%swap3A_440, %swap3A_441], %mul3A_439 {strides = array<i32>} : memref<80x128xf32, #tpu.memory_space<vmem>>, vector<16xf32>,
          %get3A_443 = arith.index_cast %add3A_407 : i32 to index
          %get3A_444 = arith.constant 80 : index
          %get3A_445 = tpu.vector_load %arg10[%get3A_443, %get3A_444] {strides = array<i32>} : memref<80x128xf32, #tpu.memory_space<vmem>>, vector<16xf32>,
          %mul3A_446 = arith.mulf %get3A_445, %gather3A_403 : vector<16xf32>
          %swap3A_447 = arith.index_cast %add3A_407 : i32 to index
          %swap3A_448 = arith.constant 80 : index
          %swap3A_449 = tpu.vector_load %arg10[%swap3A_447, %swap3A_448] {strides = array<i32>} : memref<80x128xf32, #tpu.memory_space<vmem>>, vector<16xf32>,
          tpu.vector_store %arg10[%swap3A_447, %swap3A_448], %mul3A_446 {strides = array<i32>} : memref<80x128xf32, #tpu.memory_space<vmem>>, vector<16xf32>,
          %get3A_450 = arith.index_cast %add3A_407 : i32 to index
          %get3A_451 = arith.constant 96 : index
          %get3A_452 = tpu.vector_load %arg10[%get3A_450, %get3A_451] {strides = array<i32>} : memref<80x128xf32, #tpu.memory_space<vmem>>, vector<16xf32>,
          %mul3A_453 = arith.mulf %get3A_452, %gather3A_403 : vector<16xf32>
          %swap3A_454 = arith.index_cast %add3A_407 : i32 to index
          %swap3A_455 = arith.constant 96 : index
          %swap3A_456 = tpu.vector_load %arg10[%swap3A_454, %swap3A_455] {strides = array<i32>} : memref<80x128xf32, #tpu.memory_space<vmem>>, vector<16xf32>,
          tpu.vector_store %arg10[%swap3A_454, %swap3A_455], %mul3A_453 {strides = array<i32>} : memref<80x128xf32, #tpu.memory_space<vmem>>, vector<16xf32>,
          %get3A_457 = arith.index_cast %add3A_407 : i32 to index
          %get3A_458 = arith.constant 112 : index
          %get3A_459 = tpu.vector_load %arg10[%get3A_457, %get3A_458] {strides = array<i32>} : memref<80x128xf32, #tpu.memory_space<vmem>>, vector<16xf32>,
          %mul3A_460 = arith.mulf %get3A_459, %gather3A_403 : vector<16xf32>
          %swap3A_461 = arith.index_cast %add3A_407 : i32 to index
          %swap3A_462 = arith.constant 112 : index
          %swap3A_463 = tpu.vector_load %arg10[%swap3A_461, %swap3A_462] {strides = array<i32>} : memref<80x128xf32, #tpu.memory_space<vmem>>, vector<16xf32>,
          tpu.vector_store %arg10[%swap3A_461, %swap3A_462], %mul3A_460 {strides = array<i32>} : memref<80x128xf32, #tpu.memory_space<vmem>>, vector<16xf32>,
          %broadcast_in_dim3A_464 = arith.constant 4 : i32
          %broadcast_in_dim3A_465 = vector.broadcast %broadcast_in_dim3A_464 : i32 to vector<16xi32>
          %broadcast_in_dim3A_466 = vector.shape_cast %broadcast_in_dim3A_465 : vector<16xi32> to vector<16x1xi32>
          %gather3A_467 = vector.shape_cast %broadcast_in_dim3A_466 : vector<16x1xi32> to vector<16xi32>
          %gather3A_468 = tpu.dynamic_gather %get3A_201[%gather3A_467] in [0] : vector<16xf32>, vector<16xi32> -> vector<16xf32>
          %mul3A_469 = arith.constant 16 : i32
          %mul3A_470 = arith.muli %add3A_195, %mul3A_469 : i32
          %add3A_471 = arith.constant 4 : i32
          %add3A_472 = arith.addi %mul3A_470, %add3A_471 : i32
          %get3A_473 = arith.index_cast %add3A_472 : i32 to index
          %get3A_474 = arith.constant 0 : index
          %get3A_475 = tpu.vector_load %arg10[%get3A_473, %get3A_474] {strides = array<i32>} : memref<80x128xf32, #tpu.memory_space<vmem>>, vector<16xf32>,
          %mul3A_476 = arith.mulf %get3A_475, %gather3A_468 : vector<16xf32>
          %swap3A_477 = arith.index_cast %add3A_472 : i32 to index
          %swap3A_478 = arith.constant 0 : index
          %swap3A_479 = tpu.vector_load %arg10[%swap3A_477, %swap3A_478] {strides = array<i32>} : memref<80x128xf32, #tpu.memory_space<vmem>>, vector<16xf32>,
          tpu.vector_store %arg10[%swap3A_477, %swap3A_478], %mul3A_476 {strides = array<i32>} : memref<80x128xf32, #tpu.memory_space<vmem>>, vector<16xf32>,
          %get3A_480 = arith.index_cast %add3A_472 : i32 to index
          %get3A_481 = arith.constant 16 : index
          %get3A_482 = tpu.vector_load %arg10[%get3A_480, %get3A_481] {strides = array<i32>} : memref<80x128xf32, #tpu.memory_space<vmem>>, vector<16xf32>,
          %mul3A_483 = arith.mulf %get3A_482, %gather3A_468 : vector<16xf32>
          %swap3A_484 = arith.index_cast %add3A_472 : i32 to index
          %swap3A_485 = arith.constant 16 : index
          %swap3A_486 = tpu.vector_load %arg10[%swap3A_484, %swap3A_485] {strides = array<i32>} : memref<80x128xf32, #tpu.memory_space<vmem>>, vector<16xf32>,
          tpu.vector_store %arg10[%swap3A_484, %swap3A_485], %mul3A_483 {strides = array<i32>} : memref<80x128xf32, #tpu.memory_space<vmem>>, vector<16xf32>,
          %get3A_487 = arith.index_cast %add3A_472 : i32 to index
          %get3A_488 = arith.constant 32 : index
          %get3A_489 = tpu.vector_load %arg10[%get3A_487, %get3A_488] {strides = array<i32>} : memref<80x128xf32, #tpu.memory_space<vmem>>, vector<16xf32>,
          %mul3A_490 = arith.mulf %get3A_489, %gather3A_468 : vector<16xf32>
          %swap3A_491 = arith.index_cast %add3A_472 : i32 to index
          %swap3A_492 = arith.constant 32 : index
          %swap3A_493 = tpu.vector_load %arg10[%swap3A_491, %swap3A_492] {strides = array<i32>} : memref<80x128xf32, #tpu.memory_space<vmem>>, vector<16xf32>,
          tpu.vector_store %arg10[%swap3A_491, %swap3A_492], %mul3A_490 {strides = array<i32>} : memref<80x128xf32, #tpu.memory_space<vmem>>, vector<16xf32>,
          %get3A_494 = arith.index_cast %add3A_472 : i32 to index
          %get3A_495 = arith.constant 48 : index
          %get3A_496 = tpu.vector_load %arg10[%get3A_494, %get3A_495] {strides = array<i32>} : memref<80x128xf32, #tpu.memory_space<vmem>>, vector<16xf32>,
          %mul3A_497 = arith.mulf %get3A_496, %gather3A_468 : vector<16xf32>
          %swap3A_498 = arith.index_cast %add3A_472 : i32 to index
          %swap3A_499 = arith.constant 48 : index
          %swap3A_500 = tpu.vector_load %arg10[%swap3A_498, %swap3A_499] {strides = array<i32>} : memref<80x128xf32, #tpu.memory_space<vmem>>, vector<16xf32>,
          tpu.vector_store %arg10[%swap3A_498, %swap3A_499], %mul3A_497 {strides = array<i32>} : memref<80x128xf32, #tpu.memory_space<vmem>>, vector<16xf32>,
          %get3A_501 = arith.index_cast %add3A_472 : i32 to index
          %get3A_502 = arith.constant 64 : index
          %get3A_503 = tpu.vector_load %arg10[%get3A_501, %get3A_502] {strides = array<i32>} : memref<80x128xf32, #tpu.memory_space<vmem>>, vector<16xf32>,
          %mul3A_504 = arith.mulf %get3A_503, %gather3A_468 : vector<16xf32>
          %swap3A_505 = arith.index_cast %add3A_472 : i32 to index
          %swap3A_506 = arith.constant 64 : index
          %swap3A_507 = tpu.vector_load %arg10[%swap3A_505, %swap3A_506] {strides = array<i32>} : memref<80x128xf32, #tpu.memory_space<vmem>>, vector<16xf32>,
          tpu.vector_store %arg10[%swap3A_505, %swap3A_506], %mul3A_504 {strides = array<i32>} : memref<80x128xf32, #tpu.memory_space<vmem>>, vector<16xf32>,
          %get3A_508 = arith.index_cast %add3A_472 : i32 to index
          %get3A_509 = arith.constant 80 : index
          %get3A_510 = tpu.vector_load %arg10[%get3A_508, %get3A_509] {strides = array<i32>} : memref<80x128xf32, #tpu.memory_space<vmem>>, vector<16xf32>,
          %mul3A_511 = arith.mulf %get3A_510, %gather3A_468 : vector<16xf32>
          %swap3A_512 = arith.index_cast %add3A_472 : i32 to index
          %swap3A_513 = arith.constant 80 : index
          %swap3A_514 = tpu.vector_load %arg10[%swap3A_512, %swap3A_513] {strides = array<i32>} : memref<80x128xf32, #tpu.memory_space<vmem>>, vector<16xf32>,
          tpu.vector_store %arg10[%swap3A_512, %swap3A_513], %mul3A_511 {strides = array<i32>} : memref<80x128xf32, #tpu.memory_space<vmem>>, vector<16xf32>,
          %get3A_515 = arith.index_cast %add3A_472 : i32 to index
          %get3A_516 = arith.constant 96 : index
          %get3A_517 = tpu.vector_load %arg10[%get3A_515, %get3A_516] {strides = array<i32>} : memref<80x128xf32, #tpu.memory_space<vmem>>, vector<16xf32>,
          %mul3A_518 = arith.mulf %get3A_517, %gather3A_468 : vector<16xf32>
          %swap3A_519 = arith.index_cast %add3A_472 : i32 to index
          %swap3A_520 = arith.constant 96 : index
          %swap3A_521 = tpu.vector_load %arg10[%swap3A_519, %swap3A_520] {strides = array<i32>} : memref<80x128xf32, #tpu.memory_space<vmem>>, vector<16xf32>,
          tpu.vector_store %arg10[%swap3A_519, %swap3A_520], %mul3A_518 {strides = array<i32>} : memref<80x128xf32, #tpu.memory_space<vmem>>, vector<16xf32>,
          %get3A_522 = arith.index_cast %add3A_472 : i32 to index
          %get3A_523 = arith.constant 112 : index
          %get3A_524 = tpu.vector_load %arg10[%get3A_522, %get3A_523] {strides = array<i32>} : memref<80x128xf32, #tpu.memory_space<vmem>>, vector<16xf32>,
          %mul3A_525 = arith.mulf %get3A_524, %gather3A_468 : vector<16xf32>
          %swap3A_526 = arith.index_cast %add3A_472 : i32 to index
          %swap3A_527 = arith.constant 112 : index
          %swap3A_528 = tpu.vector_load %arg10[%swap3A_526, %swap3A_527] {strides = array<i32>} : memref<80x128xf32, #tpu.memory_space<vmem>>, vector<16xf32>,
          tpu.vector_store %arg10[%swap3A_526, %swap3A_527], %mul3A_525 {strides = array<i32>} : memref<80x128xf32, #tpu.memory_space<vmem>>, vector<16xf32>,
          %broadcast_in_dim3A_529 = arith.constant 5 : i32
          %broadcast_in_dim3A_530 = vector.broadcast %broadcast_in_dim3A_529 : i32 to vector<16xi32>
          %broadcast_in_dim3A_531 = vector.shape_cast %broadcast_in_dim3A_530 : vector<16xi32> to vector<16x1xi32>
          %gather3A_532 = vector.shape_cast %broadcast_in_dim3A_531 : vector<16x1xi32> to vector<16xi32>
          %gather3A_533 = tpu.dynamic_gather %get3A_201[%gather3A_532] in [0] : vector<16xf32>, vector<16xi32> -> vector<16xf32>
          %mul3A_534 = arith.constant 16 : i32
          %mul3A_535 = arith.muli %add3A_195, %mul3A_534 : i32
          %add3A_536 = arith.constant 5 : i32
          %add3A_537 = arith.addi %mul3A_535, %add3A_536 : i32
          %get3A_538 = arith.index_cast %add3A_537 : i32 to index
          %get3A_539 = arith.constant 0 : index
          %get3A_540 = tpu.vector_load %arg10[%get3A_538, %get3A_539] {strides = array<i32>} : memref<80x128xf32, #tpu.memory_space<vmem>>, vector<16xf32>,
          %mul3A_541 = arith.mulf %get3A_540, %gather3A_533 : vector<16xf32>
          %swap3A_542 = arith.index_cast %add3A_537 : i32 to index
          %swap3A_543 = arith.constant 0 : index
          %swap3A_544 = tpu.vector_load %arg10[%swap3A_542, %swap3A_543] {strides = array<i32>} : memref<80x128xf32, #tpu.memory_space<vmem>>, vector<16xf32>,
          tpu.vector_store %arg10[%swap3A_542, %swap3A_543], %mul3A_541 {strides = array<i32>} : memref<80x128xf32, #tpu.memory_space<vmem>>, vector<16xf32>,
          %get3A_545 = arith.index_cast %add3A_537 : i32 to index
          %get3A_546 = arith.constant 16 : index
          %get3A_547 = tpu.vector_load %arg10[%get3A_545, %get3A_546] {strides = array<i32>} : memref<80x128xf32, #tpu.memory_space<vmem>>, vector<16xf32>,
          %mul3A_548 = arith.mulf %get3A_547, %gather3A_533 : vector<16xf32>
          %swap3A_549 = arith.index_cast %add3A_537 : i32 to index
          %swap3A_550 = arith.constant 16 : index
          %swap3A_551 = tpu.vector_load %arg10[%swap3A_549, %swap3A_550] {strides = array<i32>} : memref<80x128xf32, #tpu.memory_space<vmem>>, vector<16xf32>,
          tpu.vector_store %arg10[%swap3A_549, %swap3A_550], %mul3A_548 {strides = array<i32>} : memref<80x128xf32, #tpu.memory_space<vmem>>, vector<16xf32>,
          %get3A_552 = arith.index_cast %add3A_537 : i32 to index
          %get3A_553 = arith.constant 32 : index
          %get3A_554 = tpu.vector_load %arg10[%get3A_552, %get3A_553] {strides = array<i32>} : memref<80x128xf32, #tpu.memory_space<vmem>>, vector<16xf32>,
          %mul3A_555 = arith.mulf %get3A_554, %gather3A_533 : vector<16xf32>
          %swap3A_556 = arith.index_cast %add3A_537 : i32 to index
          %swap3A_557 = arith.constant 32 : index
          %swap3A_558 = tpu.vector_load %arg10[%swap3A_556, %swap3A_557] {strides = array<i32>} : memref<80x128xf32, #tpu.memory_space<vmem>>, vector<16xf32>,
          tpu.vector_store %arg10[%swap3A_556, %swap3A_557], %mul3A_555 {strides = array<i32>} : memref<80x128xf32, #tpu.memory_space<vmem>>, vector<16xf32>,
          %get3A_559 = arith.index_cast %add3A_537 : i32 to index
          %get3A_560 = arith.constant 48 : index
          %get3A_561 = tpu.vector_load %arg10[%get3A_559, %get3A_560] {strides = array<i32>} : memref<80x128xf32, #tpu.memory_space<vmem>>, vector<16xf32>,
          %mul3A_562 = arith.mulf %get3A_561, %gather3A_533 : vector<16xf32>
          %swap3A_563 = arith.index_cast %add3A_537 : i32 to index
          %swap3A_564 = arith.constant 48 : index
          %swap3A_565 = tpu.vector_load %arg10[%swap3A_563, %swap3A_564] {strides = array<i32>} : memref<80x128xf32, #tpu.memory_space<vmem>>, vector<16xf32>,
          tpu.vector_store %arg10[%swap3A_563, %swap3A_564], %mul3A_562 {strides = array<i32>} : memref<80x128xf32, #tpu.memory_space<vmem>>, vector<16xf32>,
          %get3A_566 = arith.index_cast %add3A_537 : i32 to index
          %get3A_567 = arith.constant 64 : index
          %get3A_568 = tpu.vector_load %arg10[%get3A_566, %get3A_567] {strides = array<i32>} : memref<80x128xf32, #tpu.memory_space<vmem>>, vector<16xf32>,
          %mul3A_569 = arith.mulf %get3A_568, %gather3A_533 : vector<16xf32>
          %swap3A_570 = arith.index_cast %add3A_537 : i32 to index
          %swap3A_571 = arith.constant 64 : index
          %swap3A_572 = tpu.vector_load %arg10[%swap3A_570, %swap3A_571] {strides = array<i32>} : memref<80x128xf32, #tpu.memory_space<vmem>>, vector<16xf32>,
          tpu.vector_store %arg10[%swap3A_570, %swap3A_571], %mul3A_569 {strides = array<i32>} : memref<80x128xf32, #tpu.memory_space<vmem>>, vector<16xf32>,
          %get3A_573 = arith.index_cast %add3A_537 : i32 to index
          %get3A_574 = arith.constant 80 : index
          %get3A_575 = tpu.vector_load %arg10[%get3A_573, %get3A_574] {strides = array<i32>} : memref<80x128xf32, #tpu.memory_space<vmem>>, vector<16xf32>,
          %mul3A_576 = arith.mulf %get3A_575, %gather3A_533 : vector<16xf32>
          %swap3A_577 = arith.index_cast %add3A_537 : i32 to index
          %swap3A_578 = arith.constant 80 : index
          %swap3A_579 = tpu.vector_load %arg10[%swap3A_577, %swap3A_578] {strides = array<i32>} : memref<80x128xf32, #tpu.memory_space<vmem>>, vector<16xf32>,
          tpu.vector_store %arg10[%swap3A_577, %swap3A_578], %mul3A_576 {strides = array<i32>} : memref<80x128xf32, #tpu.memory_space<vmem>>, vector<16xf32>,
          %get3A_580 = arith.index_cast %add3A_537 : i32 to index
          %get3A_581 = arith.constant 96 : index
          %get3A_582 = tpu.vector_load %arg10[%get3A_580, %get3A_581] {strides = array<i32>} : memref<80x128xf32, #tpu.memory_space<vmem>>, vector<16xf32>,
          %mul3A_583 = arith.mulf %get3A_582, %gather3A_533 : vector<16xf32>
          %swap3A_584 = arith.index_cast %add3A_537 : i32 to index
          %swap3A_585 = arith.constant 96 : index
          %swap3A_586 = tpu.vector_load %arg10[%swap3A_584, %swap3A_585] {strides = array<i32>} : memref<80x128xf32, #tpu.memory_space<vmem>>, vector<16xf32>,
          tpu.vector_store %arg10[%swap3A_584, %swap3A_585], %mul3A_583 {strides = array<i32>} : memref<80x128xf32, #tpu.memory_space<vmem>>, vector<16xf32>,
          %get3A_587 = arith.index_cast %add3A_537 : i32 to index
          %get3A_588 = arith.constant 112 : index
          %get3A_589 = tpu.vector_load %arg10[%get3A_587, %get3A_588] {strides = array<i32>} : memref<80x128xf32, #tpu.memory_space<vmem>>, vector<16xf32>,
          %mul3A_590 = arith.mulf %get3A_589, %gather3A_533 : vector<16xf32>
          %swap3A_591 = arith.index_cast %add3A_537 : i32 to index
          %swap3A_592 = arith.constant 112 : index
          %swap3A_593 = tpu.vector_load %arg10[%swap3A_591, %swap3A_592] {strides = array<i32>} : memref<80x128xf32, #tpu.memory_space<vmem>>, vector<16xf32>,
          tpu.vector_store %arg10[%swap3A_591, %swap3A_592], %mul3A_590 {strides = array<i32>} : memref<80x128xf32, #tpu.memory_space<vmem>>, vector<16xf32>,
          %broadcast_in_dim3A_594 = arith.constant 6 : i32
          %broadcast_in_dim3A_595 = vector.broadcast %broadcast_in_dim3A_594 : i32 to vector<16xi32>
          %broadcast_in_dim3A_596 = vector.shape_cast %broadcast_in_dim3A_595 : vector<16xi32> to vector<16x1xi32>
          %gather3A_597 = vector.shape_cast %broadcast_in_dim3A_596 : vector<16x1xi32> to vector<16xi32>
          %gather3A_598 = tpu.dynamic_gather %get3A_201[%gather3A_597] in [0] : vector<16xf32>, vector<16xi32> -> vector<16xf32>
          %mul3A_599 = arith.constant 16 : i32
          %mul3A_600 = arith.muli %add3A_195, %mul3A_599 : i32
          %add3A_601 = arith.constant 6 : i32
          %add3A_602 = arith.addi %mul3A_600, %add3A_601 : i32
          %get3A_603 = arith.index_cast %add3A_602 : i32 to index
          %get3A_604 = arith.constant 0 : index
          %get3A_605 = tpu.vector_load %arg10[%get3A_603, %get3A_604] {strides = array<i32>} : memref<80x128xf32, #tpu.memory_space<vmem>>, vector<16xf32>,
          %mul3A_606 = arith.mulf %get3A_605, %gather3A_598 : vector<16xf32>
          %swap3A_607 = arith.index_cast %add3A_602 : i32 to index
          %swap3A_608 = arith.constant 0 : index
          %swap3A_609 = tpu.vector_load %arg10[%swap3A_607, %swap3A_608] {strides = array<i32>} : memref<80x128xf32, #tpu.memory_space<vmem>>, vector<16xf32>,
          tpu.vector_store %arg10[%swap3A_607, %swap3A_608], %mul3A_606 {strides = array<i32>} : memref<80x128xf32, #tpu.memory_space<vmem>>, vector<16xf32>,
          %get3A_610 = arith.index_cast %add3A_602 : i32 to index
          %get3A_611 = arith.constant 16 : index
          %get3A_612 = tpu.vector_load %arg10[%get3A_610, %get3A_611] {strides = array<i32>} : memref<80x128xf32, #tpu.memory_space<vmem>>, vector<16xf32>,
          %mul3A_613 = arith.mulf %get3A_612, %gather3A_598 : vector<16xf32>
          %swap3A_614 = arith.index_cast %add3A_602 : i32 to index
          %swap3A_615 = arith.constant 16 : index
          %swap3A_616 = tpu.vector_load %arg10[%swap3A_614, %swap3A_615] {strides = array<i32>} : memref<80x128xf32, #tpu.memory_space<vmem>>, vector<16xf32>,
          tpu.vector_store %arg10[%swap3A_614, %swap3A_615], %mul3A_613 {strides = array<i32>} : memref<80x128xf32, #tpu.memory_space<vmem>>, vector<16xf32>,
          %get3A_617 = arith.index_cast %add3A_602 : i32 to index
          %get3A_618 = arith.constant 32 : index
          %get3A_619 = tpu.vector_load %arg10[%get3A_617, %get3A_618] {strides = array<i32>} : memref<80x128xf32, #tpu.memory_space<vmem>>, vector<16xf32>,
          %mul3A_620 = arith.mulf %get3A_619, %gather3A_598 : vector<16xf32>
          %swap3A_621 = arith.index_cast %add3A_602 : i32 to index
          %swap3A_622 = arith.constant 32 : index
          %swap3A_623 = tpu.vector_load %arg10[%swap3A_621, %swap3A_622] {strides = array<i32>} : memref<80x128xf32, #tpu.memory_space<vmem>>, vector<16xf32>,
          tpu.vector_store %arg10[%swap3A_621, %swap3A_622], %mul3A_620 {strides = array<i32>} : memref<80x128xf32, #tpu.memory_space<vmem>>, vector<16xf32>,
          %get3A_624 = arith.index_cast %add3A_602 : i32 to index
          %get3A_625 = arith.constant 48 : index
          %get3A_626 = tpu.vector_load %arg10[%get3A_624, %get3A_625] {strides = array<i32>} : memref<80x128xf32, #tpu.memory_space<vmem>>, vector<16xf32>,
          %mul3A_627 = arith.mulf %get3A_626, %gather3A_598 : vector<16xf32>
          %swap3A_628 = arith.index_cast %add3A_602 : i32 to index
          %swap3A_629 = arith.constant 48 : index
          %swap3A_630 = tpu.vector_load %arg10[%swap3A_628, %swap3A_629] {strides = array<i32>} : memref<80x128xf32, #tpu.memory_space<vmem>>, vector<16xf32>,
          tpu.vector_store %arg10[%swap3A_628, %swap3A_629], %mul3A_627 {strides = array<i32>} : memref<80x128xf32, #tpu.memory_space<vmem>>, vector<16xf32>,
          %get3A_631 = arith.index_cast %add3A_602 : i32 to index
          %get3A_632 = arith.constant 64 : index
          %get3A_633 = tpu.vector_load %arg10[%get3A_631, %get3A_632] {strides = array<i32>} : memref<80x128xf32, #tpu.memory_space<vmem>>, vector<16xf32>,
          %mul3A_634 = arith.mulf %get3A_633, %gather3A_598 : vector<16xf32>
          %swap3A_635 = arith.index_cast %add3A_602 : i32 to index
          %swap3A_636 = arith.constant 64 : index
          %swap3A_637 = tpu.vector_load %arg10[%swap3A_635, %swap3A_636] {strides = array<i32>} : memref<80x128xf32, #tpu.memory_space<vmem>>, vector<16xf32>,
          tpu.vector_store %arg10[%swap3A_635, %swap3A_636], %mul3A_634 {strides = array<i32>} : memref<80x128xf32, #tpu.memory_space<vmem>>, vector<16xf32>,
          %get3A_638 = arith.index_cast %add3A_602 : i32 to index
          %get3A_639 = arith.constant 80 : index
          %get3A_640 = tpu.vector_load %arg10[%get3A_638, %get3A_639] {strides = array<i32>} : memref<80x128xf32, #tpu.memory_space<vmem>>, vector<16xf32>,
          %mul3A_641 = arith.mulf %get3A_640, %gather3A_598 : vector<16xf32>
          %swap3A_642 = arith.index_cast %add3A_602 : i32 to index
          %swap3A_643 = arith.constant 80 : index
          %swap3A_644 = tpu.vector_load %arg10[%swap3A_642, %swap3A_643] {strides = array<i32>} : memref<80x128xf32, #tpu.memory_space<vmem>>, vector<16xf32>,
          tpu.vector_store %arg10[%swap3A_642, %swap3A_643], %mul3A_641 {strides = array<i32>} : memref<80x128xf32, #tpu.memory_space<vmem>>, vector<16xf32>,
          %get3A_645 = arith.index_cast %add3A_602 : i32 to index
          %get3A_646 = arith.constant 96 : index
          %get3A_647 = tpu.vector_load %arg10[%get3A_645, %get3A_646] {strides = array<i32>} : memref<80x128xf32, #tpu.memory_space<vmem>>, vector<16xf32>,
          %mul3A_648 = arith.mulf %get3A_647, %gather3A_598 : vector<16xf32>
          %swap3A_649 = arith.index_cast %add3A_602 : i32 to index
          %swap3A_650 = arith.constant 96 : index
          %swap3A_651 = tpu.vector_load %arg10[%swap3A_649, %swap3A_650] {strides = array<i32>} : memref<80x128xf32, #tpu.memory_space<vmem>>, vector<16xf32>,
          tpu.vector_store %arg10[%swap3A_649, %swap3A_650], %mul3A_648 {strides = array<i32>} : memref<80x128xf32, #tpu.memory_space<vmem>>, vector<16xf32>,
          %get3A_652 = arith.index_cast %add3A_602 : i32 to index
          %get3A_653 = arith.constant 112 : index
          %get3A_654 = tpu.vector_load %arg10[%get3A_652, %get3A_653] {strides = array<i32>} : memref<80x128xf32, #tpu.memory_space<vmem>>, vector<16xf32>,
          %mul3A_655 = arith.mulf %get3A_654, %gather3A_598 : vector<16xf32>
          %swap3A_656 = arith.index_cast %add3A_602 : i32 to index
          %swap3A_657 = arith.constant 112 : index
          %swap3A_658 = tpu.vector_load %arg10[%swap3A_656, %swap3A_657] {strides = array<i32>} : memref<80x128xf32, #tpu.memory_space<vmem>>, vector<16xf32>,
          tpu.vector_store %arg10[%swap3A_656, %swap3A_657], %mul3A_655 {strides = array<i32>} : memref<80x128xf32, #tpu.memory_space<vmem>>, vector<16xf32>,
          %broadcast_in_dim3A_659 = arith.constant 7 : i32
          %broadcast_in_dim3A_660 = vector.broadcast %broadcast_in_dim3A_659 : i32 to vector<16xi32>
          %broadcast_in_dim3A_661 = vector.shape_cast %broadcast_in_dim3A_660 : vector<16xi32> to vector<16x1xi32>
          %gather3A_662 = vector.shape_cast %broadcast_in_dim3A_661 : vector<16x1xi32> to vector<16xi32>
          %gather3A_663 = tpu.dynamic_gather %get3A_201[%gather3A_662] in [0] : vector<16xf32>, vector<16xi32> -> vector<16xf32>
          %mul3A_664 = arith.constant 16 : i32
          %mul3A_665 = arith.muli %add3A_195, %mul3A_664 : i32
          %add3A_666 = arith.constant 7 : i32
          %add3A_667 = arith.addi %mul3A_665, %add3A_666 : i32
          %get3A_668 = arith.index_cast %add3A_667 : i32 to index
          %get3A_669 = arith.constant 0 : index
          %get3A_670 = tpu.vector_load %arg10[%get3A_668, %get3A_669] {strides = array<i32>} : memref<80x128xf32, #tpu.memory_space<vmem>>, vector<16xf32>,
          %mul3A_671 = arith.mulf %get3A_670, %gather3A_663 : vector<16xf32>
          %swap3A_672 = arith.index_cast %add3A_667 : i32 to index
          %swap3A_673 = arith.constant 0 : index
          %swap3A_674 = tpu.vector_load %arg10[%swap3A_672, %swap3A_673] {strides = array<i32>} : memref<80x128xf32, #tpu.memory_space<vmem>>, vector<16xf32>,
          tpu.vector_store %arg10[%swap3A_672, %swap3A_673], %mul3A_671 {strides = array<i32>} : memref<80x128xf32, #tpu.memory_space<vmem>>, vector<16xf32>,
          %get3A_675 = arith.index_cast %add3A_667 : i32 to index
          %get3A_676 = arith.constant 16 : index
          %get3A_677 = tpu.vector_load %arg10[%get3A_675, %get3A_676] {strides = array<i32>} : memref<80x128xf32, #tpu.memory_space<vmem>>, vector<16xf32>,
          %mul3A_678 = arith.mulf %get3A_677, %gather3A_663 : vector<16xf32>
          %swap3A_679 = arith.index_cast %add3A_667 : i32 to index
          %swap3A_680 = arith.constant 16 : index
          %swap3A_681 = tpu.vector_load %arg10[%swap3A_679, %swap3A_680] {strides = array<i32>} : memref<80x128xf32, #tpu.memory_space<vmem>>, vector<16xf32>,
          tpu.vector_store %arg10[%swap3A_679, %swap3A_680], %mul3A_678 {strides = array<i32>} : memref<80x128xf32, #tpu.memory_space<vmem>>, vector<16xf32>,
          %get3A_682 = arith.index_cast %add3A_667 : i32 to index
          %get3A_683 = arith.constant 32 : index
          %get3A_684 = tpu.vector_load %arg10[%get3A_682, %get3A_683] {strides = array<i32>} : memref<80x128xf32, #tpu.memory_space<vmem>>, vector<16xf32>,
          %mul3A_685 = arith.mulf %get3A_684, %gather3A_663 : vector<16xf32>
          %swap3A_686 = arith.index_cast %add3A_667 : i32 to index
          %swap3A_687 = arith.constant 32 : index
          %swap3A_688 = tpu.vector_load %arg10[%swap3A_686, %swap3A_687] {strides = array<i32>} : memref<80x128xf32, #tpu.memory_space<vmem>>, vector<16xf32>,
          tpu.vector_store %arg10[%swap3A_686, %swap3A_687], %mul3A_685 {strides = array<i32>} : memref<80x128xf32, #tpu.memory_space<vmem>>, vector<16xf32>,
          %get3A_689 = arith.index_cast %add3A_667 : i32 to index
          %get3A_690 = arith.constant 48 : index
          %get3A_691 = tpu.vector_load %arg10[%get3A_689, %get3A_690] {strides = array<i32>} : memref<80x128xf32, #tpu.memory_space<vmem>>, vector<16xf32>,
          %mul3A_692 = arith.mulf %get3A_691, %gather3A_663 : vector<16xf32>
          %swap3A_693 = arith.index_cast %add3A_667 : i32 to index
          %swap3A_694 = arith.constant 48 : index
          %swap3A_695 = tpu.vector_load %arg10[%swap3A_693, %swap3A_694] {strides = array<i32>} : memref<80x128xf32, #tpu.memory_space<vmem>>, vector<16xf32>,
          tpu.vector_store %arg10[%swap3A_693, %swap3A_694], %mul3A_692 {strides = array<i32>} : memref<80x128xf32, #tpu.memory_space<vmem>>, vector<16xf32>,
          %get3A_696 = arith.index_cast %add3A_667 : i32 to index
          %get3A_697 = arith.constant 64 : index
          %get3A_698 = tpu.vector_load %arg10[%get3A_696, %get3A_697] {strides = array<i32>} : memref<80x128xf32, #tpu.memory_space<vmem>>, vector<16xf32>,
          %mul3A_699 = arith.mulf %get3A_698, %gather3A_663 : vector<16xf32>
          %swap3A_700 = arith.index_cast %add3A_667 : i32 to index
          %swap3A_701 = arith.constant 64 : index
          %swap3A_702 = tpu.vector_load %arg10[%swap3A_700, %swap3A_701] {strides = array<i32>} : memref<80x128xf32, #tpu.memory_space<vmem>>, vector<16xf32>,
          tpu.vector_store %arg10[%swap3A_700, %swap3A_701], %mul3A_699 {strides = array<i32>} : memref<80x128xf32, #tpu.memory_space<vmem>>, vector<16xf32>,
          %get3A_703 = arith.index_cast %add3A_667 : i32 to index
          %get3A_704 = arith.constant 80 : index
          %get3A_705 = tpu.vector_load %arg10[%get3A_703, %get3A_704] {strides = array<i32>} : memref<80x128xf32, #tpu.memory_space<vmem>>, vector<16xf32>,
          %mul3A_706 = arith.mulf %get3A_705, %gather3A_663 : vector<16xf32>
          %swap3A_707 = arith.index_cast %add3A_667 : i32 to index
          %swap3A_708 = arith.constant 80 : index
          %swap3A_709 = tpu.vector_load %arg10[%swap3A_707, %swap3A_708] {strides = array<i32>} : memref<80x128xf32, #tpu.memory_space<vmem>>, vector<16xf32>,
          tpu.vector_store %arg10[%swap3A_707, %swap3A_708], %mul3A_706 {strides = array<i32>} : memref<80x128xf32, #tpu.memory_space<vmem>>, vector<16xf32>,
          %get3A_710 = arith.index_cast %add3A_667 : i32 to index
          %get3A_711 = arith.constant 96 : index
          %get3A_712 = tpu.vector_load %arg10[%get3A_710, %get3A_711] {strides = array<i32>} : memref<80x128xf32, #tpu.memory_space<vmem>>, vector<16xf32>,
          %mul3A_713 = arith.mulf %get3A_712, %gather3A_663 : vector<16xf32>
          %swap3A_714 = arith.index_cast %add3A_667 : i32 to index
          %swap3A_715 = arith.constant 96 : index
          %swap3A_716 = tpu.vector_load %arg10[%swap3A_714, %swap3A_715] {strides = array<i32>} : memref<80x128xf32, #tpu.memory_space<vmem>>, vector<16xf32>,
          tpu.vector_store %arg10[%swap3A_714, %swap3A_715], %mul3A_713 {strides = array<i32>} : memref<80x128xf32, #tpu.memory_space<vmem>>, vector<16xf32>,
          %get3A_717 = arith.index_cast %add3A_667 : i32 to index
          %get3A_718 = arith.constant 112 : index
          %get3A_719 = tpu.vector_load %arg10[%get3A_717, %get3A_718] {strides = array<i32>} : memref<80x128xf32, #tpu.memory_space<vmem>>, vector<16xf32>,
          %mul3A_720 = arith.mulf %get3A_719, %gather3A_663 : vector<16xf32>
          %swap3A_721 = arith.index_cast %add3A_667 : i32 to index
          %swap3A_722 = arith.constant 112 : index
          %swap3A_723 = tpu.vector_load %arg10[%swap3A_721, %swap3A_722] {strides = array<i32>} : memref<80x128xf32, #tpu.memory_space<vmem>>, vector<16xf32>,
          tpu.vector_store %arg10[%swap3A_721, %swap3A_722], %mul3A_720 {strides = array<i32>} : memref<80x128xf32, #tpu.memory_space<vmem>>, vector<16xf32>,
          %broadcast_in_dim3A_724 = arith.constant 8 : i32
          %broadcast_in_dim3A_725 = vector.broadcast %broadcast_in_dim3A_724 : i32 to vector<16xi32>
          %broadcast_in_dim3A_726 = vector.shape_cast %broadcast_in_dim3A_725 : vector<16xi32> to vector<16x1xi32>
          %gather3A_727 = vector.shape_cast %broadcast_in_dim3A_726 : vector<16x1xi32> to vector<16xi32>
          %gather3A_728 = tpu.dynamic_gather %get3A_201[%gather3A_727] in [0] : vector<16xf32>, vector<16xi32> -> vector<16xf32>
          %mul3A_729 = arith.constant 16 : i32
          %mul3A_730 = arith.muli %add3A_195, %mul3A_729 : i32
          %add3A_731 = arith.constant 8 : i32
          %add3A_732 = arith.addi %mul3A_730, %add3A_731 : i32
          %get3A_733 = arith.index_cast %add3A_732 : i32 to index
          %get3A_734 = arith.constant 0 : index
          %get3A_735 = tpu.vector_load %arg10[%get3A_733, %get3A_734] {strides = array<i32>} : memref<80x128xf32, #tpu.memory_space<vmem>>, vector<16xf32>,
          %mul3A_736 = arith.mulf %get3A_735, %gather3A_728 : vector<16xf32>
          %swap3A_737 = arith.index_cast %add3A_732 : i32 to index
          %swap3A_738 = arith.constant 0 : index
          %swap3A_739 = tpu.vector_load %arg10[%swap3A_737, %swap3A_738] {strides = array<i32>} : memref<80x128xf32, #tpu.memory_space<vmem>>, vector<16xf32>,
          tpu.vector_store %arg10[%swap3A_737, %swap3A_738], %mul3A_736 {strides = array<i32>} : memref<80x128xf32, #tpu.memory_space<vmem>>, vector<16xf32>,
          %get3A_740 = arith.index_cast %add3A_732 : i32 to index
          %get3A_741 = arith.constant 16 : index
          %get3A_742 = tpu.vector_load %arg10[%get3A_740, %get3A_741] {strides = array<i32>} : memref<80x128xf32, #tpu.memory_space<vmem>>, vector<16xf32>,
          %mul3A_743 = arith.mulf %get3A_742, %gather3A_728 : vector<16xf32>
          %swap3A_744 = arith.index_cast %add3A_732 : i32 to index
          %swap3A_745 = arith.constant 16 : index
          %swap3A_746 = tpu.vector_load %arg10[%swap3A_744, %swap3A_745] {strides = array<i32>} : memref<80x128xf32, #tpu.memory_space<vmem>>, vector<16xf32>,
          tpu.vector_store %arg10[%swap3A_744, %swap3A_745], %mul3A_743 {strides = array<i32>} : memref<80x128xf32, #tpu.memory_space<vmem>>, vector<16xf32>,
          %get3A_747 = arith.index_cast %add3A_732 : i32 to index
          %get3A_748 = arith.constant 32 : index
          %get3A_749 = tpu.vector_load %arg10[%get3A_747, %get3A_748] {strides = array<i32>} : memref<80x128xf32, #tpu.memory_space<vmem>>, vector<16xf32>,
          %mul3A_750 = arith.mulf %get3A_749, %gather3A_728 : vector<16xf32>
          %swap3A_751 = arith.index_cast %add3A_732 : i32 to index
          %swap3A_752 = arith.constant 32 : index
          %swap3A_753 = tpu.vector_load %arg10[%swap3A_751, %swap3A_752] {strides = array<i32>} : memref<80x128xf32, #tpu.memory_space<vmem>>, vector<16xf32>,
          tpu.vector_store %arg10[%swap3A_751, %swap3A_752], %mul3A_750 {strides = array<i32>} : memref<80x128xf32, #tpu.memory_space<vmem>>, vector<16xf32>,
          %get3A_754 = arith.index_cast %add3A_732 : i32 to index
          %get3A_755 = arith.constant 48 : index
          %get3A_756 = tpu.vector_load %arg10[%get3A_754, %get3A_755] {strides = array<i32>} : memref<80x128xf32, #tpu.memory_space<vmem>>, vector<16xf32>,
          %mul3A_757 = arith.mulf %get3A_756, %gather3A_728 : vector<16xf32>
          %swap3A_758 = arith.index_cast %add3A_732 : i32 to index
          %swap3A_759 = arith.constant 48 : index
          %swap3A_760 = tpu.vector_load %arg10[%swap3A_758, %swap3A_759] {strides = array<i32>} : memref<80x128xf32, #tpu.memory_space<vmem>>, vector<16xf32>,
          tpu.vector_store %arg10[%swap3A_758, %swap3A_759], %mul3A_757 {strides = array<i32>} : memref<80x128xf32, #tpu.memory_space<vmem>>, vector<16xf32>,
          %get3A_761 = arith.index_cast %add3A_732 : i32 to index
          %get3A_762 = arith.constant 64 : index
          %get3A_763 = tpu.vector_load %arg10[%get3A_761, %get3A_762] {strides = array<i32>} : memref<80x128xf32, #tpu.memory_space<vmem>>, vector<16xf32>,
          %mul3A_764 = arith.mulf %get3A_763, %gather3A_728 : vector<16xf32>
          %swap3A_765 = arith.index_cast %add3A_732 : i32 to index
          %swap3A_766 = arith.constant 64 : index
          %swap3A_767 = tpu.vector_load %arg10[%swap3A_765, %swap3A_766] {strides = array<i32>} : memref<80x128xf32, #tpu.memory_space<vmem>>, vector<16xf32>,
          tpu.vector_store %arg10[%swap3A_765, %swap3A_766], %mul3A_764 {strides = array<i32>} : memref<80x128xf32, #tpu.memory_space<vmem>>, vector<16xf32>,
          %get3A_768 = arith.index_cast %add3A_732 : i32 to index
          %get3A_769 = arith.constant 80 : index
          %get3A_770 = tpu.vector_load %arg10[%get3A_768, %get3A_769] {strides = array<i32>} : memref<80x128xf32, #tpu.memory_space<vmem>>, vector<16xf32>,
          %mul3A_771 = arith.mulf %get3A_770, %gather3A_728 : vector<16xf32>
          %swap3A_772 = arith.index_cast %add3A_732 : i32 to index
          %swap3A_773 = arith.constant 80 : index
          %swap3A_774 = tpu.vector_load %arg10[%swap3A_772, %swap3A_773] {strides = array<i32>} : memref<80x128xf32, #tpu.memory_space<vmem>>, vector<16xf32>,
          tpu.vector_store %arg10[%swap3A_772, %swap3A_773], %mul3A_771 {strides = array<i32>} : memref<80x128xf32, #tpu.memory_space<vmem>>, vector<16xf32>,
          %get3A_775 = arith.index_cast %add3A_732 : i32 to index
          %get3A_776 = arith.constant 96 : index
          %get3A_777 = tpu.vector_load %arg10[%get3A_775, %get3A_776] {strides = array<i32>} : memref<80x128xf32, #tpu.memory_space<vmem>>, vector<16xf32>,
          %mul3A_778 = arith.mulf %get3A_777, %gather3A_728 : vector<16xf32>
          %swap3A_779 = arith.index_cast %add3A_732 : i32 to index
          %swap3A_780 = arith.constant 96 : index
          %swap3A_781 = tpu.vector_load %arg10[%swap3A_779, %swap3A_780] {strides = array<i32>} : memref<80x128xf32, #tpu.memory_space<vmem>>, vector<16xf32>,
          tpu.vector_store %arg10[%swap3A_779, %swap3A_780], %mul3A_778 {strides = array<i32>} : memref<80x128xf32, #tpu.memory_space<vmem>>, vector<16xf32>,
          %get3A_782 = arith.index_cast %add3A_732 : i32 to index
          %get3A_783 = arith.constant 112 : index
          %get3A_784 = tpu.vector_load %arg10[%get3A_782, %get3A_783] {strides = array<i32>} : memref<80x128xf32, #tpu.memory_space<vmem>>, vector<16xf32>,
          %mul3A_785 = arith.mulf %get3A_784, %gather3A_728 : vector<16xf32>
          %swap3A_786 = arith.index_cast %add3A_732 : i32 to index
          %swap3A_787 = arith.constant 112 : index
          %swap3A_788 = tpu.vector_load %arg10[%swap3A_786, %swap3A_787] {strides = array<i32>} : memref<80x128xf32, #tpu.memory_space<vmem>>, vector<16xf32>,
          tpu.vector_store %arg10[%swap3A_786, %swap3A_787], %mul3A_785 {strides = array<i32>} : memref<80x128xf32, #tpu.memory_space<vmem>>, vector<16xf32>,
          %broadcast_in_dim3A_789 = arith.constant 9 : i32
          %broadcast_in_dim3A_790 = vector.broadcast %broadcast_in_dim3A_789 : i32 to vector<16xi32>
          %broadcast_in_dim3A_791 = vector.shape_cast %broadcast_in_dim3A_790 : vector<16xi32> to vector<16x1xi32>
          %gather3A_792 = vector.shape_cast %broadcast_in_dim3A_791 : vector<16x1xi32> to vector<16xi32>
          %gather3A_793 = tpu.dynamic_gather %get3A_201[%gather3A_792] in [0] : vector<16xf32>, vector<16xi32> -> vector<16xf32>
          %mul3A_794 = arith.constant 16 : i32
          %mul3A_795 = arith.muli %add3A_195, %mul3A_794 : i32
          %add3A_796 = arith.constant 9 : i32
          %add3A_797 = arith.addi %mul3A_795, %add3A_796 : i32
          %get3A_798 = arith.index_cast %add3A_797 : i32 to index
          %get3A_799 = arith.constant 0 : index
          %get3A_800 = tpu.vector_load %arg10[%get3A_798, %get3A_799] {strides = array<i32>} : memref<80x128xf32, #tpu.memory_space<vmem>>, vector<16xf32>,
          %mul3A_801 = arith.mulf %get3A_800, %gather3A_793 : vector<16xf32>
          %swap3A_802 = arith.index_cast %add3A_797 : i32 to index
          %swap3A_803 = arith.constant 0 : index
          %swap3A_804 = tpu.vector_load %arg10[%swap3A_802, %swap3A_803] {strides = array<i32>} : memref<80x128xf32, #tpu.memory_space<vmem>>, vector<16xf32>,
          tpu.vector_store %arg10[%swap3A_802, %swap3A_803], %mul3A_801 {strides = array<i32>} : memref<80x128xf32, #tpu.memory_space<vmem>>, vector<16xf32>,
          %get3A_805 = arith.index_cast %add3A_797 : i32 to index
          %get3A_806 = arith.constant 16 : index
          %get3A_807 = tpu.vector_load %arg10[%get3A_805, %get3A_806] {strides = array<i32>} : memref<80x128xf32, #tpu.memory_space<vmem>>, vector<16xf32>,
          %mul3A_808 = arith.mulf %get3A_807, %gather3A_793 : vector<16xf32>
          %swap3A_809 = arith.index_cast %add3A_797 : i32 to index
          %swap3A_810 = arith.constant 16 : index
          %swap3A_811 = tpu.vector_load %arg10[%swap3A_809, %swap3A_810] {strides = array<i32>} : memref<80x128xf32, #tpu.memory_space<vmem>>, vector<16xf32>,
          tpu.vector_store %arg10[%swap3A_809, %swap3A_810], %mul3A_808 {strides = array<i32>} : memref<80x128xf32, #tpu.memory_space<vmem>>, vector<16xf32>,
          %get3A_812 = arith.index_cast %add3A_797 : i32 to index
          %get3A_813 = arith.constant 32 : index
          %get3A_814 = tpu.vector_load %arg10[%get3A_812, %get3A_813] {strides = array<i32>} : memref<80x128xf32, #tpu.memory_space<vmem>>, vector<16xf32>,
          %mul3A_815 = arith.mulf %get3A_814, %gather3A_793 : vector<16xf32>
          %swap3A_816 = arith.index_cast %add3A_797 : i32 to index
          %swap3A_817 = arith.constant 32 : index
          %swap3A_818 = tpu.vector_load %arg10[%swap3A_816, %swap3A_817] {strides = array<i32>} : memref<80x128xf32, #tpu.memory_space<vmem>>, vector<16xf32>,
          tpu.vector_store %arg10[%swap3A_816, %swap3A_817], %mul3A_815 {strides = array<i32>} : memref<80x128xf32, #tpu.memory_space<vmem>>, vector<16xf32>,
          %get3A_819 = arith.index_cast %add3A_797 : i32 to index
          %get3A_820 = arith.constant 48 : index
          %get3A_821 = tpu.vector_load %arg10[%get3A_819, %get3A_820] {strides = array<i32>} : memref<80x128xf32, #tpu.memory_space<vmem>>, vector<16xf32>,
          %mul3A_822 = arith.mulf %get3A_821, %gather3A_793 : vector<16xf32>
          %swap3A_823 = arith.index_cast %add3A_797 : i32 to index
          %swap3A_824 = arith.constant 48 : index
          %swap3A_825 = tpu.vector_load %arg10[%swap3A_823, %swap3A_824] {strides = array<i32>} : memref<80x128xf32, #tpu.memory_space<vmem>>, vector<16xf32>,
          tpu.vector_store %arg10[%swap3A_823, %swap3A_824], %mul3A_822 {strides = array<i32>} : memref<80x128xf32, #tpu.memory_space<vmem>>, vector<16xf32>,
          %get3A_826 = arith.index_cast %add3A_797 : i32 to index
          %get3A_827 = arith.constant 64 : index
          %get3A_828 = tpu.vector_load %arg10[%get3A_826, %get3A_827] {strides = array<i32>} : memref<80x128xf32, #tpu.memory_space<vmem>>, vector<16xf32>,
          %mul3A_829 = arith.mulf %get3A_828, %gather3A_793 : vector<16xf32>
          %swap3A_830 = arith.index_cast %add3A_797 : i32 to index
          %swap3A_831 = arith.constant 64 : index
          %swap3A_832 = tpu.vector_load %arg10[%swap3A_830, %swap3A_831] {strides = array<i32>} : memref<80x128xf32, #tpu.memory_space<vmem>>, vector<16xf32>,
          tpu.vector_store %arg10[%swap3A_830, %swap3A_831], %mul3A_829 {strides = array<i32>} : memref<80x128xf32, #tpu.memory_space<vmem>>, vector<16xf32>,
          %get3A_833 = arith.index_cast %add3A_797 : i32 to index
          %get3A_834 = arith.constant 80 : index
          %get3A_835 = tpu.vector_load %arg10[%get3A_833, %get3A_834] {strides = array<i32>} : memref<80x128xf32, #tpu.memory_space<vmem>>, vector<16xf32>,
          %mul3A_836 = arith.mulf %get3A_835, %gather3A_793 : vector<16xf32>
          %swap3A_837 = arith.index_cast %add3A_797 : i32 to index
          %swap3A_838 = arith.constant 80 : index
          %swap3A_839 = tpu.vector_load %arg10[%swap3A_837, %swap3A_838] {strides = array<i32>} : memref<80x128xf32, #tpu.memory_space<vmem>>, vector<16xf32>,
          tpu.vector_store %arg10[%swap3A_837, %swap3A_838], %mul3A_836 {strides = array<i32>} : memref<80x128xf32, #tpu.memory_space<vmem>>, vector<16xf32>,
          %get3A_840 = arith.index_cast %add3A_797 : i32 to index
          %get3A_841 = arith.constant 96 : index
          %get3A_842 = tpu.vector_load %arg10[%get3A_840, %get3A_841] {strides = array<i32>} : memref<80x128xf32, #tpu.memory_space<vmem>>, vector<16xf32>,
          %mul3A_843 = arith.mulf %get3A_842, %gather3A_793 : vector<16xf32>
          %swap3A_844 = arith.index_cast %add3A_797 : i32 to index
          %swap3A_845 = arith.constant 96 : index
          %swap3A_846 = tpu.vector_load %arg10[%swap3A_844, %swap3A_845] {strides = array<i32>} : memref<80x128xf32, #tpu.memory_space<vmem>>, vector<16xf32>,
          tpu.vector_store %arg10[%swap3A_844, %swap3A_845], %mul3A_843 {strides = array<i32>} : memref<80x128xf32, #tpu.memory_space<vmem>>, vector<16xf32>,
          %get3A_847 = arith.index_cast %add3A_797 : i32 to index
          %get3A_848 = arith.constant 112 : index
          %get3A_849 = tpu.vector_load %arg10[%get3A_847, %get3A_848] {strides = array<i32>} : memref<80x128xf32, #tpu.memory_space<vmem>>, vector<16xf32>,
          %mul3A_850 = arith.mulf %get3A_849, %gather3A_793 : vector<16xf32>
          %swap3A_851 = arith.index_cast %add3A_797 : i32 to index
          %swap3A_852 = arith.constant 112 : index
          %swap3A_853 = tpu.vector_load %arg10[%swap3A_851, %swap3A_852] {strides = array<i32>} : memref<80x128xf32, #tpu.memory_space<vmem>>, vector<16xf32>,
          tpu.vector_store %arg10[%swap3A_851, %swap3A_852], %mul3A_850 {strides = array<i32>} : memref<80x128xf32, #tpu.memory_space<vmem>>, vector<16xf32>,
          %broadcast_in_dim3A_854 = arith.constant 10 : i32
          %broadcast_in_dim3A_855 = vector.broadcast %broadcast_in_dim3A_854 : i32 to vector<16xi32>
          %broadcast_in_dim3A_856 = vector.shape_cast %broadcast_in_dim3A_855 : vector<16xi32> to vector<16x1xi32>
          %gather3A_857 = vector.shape_cast %broadcast_in_dim3A_856 : vector<16x1xi32> to vector<16xi32>
          %gather3A_858 = tpu.dynamic_gather %get3A_201[%gather3A_857] in [0] : vector<16xf32>, vector<16xi32> -> vector<16xf32>
          %mul3A_859 = arith.constant 16 : i32
          %mul3A_860 = arith.muli %add3A_195, %mul3A_859 : i32
          %add3A_861 = arith.constant 10 : i32
          %add3A_862 = arith.addi %mul3A_860, %add3A_861 : i32
          %get3A_863 = arith.index_cast %add3A_862 : i32 to index
          %get3A_864 = arith.constant 0 : index
          %get3A_865 = tpu.vector_load %arg10[%get3A_863, %get3A_864] {strides = array<i32>} : memref<80x128xf32, #tpu.memory_space<vmem>>, vector<16xf32>,
          %mul3A_866 = arith.mulf %get3A_865, %gather3A_858 : vector<16xf32>
          %swap3A_867 = arith.index_cast %add3A_862 : i32 to index
          %swap3A_868 = arith.constant 0 : index
          %swap3A_869 = tpu.vector_load %arg10[%swap3A_867, %swap3A_868] {strides = array<i32>} : memref<80x128xf32, #tpu.memory_space<vmem>>, vector<16xf32>,
          tpu.vector_store %arg10[%swap3A_867, %swap3A_868], %mul3A_866 {strides = array<i32>} : memref<80x128xf32, #tpu.memory_space<vmem>>, vector<16xf32>,
          %get3A_870 = arith.index_cast %add3A_862 : i32 to index
          %get3A_871 = arith.constant 16 : index
          %get3A_872 = tpu.vector_load %arg10[%get3A_870, %get3A_871] {strides = array<i32>} : memref<80x128xf32, #tpu.memory_space<vmem>>, vector<16xf32>,
          %mul3A_873 = arith.mulf %get3A_872, %gather3A_858 : vector<16xf32>
          %swap3A_874 = arith.index_cast %add3A_862 : i32 to index
          %swap3A_875 = arith.constant 16 : index
          %swap3A_876 = tpu.vector_load %arg10[%swap3A_874, %swap3A_875] {strides = array<i32>} : memref<80x128xf32, #tpu.memory_space<vmem>>, vector<16xf32>,
          tpu.vector_store %arg10[%swap3A_874, %swap3A_875], %mul3A_873 {strides = array<i32>} : memref<80x128xf32, #tpu.memory_space<vmem>>, vector<16xf32>,
          %get3A_877 = arith.index_cast %add3A_862 : i32 to index
          %get3A_878 = arith.constant 32 : index
          %get3A_879 = tpu.vector_load %arg10[%get3A_877, %get3A_878] {strides = array<i32>} : memref<80x128xf32, #tpu.memory_space<vmem>>, vector<16xf32>,
          %mul3A_880 = arith.mulf %get3A_879, %gather3A_858 : vector<16xf32>
          %swap3A_881 = arith.index_cast %add3A_862 : i32 to index
          %swap3A_882 = arith.constant 32 : index
          %swap3A_883 = tpu.vector_load %arg10[%swap3A_881, %swap3A_882] {strides = array<i32>} : memref<80x128xf32, #tpu.memory_space<vmem>>, vector<16xf32>,
          tpu.vector_store %arg10[%swap3A_881, %swap3A_882], %mul3A_880 {strides = array<i32>} : memref<80x128xf32, #tpu.memory_space<vmem>>, vector<16xf32>,
          %get3A_884 = arith.index_cast %add3A_862 : i32 to index
          %get3A_885 = arith.constant 48 : index
          %get3A_886 = tpu.vector_load %arg10[%get3A_884, %get3A_885] {strides = array<i32>} : memref<80x128xf32, #tpu.memory_space<vmem>>, vector<16xf32>,
          %mul3A_887 = arith.mulf %get3A_886, %gather3A_858 : vector<16xf32>
          %swap3A_888 = arith.index_cast %add3A_862 : i32 to index
          %swap3A_889 = arith.constant 48 : index
          %swap3A_890 = tpu.vector_load %arg10[%swap3A_888, %swap3A_889] {strides = array<i32>} : memref<80x128xf32, #tpu.memory_space<vmem>>, vector<16xf32>,
          tpu.vector_store %arg10[%swap3A_888, %swap3A_889], %mul3A_887 {strides = array<i32>} : memref<80x128xf32, #tpu.memory_space<vmem>>, vector<16xf32>,
          %get3A_891 = arith.index_cast %add3A_862 : i32 to index
          %get3A_892 = arith.constant 64 : index
          %get3A_893 = tpu.vector_load %arg10[%get3A_891, %get3A_892] {strides = array<i32>} : memref<80x128xf32, #tpu.memory_space<vmem>>, vector<16xf32>,
          %mul3A_894 = arith.mulf %get3A_893, %gather3A_858 : vector<16xf32>
          %swap3A_895 = arith.index_cast %add3A_862 : i32 to index
          %swap3A_896 = arith.constant 64 : index
          %swap3A_897 = tpu.vector_load %arg10[%swap3A_895, %swap3A_896] {strides = array<i32>} : memref<80x128xf32, #tpu.memory_space<vmem>>, vector<16xf32>,
          tpu.vector_store %arg10[%swap3A_895, %swap3A_896], %mul3A_894 {strides = array<i32>} : memref<80x128xf32, #tpu.memory_space<vmem>>, vector<16xf32>,
          %get3A_898 = arith.index_cast %add3A_862 : i32 to index
          %get3A_899 = arith.constant 80 : index
          %get3A_900 = tpu.vector_load %arg10[%get3A_898, %get3A_899] {strides = array<i32>} : memref<80x128xf32, #tpu.memory_space<vmem>>, vector<16xf32>,
          %mul3A_901 = arith.mulf %get3A_900, %gather3A_858 : vector<16xf32>
          %swap3A_902 = arith.index_cast %add3A_862 : i32 to index
          %swap3A_903 = arith.constant 80 : index
          %swap3A_904 = tpu.vector_load %arg10[%swap3A_902, %swap3A_903] {strides = array<i32>} : memref<80x128xf32, #tpu.memory_space<vmem>>, vector<16xf32>,
          tpu.vector_store %arg10[%swap3A_902, %swap3A_903], %mul3A_901 {strides = array<i32>} : memref<80x128xf32, #tpu.memory_space<vmem>>, vector<16xf32>,
          %get3A_905 = arith.index_cast %add3A_862 : i32 to index
          %get3A_906 = arith.constant 96 : index
          %get3A_907 = tpu.vector_load %arg10[%get3A_905, %get3A_906] {strides = array<i32>} : memref<80x128xf32, #tpu.memory_space<vmem>>, vector<16xf32>,
          %mul3A_908 = arith.mulf %get3A_907, %gather3A_858 : vector<16xf32>
          %swap3A_909 = arith.index_cast %add3A_862 : i32 to index
          %swap3A_910 = arith.constant 96 : index
          %swap3A_911 = tpu.vector_load %arg10[%swap3A_909, %swap3A_910] {strides = array<i32>} : memref<80x128xf32, #tpu.memory_space<vmem>>, vector<16xf32>,
          tpu.vector_store %arg10[%swap3A_909, %swap3A_910], %mul3A_908 {strides = array<i32>} : memref<80x128xf32, #tpu.memory_space<vmem>>, vector<16xf32>,
          %get3A_912 = arith.index_cast %add3A_862 : i32 to index
          %get3A_913 = arith.constant 112 : index
          %get3A_914 = tpu.vector_load %arg10[%get3A_912, %get3A_913] {strides = array<i32>} : memref<80x128xf32, #tpu.memory_space<vmem>>, vector<16xf32>,
          %mul3A_915 = arith.mulf %get3A_914, %gather3A_858 : vector<16xf32>
          %swap3A_916 = arith.index_cast %add3A_862 : i32 to index
          %swap3A_917 = arith.constant 112 : index
          %swap3A_918 = tpu.vector_load %arg10[%swap3A_916, %swap3A_917] {strides = array<i32>} : memref<80x128xf32, #tpu.memory_space<vmem>>, vector<16xf32>,
          tpu.vector_store %arg10[%swap3A_916, %swap3A_917], %mul3A_915 {strides = array<i32>} : memref<80x128xf32, #tpu.memory_space<vmem>>, vector<16xf32>,
          %broadcast_in_dim3A_919 = arith.constant 11 : i32
          %broadcast_in_dim3A_920 = vector.broadcast %broadcast_in_dim3A_919 : i32 to vector<16xi32>
          %broadcast_in_dim3A_921 = vector.shape_cast %broadcast_in_dim3A_920 : vector<16xi32> to vector<16x1xi32>
          %gather3A_922 = vector.shape_cast %broadcast_in_dim3A_921 : vector<16x1xi32> to vector<16xi32>
          %gather3A_923 = tpu.dynamic_gather %get3A_201[%gather3A_922] in [0] : vector<16xf32>, vector<16xi32> -> vector<16xf32>
          %mul3A_924 = arith.constant 16 : i32
          %mul3A_925 = arith.muli %add3A_195, %mul3A_924 : i32
          %add3A_926 = arith.constant 11 : i32
          %add3A_927 = arith.addi %mul3A_925, %add3A_926 : i32
          %get3A_928 = arith.index_cast %add3A_927 : i32 to index
          %get3A_929 = arith.constant 0 : index
          %get3A_930 = tpu.vector_load %arg10[%get3A_928, %get3A_929] {strides = array<i32>} : memref<80x128xf32, #tpu.memory_space<vmem>>, vector<16xf32>,
          %mul3A_931 = arith.mulf %get3A_930, %gather3A_923 : vector<16xf32>
          %swap3A_932 = arith.index_cast %add3A_927 : i32 to index
          %swap3A_933 = arith.constant 0 : index
          %swap3A_934 = tpu.vector_load %arg10[%swap3A_932, %swap3A_933] {strides = array<i32>} : memref<80x128xf32, #tpu.memory_space<vmem>>, vector<16xf32>,
          tpu.vector_store %arg10[%swap3A_932, %swap3A_933], %mul3A_931 {strides = array<i32>} : memref<80x128xf32, #tpu.memory_space<vmem>>, vector<16xf32>,
          %get3A_935 = arith.index_cast %add3A_927 : i32 to index
          %get3A_936 = arith.constant 16 : index
          %get3A_937 = tpu.vector_load %arg10[%get3A_935, %get3A_936] {strides = array<i32>} : memref<80x128xf32, #tpu.memory_space<vmem>>, vector<16xf32>,
          %mul3A_938 = arith.mulf %get3A_937, %gather3A_923 : vector<16xf32>
          %swap3A_939 = arith.index_cast %add3A_927 : i32 to index
          %swap3A_940 = arith.constant 16 : index
          %swap3A_941 = tpu.vector_load %arg10[%swap3A_939, %swap3A_940] {strides = array<i32>} : memref<80x128xf32, #tpu.memory_space<vmem>>, vector<16xf32>,
          tpu.vector_store %arg10[%swap3A_939, %swap3A_940], %mul3A_938 {strides = array<i32>} : memref<80x128xf32, #tpu.memory_space<vmem>>, vector<16xf32>,
          %get3A_942 = arith.index_cast %add3A_927 : i32 to index
          %get3A_943 = arith.constant 32 : index
          %get3A_944 = tpu.vector_load %arg10[%get3A_942, %get3A_943] {strides = array<i32>} : memref<80x128xf32, #tpu.memory_space<vmem>>, vector<16xf32>,
          %mul3A_945 = arith.mulf %get3A_944, %gather3A_923 : vector<16xf32>
          %swap3A_946 = arith.index_cast %add3A_927 : i32 to index
          %swap3A_947 = arith.constant 32 : index
          %swap3A_948 = tpu.vector_load %arg10[%swap3A_946, %swap3A_947] {strides = array<i32>} : memref<80x128xf32, #tpu.memory_space<vmem>>, vector<16xf32>,
          tpu.vector_store %arg10[%swap3A_946, %swap3A_947], %mul3A_945 {strides = array<i32>} : memref<80x128xf32, #tpu.memory_space<vmem>>, vector<16xf32>,
          %get3A_949 = arith.index_cast %add3A_927 : i32 to index
          %get3A_950 = arith.constant 48 : index
          %get3A_951 = tpu.vector_load %arg10[%get3A_949, %get3A_950] {strides = array<i32>} : memref<80x128xf32, #tpu.memory_space<vmem>>, vector<16xf32>,
          %mul3A_952 = arith.mulf %get3A_951, %gather3A_923 : vector<16xf32>
          %swap3A_953 = arith.index_cast %add3A_927 : i32 to index
          %swap3A_954 = arith.constant 48 : index
          %swap3A_955 = tpu.vector_load %arg10[%swap3A_953, %swap3A_954] {strides = array<i32>} : memref<80x128xf32, #tpu.memory_space<vmem>>, vector<16xf32>,
          tpu.vector_store %arg10[%swap3A_953, %swap3A_954], %mul3A_952 {strides = array<i32>} : memref<80x128xf32, #tpu.memory_space<vmem>>, vector<16xf32>,
          %get3A_956 = arith.index_cast %add3A_927 : i32 to index
          %get3A_957 = arith.constant 64 : index
          %get3A_958 = tpu.vector_load %arg10[%get3A_956, %get3A_957] {strides = array<i32>} : memref<80x128xf32, #tpu.memory_space<vmem>>, vector<16xf32>,
          %mul3A_959 = arith.mulf %get3A_958, %gather3A_923 : vector<16xf32>
          %swap3A_960 = arith.index_cast %add3A_927 : i32 to index
          %swap3A_961 = arith.constant 64 : index
          %swap3A_962 = tpu.vector_load %arg10[%swap3A_960, %swap3A_961] {strides = array<i32>} : memref<80x128xf32, #tpu.memory_space<vmem>>, vector<16xf32>,
          tpu.vector_store %arg10[%swap3A_960, %swap3A_961], %mul3A_959 {strides = array<i32>} : memref<80x128xf32, #tpu.memory_space<vmem>>, vector<16xf32>,
          %get3A_963 = arith.index_cast %add3A_927 : i32 to index
          %get3A_964 = arith.constant 80 : index
          %get3A_965 = tpu.vector_load %arg10[%get3A_963, %get3A_964] {strides = array<i32>} : memref<80x128xf32, #tpu.memory_space<vmem>>, vector<16xf32>,
          %mul3A_966 = arith.mulf %get3A_965, %gather3A_923 : vector<16xf32>
          %swap3A_967 = arith.index_cast %add3A_927 : i32 to index
          %swap3A_968 = arith.constant 80 : index
          %swap3A_969 = tpu.vector_load %arg10[%swap3A_967, %swap3A_968] {strides = array<i32>} : memref<80x128xf32, #tpu.memory_space<vmem>>, vector<16xf32>,
          tpu.vector_store %arg10[%swap3A_967, %swap3A_968], %mul3A_966 {strides = array<i32>} : memref<80x128xf32, #tpu.memory_space<vmem>>, vector<16xf32>,
          %get3A_970 = arith.index_cast %add3A_927 : i32 to index
          %get3A_971 = arith.constant 96 : index
          %get3A_972 = tpu.vector_load %arg10[%get3A_970, %get3A_971] {strides = array<i32>} : memref<80x128xf32, #tpu.memory_space<vmem>>, vector<16xf32>,
          %mul3A_973 = arith.mulf %get3A_972, %gather3A_923 : vector<16xf32>
          %swap3A_974 = arith.index_cast %add3A_927 : i32 to index
          %swap3A_975 = arith.constant 96 : index
          %swap3A_976 = tpu.vector_load %arg10[%swap3A_974, %swap3A_975] {strides = array<i32>} : memref<80x128xf32, #tpu.memory_space<vmem>>, vector<16xf32>,
          tpu.vector_store %arg10[%swap3A_974, %swap3A_975], %mul3A_973 {strides = array<i32>} : memref<80x128xf32, #tpu.memory_space<vmem>>, vector<16xf32>,
          %get3A_977 = arith.index_cast %add3A_927 : i32 to index
          %get3A_978 = arith.constant 112 : index
          %get3A_979 = tpu.vector_load %arg10[%get3A_977, %get3A_978] {strides = array<i32>} : memref<80x128xf32, #tpu.memory_space<vmem>>, vector<16xf32>,
          %mul3A_980 = arith.mulf %get3A_979, %gather3A_923 : vector<16xf32>
          %swap3A_981 = arith.index_cast %add3A_927 : i32 to index
          %swap3A_982 = arith.constant 112 : index
          %swap3A_983 = tpu.vector_load %arg10[%swap3A_981, %swap3A_982] {strides = array<i32>} : memref<80x128xf32, #tpu.memory_space<vmem>>, vector<16xf32>,
          tpu.vector_store %arg10[%swap3A_981, %swap3A_982], %mul3A_980 {strides = array<i32>} : memref<80x128xf32, #tpu.memory_space<vmem>>, vector<16xf32>,
          %broadcast_in_dim3A_984 = arith.constant 12 : i32
          %broadcast_in_dim3A_985 = vector.broadcast %broadcast_in_dim3A_984 : i32 to vector<16xi32>
          %broadcast_in_dim3A_986 = vector.shape_cast %broadcast_in_dim3A_985 : vector<16xi32> to vector<16x1xi32>
          %gather3A_987 = vector.shape_cast %broadcast_in_dim3A_986 : vector<16x1xi32> to vector<16xi32>
          %gather3A_988 = tpu.dynamic_gather %get3A_201[%gather3A_987] in [0] : vector<16xf32>, vector<16xi32> -> vector<16xf32>
          %mul3A_989 = arith.constant 16 : i32
          %mul3A_990 = arith.muli %add3A_195, %mul3A_989 : i32
          %add3A_991 = arith.constant 12 : i32
          %add3A_992 = arith.addi %mul3A_990, %add3A_991 : i32
          %get3A_993 = arith.index_cast %add3A_992 : i32 to index
          %get3A_994 = arith.constant 0 : index
          %get3A_995 = tpu.vector_load %arg10[%get3A_993, %get3A_994] {strides = array<i32>} : memref<80x128xf32, #tpu.memory_space<vmem>>, vector<16xf32>,
          %mul3A_996 = arith.mulf %get3A_995, %gather3A_988 : vector<16xf32>
          %swap3A_997 = arith.index_cast %add3A_992 : i32 to index
          %swap3A_998 = arith.constant 0 : index
          %swap3A_999 = tpu.vector_load %arg10[%swap3A_997, %swap3A_998] {strides = array<i32>} : memref<80x128xf32, #tpu.memory_space<vmem>>, vector<16xf32>,
          tpu.vector_store %arg10[%swap3A_997, %swap3A_998], %mul3A_996 {strides = array<i32>} : memref<80x128xf32, #tpu.memory_space<vmem>>, vector<16xf32>,
          %get3A_1000 = arith.index_cast %add3A_992 : i32 to index
          %get3A_1001 = arith.constant 16 : index
          %get3A_1002 = tpu.vector_load %arg10[%get3A_1000, %get3A_1001] {strides = array<i32>} : memref<80x128xf32, #tpu.memory_space<vmem>>, vector<16xf32>,
          %mul3A_1003 = arith.mulf %get3A_1002, %gather3A_988 : vector<16xf32>
          %swap3A_1004 = arith.index_cast %add3A_992 : i32 to index
          %swap3A_1005 = arith.constant 16 : index
          %swap3A_1006 = tpu.vector_load %arg10[%swap3A_1004, %swap3A_1005] {strides = array<i32>} : memref<80x128xf32, #tpu.memory_space<vmem>>, vector<16xf32>,
          tpu.vector_store %arg10[%swap3A_1004, %swap3A_1005], %mul3A_1003 {strides = array<i32>} : memref<80x128xf32, #tpu.memory_space<vmem>>, vector<16xf32>,
          %get3A_1007 = arith.index_cast %add3A_992 : i32 to index
          %get3A_1008 = arith.constant 32 : index
          %get3A_1009 = tpu.vector_load %arg10[%get3A_1007, %get3A_1008] {strides = array<i32>} : memref<80x128xf32, #tpu.memory_space<vmem>>, vector<16xf32>,
          %mul3A_1010 = arith.mulf %get3A_1009, %gather3A_988 : vector<16xf32>
          %swap3A_1011 = arith.index_cast %add3A_992 : i32 to index
          %swap3A_1012 = arith.constant 32 : index
          %swap3A_1013 = tpu.vector_load %arg10[%swap3A_1011, %swap3A_1012] {strides = array<i32>} : memref<80x128xf32, #tpu.memory_space<vmem>>, vector<16xf32>,
          tpu.vector_store %arg10[%swap3A_1011, %swap3A_1012], %mul3A_1010 {strides = array<i32>} : memref<80x128xf32, #tpu.memory_space<vmem>>, vector<16xf32>,
          %get3A_1014 = arith.index_cast %add3A_992 : i32 to index
          %get3A_1015 = arith.constant 48 : index
          %get3A_1016 = tpu.vector_load %arg10[%get3A_1014, %get3A_1015] {strides = array<i32>} : memref<80x128xf32, #tpu.memory_space<vmem>>, vector<16xf32>,
          %mul3A_1017 = arith.mulf %get3A_1016, %gather3A_988 : vector<16xf32>
          %swap3A_1018 = arith.index_cast %add3A_992 : i32 to index
          %swap3A_1019 = arith.constant 48 : index
          %swap3A_1020 = tpu.vector_load %arg10[%swap3A_1018, %swap3A_1019] {strides = array<i32>} : memref<80x128xf32, #tpu.memory_space<vmem>>, vector<16xf32>,
          tpu.vector_store %arg10[%swap3A_1018, %swap3A_1019], %mul3A_1017 {strides = array<i32>} : memref<80x128xf32, #tpu.memory_space<vmem>>, vector<16xf32>,
          %get3A_1021 = arith.index_cast %add3A_992 : i32 to index
          %get3A_1022 = arith.constant 64 : index
          %get3A_1023 = tpu.vector_load %arg10[%get3A_1021, %get3A_1022] {strides = array<i32>} : memref<80x128xf32, #tpu.memory_space<vmem>>, vector<16xf32>,
          %mul3A_1024 = arith.mulf %get3A_1023, %gather3A_988 : vector<16xf32>
          %swap3A_1025 = arith.index_cast %add3A_992 : i32 to index
          %swap3A_1026 = arith.constant 64 : index
          %swap3A_1027 = tpu.vector_load %arg10[%swap3A_1025, %swap3A_1026] {strides = array<i32>} : memref<80x128xf32, #tpu.memory_space<vmem>>, vector<16xf32>,
          tpu.vector_store %arg10[%swap3A_1025, %swap3A_1026], %mul3A_1024 {strides = array<i32>} : memref<80x128xf32, #tpu.memory_space<vmem>>, vector<16xf32>,
          %get3A_1028 = arith.index_cast %add3A_992 : i32 to index
          %get3A_1029 = arith.constant 80 : index
          %get3A_1030 = tpu.vector_load %arg10[%get3A_1028, %get3A_1029] {strides = array<i32>} : memref<80x128xf32, #tpu.memory_space<vmem>>, vector<16xf32>,
          %mul3A_1031 = arith.mulf %get3A_1030, %gather3A_988 : vector<16xf32>
          %swap3A_1032 = arith.index_cast %add3A_992 : i32 to index
          %swap3A_1033 = arith.constant 80 : index
          %swap3A_1034 = tpu.vector_load %arg10[%swap3A_1032, %swap3A_1033] {strides = array<i32>} : memref<80x128xf32, #tpu.memory_space<vmem>>, vector<16xf32>,
          tpu.vector_store %arg10[%swap3A_1032, %swap3A_1033], %mul3A_1031 {strides = array<i32>} : memref<80x128xf32, #tpu.memory_space<vmem>>, vector<16xf32>,
          %get3A_1035 = arith.index_cast %add3A_992 : i32 to index
          %get3A_1036 = arith.constant 96 : index
          %get3A_1037 = tpu.vector_load %arg10[%get3A_1035, %get3A_1036] {strides = array<i32>} : memref<80x128xf32, #tpu.memory_space<vmem>>, vector<16xf32>,
          %mul3A_1038 = arith.mulf %get3A_1037, %gather3A_988 : vector<16xf32>
          %swap3A_1039 = arith.index_cast %add3A_992 : i32 to index
          %swap3A_1040 = arith.constant 96 : index
          %swap3A_1041 = tpu.vector_load %arg10[%swap3A_1039, %swap3A_1040] {strides = array<i32>} : memref<80x128xf32, #tpu.memory_space<vmem>>, vector<16xf32>,
          tpu.vector_store %arg10[%swap3A_1039, %swap3A_1040], %mul3A_1038 {strides = array<i32>} : memref<80x128xf32, #tpu.memory_space<vmem>>, vector<16xf32>,
          %get3A_1042 = arith.index_cast %add3A_992 : i32 to index
          %get3A_1043 = arith.constant 112 : index
          %get3A_1044 = tpu.vector_load %arg10[%get3A_1042, %get3A_1043] {strides = array<i32>} : memref<80x128xf32, #tpu.memory_space<vmem>>, vector<16xf32>,
          %mul3A_1045 = arith.mulf %get3A_1044, %gather3A_988 : vector<16xf32>
          %swap3A_1046 = arith.index_cast %add3A_992 : i32 to index
          %swap3A_1047 = arith.constant 112 : index
          %swap3A_1048 = tpu.vector_load %arg10[%swap3A_1046, %swap3A_1047] {strides = array<i32>} : memref<80x128xf32, #tpu.memory_space<vmem>>, vector<16xf32>,
          tpu.vector_store %arg10[%swap3A_1046, %swap3A_1047], %mul3A_1045 {strides = array<i32>} : memref<80x128xf32, #tpu.memory_space<vmem>>, vector<16xf32>,
          %broadcast_in_dim3A_1049 = arith.constant 13 : i32
          %broadcast_in_dim3A_1050 = vector.broadcast %broadcast_in_dim3A_1049 : i32 to vector<16xi32>
          %broadcast_in_dim3A_1051 = vector.shape_cast %broadcast_in_dim3A_1050 : vector<16xi32> to vector<16x1xi32>
          %gather3A_1052 = vector.shape_cast %broadcast_in_dim3A_1051 : vector<16x1xi32> to vector<16xi32>
          %gather3A_1053 = tpu.dynamic_gather %get3A_201[%gather3A_1052] in [0] : vector<16xf32>, vector<16xi32> -> vector<16xf32>
          %mul3A_1054 = arith.constant 16 : i32
          %mul3A_1055 = arith.muli %add3A_195, %mul3A_1054 : i32
          %add3A_1056 = arith.constant 13 : i32
          %add3A_1057 = arith.addi %mul3A_1055, %add3A_1056 : i32
          %get3A_1058 = arith.index_cast %add3A_1057 : i32 to index
          %get3A_1059 = arith.constant 0 : index
          %get3A_1060 = tpu.vector_load %arg10[%get3A_1058, %get3A_1059] {strides = array<i32>} : memref<80x128xf32, #tpu.memory_space<vmem>>, vector<16xf32>,
          %mul3A_1061 = arith.mulf %get3A_1060, %gather3A_1053 : vector<16xf32>
          %swap3A_1062 = arith.index_cast %add3A_1057 : i32 to index
          %swap3A_1063 = arith.constant 0 : index
          %swap3A_1064 = tpu.vector_load %arg10[%swap3A_1062, %swap3A_1063] {strides = array<i32>} : memref<80x128xf32, #tpu.memory_space<vmem>>, vector<16xf32>,
          tpu.vector_store %arg10[%swap3A_1062, %swap3A_1063], %mul3A_1061 {strides = array<i32>} : memref<80x128xf32, #tpu.memory_space<vmem>>, vector<16xf32>,
          %get3A_1065 = arith.index_cast %add3A_1057 : i32 to index
          %get3A_1066 = arith.constant 16 : index
          %get3A_1067 = tpu.vector_load %arg10[%get3A_1065, %get3A_1066] {strides = array<i32>} : memref<80x128xf32, #tpu.memory_space<vmem>>, vector<16xf32>,
          %mul3A_1068 = arith.mulf %get3A_1067, %gather3A_1053 : vector<16xf32>
          %swap3A_1069 = arith.index_cast %add3A_1057 : i32 to index
          %swap3A_1070 = arith.constant 16 : index
          %swap3A_1071 = tpu.vector_load %arg10[%swap3A_1069, %swap3A_1070] {strides = array<i32>} : memref<80x128xf32, #tpu.memory_space<vmem>>, vector<16xf32>,
          tpu.vector_store %arg10[%swap3A_1069, %swap3A_1070], %mul3A_1068 {strides = array<i32>} : memref<80x128xf32, #tpu.memory_space<vmem>>, vector<16xf32>,
          %get3A_1072 = arith.index_cast %add3A_1057 : i32 to index
          %get3A_1073 = arith.constant 32 : index
          %get3A_1074 = tpu.vector_load %arg10[%get3A_1072, %get3A_1073] {strides = array<i32>} : memref<80x128xf32, #tpu.memory_space<vmem>>, vector<16xf32>,
          %mul3A_1075 = arith.mulf %get3A_1074, %gather3A_1053 : vector<16xf32>
          %swap3A_1076 = arith.index_cast %add3A_1057 : i32 to index
          %swap3A_1077 = arith.constant 32 : index
          %swap3A_1078 = tpu.vector_load %arg10[%swap3A_1076, %swap3A_1077] {strides = array<i32>} : memref<80x128xf32, #tpu.memory_space<vmem>>, vector<16xf32>,
          tpu.vector_store %arg10[%swap3A_1076, %swap3A_1077], %mul3A_1075 {strides = array<i32>} : memref<80x128xf32, #tpu.memory_space<vmem>>, vector<16xf32>,
          %get3A_1079 = arith.index_cast %add3A_1057 : i32 to index
          %get3A_1080 = arith.constant 48 : index
          %get3A_1081 = tpu.vector_load %arg10[%get3A_1079, %get3A_1080] {strides = array<i32>} : memref<80x128xf32, #tpu.memory_space<vmem>>, vector<16xf32>,
          %mul3A_1082 = arith.mulf %get3A_1081, %gather3A_1053 : vector<16xf32>
          %swap3A_1083 = arith.index_cast %add3A_1057 : i32 to index
          %swap3A_1084 = arith.constant 48 : index
          %swap3A_1085 = tpu.vector_load %arg10[%swap3A_1083, %swap3A_1084] {strides = array<i32>} : memref<80x128xf32, #tpu.memory_space<vmem>>, vector<16xf32>,
          tpu.vector_store %arg10[%swap3A_1083, %swap3A_1084], %mul3A_1082 {strides = array<i32>} : memref<80x128xf32, #tpu.memory_space<vmem>>, vector<16xf32>,
          %get3A_1086 = arith.index_cast %add3A_1057 : i32 to index
          %get3A_1087 = arith.constant 64 : index
          %get3A_1088 = tpu.vector_load %arg10[%get3A_1086, %get3A_1087] {strides = array<i32>} : memref<80x128xf32, #tpu.memory_space<vmem>>, vector<16xf32>,
          %mul3A_1089 = arith.mulf %get3A_1088, %gather3A_1053 : vector<16xf32>
          %swap3A_1090 = arith.index_cast %add3A_1057 : i32 to index
          %swap3A_1091 = arith.constant 64 : index
          %swap3A_1092 = tpu.vector_load %arg10[%swap3A_1090, %swap3A_1091] {strides = array<i32>} : memref<80x128xf32, #tpu.memory_space<vmem>>, vector<16xf32>,
          tpu.vector_store %arg10[%swap3A_1090, %swap3A_1091], %mul3A_1089 {strides = array<i32>} : memref<80x128xf32, #tpu.memory_space<vmem>>, vector<16xf32>,
          %get3A_1093 = arith.index_cast %add3A_1057 : i32 to index
          %get3A_1094 = arith.constant 80 : index
          %get3A_1095 = tpu.vector_load %arg10[%get3A_1093, %get3A_1094] {strides = array<i32>} : memref<80x128xf32, #tpu.memory_space<vmem>>, vector<16xf32>,
          %mul3A_1096 = arith.mulf %get3A_1095, %gather3A_1053 : vector<16xf32>
          %swap3A_1097 = arith.index_cast %add3A_1057 : i32 to index
          %swap3A_1098 = arith.constant 80 : index
          %swap3A_1099 = tpu.vector_load %arg10[%swap3A_1097, %swap3A_1098] {strides = array<i32>} : memref<80x128xf32, #tpu.memory_space<vmem>>, vector<16xf32>,
          tpu.vector_store %arg10[%swap3A_1097, %swap3A_1098], %mul3A_1096 {strides = array<i32>} : memref<80x128xf32, #tpu.memory_space<vmem>>, vector<16xf32>,
          %get3A_1100 = arith.index_cast %add3A_1057 : i32 to index
          %get3A_1101 = arith.constant 96 : index
          %get3A_1102 = tpu.vector_load %arg10[%get3A_1100, %get3A_1101] {strides = array<i32>} : memref<80x128xf32, #tpu.memory_space<vmem>>, vector<16xf32>,
          %mul3A_1103 = arith.mulf %get3A_1102, %gather3A_1053 : vector<16xf32>
          %swap3A_1104 = arith.index_cast %add3A_1057 : i32 to index
          %swap3A_1105 = arith.constant 96 : index
          %swap3A_1106 = tpu.vector_load %arg10[%swap3A_1104, %swap3A_1105] {strides = array<i32>} : memref<80x128xf32, #tpu.memory_space<vmem>>, vector<16xf32>,
          tpu.vector_store %arg10[%swap3A_1104, %swap3A_1105], %mul3A_1103 {strides = array<i32>} : memref<80x128xf32, #tpu.memory_space<vmem>>, vector<16xf32>,
          %get3A_1107 = arith.index_cast %add3A_1057 : i32 to index
          %get3A_1108 = arith.constant 112 : index
          %get3A_1109 = tpu.vector_load %arg10[%get3A_1107, %get3A_1108] {strides = array<i32>} : memref<80x128xf32, #tpu.memory_space<vmem>>, vector<16xf32>,
          %mul3A_1110 = arith.mulf %get3A_1109, %gather3A_1053 : vector<16xf32>
          %swap3A_1111 = arith.index_cast %add3A_1057 : i32 to index
          %swap3A_1112 = arith.constant 112 : index
          %swap3A_1113 = tpu.vector_load %arg10[%swap3A_1111, %swap3A_1112] {strides = array<i32>} : memref<80x128xf32, #tpu.memory_space<vmem>>, vector<16xf32>,
          tpu.vector_store %arg10[%swap3A_1111, %swap3A_1112], %mul3A_1110 {strides = array<i32>} : memref<80x128xf32, #tpu.memory_space<vmem>>, vector<16xf32>,
          %broadcast_in_dim3A_1114 = arith.constant 14 : i32
          %broadcast_in_dim3A_1115 = vector.broadcast %broadcast_in_dim3A_1114 : i32 to vector<16xi32>
          %broadcast_in_dim3A_1116 = vector.shape_cast %broadcast_in_dim3A_1115 : vector<16xi32> to vector<16x1xi32>
          %gather3A_1117 = vector.shape_cast %broadcast_in_dim3A_1116 : vector<16x1xi32> to vector<16xi32>
          %gather3A_1118 = tpu.dynamic_gather %get3A_201[%gather3A_1117] in [0] : vector<16xf32>, vector<16xi32> -> vector<16xf32>
          %mul3A_1119 = arith.constant 16 : i32
          %mul3A_1120 = arith.muli %add3A_195, %mul3A_1119 : i32
          %add3A_1121 = arith.constant 14 : i32
          %add3A_1122 = arith.addi %mul3A_1120, %add3A_1121 : i32
          %get3A_1123 = arith.index_cast %add3A_1122 : i32 to index
          %get3A_1124 = arith.constant 0 : index
          %get3A_1125 = tpu.vector_load %arg10[%get3A_1123, %get3A_1124] {strides = array<i32>} : memref<80x128xf32, #tpu.memory_space<vmem>>, vector<16xf32>,
          %mul3A_1126 = arith.mulf %get3A_1125, %gather3A_1118 : vector<16xf32>
          %swap3A_1127 = arith.index_cast %add3A_1122 : i32 to index
          %swap3A_1128 = arith.constant 0 : index
          %swap3A_1129 = tpu.vector_load %arg10[%swap3A_1127, %swap3A_1128] {strides = array<i32>} : memref<80x128xf32, #tpu.memory_space<vmem>>, vector<16xf32>,
          tpu.vector_store %arg10[%swap3A_1127, %swap3A_1128], %mul3A_1126 {strides = array<i32>} : memref<80x128xf32, #tpu.memory_space<vmem>>, vector<16xf32>,
          %get3A_1130 = arith.index_cast %add3A_1122 : i32 to index
          %get3A_1131 = arith.constant 16 : index
          %get3A_1132 = tpu.vector_load %arg10[%get3A_1130, %get3A_1131] {strides = array<i32>} : memref<80x128xf32, #tpu.memory_space<vmem>>, vector<16xf32>,
          %mul3A_1133 = arith.mulf %get3A_1132, %gather3A_1118 : vector<16xf32>
          %swap3A_1134 = arith.index_cast %add3A_1122 : i32 to index
          %swap3A_1135 = arith.constant 16 : index
          %swap3A_1136 = tpu.vector_load %arg10[%swap3A_1134, %swap3A_1135] {strides = array<i32>} : memref<80x128xf32, #tpu.memory_space<vmem>>, vector<16xf32>,
          tpu.vector_store %arg10[%swap3A_1134, %swap3A_1135], %mul3A_1133 {strides = array<i32>} : memref<80x128xf32, #tpu.memory_space<vmem>>, vector<16xf32>,
          %get3A_1137 = arith.index_cast %add3A_1122 : i32 to index
          %get3A_1138 = arith.constant 32 : index
          %get3A_1139 = tpu.vector_load %arg10[%get3A_1137, %get3A_1138] {strides = array<i32>} : memref<80x128xf32, #tpu.memory_space<vmem>>, vector<16xf32>,
          %mul3A_1140 = arith.mulf %get3A_1139, %gather3A_1118 : vector<16xf32>
          %swap3A_1141 = arith.index_cast %add3A_1122 : i32 to index
          %swap3A_1142 = arith.constant 32 : index
          %swap3A_1143 = tpu.vector_load %arg10[%swap3A_1141, %swap3A_1142] {strides = array<i32>} : memref<80x128xf32, #tpu.memory_space<vmem>>, vector<16xf32>,
          tpu.vector_store %arg10[%swap3A_1141, %swap3A_1142], %mul3A_1140 {strides = array<i32>} : memref<80x128xf32, #tpu.memory_space<vmem>>, vector<16xf32>,
          %get3A_1144 = arith.index_cast %add3A_1122 : i32 to index
          %get3A_1145 = arith.constant 48 : index
          %get3A_1146 = tpu.vector_load %arg10[%get3A_1144, %get3A_1145] {strides = array<i32>} : memref<80x128xf32, #tpu.memory_space<vmem>>, vector<16xf32>,
          %mul3A_1147 = arith.mulf %get3A_1146, %gather3A_1118 : vector<16xf32>
          %swap3A_1148 = arith.index_cast %add3A_1122 : i32 to index
          %swap3A_1149 = arith.constant 48 : index
          %swap3A_1150 = tpu.vector_load %arg10[%swap3A_1148, %swap3A_1149] {strides = array<i32>} : memref<80x128xf32, #tpu.memory_space<vmem>>, vector<16xf32>,
          tpu.vector_store %arg10[%swap3A_1148, %swap3A_1149], %mul3A_1147 {strides = array<i32>} : memref<80x128xf32, #tpu.memory_space<vmem>>, vector<16xf32>,
          %get3A_1151 = arith.index_cast %add3A_1122 : i32 to index
          %get3A_1152 = arith.constant 64 : index
          %get3A_1153 = tpu.vector_load %arg10[%get3A_1151, %get3A_1152] {strides = array<i32>} : memref<80x128xf32, #tpu.memory_space<vmem>>, vector<16xf32>,
          %mul3A_1154 = arith.mulf %get3A_1153, %gather3A_1118 : vector<16xf32>
          %swap3A_1155 = arith.index_cast %add3A_1122 : i32 to index
          %swap3A_1156 = arith.constant 64 : index
          %swap3A_1157 = tpu.vector_load %arg10[%swap3A_1155, %swap3A_1156] {strides = array<i32>} : memref<80x128xf32, #tpu.memory_space<vmem>>, vector<16xf32>,
          tpu.vector_store %arg10[%swap3A_1155, %swap3A_1156], %mul3A_1154 {strides = array<i32>} : memref<80x128xf32, #tpu.memory_space<vmem>>, vector<16xf32>,
          %get3A_1158 = arith.index_cast %add3A_1122 : i32 to index
          %get3A_1159 = arith.constant 80 : index
          %get3A_1160 = tpu.vector_load %arg10[%get3A_1158, %get3A_1159] {strides = array<i32>} : memref<80x128xf32, #tpu.memory_space<vmem>>, vector<16xf32>,
          %mul3A_1161 = arith.mulf %get3A_1160, %gather3A_1118 : vector<16xf32>
          %swap3A_1162 = arith.index_cast %add3A_1122 : i32 to index
          %swap3A_1163 = arith.constant 80 : index
          %swap3A_1164 = tpu.vector_load %arg10[%swap3A_1162, %swap3A_1163] {strides = array<i32>} : memref<80x128xf32, #tpu.memory_space<vmem>>, vector<16xf32>,
          tpu.vector_store %arg10[%swap3A_1162, %swap3A_1163], %mul3A_1161 {strides = array<i32>} : memref<80x128xf32, #tpu.memory_space<vmem>>, vector<16xf32>,
          %get3A_1165 = arith.index_cast %add3A_1122 : i32 to index
          %get3A_1166 = arith.constant 96 : index
          %get3A_1167 = tpu.vector_load %arg10[%get3A_1165, %get3A_1166] {strides = array<i32>} : memref<80x128xf32, #tpu.memory_space<vmem>>, vector<16xf32>,
          %mul3A_1168 = arith.mulf %get3A_1167, %gather3A_1118 : vector<16xf32>
          %swap3A_1169 = arith.index_cast %add3A_1122 : i32 to index
          %swap3A_1170 = arith.constant 96 : index
          %swap3A_1171 = tpu.vector_load %arg10[%swap3A_1169, %swap3A_1170] {strides = array<i32>} : memref<80x128xf32, #tpu.memory_space<vmem>>, vector<16xf32>,
          tpu.vector_store %arg10[%swap3A_1169, %swap3A_1170], %mul3A_1168 {strides = array<i32>} : memref<80x128xf32, #tpu.memory_space<vmem>>, vector<16xf32>,
          %get3A_1172 = arith.index_cast %add3A_1122 : i32 to index
          %get3A_1173 = arith.constant 112 : index
          %get3A_1174 = tpu.vector_load %arg10[%get3A_1172, %get3A_1173] {strides = array<i32>} : memref<80x128xf32, #tpu.memory_space<vmem>>, vector<16xf32>,
          %mul3A_1175 = arith.mulf %get3A_1174, %gather3A_1118 : vector<16xf32>
          %swap3A_1176 = arith.index_cast %add3A_1122 : i32 to index
          %swap3A_1177 = arith.constant 112 : index
          %swap3A_1178 = tpu.vector_load %arg10[%swap3A_1176, %swap3A_1177] {strides = array<i32>} : memref<80x128xf32, #tpu.memory_space<vmem>>, vector<16xf32>,
          tpu.vector_store %arg10[%swap3A_1176, %swap3A_1177], %mul3A_1175 {strides = array<i32>} : memref<80x128xf32, #tpu.memory_space<vmem>>, vector<16xf32>,
          %broadcast_in_dim3A_1179 = arith.constant 15 : i32
          %broadcast_in_dim3A_1180 = vector.broadcast %broadcast_in_dim3A_1179 : i32 to vector<16xi32>
          %broadcast_in_dim3A_1181 = vector.shape_cast %broadcast_in_dim3A_1180 : vector<16xi32> to vector<16x1xi32>
          %gather3A_1182 = vector.shape_cast %broadcast_in_dim3A_1181 : vector<16x1xi32> to vector<16xi32>
          %gather3A_1183 = tpu.dynamic_gather %get3A_201[%gather3A_1182] in [0] : vector<16xf32>, vector<16xi32> -> vector<16xf32>
          %mul3A_1184 = arith.constant 16 : i32
          %mul3A_1185 = arith.muli %add3A_195, %mul3A_1184 : i32
          %add3A_1186 = arith.constant 15 : i32
          %add3A_1187 = arith.addi %mul3A_1185, %add3A_1186 : i32
          %get3A_1188 = arith.index_cast %add3A_1187 : i32 to index
          %get3A_1189 = arith.constant 0 : index
          %get3A_1190 = tpu.vector_load %arg10[%get3A_1188, %get3A_1189] {strides = array<i32>} : memref<80x128xf32, #tpu.memory_space<vmem>>, vector<16xf32>,
          %mul3A_1191 = arith.mulf %get3A_1190, %gather3A_1183 : vector<16xf32>
          %swap3A_1192 = arith.index_cast %add3A_1187 : i32 to index
          %swap3A_1193 = arith.constant 0 : index
          %swap3A_1194 = tpu.vector_load %arg10[%swap3A_1192, %swap3A_1193] {strides = array<i32>} : memref<80x128xf32, #tpu.memory_space<vmem>>, vector<16xf32>,
          tpu.vector_store %arg10[%swap3A_1192, %swap3A_1193], %mul3A_1191 {strides = array<i32>} : memref<80x128xf32, #tpu.memory_space<vmem>>, vector<16xf32>,
          %get3A_1195 = arith.index_cast %add3A_1187 : i32 to index
          %get3A_1196 = arith.constant 16 : index
          %get3A_1197 = tpu.vector_load %arg10[%get3A_1195, %get3A_1196] {strides = array<i32>} : memref<80x128xf32, #tpu.memory_space<vmem>>, vector<16xf32>,
          %mul3A_1198 = arith.mulf %get3A_1197, %gather3A_1183 : vector<16xf32>
          %swap3A_1199 = arith.index_cast %add3A_1187 : i32 to index
          %swap3A_1200 = arith.constant 16 : index
          %swap3A_1201 = tpu.vector_load %arg10[%swap3A_1199, %swap3A_1200] {strides = array<i32>} : memref<80x128xf32, #tpu.memory_space<vmem>>, vector<16xf32>,
          tpu.vector_store %arg10[%swap3A_1199, %swap3A_1200], %mul3A_1198 {strides = array<i32>} : memref<80x128xf32, #tpu.memory_space<vmem>>, vector<16xf32>,
          %get3A_1202 = arith.index_cast %add3A_1187 : i32 to index
          %get3A_1203 = arith.constant 32 : index
          %get3A_1204 = tpu.vector_load %arg10[%get3A_1202, %get3A_1203] {strides = array<i32>} : memref<80x128xf32, #tpu.memory_space<vmem>>, vector<16xf32>,
          %mul3A_1205 = arith.mulf %get3A_1204, %gather3A_1183 : vector<16xf32>
          %swap3A_1206 = arith.index_cast %add3A_1187 : i32 to index
          %swap3A_1207 = arith.constant 32 : index
          %swap3A_1208 = tpu.vector_load %arg10[%swap3A_1206, %swap3A_1207] {strides = array<i32>} : memref<80x128xf32, #tpu.memory_space<vmem>>, vector<16xf32>,
          tpu.vector_store %arg10[%swap3A_1206, %swap3A_1207], %mul3A_1205 {strides = array<i32>} : memref<80x128xf32, #tpu.memory_space<vmem>>, vector<16xf32>,
          %get3A_1209 = arith.index_cast %add3A_1187 : i32 to index
          %get3A_1210 = arith.constant 48 : index
          %get3A_1211 = tpu.vector_load %arg10[%get3A_1209, %get3A_1210] {strides = array<i32>} : memref<80x128xf32, #tpu.memory_space<vmem>>, vector<16xf32>,
          %mul3A_1212 = arith.mulf %get3A_1211, %gather3A_1183 : vector<16xf32>
          %swap3A_1213 = arith.index_cast %add3A_1187 : i32 to index
          %swap3A_1214 = arith.constant 48 : index
          %swap3A_1215 = tpu.vector_load %arg10[%swap3A_1213, %swap3A_1214] {strides = array<i32>} : memref<80x128xf32, #tpu.memory_space<vmem>>, vector<16xf32>,
          tpu.vector_store %arg10[%swap3A_1213, %swap3A_1214], %mul3A_1212 {strides = array<i32>} : memref<80x128xf32, #tpu.memory_space<vmem>>, vector<16xf32>,
          %get3A_1216 = arith.index_cast %add3A_1187 : i32 to index
          %get3A_1217 = arith.constant 64 : index
          %get3A_1218 = tpu.vector_load %arg10[%get3A_1216, %get3A_1217] {strides = array<i32>} : memref<80x128xf32, #tpu.memory_space<vmem>>, vector<16xf32>,
          %mul3A_1219 = arith.mulf %get3A_1218, %gather3A_1183 : vector<16xf32>
          %swap3A_1220 = arith.index_cast %add3A_1187 : i32 to index
          %swap3A_1221 = arith.constant 64 : index
          %swap3A_1222 = tpu.vector_load %arg10[%swap3A_1220, %swap3A_1221] {strides = array<i32>} : memref<80x128xf32, #tpu.memory_space<vmem>>, vector<16xf32>,
          tpu.vector_store %arg10[%swap3A_1220, %swap3A_1221], %mul3A_1219 {strides = array<i32>} : memref<80x128xf32, #tpu.memory_space<vmem>>, vector<16xf32>,
          %get3A_1223 = arith.index_cast %add3A_1187 : i32 to index
          %get3A_1224 = arith.constant 80 : index
          %get3A_1225 = tpu.vector_load %arg10[%get3A_1223, %get3A_1224] {strides = array<i32>} : memref<80x128xf32, #tpu.memory_space<vmem>>, vector<16xf32>,
          %mul3A_1226 = arith.mulf %get3A_1225, %gather3A_1183 : vector<16xf32>
          %swap3A_1227 = arith.index_cast %add3A_1187 : i32 to index
          %swap3A_1228 = arith.constant 80 : index
          %swap3A_1229 = tpu.vector_load %arg10[%swap3A_1227, %swap3A_1228] {strides = array<i32>} : memref<80x128xf32, #tpu.memory_space<vmem>>, vector<16xf32>,
          tpu.vector_store %arg10[%swap3A_1227, %swap3A_1228], %mul3A_1226 {strides = array<i32>} : memref<80x128xf32, #tpu.memory_space<vmem>>, vector<16xf32>,
          %get3A_1230 = arith.index_cast %add3A_1187 : i32 to index
          %get3A_1231 = arith.constant 96 : index
          %get3A_1232 = tpu.vector_load %arg10[%get3A_1230, %get3A_1231] {strides = array<i32>} : memref<80x128xf32, #tpu.memory_space<vmem>>, vector<16xf32>,
          %mul3A_1233 = arith.mulf %get3A_1232, %gather3A_1183 : vector<16xf32>
          %swap3A_1234 = arith.index_cast %add3A_1187 : i32 to index
          %swap3A_1235 = arith.constant 96 : index
          %swap3A_1236 = tpu.vector_load %arg10[%swap3A_1234, %swap3A_1235] {strides = array<i32>} : memref<80x128xf32, #tpu.memory_space<vmem>>, vector<16xf32>,
          tpu.vector_store %arg10[%swap3A_1234, %swap3A_1235], %mul3A_1233 {strides = array<i32>} : memref<80x128xf32, #tpu.memory_space<vmem>>, vector<16xf32>,
          %get3A_1237 = arith.index_cast %add3A_1187 : i32 to index
          %get3A_1238 = arith.constant 112 : index
          %get3A_1239 = tpu.vector_load %arg10[%get3A_1237, %get3A_1238] {strides = array<i32>} : memref<80x128xf32, #tpu.memory_space<vmem>>, vector<16xf32>,
          %mul3A_1240 = arith.mulf %get3A_1239, %gather3A_1183 : vector<16xf32>
          %swap3A_1241 = arith.index_cast %add3A_1187 : i32 to index
          %swap3A_1242 = arith.constant 112 : index
          %swap3A_1243 = tpu.vector_load %arg10[%swap3A_1241, %swap3A_1242] {strides = array<i32>} : memref<80x128xf32, #tpu.memory_space<vmem>>, vector<16xf32>,
          tpu.vector_store %arg10[%swap3A_1241, %swap3A_1242], %mul3A_1240 {strides = array<i32>} : memref<80x128xf32, #tpu.memory_space<vmem>>, vector<16xf32>,
        }
        %scan3A_187 = arith.constant 5 : i32
        %dma_start3A_188 = arith.constant 0 : i32
        %dma_start3A_189 = arith.constant 0 : i32
        %dma_start3A_190 = tpu.memref_slice %arg14[%dma_start3A_188, %dma_start3A_189] : memref<10000x128xf32, #tpu.memory_space<vmem_shared>> -> memref<10000x128xf32, #tpu.memory_space<vmem_shared>>
        tpu.enqueue_indirect_dma source(%arg10 : memref<80x128xf32, #tpu.memory_space<vmem>>) target(%dma_start3A_190 : memref<10000x128xf32, #tpu.memory_space<vmem_shared>>) offsets(%arg12 : memref<80xi32, #tpu.memory_space<vmem>>) semaphore(%arg18 : memref<!tpu.dma_semaphore, #tpu.memory_space<semaphore_mem>>) {add = true}
      } else {
      }
      %jit3A_131 = arith.constant 2 : i32
      %eq3A_132 = arith.constant 0 : i32
      %eq3A_133 = arith.cmpi eq, %jit3A_131, %eq3A_132 : i32
      %jit3A_134 = arith.constant 1 : i32
      %select_n3A_135 = arith.select %eq3A_133, %jit3A_134, %jit3A_131 : i32
      %rem3A_136 = arith.remsi %add3A_114, %select_n3A_135 : i32
      %ne3A_137 = arith.constant 0 : i32
      %ne3A_138 = arith.cmpi ne, %rem3A_136, %ne3A_137 : i32
      %lt3A_139 = arith.constant 0 : i32
      %lt3A_140 = arith.cmpi slt, %rem3A_136, %lt3A_139 : i32
      %lt3A_141 = arith.constant 0 : i32
      %lt3A_142 = arith.cmpi slt, %select_n3A_135, %lt3A_141 : i32
      %ne3A_143 = arith.xori %lt3A_140, %lt3A_142 : i1
      %and3A_144 = arith.andi %ne3A_143, %ne3A_138 : i1
      %add3A_145 = arith.addi %rem3A_136, %select_n3A_135 : i32
      %select_n3A_146 = arith.select %and3A_144, %add3A_145, %rem3A_136 : i32
      %eq3A_147 = arith.constant 1 : i32
      %eq3A_148 = arith.cmpi eq, %select_n3A_146, %eq3A_147 : i32
      %convert_element_type3A_149 = arith.extui %eq3A_148 : i1 to i32
      %cond3A_150 = arith.constant 0 : i32
      %cond3A_151 = arith.cmpi ne, %convert_element_type3A_149, %cond3A_150 : i32
      scf.if %cond3A_151 {
        %dma_wait3A_152 = arith.constant 0 : i32
        %dma_wait3A_153 = arith.constant 0 : i32
        %dma_wait3A_154 = tpu.memref_slice %arg11[%dma_wait3A_152, %dma_wait3A_153] : memref<80x128xf32, #tpu.memory_space<vmem>> -> memref<40x128xf32, #tpu.memory_space<vmem>>
        %dma_wait3A_155 = arith.constant 0 : i32
        %dma_wait3A_156 = tpu.memref_slice %arg7[%dma_wait3A_155] : memref<10000xi32, #tpu.memory_space<vmem>> -> memref<40xi32, #tpu.memory_space<vmem>>
        %dma_wait3A_157 = arith.constant 0 : i32
        %dma_wait3A_158 = arith.constant 0 : i32
        %dma_wait3A_159 = tpu.memref_slice %arg2[%dma_wait3A_157, %dma_wait3A_158] : memref<10000x128xf32, #tpu.memory_space<hbm>> -> memref<10000x128xf32, #tpu.memory_space<hbm>>
        tpu.wait_indirect_dma semaphore(%arg16 : memref<!tpu.dma_semaphore, #tpu.memory_space<semaphore_mem>>) src(%dma_wait3A_159 : memref<10000x128xf32, #tpu.memory_space<hbm>>) dst(%dma_wait3A_154 : memref<40x128xf32, #tpu.memory_space<vmem>>)
        %dma_wait3A_160 = arith.constant 40 : i32
        %dma_wait3A_161 = arith.constant 0 : i32
        %dma_wait3A_162 = tpu.memref_slice %arg11[%dma_wait3A_160, %dma_wait3A_161] : memref<80x128xf32, #tpu.memory_space<vmem>> -> memref<40x128xf32, #tpu.memory_space<vmem>>
        %dma_wait3A_163 = arith.constant 0 : i32
        %dma_wait3A_164 = tpu.memref_slice %arg7[%dma_wait3A_163] : memref<10000xi32, #tpu.memory_space<vmem>> -> memref<40xi32, #tpu.memory_space<vmem>>
        %dma_wait3A_165 = arith.constant 0 : i32
        %dma_wait3A_166 = arith.constant 0 : i32
        %dma_wait3A_167 = tpu.memref_slice %arg2[%dma_wait3A_165, %dma_wait3A_166] : memref<10000x128xf32, #tpu.memory_space<hbm>> -> memref<10000x128xf32, #tpu.memory_space<hbm>>
        tpu.wait_indirect_dma semaphore(%arg16 : memref<!tpu.dma_semaphore, #tpu.memory_space<semaphore_mem>>) src(%dma_wait3A_167 : memref<10000x128xf32, #tpu.memory_space<hbm>>) dst(%dma_wait3A_162 : memref<40x128xf32, #tpu.memory_space<vmem>>)
        %dma_wait3A_168 = arith.constant 320000 : i32
        %dma_wait3A_169 = tpu.memref_slice %arg3[%dma_wait3A_168] : memref<640000xi32, #tpu.memory_space<hbm>> -> memref<80xi32, #tpu.memory_space<hbm>>
        %dma_wait3A_170 = arith.constant 320000 : i32
        %dma_wait3A_171 = tpu.memref_slice %arg3[%dma_wait3A_170] : memref<640000xi32, #tpu.memory_space<hbm>> -> memref<80xi32, #tpu.memory_space<hbm>>
        tpu.wait_dma2 semaphore(%arg17 : memref<!tpu.dma_semaphore, #tpu.memory_space<semaphore_mem>>) src(%dma_wait3A_171 : memref<80xi32, #tpu.memory_space<hbm>>) dst(%arg13 : memref<80xi32, #tpu.memory_space<vmem>>)
        %ge3A = arith.constant 1 : i32
        %ge3A_172 = arith.cmpi sge, %add3A_114, %ge3A : i32
        %convert_element_type3A_173 = arith.extui %ge3A_172 : i1 to i32
        %cond3A_174 = arith.constant 0 : i32
        %cond3A_175 = arith.cmpi ne, %convert_element_type3A_173, %cond3A_174 : i32
        scf.if %cond3A_175 {
          %dma_wait3A_191 = arith.constant 0 : i32
          %dma_wait3A_192 = arith.constant 0 : i32
          %dma_wait3A_193 = tpu.memref_slice %arg14[%dma_wait3A_191, %dma_wait3A_192] : memref<10000x128xf32, #tpu.memory_space<vmem_shared>> -> memref<10000x128xf32, #tpu.memory_space<vmem_shared>>
          tpu.wait_indirect_dma semaphore(%arg18 : memref<!tpu.dma_semaphore, #tpu.memory_space<semaphore_mem>>) src(%arg10 : memref<80x128xf32, #tpu.memory_space<vmem>>) dst(%dma_wait3A_193 : memref<10000x128xf32, #tpu.memory_space<vmem_shared>>)
        } else {
        }
        %add3A_176 = arith.constant 1 : i32
        %add3A_177 = arith.addi %add3A_114, %add3A_176 : i32
        %lt3A_178 = arith.constant 125 : i32
        %lt3A_179 = arith.cmpi slt, %add3A_177, %lt3A_178 : i32
        %convert_element_type3A_180 = arith.extui %lt3A_179 : i1 to i32
        %cond3A_181 = arith.constant 0 : i32
        %cond3A_182 = arith.cmpi ne, %convert_element_type3A_180, %cond3A_181 : i32
        scf.if %cond3A_182 {
          %add3A_191 = arith.constant 1 : i32
          %add3A_192 = arith.addi %add3A_114, %add3A_191 : i32
          %add3A_193 = arith.constant 320000 : i32
          %add3A_194 = arith.addi %add3A_193, %mul3A_2 : i32
          %mul3A_195 = arith.constant 80 : i32
          %mul3A_196 = arith.muli %add3A_192, %mul3A_195 : i32
          %add3A_197 = arith.addi %add3A_194, %mul3A_196 : i32
          %dma_start3A_198 = tpu.memref_slice %arg3[%add3A_197] : memref<640000xi32, #tpu.memory_space<hbm>> -> memref<80xi32, #tpu.memory_space<hbm>>
          %dma_start3A_199 = tpu.memref_slice %arg3[%add3A_197] : memref<640000xi32, #tpu.memory_space<hbm>> -> memref<80xi32, #tpu.memory_space<hbm>>
          tpu.enqueue_dma source(%dma_start3A_199 : memref<80xi32, #tpu.memory_space<hbm>>) target(%arg12 : memref<80xi32, #tpu.memory_space<vmem>>) target_semaphore(%arg17 : memref<!tpu.dma_semaphore, #tpu.memory_space<semaphore_mem>>)
          %add3A_200 = arith.constant 1 : i32
          %add3A_201 = arith.addi %add3A_114, %add3A_200 : i32
          %mul3A_202 = arith.constant 80 : i32
          %mul3A_203 = arith.muli %add3A_201, %mul3A_202 : i32
          %dma_start3A_204 = arith.constant 0 : i32
          %dma_start3A_205 = arith.constant 0 : i32
          %dma_start3A_206 = tpu.memref_slice %arg10[%dma_start3A_204, %dma_start3A_205] : memref<80x128xf32, #tpu.memory_space<vmem>> -> memref<40x128xf32, #tpu.memory_space<vmem>>
          %dma_start3A_207 = tpu.memref_slice %arg7[%mul3A_203] : memref<10000xi32, #tpu.memory_space<vmem>> -> memref<40xi32, #tpu.memory_space<vmem>>
          %dma_start3A_208 = arith.constant 0 : i32
          %dma_start3A_209 = arith.constant 0 : i32
          %dma_start3A_210 = tpu.memref_slice %arg2[%dma_start3A_208, %dma_start3A_209] : memref<10000x128xf32, #tpu.memory_space<hbm>> -> memref<10000x128xf32, #tpu.memory_space<hbm>>
          tpu.enqueue_indirect_dma source(%dma_start3A_210 : memref<10000x128xf32, #tpu.memory_space<hbm>>) target(%dma_start3A_206 : memref<40x128xf32, #tpu.memory_space<vmem>>) offsets(%dma_start3A_207 : memref<40xi32, #tpu.memory_space<vmem>>) semaphore(%arg16 : memref<!tpu.dma_semaphore, #tpu.memory_space<semaphore_mem>>)
          %mul3A_211 = arith.constant 80 : i32
          %mul3A_212 = arith.muli %add3A_201, %mul3A_211 : i32
          %add3A_213 = arith.constant 40 : i32
          %add3A_214 = arith.addi %mul3A_212, %add3A_213 : i32
          %dma_start3A_215 = arith.constant 40 : i32
          %dma_start3A_216 = arith.constant 0 : i32
          %dma_start3A_217 = tpu.memref_slice %arg10[%dma_start3A_215, %dma_start3A_216] : memref<80x128xf32, #tpu.memory_space<vmem>> -> memref<40x128xf32, #tpu.memory_space<vmem>>
          %dma_start3A_218 = tpu.memref_slice %arg7[%add3A_214] : memref<10000xi32, #tpu.memory_space<vmem>> -> memref<40xi32, #tpu.memory_space<vmem>>
          %dma_start3A_219 = arith.constant 0 : i32
          %dma_start3A_220 = arith.constant 0 : i32
          %dma_start3A_221 = tpu.memref_slice %arg2[%dma_start3A_219, %dma_start3A_220] : memref<10000x128xf32, #tpu.memory_space<hbm>> -> memref<10000x128xf32, #tpu.memory_space<hbm>>
          tpu.enqueue_indirect_dma source(%dma_start3A_221 : memref<10000x128xf32, #tpu.memory_space<hbm>>) target(%dma_start3A_217 : memref<40x128xf32, #tpu.memory_space<vmem>>) offsets(%dma_start3A_218 : memref<40xi32, #tpu.memory_space<vmem>>) semaphore(%arg16 : memref<!tpu.dma_semaphore, #tpu.memory_space<semaphore_mem>>)
        } else {
        }
        %scan3A_183 = arith.constant 0 : i32
        %scan3A_184 = arith.constant 5 : i32
        %scan3A_185 = arith.addi %scan3A_183, %scan3A_184 : i32
        %scan3A_186 = arith.constant 1 : i32
        scf.for %scan3A_191 = %scan3A_183 to %scan3A_185 step %scan3A_186  : i32 {
          %mul3A_192 = arith.constant 1 : i32
          %mul3A_193 = arith.muli %scan3A_191, %mul3A_192 : i32
          %add3A_194 = arith.constant 0 : i32
          %add3A_195 = arith.addi %add3A_194, %mul3A_193 : i32
          %mul3A_196 = arith.constant 80 : i32
          %mul3A_197 = arith.muli %add3A_114, %mul3A_196 : i32
          %mul3A_198 = arith.constant 16 : i32
          %mul3A_199 = arith.muli %add3A_195, %mul3A_198 : i32
          %add3A_200 = arith.addi %mul3A_197, %mul3A_199 : i32
          %get3A = arith.index_cast %add3A_200 : i32 to index
          %get3A_201 = tpu.vector_load %arg8[%get3A] {strides = array<i32>} : memref<10000xf32, #tpu.memory_space<vmem>>, vector<16xf32>,
          %mul3A_202 = arith.constant 16 : i32
          %mul3A_203 = arith.muli %add3A_195, %mul3A_202 : i32
          %get3A_204 = arith.index_cast %mul3A_203 : i32 to index
          %get3A_205 = tpu.vector_load %arg13[%get3A_204] {strides = array<i32>} : memref<80xi32, #tpu.memory_space<vmem>>, vector<16xi32>,
          tpu.vector_store_idx %arg9[%get3A_205], %get3A_201 {add = true} : memref<10000xf32, #tpu.memory_space<vmem>>[vector<16xi32>], vector<16xf32>,
          %broadcast_in_dim3A_206 = arith.constant 0 : i32
          %broadcast_in_dim3A_207 = vector.broadcast %broadcast_in_dim3A_206 : i32 to vector<16xi32>
          %broadcast_in_dim3A_208 = vector.shape_cast %broadcast_in_dim3A_207 : vector<16xi32> to vector<16x1xi32>
          %gather3A = vector.shape_cast %broadcast_in_dim3A_208 : vector<16x1xi32> to vector<16xi32>
          %gather3A_209 = tpu.dynamic_gather %get3A_201[%gather3A] in [0] : vector<16xf32>, vector<16xi32> -> vector<16xf32>
          %mul3A_210 = arith.constant 16 : i32
          %mul3A_211 = arith.muli %add3A_195, %mul3A_210 : i32
          %add3A_212 = arith.constant 0 : i32
          %add3A_213 = arith.addi %mul3A_211, %add3A_212 : i32
          %get3A_214 = arith.index_cast %add3A_213 : i32 to index
          %get3A_215 = arith.constant 0 : index
          %get3A_216 = tpu.vector_load %arg11[%get3A_214, %get3A_215] {strides = array<i32>} : memref<80x128xf32, #tpu.memory_space<vmem>>, vector<16xf32>,
          %mul3A_217 = arith.mulf %get3A_216, %gather3A_209 : vector<16xf32>
          %swap3A = arith.index_cast %add3A_213 : i32 to index
          %swap3A_218 = arith.constant 0 : index
          %swap3A_219 = tpu.vector_load %arg11[%swap3A, %swap3A_218] {strides = array<i32>} : memref<80x128xf32, #tpu.memory_space<vmem>>, vector<16xf32>,
          tpu.vector_store %arg11[%swap3A, %swap3A_218], %mul3A_217 {strides = array<i32>} : memref<80x128xf32, #tpu.memory_space<vmem>>, vector<16xf32>,
          %get3A_220 = arith.index_cast %add3A_213 : i32 to index
          %get3A_221 = arith.constant 16 : index
          %get3A_222 = tpu.vector_load %arg11[%get3A_220, %get3A_221] {strides = array<i32>} : memref<80x128xf32, #tpu.memory_space<vmem>>, vector<16xf32>,
          %mul3A_223 = arith.mulf %get3A_222, %gather3A_209 : vector<16xf32>
          %swap3A_224 = arith.index_cast %add3A_213 : i32 to index
          %swap3A_225 = arith.constant 16 : index
          %swap3A_226 = tpu.vector_load %arg11[%swap3A_224, %swap3A_225] {strides = array<i32>} : memref<80x128xf32, #tpu.memory_space<vmem>>, vector<16xf32>,
          tpu.vector_store %arg11[%swap3A_224, %swap3A_225], %mul3A_223 {strides = array<i32>} : memref<80x128xf32, #tpu.memory_space<vmem>>, vector<16xf32>,
          %get3A_227 = arith.index_cast %add3A_213 : i32 to index
          %get3A_228 = arith.constant 32 : index
          %get3A_229 = tpu.vector_load %arg11[%get3A_227, %get3A_228] {strides = array<i32>} : memref<80x128xf32, #tpu.memory_space<vmem>>, vector<16xf32>,
          %mul3A_230 = arith.mulf %get3A_229, %gather3A_209 : vector<16xf32>
          %swap3A_231 = arith.index_cast %add3A_213 : i32 to index
          %swap3A_232 = arith.constant 32 : index
          %swap3A_233 = tpu.vector_load %arg11[%swap3A_231, %swap3A_232] {strides = array<i32>} : memref<80x128xf32, #tpu.memory_space<vmem>>, vector<16xf32>,
          tpu.vector_store %arg11[%swap3A_231, %swap3A_232], %mul3A_230 {strides = array<i32>} : memref<80x128xf32, #tpu.memory_space<vmem>>, vector<16xf32>,
          %get3A_234 = arith.index_cast %add3A_213 : i32 to index
          %get3A_235 = arith.constant 48 : index
          %get3A_236 = tpu.vector_load %arg11[%get3A_234, %get3A_235] {strides = array<i32>} : memref<80x128xf32, #tpu.memory_space<vmem>>, vector<16xf32>,
          %mul3A_237 = arith.mulf %get3A_236, %gather3A_209 : vector<16xf32>
          %swap3A_238 = arith.index_cast %add3A_213 : i32 to index
          %swap3A_239 = arith.constant 48 : index
          %swap3A_240 = tpu.vector_load %arg11[%swap3A_238, %swap3A_239] {strides = array<i32>} : memref<80x128xf32, #tpu.memory_space<vmem>>, vector<16xf32>,
          tpu.vector_store %arg11[%swap3A_238, %swap3A_239], %mul3A_237 {strides = array<i32>} : memref<80x128xf32, #tpu.memory_space<vmem>>, vector<16xf32>,
          %get3A_241 = arith.index_cast %add3A_213 : i32 to index
          %get3A_242 = arith.constant 64 : index
          %get3A_243 = tpu.vector_load %arg11[%get3A_241, %get3A_242] {strides = array<i32>} : memref<80x128xf32, #tpu.memory_space<vmem>>, vector<16xf32>,
          %mul3A_244 = arith.mulf %get3A_243, %gather3A_209 : vector<16xf32>
          %swap3A_245 = arith.index_cast %add3A_213 : i32 to index
          %swap3A_246 = arith.constant 64 : index
          %swap3A_247 = tpu.vector_load %arg11[%swap3A_245, %swap3A_246] {strides = array<i32>} : memref<80x128xf32, #tpu.memory_space<vmem>>, vector<16xf32>,
          tpu.vector_store %arg11[%swap3A_245, %swap3A_246], %mul3A_244 {strides = array<i32>} : memref<80x128xf32, #tpu.memory_space<vmem>>, vector<16xf32>,
          %get3A_248 = arith.index_cast %add3A_213 : i32 to index
          %get3A_249 = arith.constant 80 : index
          %get3A_250 = tpu.vector_load %arg11[%get3A_248, %get3A_249] {strides = array<i32>} : memref<80x128xf32, #tpu.memory_space<vmem>>, vector<16xf32>,
          %mul3A_251 = arith.mulf %get3A_250, %gather3A_209 : vector<16xf32>
          %swap3A_252 = arith.index_cast %add3A_213 : i32 to index
          %swap3A_253 = arith.constant 80 : index
          %swap3A_254 = tpu.vector_load %arg11[%swap3A_252, %swap3A_253] {strides = array<i32>} : memref<80x128xf32, #tpu.memory_space<vmem>>, vector<16xf32>,
          tpu.vector_store %arg11[%swap3A_252, %swap3A_253], %mul3A_251 {strides = array<i32>} : memref<80x128xf32, #tpu.memory_space<vmem>>, vector<16xf32>,
          %get3A_255 = arith.index_cast %add3A_213 : i32 to index
          %get3A_256 = arith.constant 96 : index
          %get3A_257 = tpu.vector_load %arg11[%get3A_255, %get3A_256] {strides = array<i32>} : memref<80x128xf32, #tpu.memory_space<vmem>>, vector<16xf32>,
          %mul3A_258 = arith.mulf %get3A_257, %gather3A_209 : vector<16xf32>
          %swap3A_259 = arith.index_cast %add3A_213 : i32 to index
          %swap3A_260 = arith.constant 96 : index
          %swap3A_261 = tpu.vector_load %arg11[%swap3A_259, %swap3A_260] {strides = array<i32>} : memref<80x128xf32, #tpu.memory_space<vmem>>, vector<16xf32>,
          tpu.vector_store %arg11[%swap3A_259, %swap3A_260], %mul3A_258 {strides = array<i32>} : memref<80x128xf32, #tpu.memory_space<vmem>>, vector<16xf32>,
          %get3A_262 = arith.index_cast %add3A_213 : i32 to index
          %get3A_263 = arith.constant 112 : index
          %get3A_264 = tpu.vector_load %arg11[%get3A_262, %get3A_263] {strides = array<i32>} : memref<80x128xf32, #tpu.memory_space<vmem>>, vector<16xf32>,
          %mul3A_265 = arith.mulf %get3A_264, %gather3A_209 : vector<16xf32>
          %swap3A_266 = arith.index_cast %add3A_213 : i32 to index
          %swap3A_267 = arith.constant 112 : index
          %swap3A_268 = tpu.vector_load %arg11[%swap3A_266, %swap3A_267] {strides = array<i32>} : memref<80x128xf32, #tpu.memory_space<vmem>>, vector<16xf32>,
          tpu.vector_store %arg11[%swap3A_266, %swap3A_267], %mul3A_265 {strides = array<i32>} : memref<80x128xf32, #tpu.memory_space<vmem>>, vector<16xf32>,
          %broadcast_in_dim3A_269 = arith.constant 1 : i32
          %broadcast_in_dim3A_270 = vector.broadcast %broadcast_in_dim3A_269 : i32 to vector<16xi32>
          %broadcast_in_dim3A_271 = vector.shape_cast %broadcast_in_dim3A_270 : vector<16xi32> to vector<16x1xi32>
          %gather3A_272 = vector.shape_cast %broadcast_in_dim3A_271 : vector<16x1xi32> to vector<16xi32>
          %gather3A_273 = tpu.dynamic_gather %get3A_201[%gather3A_272] in [0] : vector<16xf32>, vector<16xi32> -> vector<16xf32>
          %mul3A_274 = arith.constant 16 : i32
          %mul3A_275 = arith.muli %add3A_195, %mul3A_274 : i32
          %add3A_276 = arith.constant 1 : i32
          %add3A_277 = arith.addi %mul3A_275, %add3A_276 : i32
          %get3A_278 = arith.index_cast %add3A_277 : i32 to index
          %get3A_279 = arith.constant 0 : index
          %get3A_280 = tpu.vector_load %arg11[%get3A_278, %get3A_279] {strides = array<i32>} : memref<80x128xf32, #tpu.memory_space<vmem>>, vector<16xf32>,
          %mul3A_281 = arith.mulf %get3A_280, %gather3A_273 : vector<16xf32>
          %swap3A_282 = arith.index_cast %add3A_277 : i32 to index
          %swap3A_283 = arith.constant 0 : index
          %swap3A_284 = tpu.vector_load %arg11[%swap3A_282, %swap3A_283] {strides = array<i32>} : memref<80x128xf32, #tpu.memory_space<vmem>>, vector<16xf32>,
          tpu.vector_store %arg11[%swap3A_282, %swap3A_283], %mul3A_281 {strides = array<i32>} : memref<80x128xf32, #tpu.memory_space<vmem>>, vector<16xf32>,
          %get3A_285 = arith.index_cast %add3A_277 : i32 to index
          %get3A_286 = arith.constant 16 : index
          %get3A_287 = tpu.vector_load %arg11[%get3A_285, %get3A_286] {strides = array<i32>} : memref<80x128xf32, #tpu.memory_space<vmem>>, vector<16xf32>,
          %mul3A_288 = arith.mulf %get3A_287, %gather3A_273 : vector<16xf32>
          %swap3A_289 = arith.index_cast %add3A_277 : i32 to index
          %swap3A_290 = arith.constant 16 : index
          %swap3A_291 = tpu.vector_load %arg11[%swap3A_289, %swap3A_290] {strides = array<i32>} : memref<80x128xf32, #tpu.memory_space<vmem>>, vector<16xf32>,
          tpu.vector_store %arg11[%swap3A_289, %swap3A_290], %mul3A_288 {strides = array<i32>} : memref<80x128xf32, #tpu.memory_space<vmem>>, vector<16xf32>,
          %get3A_292 = arith.index_cast %add3A_277 : i32 to index
          %get3A_293 = arith.constant 32 : index
          %get3A_294 = tpu.vector_load %arg11[%get3A_292, %get3A_293] {strides = array<i32>} : memref<80x128xf32, #tpu.memory_space<vmem>>, vector<16xf32>,
          %mul3A_295 = arith.mulf %get3A_294, %gather3A_273 : vector<16xf32>
          %swap3A_296 = arith.index_cast %add3A_277 : i32 to index
          %swap3A_297 = arith.constant 32 : index
          %swap3A_298 = tpu.vector_load %arg11[%swap3A_296, %swap3A_297] {strides = array<i32>} : memref<80x128xf32, #tpu.memory_space<vmem>>, vector<16xf32>,
          tpu.vector_store %arg11[%swap3A_296, %swap3A_297], %mul3A_295 {strides = array<i32>} : memref<80x128xf32, #tpu.memory_space<vmem>>, vector<16xf32>,
          %get3A_299 = arith.index_cast %add3A_277 : i32 to index
          %get3A_300 = arith.constant 48 : index
          %get3A_301 = tpu.vector_load %arg11[%get3A_299, %get3A_300] {strides = array<i32>} : memref<80x128xf32, #tpu.memory_space<vmem>>, vector<16xf32>,
          %mul3A_302 = arith.mulf %get3A_301, %gather3A_273 : vector<16xf32>
          %swap3A_303 = arith.index_cast %add3A_277 : i32 to index
          %swap3A_304 = arith.constant 48 : index
          %swap3A_305 = tpu.vector_load %arg11[%swap3A_303, %swap3A_304] {strides = array<i32>} : memref<80x128xf32, #tpu.memory_space<vmem>>, vector<16xf32>,
          tpu.vector_store %arg11[%swap3A_303, %swap3A_304], %mul3A_302 {strides = array<i32>} : memref<80x128xf32, #tpu.memory_space<vmem>>, vector<16xf32>,
          %get3A_306 = arith.index_cast %add3A_277 : i32 to index
          %get3A_307 = arith.constant 64 : index
          %get3A_308 = tpu.vector_load %arg11[%get3A_306, %get3A_307] {strides = array<i32>} : memref<80x128xf32, #tpu.memory_space<vmem>>, vector<16xf32>,
          %mul3A_309 = arith.mulf %get3A_308, %gather3A_273 : vector<16xf32>
          %swap3A_310 = arith.index_cast %add3A_277 : i32 to index
          %swap3A_311 = arith.constant 64 : index
          %swap3A_312 = tpu.vector_load %arg11[%swap3A_310, %swap3A_311] {strides = array<i32>} : memref<80x128xf32, #tpu.memory_space<vmem>>, vector<16xf32>,
          tpu.vector_store %arg11[%swap3A_310, %swap3A_311], %mul3A_309 {strides = array<i32>} : memref<80x128xf32, #tpu.memory_space<vmem>>, vector<16xf32>,
          %get3A_313 = arith.index_cast %add3A_277 : i32 to index
          %get3A_314 = arith.constant 80 : index
          %get3A_315 = tpu.vector_load %arg11[%get3A_313, %get3A_314] {strides = array<i32>} : memref<80x128xf32, #tpu.memory_space<vmem>>, vector<16xf32>,
          %mul3A_316 = arith.mulf %get3A_315, %gather3A_273 : vector<16xf32>
          %swap3A_317 = arith.index_cast %add3A_277 : i32 to index
          %swap3A_318 = arith.constant 80 : index
          %swap3A_319 = tpu.vector_load %arg11[%swap3A_317, %swap3A_318] {strides = array<i32>} : memref<80x128xf32, #tpu.memory_space<vmem>>, vector<16xf32>,
          tpu.vector_store %arg11[%swap3A_317, %swap3A_318], %mul3A_316 {strides = array<i32>} : memref<80x128xf32, #tpu.memory_space<vmem>>, vector<16xf32>,
          %get3A_320 = arith.index_cast %add3A_277 : i32 to index
          %get3A_321 = arith.constant 96 : index
          %get3A_322 = tpu.vector_load %arg11[%get3A_320, %get3A_321] {strides = array<i32>} : memref<80x128xf32, #tpu.memory_space<vmem>>, vector<16xf32>,
          %mul3A_323 = arith.mulf %get3A_322, %gather3A_273 : vector<16xf32>
          %swap3A_324 = arith.index_cast %add3A_277 : i32 to index
          %swap3A_325 = arith.constant 96 : index
          %swap3A_326 = tpu.vector_load %arg11[%swap3A_324, %swap3A_325] {strides = array<i32>} : memref<80x128xf32, #tpu.memory_space<vmem>>, vector<16xf32>,
          tpu.vector_store %arg11[%swap3A_324, %swap3A_325], %mul3A_323 {strides = array<i32>} : memref<80x128xf32, #tpu.memory_space<vmem>>, vector<16xf32>,
          %get3A_327 = arith.index_cast %add3A_277 : i32 to index
          %get3A_328 = arith.constant 112 : index
          %get3A_329 = tpu.vector_load %arg11[%get3A_327, %get3A_328] {strides = array<i32>} : memref<80x128xf32, #tpu.memory_space<vmem>>, vector<16xf32>,
          %mul3A_330 = arith.mulf %get3A_329, %gather3A_273 : vector<16xf32>
          %swap3A_331 = arith.index_cast %add3A_277 : i32 to index
          %swap3A_332 = arith.constant 112 : index
          %swap3A_333 = tpu.vector_load %arg11[%swap3A_331, %swap3A_332] {strides = array<i32>} : memref<80x128xf32, #tpu.memory_space<vmem>>, vector<16xf32>,
          tpu.vector_store %arg11[%swap3A_331, %swap3A_332], %mul3A_330 {strides = array<i32>} : memref<80x128xf32, #tpu.memory_space<vmem>>, vector<16xf32>,
          %broadcast_in_dim3A_334 = arith.constant 2 : i32
          %broadcast_in_dim3A_335 = vector.broadcast %broadcast_in_dim3A_334 : i32 to vector<16xi32>
          %broadcast_in_dim3A_336 = vector.shape_cast %broadcast_in_dim3A_335 : vector<16xi32> to vector<16x1xi32>
          %gather3A_337 = vector.shape_cast %broadcast_in_dim3A_336 : vector<16x1xi32> to vector<16xi32>
          %gather3A_338 = tpu.dynamic_gather %get3A_201[%gather3A_337] in [0] : vector<16xf32>, vector<16xi32> -> vector<16xf32>
          %mul3A_339 = arith.constant 16 : i32
          %mul3A_340 = arith.muli %add3A_195, %mul3A_339 : i32
          %add3A_341 = arith.constant 2 : i32
          %add3A_342 = arith.addi %mul3A_340, %add3A_341 : i32
          %get3A_343 = arith.index_cast %add3A_342 : i32 to index
          %get3A_344 = arith.constant 0 : index
          %get3A_345 = tpu.vector_load %arg11[%get3A_343, %get3A_344] {strides = array<i32>} : memref<80x128xf32, #tpu.memory_space<vmem>>, vector<16xf32>,
          %mul3A_346 = arith.mulf %get3A_345, %gather3A_338 : vector<16xf32>
          %swap3A_347 = arith.index_cast %add3A_342 : i32 to index
          %swap3A_348 = arith.constant 0 : index
          %swap3A_349 = tpu.vector_load %arg11[%swap3A_347, %swap3A_348] {strides = array<i32>} : memref<80x128xf32, #tpu.memory_space<vmem>>, vector<16xf32>,
          tpu.vector_store %arg11[%swap3A_347, %swap3A_348], %mul3A_346 {strides = array<i32>} : memref<80x128xf32, #tpu.memory_space<vmem>>, vector<16xf32>,
          %get3A_350 = arith.index_cast %add3A_342 : i32 to index
          %get3A_351 = arith.constant 16 : index
          %get3A_352 = tpu.vector_load %arg11[%get3A_350, %get3A_351] {strides = array<i32>} : memref<80x128xf32, #tpu.memory_space<vmem>>, vector<16xf32>,
          %mul3A_353 = arith.mulf %get3A_352, %gather3A_338 : vector<16xf32>
          %swap3A_354 = arith.index_cast %add3A_342 : i32 to index
          %swap3A_355 = arith.constant 16 : index
          %swap3A_356 = tpu.vector_load %arg11[%swap3A_354, %swap3A_355] {strides = array<i32>} : memref<80x128xf32, #tpu.memory_space<vmem>>, vector<16xf32>,
          tpu.vector_store %arg11[%swap3A_354, %swap3A_355], %mul3A_353 {strides = array<i32>} : memref<80x128xf32, #tpu.memory_space<vmem>>, vector<16xf32>,
          %get3A_357 = arith.index_cast %add3A_342 : i32 to index
          %get3A_358 = arith.constant 32 : index
          %get3A_359 = tpu.vector_load %arg11[%get3A_357, %get3A_358] {strides = array<i32>} : memref<80x128xf32, #tpu.memory_space<vmem>>, vector<16xf32>,
          %mul3A_360 = arith.mulf %get3A_359, %gather3A_338 : vector<16xf32>
          %swap3A_361 = arith.index_cast %add3A_342 : i32 to index
          %swap3A_362 = arith.constant 32 : index
          %swap3A_363 = tpu.vector_load %arg11[%swap3A_361, %swap3A_362] {strides = array<i32>} : memref<80x128xf32, #tpu.memory_space<vmem>>, vector<16xf32>,
          tpu.vector_store %arg11[%swap3A_361, %swap3A_362], %mul3A_360 {strides = array<i32>} : memref<80x128xf32, #tpu.memory_space<vmem>>, vector<16xf32>,
          %get3A_364 = arith.index_cast %add3A_342 : i32 to index
          %get3A_365 = arith.constant 48 : index
          %get3A_366 = tpu.vector_load %arg11[%get3A_364, %get3A_365] {strides = array<i32>} : memref<80x128xf32, #tpu.memory_space<vmem>>, vector<16xf32>,
          %mul3A_367 = arith.mulf %get3A_366, %gather3A_338 : vector<16xf32>
          %swap3A_368 = arith.index_cast %add3A_342 : i32 to index
          %swap3A_369 = arith.constant 48 : index
          %swap3A_370 = tpu.vector_load %arg11[%swap3A_368, %swap3A_369] {strides = array<i32>} : memref<80x128xf32, #tpu.memory_space<vmem>>, vector<16xf32>,
          tpu.vector_store %arg11[%swap3A_368, %swap3A_369], %mul3A_367 {strides = array<i32>} : memref<80x128xf32, #tpu.memory_space<vmem>>, vector<16xf32>,
          %get3A_371 = arith.index_cast %add3A_342 : i32 to index
          %get3A_372 = arith.constant 64 : index
          %get3A_373 = tpu.vector_load %arg11[%get3A_371, %get3A_372] {strides = array<i32>} : memref<80x128xf32, #tpu.memory_space<vmem>>, vector<16xf32>,
          %mul3A_374 = arith.mulf %get3A_373, %gather3A_338 : vector<16xf32>
          %swap3A_375 = arith.index_cast %add3A_342 : i32 to index
          %swap3A_376 = arith.constant 64 : index
          %swap3A_377 = tpu.vector_load %arg11[%swap3A_375, %swap3A_376] {strides = array<i32>} : memref<80x128xf32, #tpu.memory_space<vmem>>, vector<16xf32>,
          tpu.vector_store %arg11[%swap3A_375, %swap3A_376], %mul3A_374 {strides = array<i32>} : memref<80x128xf32, #tpu.memory_space<vmem>>, vector<16xf32>,
          %get3A_378 = arith.index_cast %add3A_342 : i32 to index
          %get3A_379 = arith.constant 80 : index
          %get3A_380 = tpu.vector_load %arg11[%get3A_378, %get3A_379] {strides = array<i32>} : memref<80x128xf32, #tpu.memory_space<vmem>>, vector<16xf32>,
          %mul3A_381 = arith.mulf %get3A_380, %gather3A_338 : vector<16xf32>
          %swap3A_382 = arith.index_cast %add3A_342 : i32 to index
          %swap3A_383 = arith.constant 80 : index
          %swap3A_384 = tpu.vector_load %arg11[%swap3A_382, %swap3A_383] {strides = array<i32>} : memref<80x128xf32, #tpu.memory_space<vmem>>, vector<16xf32>,
          tpu.vector_store %arg11[%swap3A_382, %swap3A_383], %mul3A_381 {strides = array<i32>} : memref<80x128xf32, #tpu.memory_space<vmem>>, vector<16xf32>,
          %get3A_385 = arith.index_cast %add3A_342 : i32 to index
          %get3A_386 = arith.constant 96 : index
          %get3A_387 = tpu.vector_load %arg11[%get3A_385, %get3A_386] {strides = array<i32>} : memref<80x128xf32, #tpu.memory_space<vmem>>, vector<16xf32>,
          %mul3A_388 = arith.mulf %get3A_387, %gather3A_338 : vector<16xf32>
          %swap3A_389 = arith.index_cast %add3A_342 : i32 to index
          %swap3A_390 = arith.constant 96 : index
          %swap3A_391 = tpu.vector_load %arg11[%swap3A_389, %swap3A_390] {strides = array<i32>} : memref<80x128xf32, #tpu.memory_space<vmem>>, vector<16xf32>,
          tpu.vector_store %arg11[%swap3A_389, %swap3A_390], %mul3A_388 {strides = array<i32>} : memref<80x128xf32, #tpu.memory_space<vmem>>, vector<16xf32>,
          %get3A_392 = arith.index_cast %add3A_342 : i32 to index
          %get3A_393 = arith.constant 112 : index
          %get3A_394 = tpu.vector_load %arg11[%get3A_392, %get3A_393] {strides = array<i32>} : memref<80x128xf32, #tpu.memory_space<vmem>>, vector<16xf32>,
          %mul3A_395 = arith.mulf %get3A_394, %gather3A_338 : vector<16xf32>
          %swap3A_396 = arith.index_cast %add3A_342 : i32 to index
          %swap3A_397 = arith.constant 112 : index
          %swap3A_398 = tpu.vector_load %arg11[%swap3A_396, %swap3A_397] {strides = array<i32>} : memref<80x128xf32, #tpu.memory_space<vmem>>, vector<16xf32>,
          tpu.vector_store %arg11[%swap3A_396, %swap3A_397], %mul3A_395 {strides = array<i32>} : memref<80x128xf32, #tpu.memory_space<vmem>>, vector<16xf32>,
          %broadcast_in_dim3A_399 = arith.constant 3 : i32
          %broadcast_in_dim3A_400 = vector.broadcast %broadcast_in_dim3A_399 : i32 to vector<16xi32>
          %broadcast_in_dim3A_401 = vector.shape_cast %broadcast_in_dim3A_400 : vector<16xi32> to vector<16x1xi32>
          %gather3A_402 = vector.shape_cast %broadcast_in_dim3A_401 : vector<16x1xi32> to vector<16xi32>
          %gather3A_403 = tpu.dynamic_gather %get3A_201[%gather3A_402] in [0] : vector<16xf32>, vector<16xi32> -> vector<16xf32>
          %mul3A_404 = arith.constant 16 : i32
          %mul3A_405 = arith.muli %add3A_195, %mul3A_404 : i32
          %add3A_406 = arith.constant 3 : i32
          %add3A_407 = arith.addi %mul3A_405, %add3A_406 : i32
          %get3A_408 = arith.index_cast %add3A_407 : i32 to index
          %get3A_409 = arith.constant 0 : index
          %get3A_410 = tpu.vector_load %arg11[%get3A_408, %get3A_409] {strides = array<i32>} : memref<80x128xf32, #tpu.memory_space<vmem>>, vector<16xf32>,
          %mul3A_411 = arith.mulf %get3A_410, %gather3A_403 : vector<16xf32>
          %swap3A_412 = arith.index_cast %add3A_407 : i32 to index
          %swap3A_413 = arith.constant 0 : index
          %swap3A_414 = tpu.vector_load %arg11[%swap3A_412, %swap3A_413] {strides = array<i32>} : memref<80x128xf32, #tpu.memory_space<vmem>>, vector<16xf32>,
          tpu.vector_store %arg11[%swap3A_412, %swap3A_413], %mul3A_411 {strides = array<i32>} : memref<80x128xf32, #tpu.memory_space<vmem>>, vector<16xf32>,
          %get3A_415 = arith.index_cast %add3A_407 : i32 to index
          %get3A_416 = arith.constant 16 : index
          %get3A_417 = tpu.vector_load %arg11[%get3A_415, %get3A_416] {strides = array<i32>} : memref<80x128xf32, #tpu.memory_space<vmem>>, vector<16xf32>,
          %mul3A_418 = arith.mulf %get3A_417, %gather3A_403 : vector<16xf32>
          %swap3A_419 = arith.index_cast %add3A_407 : i32 to index
          %swap3A_420 = arith.constant 16 : index
          %swap3A_421 = tpu.vector_load %arg11[%swap3A_419, %swap3A_420] {strides = array<i32>} : memref<80x128xf32, #tpu.memory_space<vmem>>, vector<16xf32>,
          tpu.vector_store %arg11[%swap3A_419, %swap3A_420], %mul3A_418 {strides = array<i32>} : memref<80x128xf32, #tpu.memory_space<vmem>>, vector<16xf32>,
          %get3A_422 = arith.index_cast %add3A_407 : i32 to index
          %get3A_423 = arith.constant 32 : index
          %get3A_424 = tpu.vector_load %arg11[%get3A_422, %get3A_423] {strides = array<i32>} : memref<80x128xf32, #tpu.memory_space<vmem>>, vector<16xf32>,
          %mul3A_425 = arith.mulf %get3A_424, %gather3A_403 : vector<16xf32>
          %swap3A_426 = arith.index_cast %add3A_407 : i32 to index
          %swap3A_427 = arith.constant 32 : index
          %swap3A_428 = tpu.vector_load %arg11[%swap3A_426, %swap3A_427] {strides = array<i32>} : memref<80x128xf32, #tpu.memory_space<vmem>>, vector<16xf32>,
          tpu.vector_store %arg11[%swap3A_426, %swap3A_427], %mul3A_425 {strides = array<i32>} : memref<80x128xf32, #tpu.memory_space<vmem>>, vector<16xf32>,
          %get3A_429 = arith.index_cast %add3A_407 : i32 to index
          %get3A_430 = arith.constant 48 : index
          %get3A_431 = tpu.vector_load %arg11[%get3A_429, %get3A_430] {strides = array<i32>} : memref<80x128xf32, #tpu.memory_space<vmem>>, vector<16xf32>,
          %mul3A_432 = arith.mulf %get3A_431, %gather3A_403 : vector<16xf32>
          %swap3A_433 = arith.index_cast %add3A_407 : i32 to index
          %swap3A_434 = arith.constant 48 : index
          %swap3A_435 = tpu.vector_load %arg11[%swap3A_433, %swap3A_434] {strides = array<i32>} : memref<80x128xf32, #tpu.memory_space<vmem>>, vector<16xf32>,
          tpu.vector_store %arg11[%swap3A_433, %swap3A_434], %mul3A_432 {strides = array<i32>} : memref<80x128xf32, #tpu.memory_space<vmem>>, vector<16xf32>,
          %get3A_436 = arith.index_cast %add3A_407 : i32 to index
          %get3A_437 = arith.constant 64 : index
          %get3A_438 = tpu.vector_load %arg11[%get3A_436, %get3A_437] {strides = array<i32>} : memref<80x128xf32, #tpu.memory_space<vmem>>, vector<16xf32>,
          %mul3A_439 = arith.mulf %get3A_438, %gather3A_403 : vector<16xf32>
          %swap3A_440 = arith.index_cast %add3A_407 : i32 to index
          %swap3A_441 = arith.constant 64 : index
          %swap3A_442 = tpu.vector_load %arg11[%swap3A_440, %swap3A_441] {strides = array<i32>} : memref<80x128xf32, #tpu.memory_space<vmem>>, vector<16xf32>,
          tpu.vector_store %arg11[%swap3A_440, %swap3A_441], %mul3A_439 {strides = array<i32>} : memref<80x128xf32, #tpu.memory_space<vmem>>, vector<16xf32>,
          %get3A_443 = arith.index_cast %add3A_407 : i32 to index
          %get3A_444 = arith.constant 80 : index
          %get3A_445 = tpu.vector_load %arg11[%get3A_443, %get3A_444] {strides = array<i32>} : memref<80x128xf32, #tpu.memory_space<vmem>>, vector<16xf32>,
          %mul3A_446 = arith.mulf %get3A_445, %gather3A_403 : vector<16xf32>
          %swap3A_447 = arith.index_cast %add3A_407 : i32 to index
          %swap3A_448 = arith.constant 80 : index
          %swap3A_449 = tpu.vector_load %arg11[%swap3A_447, %swap3A_448] {strides = array<i32>} : memref<80x128xf32, #tpu.memory_space<vmem>>, vector<16xf32>,
          tpu.vector_store %arg11[%swap3A_447, %swap3A_448], %mul3A_446 {strides = array<i32>} : memref<80x128xf32, #tpu.memory_space<vmem>>, vector<16xf32>,
          %get3A_450 = arith.index_cast %add3A_407 : i32 to index
          %get3A_451 = arith.constant 96 : index
          %get3A_452 = tpu.vector_load %arg11[%get3A_450, %get3A_451] {strides = array<i32>} : memref<80x128xf32, #tpu.memory_space<vmem>>, vector<16xf32>,
          %mul3A_453 = arith.mulf %get3A_452, %gather3A_403 : vector<16xf32>
          %swap3A_454 = arith.index_cast %add3A_407 : i32 to index
          %swap3A_455 = arith.constant 96 : index
          %swap3A_456 = tpu.vector_load %arg11[%swap3A_454, %swap3A_455] {strides = array<i32>} : memref<80x128xf32, #tpu.memory_space<vmem>>, vector<16xf32>,
          tpu.vector_store %arg11[%swap3A_454, %swap3A_455], %mul3A_453 {strides = array<i32>} : memref<80x128xf32, #tpu.memory_space<vmem>>, vector<16xf32>,
          %get3A_457 = arith.index_cast %add3A_407 : i32 to index
          %get3A_458 = arith.constant 112 : index
          %get3A_459 = tpu.vector_load %arg11[%get3A_457, %get3A_458] {strides = array<i32>} : memref<80x128xf32, #tpu.memory_space<vmem>>, vector<16xf32>,
          %mul3A_460 = arith.mulf %get3A_459, %gather3A_403 : vector<16xf32>
          %swap3A_461 = arith.index_cast %add3A_407 : i32 to index
          %swap3A_462 = arith.constant 112 : index
          %swap3A_463 = tpu.vector_load %arg11[%swap3A_461, %swap3A_462] {strides = array<i32>} : memref<80x128xf32, #tpu.memory_space<vmem>>, vector<16xf32>,
          tpu.vector_store %arg11[%swap3A_461, %swap3A_462], %mul3A_460 {strides = array<i32>} : memref<80x128xf32, #tpu.memory_space<vmem>>, vector<16xf32>,
          %broadcast_in_dim3A_464 = arith.constant 4 : i32
          %broadcast_in_dim3A_465 = vector.broadcast %broadcast_in_dim3A_464 : i32 to vector<16xi32>
          %broadcast_in_dim3A_466 = vector.shape_cast %broadcast_in_dim3A_465 : vector<16xi32> to vector<16x1xi32>
          %gather3A_467 = vector.shape_cast %broadcast_in_dim3A_466 : vector<16x1xi32> to vector<16xi32>
          %gather3A_468 = tpu.dynamic_gather %get3A_201[%gather3A_467] in [0] : vector<16xf32>, vector<16xi32> -> vector<16xf32>
          %mul3A_469 = arith.constant 16 : i32
          %mul3A_470 = arith.muli %add3A_195, %mul3A_469 : i32
          %add3A_471 = arith.constant 4 : i32
          %add3A_472 = arith.addi %mul3A_470, %add3A_471 : i32
          %get3A_473 = arith.index_cast %add3A_472 : i32 to index
          %get3A_474 = arith.constant 0 : index
          %get3A_475 = tpu.vector_load %arg11[%get3A_473, %get3A_474] {strides = array<i32>} : memref<80x128xf32, #tpu.memory_space<vmem>>, vector<16xf32>,
          %mul3A_476 = arith.mulf %get3A_475, %gather3A_468 : vector<16xf32>
          %swap3A_477 = arith.index_cast %add3A_472 : i32 to index
          %swap3A_478 = arith.constant 0 : index
          %swap3A_479 = tpu.vector_load %arg11[%swap3A_477, %swap3A_478] {strides = array<i32>} : memref<80x128xf32, #tpu.memory_space<vmem>>, vector<16xf32>,
          tpu.vector_store %arg11[%swap3A_477, %swap3A_478], %mul3A_476 {strides = array<i32>} : memref<80x128xf32, #tpu.memory_space<vmem>>, vector<16xf32>,
          %get3A_480 = arith.index_cast %add3A_472 : i32 to index
          %get3A_481 = arith.constant 16 : index
          %get3A_482 = tpu.vector_load %arg11[%get3A_480, %get3A_481] {strides = array<i32>} : memref<80x128xf32, #tpu.memory_space<vmem>>, vector<16xf32>,
          %mul3A_483 = arith.mulf %get3A_482, %gather3A_468 : vector<16xf32>
          %swap3A_484 = arith.index_cast %add3A_472 : i32 to index
          %swap3A_485 = arith.constant 16 : index
          %swap3A_486 = tpu.vector_load %arg11[%swap3A_484, %swap3A_485] {strides = array<i32>} : memref<80x128xf32, #tpu.memory_space<vmem>>, vector<16xf32>,
          tpu.vector_store %arg11[%swap3A_484, %swap3A_485], %mul3A_483 {strides = array<i32>} : memref<80x128xf32, #tpu.memory_space<vmem>>, vector<16xf32>,
          %get3A_487 = arith.index_cast %add3A_472 : i32 to index
          %get3A_488 = arith.constant 32 : index
          %get3A_489 = tpu.vector_load %arg11[%get3A_487, %get3A_488] {strides = array<i32>} : memref<80x128xf32, #tpu.memory_space<vmem>>, vector<16xf32>,
          %mul3A_490 = arith.mulf %get3A_489, %gather3A_468 : vector<16xf32>
          %swap3A_491 = arith.index_cast %add3A_472 : i32 to index
          %swap3A_492 = arith.constant 32 : index
          %swap3A_493 = tpu.vector_load %arg11[%swap3A_491, %swap3A_492] {strides = array<i32>} : memref<80x128xf32, #tpu.memory_space<vmem>>, vector<16xf32>,
          tpu.vector_store %arg11[%swap3A_491, %swap3A_492], %mul3A_490 {strides = array<i32>} : memref<80x128xf32, #tpu.memory_space<vmem>>, vector<16xf32>,
          %get3A_494 = arith.index_cast %add3A_472 : i32 to index
          %get3A_495 = arith.constant 48 : index
          %get3A_496 = tpu.vector_load %arg11[%get3A_494, %get3A_495] {strides = array<i32>} : memref<80x128xf32, #tpu.memory_space<vmem>>, vector<16xf32>,
          %mul3A_497 = arith.mulf %get3A_496, %gather3A_468 : vector<16xf32>
          %swap3A_498 = arith.index_cast %add3A_472 : i32 to index
          %swap3A_499 = arith.constant 48 : index
          %swap3A_500 = tpu.vector_load %arg11[%swap3A_498, %swap3A_499] {strides = array<i32>} : memref<80x128xf32, #tpu.memory_space<vmem>>, vector<16xf32>,
          tpu.vector_store %arg11[%swap3A_498, %swap3A_499], %mul3A_497 {strides = array<i32>} : memref<80x128xf32, #tpu.memory_space<vmem>>, vector<16xf32>,
          %get3A_501 = arith.index_cast %add3A_472 : i32 to index
          %get3A_502 = arith.constant 64 : index
          %get3A_503 = tpu.vector_load %arg11[%get3A_501, %get3A_502] {strides = array<i32>} : memref<80x128xf32, #tpu.memory_space<vmem>>, vector<16xf32>,
          %mul3A_504 = arith.mulf %get3A_503, %gather3A_468 : vector<16xf32>
          %swap3A_505 = arith.index_cast %add3A_472 : i32 to index
          %swap3A_506 = arith.constant 64 : index
          %swap3A_507 = tpu.vector_load %arg11[%swap3A_505, %swap3A_506] {strides = array<i32>} : memref<80x128xf32, #tpu.memory_space<vmem>>, vector<16xf32>,
          tpu.vector_store %arg11[%swap3A_505, %swap3A_506], %mul3A_504 {strides = array<i32>} : memref<80x128xf32, #tpu.memory_space<vmem>>, vector<16xf32>,
          %get3A_508 = arith.index_cast %add3A_472 : i32 to index
          %get3A_509 = arith.constant 80 : index
          %get3A_510 = tpu.vector_load %arg11[%get3A_508, %get3A_509] {strides = array<i32>} : memref<80x128xf32, #tpu.memory_space<vmem>>, vector<16xf32>,
          %mul3A_511 = arith.mulf %get3A_510, %gather3A_468 : vector<16xf32>
          %swap3A_512 = arith.index_cast %add3A_472 : i32 to index
          %swap3A_513 = arith.constant 80 : index
          %swap3A_514 = tpu.vector_load %arg11[%swap3A_512, %swap3A_513] {strides = array<i32>} : memref<80x128xf32, #tpu.memory_space<vmem>>, vector<16xf32>,
          tpu.vector_store %arg11[%swap3A_512, %swap3A_513], %mul3A_511 {strides = array<i32>} : memref<80x128xf32, #tpu.memory_space<vmem>>, vector<16xf32>,
          %get3A_515 = arith.index_cast %add3A_472 : i32 to index
          %get3A_516 = arith.constant 96 : index
          %get3A_517 = tpu.vector_load %arg11[%get3A_515, %get3A_516] {strides = array<i32>} : memref<80x128xf32, #tpu.memory_space<vmem>>, vector<16xf32>,
          %mul3A_518 = arith.mulf %get3A_517, %gather3A_468 : vector<16xf32>
          %swap3A_519 = arith.index_cast %add3A_472 : i32 to index
          %swap3A_520 = arith.constant 96 : index
          %swap3A_521 = tpu.vector_load %arg11[%swap3A_519, %swap3A_520] {strides = array<i32>} : memref<80x128xf32, #tpu.memory_space<vmem>>, vector<16xf32>,
          tpu.vector_store %arg11[%swap3A_519, %swap3A_520], %mul3A_518 {strides = array<i32>} : memref<80x128xf32, #tpu.memory_space<vmem>>, vector<16xf32>,
          %get3A_522 = arith.index_cast %add3A_472 : i32 to index
          %get3A_523 = arith.constant 112 : index
          %get3A_524 = tpu.vector_load %arg11[%get3A_522, %get3A_523] {strides = array<i32>} : memref<80x128xf32, #tpu.memory_space<vmem>>, vector<16xf32>,
          %mul3A_525 = arith.mulf %get3A_524, %gather3A_468 : vector<16xf32>
          %swap3A_526 = arith.index_cast %add3A_472 : i32 to index
          %swap3A_527 = arith.constant 112 : index
          %swap3A_528 = tpu.vector_load %arg11[%swap3A_526, %swap3A_527] {strides = array<i32>} : memref<80x128xf32, #tpu.memory_space<vmem>>, vector<16xf32>,
          tpu.vector_store %arg11[%swap3A_526, %swap3A_527], %mul3A_525 {strides = array<i32>} : memref<80x128xf32, #tpu.memory_space<vmem>>, vector<16xf32>,
          %broadcast_in_dim3A_529 = arith.constant 5 : i32
          %broadcast_in_dim3A_530 = vector.broadcast %broadcast_in_dim3A_529 : i32 to vector<16xi32>
          %broadcast_in_dim3A_531 = vector.shape_cast %broadcast_in_dim3A_530 : vector<16xi32> to vector<16x1xi32>
          %gather3A_532 = vector.shape_cast %broadcast_in_dim3A_531 : vector<16x1xi32> to vector<16xi32>
          %gather3A_533 = tpu.dynamic_gather %get3A_201[%gather3A_532] in [0] : vector<16xf32>, vector<16xi32> -> vector<16xf32>
          %mul3A_534 = arith.constant 16 : i32
          %mul3A_535 = arith.muli %add3A_195, %mul3A_534 : i32
          %add3A_536 = arith.constant 5 : i32
          %add3A_537 = arith.addi %mul3A_535, %add3A_536 : i32
          %get3A_538 = arith.index_cast %add3A_537 : i32 to index
          %get3A_539 = arith.constant 0 : index
          %get3A_540 = tpu.vector_load %arg11[%get3A_538, %get3A_539] {strides = array<i32>} : memref<80x128xf32, #tpu.memory_space<vmem>>, vector<16xf32>,
          %mul3A_541 = arith.mulf %get3A_540, %gather3A_533 : vector<16xf32>
          %swap3A_542 = arith.index_cast %add3A_537 : i32 to index
          %swap3A_543 = arith.constant 0 : index
          %swap3A_544 = tpu.vector_load %arg11[%swap3A_542, %swap3A_543] {strides = array<i32>} : memref<80x128xf32, #tpu.memory_space<vmem>>, vector<16xf32>,
          tpu.vector_store %arg11[%swap3A_542, %swap3A_543], %mul3A_541 {strides = array<i32>} : memref<80x128xf32, #tpu.memory_space<vmem>>, vector<16xf32>,
          %get3A_545 = arith.index_cast %add3A_537 : i32 to index
          %get3A_546 = arith.constant 16 : index
          %get3A_547 = tpu.vector_load %arg11[%get3A_545, %get3A_546] {strides = array<i32>} : memref<80x128xf32, #tpu.memory_space<vmem>>, vector<16xf32>,
          %mul3A_548 = arith.mulf %get3A_547, %gather3A_533 : vector<16xf32>
          %swap3A_549 = arith.index_cast %add3A_537 : i32 to index
          %swap3A_550 = arith.constant 16 : index
          %swap3A_551 = tpu.vector_load %arg11[%swap3A_549, %swap3A_550] {strides = array<i32>} : memref<80x128xf32, #tpu.memory_space<vmem>>, vector<16xf32>,
          tpu.vector_store %arg11[%swap3A_549, %swap3A_550], %mul3A_548 {strides = array<i32>} : memref<80x128xf32, #tpu.memory_space<vmem>>, vector<16xf32>,
          %get3A_552 = arith.index_cast %add3A_537 : i32 to index
          %get3A_553 = arith.constant 32 : index
          %get3A_554 = tpu.vector_load %arg11[%get3A_552, %get3A_553] {strides = array<i32>} : memref<80x128xf32, #tpu.memory_space<vmem>>, vector<16xf32>,
          %mul3A_555 = arith.mulf %get3A_554, %gather3A_533 : vector<16xf32>
          %swap3A_556 = arith.index_cast %add3A_537 : i32 to index
          %swap3A_557 = arith.constant 32 : index
          %swap3A_558 = tpu.vector_load %arg11[%swap3A_556, %swap3A_557] {strides = array<i32>} : memref<80x128xf32, #tpu.memory_space<vmem>>, vector<16xf32>,
          tpu.vector_store %arg11[%swap3A_556, %swap3A_557], %mul3A_555 {strides = array<i32>} : memref<80x128xf32, #tpu.memory_space<vmem>>, vector<16xf32>,
          %get3A_559 = arith.index_cast %add3A_537 : i32 to index
          %get3A_560 = arith.constant 48 : index
          %get3A_561 = tpu.vector_load %arg11[%get3A_559, %get3A_560] {strides = array<i32>} : memref<80x128xf32, #tpu.memory_space<vmem>>, vector<16xf32>,
          %mul3A_562 = arith.mulf %get3A_561, %gather3A_533 : vector<16xf32>
          %swap3A_563 = arith.index_cast %add3A_537 : i32 to index
          %swap3A_564 = arith.constant 48 : index
          %swap3A_565 = tpu.vector_load %arg11[%swap3A_563, %swap3A_564] {strides = array<i32>} : memref<80x128xf32, #tpu.memory_space<vmem>>, vector<16xf32>,
          tpu.vector_store %arg11[%swap3A_563, %swap3A_564], %mul3A_562 {strides = array<i32>} : memref<80x128xf32, #tpu.memory_space<vmem>>, vector<16xf32>,
          %get3A_566 = arith.index_cast %add3A_537 : i32 to index
          %get3A_567 = arith.constant 64 : index
          %get3A_568 = tpu.vector_load %arg11[%get3A_566, %get3A_567] {strides = array<i32>} : memref<80x128xf32, #tpu.memory_space<vmem>>, vector<16xf32>,
          %mul3A_569 = arith.mulf %get3A_568, %gather3A_533 : vector<16xf32>
          %swap3A_570 = arith.index_cast %add3A_537 : i32 to index
          %swap3A_571 = arith.constant 64 : index
          %swap3A_572 = tpu.vector_load %arg11[%swap3A_570, %swap3A_571] {strides = array<i32>} : memref<80x128xf32, #tpu.memory_space<vmem>>, vector<16xf32>,
          tpu.vector_store %arg11[%swap3A_570, %swap3A_571], %mul3A_569 {strides = array<i32>} : memref<80x128xf32, #tpu.memory_space<vmem>>, vector<16xf32>,
          %get3A_573 = arith.index_cast %add3A_537 : i32 to index
          %get3A_574 = arith.constant 80 : index
          %get3A_575 = tpu.vector_load %arg11[%get3A_573, %get3A_574] {strides = array<i32>} : memref<80x128xf32, #tpu.memory_space<vmem>>, vector<16xf32>,
          %mul3A_576 = arith.mulf %get3A_575, %gather3A_533 : vector<16xf32>
          %swap3A_577 = arith.index_cast %add3A_537 : i32 to index
          %swap3A_578 = arith.constant 80 : index
          %swap3A_579 = tpu.vector_load %arg11[%swap3A_577, %swap3A_578] {strides = array<i32>} : memref<80x128xf32, #tpu.memory_space<vmem>>, vector<16xf32>,
          tpu.vector_store %arg11[%swap3A_577, %swap3A_578], %mul3A_576 {strides = array<i32>} : memref<80x128xf32, #tpu.memory_space<vmem>>, vector<16xf32>,
          %get3A_580 = arith.index_cast %add3A_537 : i32 to index
          %get3A_581 = arith.constant 96 : index
          %get3A_582 = tpu.vector_load %arg11[%get3A_580, %get3A_581] {strides = array<i32>} : memref<80x128xf32, #tpu.memory_space<vmem>>, vector<16xf32>,
          %mul3A_583 = arith.mulf %get3A_582, %gather3A_533 : vector<16xf32>
          %swap3A_584 = arith.index_cast %add3A_537 : i32 to index
          %swap3A_585 = arith.constant 96 : index
          %swap3A_586 = tpu.vector_load %arg11[%swap3A_584, %swap3A_585] {strides = array<i32>} : memref<80x128xf32, #tpu.memory_space<vmem>>, vector<16xf32>,
          tpu.vector_store %arg11[%swap3A_584, %swap3A_585], %mul3A_583 {strides = array<i32>} : memref<80x128xf32, #tpu.memory_space<vmem>>, vector<16xf32>,
          %get3A_587 = arith.index_cast %add3A_537 : i32 to index
          %get3A_588 = arith.constant 112 : index
          %get3A_589 = tpu.vector_load %arg11[%get3A_587, %get3A_588] {strides = array<i32>} : memref<80x128xf32, #tpu.memory_space<vmem>>, vector<16xf32>,
          %mul3A_590 = arith.mulf %get3A_589, %gather3A_533 : vector<16xf32>
          %swap3A_591 = arith.index_cast %add3A_537 : i32 to index
          %swap3A_592 = arith.constant 112 : index
          %swap3A_593 = tpu.vector_load %arg11[%swap3A_591, %swap3A_592] {strides = array<i32>} : memref<80x128xf32, #tpu.memory_space<vmem>>, vector<16xf32>,
          tpu.vector_store %arg11[%swap3A_591, %swap3A_592], %mul3A_590 {strides = array<i32>} : memref<80x128xf32, #tpu.memory_space<vmem>>, vector<16xf32>,
          %broadcast_in_dim3A_594 = arith.constant 6 : i32
          %broadcast_in_dim3A_595 = vector.broadcast %broadcast_in_dim3A_594 : i32 to vector<16xi32>
          %broadcast_in_dim3A_596 = vector.shape_cast %broadcast_in_dim3A_595 : vector<16xi32> to vector<16x1xi32>
          %gather3A_597 = vector.shape_cast %broadcast_in_dim3A_596 : vector<16x1xi32> to vector<16xi32>
          %gather3A_598 = tpu.dynamic_gather %get3A_201[%gather3A_597] in [0] : vector<16xf32>, vector<16xi32> -> vector<16xf32>
          %mul3A_599 = arith.constant 16 : i32
          %mul3A_600 = arith.muli %add3A_195, %mul3A_599 : i32
          %add3A_601 = arith.constant 6 : i32
          %add3A_602 = arith.addi %mul3A_600, %add3A_601 : i32
          %get3A_603 = arith.index_cast %add3A_602 : i32 to index
          %get3A_604 = arith.constant 0 : index
          %get3A_605 = tpu.vector_load %arg11[%get3A_603, %get3A_604] {strides = array<i32>} : memref<80x128xf32, #tpu.memory_space<vmem>>, vector<16xf32>,
          %mul3A_606 = arith.mulf %get3A_605, %gather3A_598 : vector<16xf32>
          %swap3A_607 = arith.index_cast %add3A_602 : i32 to index
          %swap3A_608 = arith.constant 0 : index
          %swap3A_609 = tpu.vector_load %arg11[%swap3A_607, %swap3A_608] {strides = array<i32>} : memref<80x128xf32, #tpu.memory_space<vmem>>, vector<16xf32>,
          tpu.vector_store %arg11[%swap3A_607, %swap3A_608], %mul3A_606 {strides = array<i32>} : memref<80x128xf32, #tpu.memory_space<vmem>>, vector<16xf32>,
          %get3A_610 = arith.index_cast %add3A_602 : i32 to index
          %get3A_611 = arith.constant 16 : index
          %get3A_612 = tpu.vector_load %arg11[%get3A_610, %get3A_611] {strides = array<i32>} : memref<80x128xf32, #tpu.memory_space<vmem>>, vector<16xf32>,
          %mul3A_613 = arith.mulf %get3A_612, %gather3A_598 : vector<16xf32>
          %swap3A_614 = arith.index_cast %add3A_602 : i32 to index
          %swap3A_615 = arith.constant 16 : index
          %swap3A_616 = tpu.vector_load %arg11[%swap3A_614, %swap3A_615] {strides = array<i32>} : memref<80x128xf32, #tpu.memory_space<vmem>>, vector<16xf32>,
          tpu.vector_store %arg11[%swap3A_614, %swap3A_615], %mul3A_613 {strides = array<i32>} : memref<80x128xf32, #tpu.memory_space<vmem>>, vector<16xf32>,
          %get3A_617 = arith.index_cast %add3A_602 : i32 to index
          %get3A_618 = arith.constant 32 : index
          %get3A_619 = tpu.vector_load %arg11[%get3A_617, %get3A_618] {strides = array<i32>} : memref<80x128xf32, #tpu.memory_space<vmem>>, vector<16xf32>,
          %mul3A_620 = arith.mulf %get3A_619, %gather3A_598 : vector<16xf32>
          %swap3A_621 = arith.index_cast %add3A_602 : i32 to index
          %swap3A_622 = arith.constant 32 : index
          %swap3A_623 = tpu.vector_load %arg11[%swap3A_621, %swap3A_622] {strides = array<i32>} : memref<80x128xf32, #tpu.memory_space<vmem>>, vector<16xf32>,
          tpu.vector_store %arg11[%swap3A_621, %swap3A_622], %mul3A_620 {strides = array<i32>} : memref<80x128xf32, #tpu.memory_space<vmem>>, vector<16xf32>,
          %get3A_624 = arith.index_cast %add3A_602 : i32 to index
          %get3A_625 = arith.constant 48 : index
          %get3A_626 = tpu.vector_load %arg11[%get3A_624, %get3A_625] {strides = array<i32>} : memref<80x128xf32, #tpu.memory_space<vmem>>, vector<16xf32>,
          %mul3A_627 = arith.mulf %get3A_626, %gather3A_598 : vector<16xf32>
          %swap3A_628 = arith.index_cast %add3A_602 : i32 to index
          %swap3A_629 = arith.constant 48 : index
          %swap3A_630 = tpu.vector_load %arg11[%swap3A_628, %swap3A_629] {strides = array<i32>} : memref<80x128xf32, #tpu.memory_space<vmem>>, vector<16xf32>,
          tpu.vector_store %arg11[%swap3A_628, %swap3A_629], %mul3A_627 {strides = array<i32>} : memref<80x128xf32, #tpu.memory_space<vmem>>, vector<16xf32>,
          %get3A_631 = arith.index_cast %add3A_602 : i32 to index
          %get3A_632 = arith.constant 64 : index
          %get3A_633 = tpu.vector_load %arg11[%get3A_631, %get3A_632] {strides = array<i32>} : memref<80x128xf32, #tpu.memory_space<vmem>>, vector<16xf32>,
          %mul3A_634 = arith.mulf %get3A_633, %gather3A_598 : vector<16xf32>
          %swap3A_635 = arith.index_cast %add3A_602 : i32 to index
          %swap3A_636 = arith.constant 64 : index
          %swap3A_637 = tpu.vector_load %arg11[%swap3A_635, %swap3A_636] {strides = array<i32>} : memref<80x128xf32, #tpu.memory_space<vmem>>, vector<16xf32>,
          tpu.vector_store %arg11[%swap3A_635, %swap3A_636], %mul3A_634 {strides = array<i32>} : memref<80x128xf32, #tpu.memory_space<vmem>>, vector<16xf32>,
          %get3A_638 = arith.index_cast %add3A_602 : i32 to index
          %get3A_639 = arith.constant 80 : index
          %get3A_640 = tpu.vector_load %arg11[%get3A_638, %get3A_639] {strides = array<i32>} : memref<80x128xf32, #tpu.memory_space<vmem>>, vector<16xf32>,
          %mul3A_641 = arith.mulf %get3A_640, %gather3A_598 : vector<16xf32>
          %swap3A_642 = arith.index_cast %add3A_602 : i32 to index
          %swap3A_643 = arith.constant 80 : index
          %swap3A_644 = tpu.vector_load %arg11[%swap3A_642, %swap3A_643] {strides = array<i32>} : memref<80x128xf32, #tpu.memory_space<vmem>>, vector<16xf32>,
          tpu.vector_store %arg11[%swap3A_642, %swap3A_643], %mul3A_641 {strides = array<i32>} : memref<80x128xf32, #tpu.memory_space<vmem>>, vector<16xf32>,
          %get3A_645 = arith.index_cast %add3A_602 : i32 to index
          %get3A_646 = arith.constant 96 : index
          %get3A_647 = tpu.vector_load %arg11[%get3A_645, %get3A_646] {strides = array<i32>} : memref<80x128xf32, #tpu.memory_space<vmem>>, vector<16xf32>,
          %mul3A_648 = arith.mulf %get3A_647, %gather3A_598 : vector<16xf32>
          %swap3A_649 = arith.index_cast %add3A_602 : i32 to index
          %swap3A_650 = arith.constant 96 : index
          %swap3A_651 = tpu.vector_load %arg11[%swap3A_649, %swap3A_650] {strides = array<i32>} : memref<80x128xf32, #tpu.memory_space<vmem>>, vector<16xf32>,
          tpu.vector_store %arg11[%swap3A_649, %swap3A_650], %mul3A_648 {strides = array<i32>} : memref<80x128xf32, #tpu.memory_space<vmem>>, vector<16xf32>,
          %get3A_652 = arith.index_cast %add3A_602 : i32 to index
          %get3A_653 = arith.constant 112 : index
          %get3A_654 = tpu.vector_load %arg11[%get3A_652, %get3A_653] {strides = array<i32>} : memref<80x128xf32, #tpu.memory_space<vmem>>, vector<16xf32>,
          %mul3A_655 = arith.mulf %get3A_654, %gather3A_598 : vector<16xf32>
          %swap3A_656 = arith.index_cast %add3A_602 : i32 to index
          %swap3A_657 = arith.constant 112 : index
          %swap3A_658 = tpu.vector_load %arg11[%swap3A_656, %swap3A_657] {strides = array<i32>} : memref<80x128xf32, #tpu.memory_space<vmem>>, vector<16xf32>,
          tpu.vector_store %arg11[%swap3A_656, %swap3A_657], %mul3A_655 {strides = array<i32>} : memref<80x128xf32, #tpu.memory_space<vmem>>, vector<16xf32>,
          %broadcast_in_dim3A_659 = arith.constant 7 : i32
          %broadcast_in_dim3A_660 = vector.broadcast %broadcast_in_dim3A_659 : i32 to vector<16xi32>
          %broadcast_in_dim3A_661 = vector.shape_cast %broadcast_in_dim3A_660 : vector<16xi32> to vector<16x1xi32>
          %gather3A_662 = vector.shape_cast %broadcast_in_dim3A_661 : vector<16x1xi32> to vector<16xi32>
          %gather3A_663 = tpu.dynamic_gather %get3A_201[%gather3A_662] in [0] : vector<16xf32>, vector<16xi32> -> vector<16xf32>
          %mul3A_664 = arith.constant 16 : i32
          %mul3A_665 = arith.muli %add3A_195, %mul3A_664 : i32
          %add3A_666 = arith.constant 7 : i32
          %add3A_667 = arith.addi %mul3A_665, %add3A_666 : i32
          %get3A_668 = arith.index_cast %add3A_667 : i32 to index
          %get3A_669 = arith.constant 0 : index
          %get3A_670 = tpu.vector_load %arg11[%get3A_668, %get3A_669] {strides = array<i32>} : memref<80x128xf32, #tpu.memory_space<vmem>>, vector<16xf32>,
          %mul3A_671 = arith.mulf %get3A_670, %gather3A_663 : vector<16xf32>
          %swap3A_672 = arith.index_cast %add3A_667 : i32 to index
          %swap3A_673 = arith.constant 0 : index
          %swap3A_674 = tpu.vector_load %arg11[%swap3A_672, %swap3A_673] {strides = array<i32>} : memref<80x128xf32, #tpu.memory_space<vmem>>, vector<16xf32>,
          tpu.vector_store %arg11[%swap3A_672, %swap3A_673], %mul3A_671 {strides = array<i32>} : memref<80x128xf32, #tpu.memory_space<vmem>>, vector<16xf32>,
          %get3A_675 = arith.index_cast %add3A_667 : i32 to index
          %get3A_676 = arith.constant 16 : index
          %get3A_677 = tpu.vector_load %arg11[%get3A_675, %get3A_676] {strides = array<i32>} : memref<80x128xf32, #tpu.memory_space<vmem>>, vector<16xf32>,
          %mul3A_678 = arith.mulf %get3A_677, %gather3A_663 : vector<16xf32>
          %swap3A_679 = arith.index_cast %add3A_667 : i32 to index
          %swap3A_680 = arith.constant 16 : index
          %swap3A_681 = tpu.vector_load %arg11[%swap3A_679, %swap3A_680] {strides = array<i32>} : memref<80x128xf32, #tpu.memory_space<vmem>>, vector<16xf32>,
          tpu.vector_store %arg11[%swap3A_679, %swap3A_680], %mul3A_678 {strides = array<i32>} : memref<80x128xf32, #tpu.memory_space<vmem>>, vector<16xf32>,
          %get3A_682 = arith.index_cast %add3A_667 : i32 to index
          %get3A_683 = arith.constant 32 : index
          %get3A_684 = tpu.vector_load %arg11[%get3A_682, %get3A_683] {strides = array<i32>} : memref<80x128xf32, #tpu.memory_space<vmem>>, vector<16xf32>,
          %mul3A_685 = arith.mulf %get3A_684, %gather3A_663 : vector<16xf32>
          %swap3A_686 = arith.index_cast %add3A_667 : i32 to index
          %swap3A_687 = arith.constant 32 : index
          %swap3A_688 = tpu.vector_load %arg11[%swap3A_686, %swap3A_687] {strides = array<i32>} : memref<80x128xf32, #tpu.memory_space<vmem>>, vector<16xf32>,
          tpu.vector_store %arg11[%swap3A_686, %swap3A_687], %mul3A_685 {strides = array<i32>} : memref<80x128xf32, #tpu.memory_space<vmem>>, vector<16xf32>,
          %get3A_689 = arith.index_cast %add3A_667 : i32 to index
          %get3A_690 = arith.constant 48 : index
          %get3A_691 = tpu.vector_load %arg11[%get3A_689, %get3A_690] {strides = array<i32>} : memref<80x128xf32, #tpu.memory_space<vmem>>, vector<16xf32>,
          %mul3A_692 = arith.mulf %get3A_691, %gather3A_663 : vector<16xf32>
          %swap3A_693 = arith.index_cast %add3A_667 : i32 to index
          %swap3A_694 = arith.constant 48 : index
          %swap3A_695 = tpu.vector_load %arg11[%swap3A_693, %swap3A_694] {strides = array<i32>} : memref<80x128xf32, #tpu.memory_space<vmem>>, vector<16xf32>,
          tpu.vector_store %arg11[%swap3A_693, %swap3A_694], %mul3A_692 {strides = array<i32>} : memref<80x128xf32, #tpu.memory_space<vmem>>, vector<16xf32>,
          %get3A_696 = arith.index_cast %add3A_667 : i32 to index
          %get3A_697 = arith.constant 64 : index
          %get3A_698 = tpu.vector_load %arg11[%get3A_696, %get3A_697] {strides = array<i32>} : memref<80x128xf32, #tpu.memory_space<vmem>>, vector<16xf32>,
          %mul3A_699 = arith.mulf %get3A_698, %gather3A_663 : vector<16xf32>
          %swap3A_700 = arith.index_cast %add3A_667 : i32 to index
          %swap3A_701 = arith.constant 64 : index
          %swap3A_702 = tpu.vector_load %arg11[%swap3A_700, %swap3A_701] {strides = array<i32>} : memref<80x128xf32, #tpu.memory_space<vmem>>, vector<16xf32>,
          tpu.vector_store %arg11[%swap3A_700, %swap3A_701], %mul3A_699 {strides = array<i32>} : memref<80x128xf32, #tpu.memory_space<vmem>>, vector<16xf32>,
          %get3A_703 = arith.index_cast %add3A_667 : i32 to index
          %get3A_704 = arith.constant 80 : index
          %get3A_705 = tpu.vector_load %arg11[%get3A_703, %get3A_704] {strides = array<i32>} : memref<80x128xf32, #tpu.memory_space<vmem>>, vector<16xf32>,
          %mul3A_706 = arith.mulf %get3A_705, %gather3A_663 : vector<16xf32>
          %swap3A_707 = arith.index_cast %add3A_667 : i32 to index
          %swap3A_708 = arith.constant 80 : index
          %swap3A_709 = tpu.vector_load %arg11[%swap3A_707, %swap3A_708] {strides = array<i32>} : memref<80x128xf32, #tpu.memory_space<vmem>>, vector<16xf32>,
          tpu.vector_store %arg11[%swap3A_707, %swap3A_708], %mul3A_706 {strides = array<i32>} : memref<80x128xf32, #tpu.memory_space<vmem>>, vector<16xf32>,
          %get3A_710 = arith.index_cast %add3A_667 : i32 to index
          %get3A_711 = arith.constant 96 : index
          %get3A_712 = tpu.vector_load %arg11[%get3A_710, %get3A_711] {strides = array<i32>} : memref<80x128xf32, #tpu.memory_space<vmem>>, vector<16xf32>,
          %mul3A_713 = arith.mulf %get3A_712, %gather3A_663 : vector<16xf32>
          %swap3A_714 = arith.index_cast %add3A_667 : i32 to index
          %swap3A_715 = arith.constant 96 : index
          %swap3A_716 = tpu.vector_load %arg11[%swap3A_714, %swap3A_715] {strides = array<i32>} : memref<80x128xf32, #tpu.memory_space<vmem>>, vector<16xf32>,
          tpu.vector_store %arg11[%swap3A_714, %swap3A_715], %mul3A_713 {strides = array<i32>} : memref<80x128xf32, #tpu.memory_space<vmem>>, vector<16xf32>,
          %get3A_717 = arith.index_cast %add3A_667 : i32 to index
          %get3A_718 = arith.constant 112 : index
          %get3A_719 = tpu.vector_load %arg11[%get3A_717, %get3A_718] {strides = array<i32>} : memref<80x128xf32, #tpu.memory_space<vmem>>, vector<16xf32>,
          %mul3A_720 = arith.mulf %get3A_719, %gather3A_663 : vector<16xf32>
          %swap3A_721 = arith.index_cast %add3A_667 : i32 to index
          %swap3A_722 = arith.constant 112 : index
          %swap3A_723 = tpu.vector_load %arg11[%swap3A_721, %swap3A_722] {strides = array<i32>} : memref<80x128xf32, #tpu.memory_space<vmem>>, vector<16xf32>,
          tpu.vector_store %arg11[%swap3A_721, %swap3A_722], %mul3A_720 {strides = array<i32>} : memref<80x128xf32, #tpu.memory_space<vmem>>, vector<16xf32>,
          %broadcast_in_dim3A_724 = arith.constant 8 : i32
          %broadcast_in_dim3A_725 = vector.broadcast %broadcast_in_dim3A_724 : i32 to vector<16xi32>
          %broadcast_in_dim3A_726 = vector.shape_cast %broadcast_in_dim3A_725 : vector<16xi32> to vector<16x1xi32>
          %gather3A_727 = vector.shape_cast %broadcast_in_dim3A_726 : vector<16x1xi32> to vector<16xi32>
          %gather3A_728 = tpu.dynamic_gather %get3A_201[%gather3A_727] in [0] : vector<16xf32>, vector<16xi32> -> vector<16xf32>
          %mul3A_729 = arith.constant 16 : i32
          %mul3A_730 = arith.muli %add3A_195, %mul3A_729 : i32
          %add3A_731 = arith.constant 8 : i32
          %add3A_732 = arith.addi %mul3A_730, %add3A_731 : i32
          %get3A_733 = arith.index_cast %add3A_732 : i32 to index
          %get3A_734 = arith.constant 0 : index
          %get3A_735 = tpu.vector_load %arg11[%get3A_733, %get3A_734] {strides = array<i32>} : memref<80x128xf32, #tpu.memory_space<vmem>>, vector<16xf32>,
          %mul3A_736 = arith.mulf %get3A_735, %gather3A_728 : vector<16xf32>
          %swap3A_737 = arith.index_cast %add3A_732 : i32 to index
          %swap3A_738 = arith.constant 0 : index
          %swap3A_739 = tpu.vector_load %arg11[%swap3A_737, %swap3A_738] {strides = array<i32>} : memref<80x128xf32, #tpu.memory_space<vmem>>, vector<16xf32>,
          tpu.vector_store %arg11[%swap3A_737, %swap3A_738], %mul3A_736 {strides = array<i32>} : memref<80x128xf32, #tpu.memory_space<vmem>>, vector<16xf32>,
          %get3A_740 = arith.index_cast %add3A_732 : i32 to index
          %get3A_741 = arith.constant 16 : index
          %get3A_742 = tpu.vector_load %arg11[%get3A_740, %get3A_741] {strides = array<i32>} : memref<80x128xf32, #tpu.memory_space<vmem>>, vector<16xf32>,
          %mul3A_743 = arith.mulf %get3A_742, %gather3A_728 : vector<16xf32>
          %swap3A_744 = arith.index_cast %add3A_732 : i32 to index
          %swap3A_745 = arith.constant 16 : index
          %swap3A_746 = tpu.vector_load %arg11[%swap3A_744, %swap3A_745] {strides = array<i32>} : memref<80x128xf32, #tpu.memory_space<vmem>>, vector<16xf32>,
          tpu.vector_store %arg11[%swap3A_744, %swap3A_745], %mul3A_743 {strides = array<i32>} : memref<80x128xf32, #tpu.memory_space<vmem>>, vector<16xf32>,
          %get3A_747 = arith.index_cast %add3A_732 : i32 to index
          %get3A_748 = arith.constant 32 : index
          %get3A_749 = tpu.vector_load %arg11[%get3A_747, %get3A_748] {strides = array<i32>} : memref<80x128xf32, #tpu.memory_space<vmem>>, vector<16xf32>,
          %mul3A_750 = arith.mulf %get3A_749, %gather3A_728 : vector<16xf32>
          %swap3A_751 = arith.index_cast %add3A_732 : i32 to index
          %swap3A_752 = arith.constant 32 : index
          %swap3A_753 = tpu.vector_load %arg11[%swap3A_751, %swap3A_752] {strides = array<i32>} : memref<80x128xf32, #tpu.memory_space<vmem>>, vector<16xf32>,
          tpu.vector_store %arg11[%swap3A_751, %swap3A_752], %mul3A_750 {strides = array<i32>} : memref<80x128xf32, #tpu.memory_space<vmem>>, vector<16xf32>,
          %get3A_754 = arith.index_cast %add3A_732 : i32 to index
          %get3A_755 = arith.constant 48 : index
          %get3A_756 = tpu.vector_load %arg11[%get3A_754, %get3A_755] {strides = array<i32>} : memref<80x128xf32, #tpu.memory_space<vmem>>, vector<16xf32>,
          %mul3A_757 = arith.mulf %get3A_756, %gather3A_728 : vector<16xf32>
          %swap3A_758 = arith.index_cast %add3A_732 : i32 to index
          %swap3A_759 = arith.constant 48 : index
          %swap3A_760 = tpu.vector_load %arg11[%swap3A_758, %swap3A_759] {strides = array<i32>} : memref<80x128xf32, #tpu.memory_space<vmem>>, vector<16xf32>,
          tpu.vector_store %arg11[%swap3A_758, %swap3A_759], %mul3A_757 {strides = array<i32>} : memref<80x128xf32, #tpu.memory_space<vmem>>, vector<16xf32>,
          %get3A_761 = arith.index_cast %add3A_732 : i32 to index
          %get3A_762 = arith.constant 64 : index
          %get3A_763 = tpu.vector_load %arg11[%get3A_761, %get3A_762] {strides = array<i32>} : memref<80x128xf32, #tpu.memory_space<vmem>>, vector<16xf32>,
          %mul3A_764 = arith.mulf %get3A_763, %gather3A_728 : vector<16xf32>
          %swap3A_765 = arith.index_cast %add3A_732 : i32 to index
          %swap3A_766 = arith.constant 64 : index
          %swap3A_767 = tpu.vector_load %arg11[%swap3A_765, %swap3A_766] {strides = array<i32>} : memref<80x128xf32, #tpu.memory_space<vmem>>, vector<16xf32>,
          tpu.vector_store %arg11[%swap3A_765, %swap3A_766], %mul3A_764 {strides = array<i32>} : memref<80x128xf32, #tpu.memory_space<vmem>>, vector<16xf32>,
          %get3A_768 = arith.index_cast %add3A_732 : i32 to index
          %get3A_769 = arith.constant 80 : index
          %get3A_770 = tpu.vector_load %arg11[%get3A_768, %get3A_769] {strides = array<i32>} : memref<80x128xf32, #tpu.memory_space<vmem>>, vector<16xf32>,
          %mul3A_771 = arith.mulf %get3A_770, %gather3A_728 : vector<16xf32>
          %swap3A_772 = arith.index_cast %add3A_732 : i32 to index
          %swap3A_773 = arith.constant 80 : index
          %swap3A_774 = tpu.vector_load %arg11[%swap3A_772, %swap3A_773] {strides = array<i32>} : memref<80x128xf32, #tpu.memory_space<vmem>>, vector<16xf32>,
          tpu.vector_store %arg11[%swap3A_772, %swap3A_773], %mul3A_771 {strides = array<i32>} : memref<80x128xf32, #tpu.memory_space<vmem>>, vector<16xf32>,
          %get3A_775 = arith.index_cast %add3A_732 : i32 to index
          %get3A_776 = arith.constant 96 : index
          %get3A_777 = tpu.vector_load %arg11[%get3A_775, %get3A_776] {strides = array<i32>} : memref<80x128xf32, #tpu.memory_space<vmem>>, vector<16xf32>,
          %mul3A_778 = arith.mulf %get3A_777, %gather3A_728 : vector<16xf32>
          %swap3A_779 = arith.index_cast %add3A_732 : i32 to index
          %swap3A_780 = arith.constant 96 : index
          %swap3A_781 = tpu.vector_load %arg11[%swap3A_779, %swap3A_780] {strides = array<i32>} : memref<80x128xf32, #tpu.memory_space<vmem>>, vector<16xf32>,
          tpu.vector_store %arg11[%swap3A_779, %swap3A_780], %mul3A_778 {strides = array<i32>} : memref<80x128xf32, #tpu.memory_space<vmem>>, vector<16xf32>,
          %get3A_782 = arith.index_cast %add3A_732 : i32 to index
          %get3A_783 = arith.constant 112 : index
          %get3A_784 = tpu.vector_load %arg11[%get3A_782, %get3A_783] {strides = array<i32>} : memref<80x128xf32, #tpu.memory_space<vmem>>, vector<16xf32>,
          %mul3A_785 = arith.mulf %get3A_784, %gather3A_728 : vector<16xf32>
          %swap3A_786 = arith.index_cast %add3A_732 : i32 to index
          %swap3A_787 = arith.constant 112 : index
          %swap3A_788 = tpu.vector_load %arg11[%swap3A_786, %swap3A_787] {strides = array<i32>} : memref<80x128xf32, #tpu.memory_space<vmem>>, vector<16xf32>,
          tpu.vector_store %arg11[%swap3A_786, %swap3A_787], %mul3A_785 {strides = array<i32>} : memref<80x128xf32, #tpu.memory_space<vmem>>, vector<16xf32>,
          %broadcast_in_dim3A_789 = arith.constant 9 : i32
          %broadcast_in_dim3A_790 = vector.broadcast %broadcast_in_dim3A_789 : i32 to vector<16xi32>
          %broadcast_in_dim3A_791 = vector.shape_cast %broadcast_in_dim3A_790 : vector<16xi32> to vector<16x1xi32>
          %gather3A_792 = vector.shape_cast %broadcast_in_dim3A_791 : vector<16x1xi32> to vector<16xi32>
          %gather3A_793 = tpu.dynamic_gather %get3A_201[%gather3A_792] in [0] : vector<16xf32>, vector<16xi32> -> vector<16xf32>
          %mul3A_794 = arith.constant 16 : i32
          %mul3A_795 = arith.muli %add3A_195, %mul3A_794 : i32
          %add3A_796 = arith.constant 9 : i32
          %add3A_797 = arith.addi %mul3A_795, %add3A_796 : i32
          %get3A_798 = arith.index_cast %add3A_797 : i32 to index
          %get3A_799 = arith.constant 0 : index
          %get3A_800 = tpu.vector_load %arg11[%get3A_798, %get3A_799] {strides = array<i32>} : memref<80x128xf32, #tpu.memory_space<vmem>>, vector<16xf32>,
          %mul3A_801 = arith.mulf %get3A_800, %gather3A_793 : vector<16xf32>
          %swap3A_802 = arith.index_cast %add3A_797 : i32 to index
          %swap3A_803 = arith.constant 0 : index
          %swap3A_804 = tpu.vector_load %arg11[%swap3A_802, %swap3A_803] {strides = array<i32>} : memref<80x128xf32, #tpu.memory_space<vmem>>, vector<16xf32>,
          tpu.vector_store %arg11[%swap3A_802, %swap3A_803], %mul3A_801 {strides = array<i32>} : memref<80x128xf32, #tpu.memory_space<vmem>>, vector<16xf32>,
          %get3A_805 = arith.index_cast %add3A_797 : i32 to index
          %get3A_806 = arith.constant 16 : index
          %get3A_807 = tpu.vector_load %arg11[%get3A_805, %get3A_806] {strides = array<i32>} : memref<80x128xf32, #tpu.memory_space<vmem>>, vector<16xf32>,
          %mul3A_808 = arith.mulf %get3A_807, %gather3A_793 : vector<16xf32>
          %swap3A_809 = arith.index_cast %add3A_797 : i32 to index
          %swap3A_810 = arith.constant 16 : index
          %swap3A_811 = tpu.vector_load %arg11[%swap3A_809, %swap3A_810] {strides = array<i32>} : memref<80x128xf32, #tpu.memory_space<vmem>>, vector<16xf32>,
          tpu.vector_store %arg11[%swap3A_809, %swap3A_810], %mul3A_808 {strides = array<i32>} : memref<80x128xf32, #tpu.memory_space<vmem>>, vector<16xf32>,
          %get3A_812 = arith.index_cast %add3A_797 : i32 to index
          %get3A_813 = arith.constant 32 : index
          %get3A_814 = tpu.vector_load %arg11[%get3A_812, %get3A_813] {strides = array<i32>} : memref<80x128xf32, #tpu.memory_space<vmem>>, vector<16xf32>,
          %mul3A_815 = arith.mulf %get3A_814, %gather3A_793 : vector<16xf32>
          %swap3A_816 = arith.index_cast %add3A_797 : i32 to index
          %swap3A_817 = arith.constant 32 : index
          %swap3A_818 = tpu.vector_load %arg11[%swap3A_816, %swap3A_817] {strides = array<i32>} : memref<80x128xf32, #tpu.memory_space<vmem>>, vector<16xf32>,
          tpu.vector_store %arg11[%swap3A_816, %swap3A_817], %mul3A_815 {strides = array<i32>} : memref<80x128xf32, #tpu.memory_space<vmem>>, vector<16xf32>,
          %get3A_819 = arith.index_cast %add3A_797 : i32 to index
          %get3A_820 = arith.constant 48 : index
          %get3A_821 = tpu.vector_load %arg11[%get3A_819, %get3A_820] {strides = array<i32>} : memref<80x128xf32, #tpu.memory_space<vmem>>, vector<16xf32>,
          %mul3A_822 = arith.mulf %get3A_821, %gather3A_793 : vector<16xf32>
          %swap3A_823 = arith.index_cast %add3A_797 : i32 to index
          %swap3A_824 = arith.constant 48 : index
          %swap3A_825 = tpu.vector_load %arg11[%swap3A_823, %swap3A_824] {strides = array<i32>} : memref<80x128xf32, #tpu.memory_space<vmem>>, vector<16xf32>,
          tpu.vector_store %arg11[%swap3A_823, %swap3A_824], %mul3A_822 {strides = array<i32>} : memref<80x128xf32, #tpu.memory_space<vmem>>, vector<16xf32>,
          %get3A_826 = arith.index_cast %add3A_797 : i32 to index
          %get3A_827 = arith.constant 64 : index
          %get3A_828 = tpu.vector_load %arg11[%get3A_826, %get3A_827] {strides = array<i32>} : memref<80x128xf32, #tpu.memory_space<vmem>>, vector<16xf32>,
          %mul3A_829 = arith.mulf %get3A_828, %gather3A_793 : vector<16xf32>
          %swap3A_830 = arith.index_cast %add3A_797 : i32 to index
          %swap3A_831 = arith.constant 64 : index
          %swap3A_832 = tpu.vector_load %arg11[%swap3A_830, %swap3A_831] {strides = array<i32>} : memref<80x128xf32, #tpu.memory_space<vmem>>, vector<16xf32>,
          tpu.vector_store %arg11[%swap3A_830, %swap3A_831], %mul3A_829 {strides = array<i32>} : memref<80x128xf32, #tpu.memory_space<vmem>>, vector<16xf32>,
          %get3A_833 = arith.index_cast %add3A_797 : i32 to index
          %get3A_834 = arith.constant 80 : index
          %get3A_835 = tpu.vector_load %arg11[%get3A_833, %get3A_834] {strides = array<i32>} : memref<80x128xf32, #tpu.memory_space<vmem>>, vector<16xf32>,
          %mul3A_836 = arith.mulf %get3A_835, %gather3A_793 : vector<16xf32>
          %swap3A_837 = arith.index_cast %add3A_797 : i32 to index
          %swap3A_838 = arith.constant 80 : index
          %swap3A_839 = tpu.vector_load %arg11[%swap3A_837, %swap3A_838] {strides = array<i32>} : memref<80x128xf32, #tpu.memory_space<vmem>>, vector<16xf32>,
          tpu.vector_store %arg11[%swap3A_837, %swap3A_838], %mul3A_836 {strides = array<i32>} : memref<80x128xf32, #tpu.memory_space<vmem>>, vector<16xf32>,
          %get3A_840 = arith.index_cast %add3A_797 : i32 to index
          %get3A_841 = arith.constant 96 : index
          %get3A_842 = tpu.vector_load %arg11[%get3A_840, %get3A_841] {strides = array<i32>} : memref<80x128xf32, #tpu.memory_space<vmem>>, vector<16xf32>,
          %mul3A_843 = arith.mulf %get3A_842, %gather3A_793 : vector<16xf32>
          %swap3A_844 = arith.index_cast %add3A_797 : i32 to index
          %swap3A_845 = arith.constant 96 : index
          %swap3A_846 = tpu.vector_load %arg11[%swap3A_844, %swap3A_845] {strides = array<i32>} : memref<80x128xf32, #tpu.memory_space<vmem>>, vector<16xf32>,
          tpu.vector_store %arg11[%swap3A_844, %swap3A_845], %mul3A_843 {strides = array<i32>} : memref<80x128xf32, #tpu.memory_space<vmem>>, vector<16xf32>,
          %get3A_847 = arith.index_cast %add3A_797 : i32 to index
          %get3A_848 = arith.constant 112 : index
          %get3A_849 = tpu.vector_load %arg11[%get3A_847, %get3A_848] {strides = array<i32>} : memref<80x128xf32, #tpu.memory_space<vmem>>, vector<16xf32>,
          %mul3A_850 = arith.mulf %get3A_849, %gather3A_793 : vector<16xf32>
          %swap3A_851 = arith.index_cast %add3A_797 : i32 to index
          %swap3A_852 = arith.constant 112 : index
          %swap3A_853 = tpu.vector_load %arg11[%swap3A_851, %swap3A_852] {strides = array<i32>} : memref<80x128xf32, #tpu.memory_space<vmem>>, vector<16xf32>,
          tpu.vector_store %arg11[%swap3A_851, %swap3A_852], %mul3A_850 {strides = array<i32>} : memref<80x128xf32, #tpu.memory_space<vmem>>, vector<16xf32>,
          %broadcast_in_dim3A_854 = arith.constant 10 : i32
          %broadcast_in_dim3A_855 = vector.broadcast %broadcast_in_dim3A_854 : i32 to vector<16xi32>
          %broadcast_in_dim3A_856 = vector.shape_cast %broadcast_in_dim3A_855 : vector<16xi32> to vector<16x1xi32>
          %gather3A_857 = vector.shape_cast %broadcast_in_dim3A_856 : vector<16x1xi32> to vector<16xi32>
          %gather3A_858 = tpu.dynamic_gather %get3A_201[%gather3A_857] in [0] : vector<16xf32>, vector<16xi32> -> vector<16xf32>
          %mul3A_859 = arith.constant 16 : i32
          %mul3A_860 = arith.muli %add3A_195, %mul3A_859 : i32
          %add3A_861 = arith.constant 10 : i32
          %add3A_862 = arith.addi %mul3A_860, %add3A_861 : i32
          %get3A_863 = arith.index_cast %add3A_862 : i32 to index
          %get3A_864 = arith.constant 0 : index
          %get3A_865 = tpu.vector_load %arg11[%get3A_863, %get3A_864] {strides = array<i32>} : memref<80x128xf32, #tpu.memory_space<vmem>>, vector<16xf32>,
          %mul3A_866 = arith.mulf %get3A_865, %gather3A_858 : vector<16xf32>
          %swap3A_867 = arith.index_cast %add3A_862 : i32 to index
          %swap3A_868 = arith.constant 0 : index
          %swap3A_869 = tpu.vector_load %arg11[%swap3A_867, %swap3A_868] {strides = array<i32>} : memref<80x128xf32, #tpu.memory_space<vmem>>, vector<16xf32>,
          tpu.vector_store %arg11[%swap3A_867, %swap3A_868], %mul3A_866 {strides = array<i32>} : memref<80x128xf32, #tpu.memory_space<vmem>>, vector<16xf32>,
          %get3A_870 = arith.index_cast %add3A_862 : i32 to index
          %get3A_871 = arith.constant 16 : index
          %get3A_872 = tpu.vector_load %arg11[%get3A_870, %get3A_871] {strides = array<i32>} : memref<80x128xf32, #tpu.memory_space<vmem>>, vector<16xf32>,
          %mul3A_873 = arith.mulf %get3A_872, %gather3A_858 : vector<16xf32>
          %swap3A_874 = arith.index_cast %add3A_862 : i32 to index
          %swap3A_875 = arith.constant 16 : index
          %swap3A_876 = tpu.vector_load %arg11[%swap3A_874, %swap3A_875] {strides = array<i32>} : memref<80x128xf32, #tpu.memory_space<vmem>>, vector<16xf32>,
          tpu.vector_store %arg11[%swap3A_874, %swap3A_875], %mul3A_873 {strides = array<i32>} : memref<80x128xf32, #tpu.memory_space<vmem>>, vector<16xf32>,
          %get3A_877 = arith.index_cast %add3A_862 : i32 to index
          %get3A_878 = arith.constant 32 : index
          %get3A_879 = tpu.vector_load %arg11[%get3A_877, %get3A_878] {strides = array<i32>} : memref<80x128xf32, #tpu.memory_space<vmem>>, vector<16xf32>,
          %mul3A_880 = arith.mulf %get3A_879, %gather3A_858 : vector<16xf32>
          %swap3A_881 = arith.index_cast %add3A_862 : i32 to index
          %swap3A_882 = arith.constant 32 : index
          %swap3A_883 = tpu.vector_load %arg11[%swap3A_881, %swap3A_882] {strides = array<i32>} : memref<80x128xf32, #tpu.memory_space<vmem>>, vector<16xf32>,
          tpu.vector_store %arg11[%swap3A_881, %swap3A_882], %mul3A_880 {strides = array<i32>} : memref<80x128xf32, #tpu.memory_space<vmem>>, vector<16xf32>,
          %get3A_884 = arith.index_cast %add3A_862 : i32 to index
          %get3A_885 = arith.constant 48 : index
          %get3A_886 = tpu.vector_load %arg11[%get3A_884, %get3A_885] {strides = array<i32>} : memref<80x128xf32, #tpu.memory_space<vmem>>, vector<16xf32>,
          %mul3A_887 = arith.mulf %get3A_886, %gather3A_858 : vector<16xf32>
          %swap3A_888 = arith.index_cast %add3A_862 : i32 to index
          %swap3A_889 = arith.constant 48 : index
          %swap3A_890 = tpu.vector_load %arg11[%swap3A_888, %swap3A_889] {strides = array<i32>} : memref<80x128xf32, #tpu.memory_space<vmem>>, vector<16xf32>,
          tpu.vector_store %arg11[%swap3A_888, %swap3A_889], %mul3A_887 {strides = array<i32>} : memref<80x128xf32, #tpu.memory_space<vmem>>, vector<16xf32>,
          %get3A_891 = arith.index_cast %add3A_862 : i32 to index
          %get3A_892 = arith.constant 64 : index
          %get3A_893 = tpu.vector_load %arg11[%get3A_891, %get3A_892] {strides = array<i32>} : memref<80x128xf32, #tpu.memory_space<vmem>>, vector<16xf32>,
          %mul3A_894 = arith.mulf %get3A_893, %gather3A_858 : vector<16xf32>
          %swap3A_895 = arith.index_cast %add3A_862 : i32 to index
          %swap3A_896 = arith.constant 64 : index
          %swap3A_897 = tpu.vector_load %arg11[%swap3A_895, %swap3A_896] {strides = array<i32>} : memref<80x128xf32, #tpu.memory_space<vmem>>, vector<16xf32>,
          tpu.vector_store %arg11[%swap3A_895, %swap3A_896], %mul3A_894 {strides = array<i32>} : memref<80x128xf32, #tpu.memory_space<vmem>>, vector<16xf32>,
          %get3A_898 = arith.index_cast %add3A_862 : i32 to index
          %get3A_899 = arith.constant 80 : index
          %get3A_900 = tpu.vector_load %arg11[%get3A_898, %get3A_899] {strides = array<i32>} : memref<80x128xf32, #tpu.memory_space<vmem>>, vector<16xf32>,
          %mul3A_901 = arith.mulf %get3A_900, %gather3A_858 : vector<16xf32>
          %swap3A_902 = arith.index_cast %add3A_862 : i32 to index
          %swap3A_903 = arith.constant 80 : index
          %swap3A_904 = tpu.vector_load %arg11[%swap3A_902, %swap3A_903] {strides = array<i32>} : memref<80x128xf32, #tpu.memory_space<vmem>>, vector<16xf32>,
          tpu.vector_store %arg11[%swap3A_902, %swap3A_903], %mul3A_901 {strides = array<i32>} : memref<80x128xf32, #tpu.memory_space<vmem>>, vector<16xf32>,
          %get3A_905 = arith.index_cast %add3A_862 : i32 to index
          %get3A_906 = arith.constant 96 : index
          %get3A_907 = tpu.vector_load %arg11[%get3A_905, %get3A_906] {strides = array<i32>} : memref<80x128xf32, #tpu.memory_space<vmem>>, vector<16xf32>,
          %mul3A_908 = arith.mulf %get3A_907, %gather3A_858 : vector<16xf32>
          %swap3A_909 = arith.index_cast %add3A_862 : i32 to index
          %swap3A_910 = arith.constant 96 : index
          %swap3A_911 = tpu.vector_load %arg11[%swap3A_909, %swap3A_910] {strides = array<i32>} : memref<80x128xf32, #tpu.memory_space<vmem>>, vector<16xf32>,
          tpu.vector_store %arg11[%swap3A_909, %swap3A_910], %mul3A_908 {strides = array<i32>} : memref<80x128xf32, #tpu.memory_space<vmem>>, vector<16xf32>,
          %get3A_912 = arith.index_cast %add3A_862 : i32 to index
          %get3A_913 = arith.constant 112 : index
          %get3A_914 = tpu.vector_load %arg11[%get3A_912, %get3A_913] {strides = array<i32>} : memref<80x128xf32, #tpu.memory_space<vmem>>, vector<16xf32>,
          %mul3A_915 = arith.mulf %get3A_914, %gather3A_858 : vector<16xf32>
          %swap3A_916 = arith.index_cast %add3A_862 : i32 to index
          %swap3A_917 = arith.constant 112 : index
          %swap3A_918 = tpu.vector_load %arg11[%swap3A_916, %swap3A_917] {strides = array<i32>} : memref<80x128xf32, #tpu.memory_space<vmem>>, vector<16xf32>,
          tpu.vector_store %arg11[%swap3A_916, %swap3A_917], %mul3A_915 {strides = array<i32>} : memref<80x128xf32, #tpu.memory_space<vmem>>, vector<16xf32>,
          %broadcast_in_dim3A_919 = arith.constant 11 : i32
          %broadcast_in_dim3A_920 = vector.broadcast %broadcast_in_dim3A_919 : i32 to vector<16xi32>
          %broadcast_in_dim3A_921 = vector.shape_cast %broadcast_in_dim3A_920 : vector<16xi32> to vector<16x1xi32>
          %gather3A_922 = vector.shape_cast %broadcast_in_dim3A_921 : vector<16x1xi32> to vector<16xi32>
          %gather3A_923 = tpu.dynamic_gather %get3A_201[%gather3A_922] in [0] : vector<16xf32>, vector<16xi32> -> vector<16xf32>
          %mul3A_924 = arith.constant 16 : i32
          %mul3A_925 = arith.muli %add3A_195, %mul3A_924 : i32
          %add3A_926 = arith.constant 11 : i32
          %add3A_927 = arith.addi %mul3A_925, %add3A_926 : i32
          %get3A_928 = arith.index_cast %add3A_927 : i32 to index
          %get3A_929 = arith.constant 0 : index
          %get3A_930 = tpu.vector_load %arg11[%get3A_928, %get3A_929] {strides = array<i32>} : memref<80x128xf32, #tpu.memory_space<vmem>>, vector<16xf32>,
          %mul3A_931 = arith.mulf %get3A_930, %gather3A_923 : vector<16xf32>
          %swap3A_932 = arith.index_cast %add3A_927 : i32 to index
          %swap3A_933 = arith.constant 0 : index
          %swap3A_934 = tpu.vector_load %arg11[%swap3A_932, %swap3A_933] {strides = array<i32>} : memref<80x128xf32, #tpu.memory_space<vmem>>, vector<16xf32>,
          tpu.vector_store %arg11[%swap3A_932, %swap3A_933], %mul3A_931 {strides = array<i32>} : memref<80x128xf32, #tpu.memory_space<vmem>>, vector<16xf32>,
          %get3A_935 = arith.index_cast %add3A_927 : i32 to index
          %get3A_936 = arith.constant 16 : index
          %get3A_937 = tpu.vector_load %arg11[%get3A_935, %get3A_936] {strides = array<i32>} : memref<80x128xf32, #tpu.memory_space<vmem>>, vector<16xf32>,
          %mul3A_938 = arith.mulf %get3A_937, %gather3A_923 : vector<16xf32>
          %swap3A_939 = arith.index_cast %add3A_927 : i32 to index
          %swap3A_940 = arith.constant 16 : index
          %swap3A_941 = tpu.vector_load %arg11[%swap3A_939, %swap3A_940] {strides = array<i32>} : memref<80x128xf32, #tpu.memory_space<vmem>>, vector<16xf32>,
          tpu.vector_store %arg11[%swap3A_939, %swap3A_940], %mul3A_938 {strides = array<i32>} : memref<80x128xf32, #tpu.memory_space<vmem>>, vector<16xf32>,
          %get3A_942 = arith.index_cast %add3A_927 : i32 to index
          %get3A_943 = arith.constant 32 : index
          %get3A_944 = tpu.vector_load %arg11[%get3A_942, %get3A_943] {strides = array<i32>} : memref<80x128xf32, #tpu.memory_space<vmem>>, vector<16xf32>,
          %mul3A_945 = arith.mulf %get3A_944, %gather3A_923 : vector<16xf32>
          %swap3A_946 = arith.index_cast %add3A_927 : i32 to index
          %swap3A_947 = arith.constant 32 : index
          %swap3A_948 = tpu.vector_load %arg11[%swap3A_946, %swap3A_947] {strides = array<i32>} : memref<80x128xf32, #tpu.memory_space<vmem>>, vector<16xf32>,
          tpu.vector_store %arg11[%swap3A_946, %swap3A_947], %mul3A_945 {strides = array<i32>} : memref<80x128xf32, #tpu.memory_space<vmem>>, vector<16xf32>,
          %get3A_949 = arith.index_cast %add3A_927 : i32 to index
          %get3A_950 = arith.constant 48 : index
          %get3A_951 = tpu.vector_load %arg11[%get3A_949, %get3A_950] {strides = array<i32>} : memref<80x128xf32, #tpu.memory_space<vmem>>, vector<16xf32>,
          %mul3A_952 = arith.mulf %get3A_951, %gather3A_923 : vector<16xf32>
          %swap3A_953 = arith.index_cast %add3A_927 : i32 to index
          %swap3A_954 = arith.constant 48 : index
          %swap3A_955 = tpu.vector_load %arg11[%swap3A_953, %swap3A_954] {strides = array<i32>} : memref<80x128xf32, #tpu.memory_space<vmem>>, vector<16xf32>,
          tpu.vector_store %arg11[%swap3A_953, %swap3A_954], %mul3A_952 {strides = array<i32>} : memref<80x128xf32, #tpu.memory_space<vmem>>, vector<16xf32>,
          %get3A_956 = arith.index_cast %add3A_927 : i32 to index
          %get3A_957 = arith.constant 64 : index
          %get3A_958 = tpu.vector_load %arg11[%get3A_956, %get3A_957] {strides = array<i32>} : memref<80x128xf32, #tpu.memory_space<vmem>>, vector<16xf32>,
          %mul3A_959 = arith.mulf %get3A_958, %gather3A_923 : vector<16xf32>
          %swap3A_960 = arith.index_cast %add3A_927 : i32 to index
          %swap3A_961 = arith.constant 64 : index
          %swap3A_962 = tpu.vector_load %arg11[%swap3A_960, %swap3A_961] {strides = array<i32>} : memref<80x128xf32, #tpu.memory_space<vmem>>, vector<16xf32>,
          tpu.vector_store %arg11[%swap3A_960, %swap3A_961], %mul3A_959 {strides = array<i32>} : memref<80x128xf32, #tpu.memory_space<vmem>>, vector<16xf32>,
          %get3A_963 = arith.index_cast %add3A_927 : i32 to index
          %get3A_964 = arith.constant 80 : index
          %get3A_965 = tpu.vector_load %arg11[%get3A_963, %get3A_964] {strides = array<i32>} : memref<80x128xf32, #tpu.memory_space<vmem>>, vector<16xf32>,
          %mul3A_966 = arith.mulf %get3A_965, %gather3A_923 : vector<16xf32>
          %swap3A_967 = arith.index_cast %add3A_927 : i32 to index
          %swap3A_968 = arith.constant 80 : index
          %swap3A_969 = tpu.vector_load %arg11[%swap3A_967, %swap3A_968] {strides = array<i32>} : memref<80x128xf32, #tpu.memory_space<vmem>>, vector<16xf32>,
          tpu.vector_store %arg11[%swap3A_967, %swap3A_968], %mul3A_966 {strides = array<i32>} : memref<80x128xf32, #tpu.memory_space<vmem>>, vector<16xf32>,
          %get3A_970 = arith.index_cast %add3A_927 : i32 to index
          %get3A_971 = arith.constant 96 : index
          %get3A_972 = tpu.vector_load %arg11[%get3A_970, %get3A_971] {strides = array<i32>} : memref<80x128xf32, #tpu.memory_space<vmem>>, vector<16xf32>,
          %mul3A_973 = arith.mulf %get3A_972, %gather3A_923 : vector<16xf32>
          %swap3A_974 = arith.index_cast %add3A_927 : i32 to index
          %swap3A_975 = arith.constant 96 : index
          %swap3A_976 = tpu.vector_load %arg11[%swap3A_974, %swap3A_975] {strides = array<i32>} : memref<80x128xf32, #tpu.memory_space<vmem>>, vector<16xf32>,
          tpu.vector_store %arg11[%swap3A_974, %swap3A_975], %mul3A_973 {strides = array<i32>} : memref<80x128xf32, #tpu.memory_space<vmem>>, vector<16xf32>,
          %get3A_977 = arith.index_cast %add3A_927 : i32 to index
          %get3A_978 = arith.constant 112 : index
          %get3A_979 = tpu.vector_load %arg11[%get3A_977, %get3A_978] {strides = array<i32>} : memref<80x128xf32, #tpu.memory_space<vmem>>, vector<16xf32>,
          %mul3A_980 = arith.mulf %get3A_979, %gather3A_923 : vector<16xf32>
          %swap3A_981 = arith.index_cast %add3A_927 : i32 to index
          %swap3A_982 = arith.constant 112 : index
          %swap3A_983 = tpu.vector_load %arg11[%swap3A_981, %swap3A_982] {strides = array<i32>} : memref<80x128xf32, #tpu.memory_space<vmem>>, vector<16xf32>,
          tpu.vector_store %arg11[%swap3A_981, %swap3A_982], %mul3A_980 {strides = array<i32>} : memref<80x128xf32, #tpu.memory_space<vmem>>, vector<16xf32>,
          %broadcast_in_dim3A_984 = arith.constant 12 : i32
          %broadcast_in_dim3A_985 = vector.broadcast %broadcast_in_dim3A_984 : i32 to vector<16xi32>
          %broadcast_in_dim3A_986 = vector.shape_cast %broadcast_in_dim3A_985 : vector<16xi32> to vector<16x1xi32>
          %gather3A_987 = vector.shape_cast %broadcast_in_dim3A_986 : vector<16x1xi32> to vector<16xi32>
          %gather3A_988 = tpu.dynamic_gather %get3A_201[%gather3A_987] in [0] : vector<16xf32>, vector<16xi32> -> vector<16xf32>
          %mul3A_989 = arith.constant 16 : i32
          %mul3A_990 = arith.muli %add3A_195, %mul3A_989 : i32
          %add3A_991 = arith.constant 12 : i32
          %add3A_992 = arith.addi %mul3A_990, %add3A_991 : i32
          %get3A_993 = arith.index_cast %add3A_992 : i32 to index
          %get3A_994 = arith.constant 0 : index
          %get3A_995 = tpu.vector_load %arg11[%get3A_993, %get3A_994] {strides = array<i32>} : memref<80x128xf32, #tpu.memory_space<vmem>>, vector<16xf32>,
          %mul3A_996 = arith.mulf %get3A_995, %gather3A_988 : vector<16xf32>
          %swap3A_997 = arith.index_cast %add3A_992 : i32 to index
          %swap3A_998 = arith.constant 0 : index
          %swap3A_999 = tpu.vector_load %arg11[%swap3A_997, %swap3A_998] {strides = array<i32>} : memref<80x128xf32, #tpu.memory_space<vmem>>, vector<16xf32>,
          tpu.vector_store %arg11[%swap3A_997, %swap3A_998], %mul3A_996 {strides = array<i32>} : memref<80x128xf32, #tpu.memory_space<vmem>>, vector<16xf32>,
          %get3A_1000 = arith.index_cast %add3A_992 : i32 to index
          %get3A_1001 = arith.constant 16 : index
          %get3A_1002 = tpu.vector_load %arg11[%get3A_1000, %get3A_1001] {strides = array<i32>} : memref<80x128xf32, #tpu.memory_space<vmem>>, vector<16xf32>,
          %mul3A_1003 = arith.mulf %get3A_1002, %gather3A_988 : vector<16xf32>
          %swap3A_1004 = arith.index_cast %add3A_992 : i32 to index
          %swap3A_1005 = arith.constant 16 : index
          %swap3A_1006 = tpu.vector_load %arg11[%swap3A_1004, %swap3A_1005] {strides = array<i32>} : memref<80x128xf32, #tpu.memory_space<vmem>>, vector<16xf32>,
          tpu.vector_store %arg11[%swap3A_1004, %swap3A_1005], %mul3A_1003 {strides = array<i32>} : memref<80x128xf32, #tpu.memory_space<vmem>>, vector<16xf32>,
          %get3A_1007 = arith.index_cast %add3A_992 : i32 to index
          %get3A_1008 = arith.constant 32 : index
          %get3A_1009 = tpu.vector_load %arg11[%get3A_1007, %get3A_1008] {strides = array<i32>} : memref<80x128xf32, #tpu.memory_space<vmem>>, vector<16xf32>,
          %mul3A_1010 = arith.mulf %get3A_1009, %gather3A_988 : vector<16xf32>
          %swap3A_1011 = arith.index_cast %add3A_992 : i32 to index
          %swap3A_1012 = arith.constant 32 : index
          %swap3A_1013 = tpu.vector_load %arg11[%swap3A_1011, %swap3A_1012] {strides = array<i32>} : memref<80x128xf32, #tpu.memory_space<vmem>>, vector<16xf32>,
          tpu.vector_store %arg11[%swap3A_1011, %swap3A_1012], %mul3A_1010 {strides = array<i32>} : memref<80x128xf32, #tpu.memory_space<vmem>>, vector<16xf32>,
          %get3A_1014 = arith.index_cast %add3A_992 : i32 to index
          %get3A_1015 = arith.constant 48 : index
          %get3A_1016 = tpu.vector_load %arg11[%get3A_1014, %get3A_1015] {strides = array<i32>} : memref<80x128xf32, #tpu.memory_space<vmem>>, vector<16xf32>,
          %mul3A_1017 = arith.mulf %get3A_1016, %gather3A_988 : vector<16xf32>
          %swap3A_1018 = arith.index_cast %add3A_992 : i32 to index
          %swap3A_1019 = arith.constant 48 : index
          %swap3A_1020 = tpu.vector_load %arg11[%swap3A_1018, %swap3A_1019] {strides = array<i32>} : memref<80x128xf32, #tpu.memory_space<vmem>>, vector<16xf32>,
          tpu.vector_store %arg11[%swap3A_1018, %swap3A_1019], %mul3A_1017 {strides = array<i32>} : memref<80x128xf32, #tpu.memory_space<vmem>>, vector<16xf32>,
          %get3A_1021 = arith.index_cast %add3A_992 : i32 to index
          %get3A_1022 = arith.constant 64 : index
          %get3A_1023 = tpu.vector_load %arg11[%get3A_1021, %get3A_1022] {strides = array<i32>} : memref<80x128xf32, #tpu.memory_space<vmem>>, vector<16xf32>,
          %mul3A_1024 = arith.mulf %get3A_1023, %gather3A_988 : vector<16xf32>
          %swap3A_1025 = arith.index_cast %add3A_992 : i32 to index
          %swap3A_1026 = arith.constant 64 : index
          %swap3A_1027 = tpu.vector_load %arg11[%swap3A_1025, %swap3A_1026] {strides = array<i32>} : memref<80x128xf32, #tpu.memory_space<vmem>>, vector<16xf32>,
          tpu.vector_store %arg11[%swap3A_1025, %swap3A_1026], %mul3A_1024 {strides = array<i32>} : memref<80x128xf32, #tpu.memory_space<vmem>>, vector<16xf32>,
          %get3A_1028 = arith.index_cast %add3A_992 : i32 to index
          %get3A_1029 = arith.constant 80 : index
          %get3A_1030 = tpu.vector_load %arg11[%get3A_1028, %get3A_1029] {strides = array<i32>} : memref<80x128xf32, #tpu.memory_space<vmem>>, vector<16xf32>,
          %mul3A_1031 = arith.mulf %get3A_1030, %gather3A_988 : vector<16xf32>
          %swap3A_1032 = arith.index_cast %add3A_992 : i32 to index
          %swap3A_1033 = arith.constant 80 : index
          %swap3A_1034 = tpu.vector_load %arg11[%swap3A_1032, %swap3A_1033] {strides = array<i32>} : memref<80x128xf32, #tpu.memory_space<vmem>>, vector<16xf32>,
          tpu.vector_store %arg11[%swap3A_1032, %swap3A_1033], %mul3A_1031 {strides = array<i32>} : memref<80x128xf32, #tpu.memory_space<vmem>>, vector<16xf32>,
          %get3A_1035 = arith.index_cast %add3A_992 : i32 to index
          %get3A_1036 = arith.constant 96 : index
          %get3A_1037 = tpu.vector_load %arg11[%get3A_1035, %get3A_1036] {strides = array<i32>} : memref<80x128xf32, #tpu.memory_space<vmem>>, vector<16xf32>,
          %mul3A_1038 = arith.mulf %get3A_1037, %gather3A_988 : vector<16xf32>
          %swap3A_1039 = arith.index_cast %add3A_992 : i32 to index
          %swap3A_1040 = arith.constant 96 : index
          %swap3A_1041 = tpu.vector_load %arg11[%swap3A_1039, %swap3A_1040] {strides = array<i32>} : memref<80x128xf32, #tpu.memory_space<vmem>>, vector<16xf32>,
          tpu.vector_store %arg11[%swap3A_1039, %swap3A_1040], %mul3A_1038 {strides = array<i32>} : memref<80x128xf32, #tpu.memory_space<vmem>>, vector<16xf32>,
          %get3A_1042 = arith.index_cast %add3A_992 : i32 to index
          %get3A_1043 = arith.constant 112 : index
          %get3A_1044 = tpu.vector_load %arg11[%get3A_1042, %get3A_1043] {strides = array<i32>} : memref<80x128xf32, #tpu.memory_space<vmem>>, vector<16xf32>,
          %mul3A_1045 = arith.mulf %get3A_1044, %gather3A_988 : vector<16xf32>
          %swap3A_1046 = arith.index_cast %add3A_992 : i32 to index
          %swap3A_1047 = arith.constant 112 : index
          %swap3A_1048 = tpu.vector_load %arg11[%swap3A_1046, %swap3A_1047] {strides = array<i32>} : memref<80x128xf32, #tpu.memory_space<vmem>>, vector<16xf32>,
          tpu.vector_store %arg11[%swap3A_1046, %swap3A_1047], %mul3A_1045 {strides = array<i32>} : memref<80x128xf32, #tpu.memory_space<vmem>>, vector<16xf32>,
          %broadcast_in_dim3A_1049 = arith.constant 13 : i32
          %broadcast_in_dim3A_1050 = vector.broadcast %broadcast_in_dim3A_1049 : i32 to vector<16xi32>
          %broadcast_in_dim3A_1051 = vector.shape_cast %broadcast_in_dim3A_1050 : vector<16xi32> to vector<16x1xi32>
          %gather3A_1052 = vector.shape_cast %broadcast_in_dim3A_1051 : vector<16x1xi32> to vector<16xi32>
          %gather3A_1053 = tpu.dynamic_gather %get3A_201[%gather3A_1052] in [0] : vector<16xf32>, vector<16xi32> -> vector<16xf32>
          %mul3A_1054 = arith.constant 16 : i32
          %mul3A_1055 = arith.muli %add3A_195, %mul3A_1054 : i32
          %add3A_1056 = arith.constant 13 : i32
          %add3A_1057 = arith.addi %mul3A_1055, %add3A_1056 : i32
          %get3A_1058 = arith.index_cast %add3A_1057 : i32 to index
          %get3A_1059 = arith.constant 0 : index
          %get3A_1060 = tpu.vector_load %arg11[%get3A_1058, %get3A_1059] {strides = array<i32>} : memref<80x128xf32, #tpu.memory_space<vmem>>, vector<16xf32>,
          %mul3A_1061 = arith.mulf %get3A_1060, %gather3A_1053 : vector<16xf32>
          %swap3A_1062 = arith.index_cast %add3A_1057 : i32 to index
          %swap3A_1063 = arith.constant 0 : index
          %swap3A_1064 = tpu.vector_load %arg11[%swap3A_1062, %swap3A_1063] {strides = array<i32>} : memref<80x128xf32, #tpu.memory_space<vmem>>, vector<16xf32>,
          tpu.vector_store %arg11[%swap3A_1062, %swap3A_1063], %mul3A_1061 {strides = array<i32>} : memref<80x128xf32, #tpu.memory_space<vmem>>, vector<16xf32>,
          %get3A_1065 = arith.index_cast %add3A_1057 : i32 to index
          %get3A_1066 = arith.constant 16 : index
          %get3A_1067 = tpu.vector_load %arg11[%get3A_1065, %get3A_1066] {strides = array<i32>} : memref<80x128xf32, #tpu.memory_space<vmem>>, vector<16xf32>,
          %mul3A_1068 = arith.mulf %get3A_1067, %gather3A_1053 : vector<16xf32>
          %swap3A_1069 = arith.index_cast %add3A_1057 : i32 to index
          %swap3A_1070 = arith.constant 16 : index
          %swap3A_1071 = tpu.vector_load %arg11[%swap3A_1069, %swap3A_1070] {strides = array<i32>} : memref<80x128xf32, #tpu.memory_space<vmem>>, vector<16xf32>,
          tpu.vector_store %arg11[%swap3A_1069, %swap3A_1070], %mul3A_1068 {strides = array<i32>} : memref<80x128xf32, #tpu.memory_space<vmem>>, vector<16xf32>,
          %get3A_1072 = arith.index_cast %add3A_1057 : i32 to index
          %get3A_1073 = arith.constant 32 : index
          %get3A_1074 = tpu.vector_load %arg11[%get3A_1072, %get3A_1073] {strides = array<i32>} : memref<80x128xf32, #tpu.memory_space<vmem>>, vector<16xf32>,
          %mul3A_1075 = arith.mulf %get3A_1074, %gather3A_1053 : vector<16xf32>
          %swap3A_1076 = arith.index_cast %add3A_1057 : i32 to index
          %swap3A_1077 = arith.constant 32 : index
          %swap3A_1078 = tpu.vector_load %arg11[%swap3A_1076, %swap3A_1077] {strides = array<i32>} : memref<80x128xf32, #tpu.memory_space<vmem>>, vector<16xf32>,
          tpu.vector_store %arg11[%swap3A_1076, %swap3A_1077], %mul3A_1075 {strides = array<i32>} : memref<80x128xf32, #tpu.memory_space<vmem>>, vector<16xf32>,
          %get3A_1079 = arith.index_cast %add3A_1057 : i32 to index
          %get3A_1080 = arith.constant 48 : index
          %get3A_1081 = tpu.vector_load %arg11[%get3A_1079, %get3A_1080] {strides = array<i32>} : memref<80x128xf32, #tpu.memory_space<vmem>>, vector<16xf32>,
          %mul3A_1082 = arith.mulf %get3A_1081, %gather3A_1053 : vector<16xf32>
          %swap3A_1083 = arith.index_cast %add3A_1057 : i32 to index
          %swap3A_1084 = arith.constant 48 : index
          %swap3A_1085 = tpu.vector_load %arg11[%swap3A_1083, %swap3A_1084] {strides = array<i32>} : memref<80x128xf32, #tpu.memory_space<vmem>>, vector<16xf32>,
          tpu.vector_store %arg11[%swap3A_1083, %swap3A_1084], %mul3A_1082 {strides = array<i32>} : memref<80x128xf32, #tpu.memory_space<vmem>>, vector<16xf32>,
          %get3A_1086 = arith.index_cast %add3A_1057 : i32 to index
          %get3A_1087 = arith.constant 64 : index
          %get3A_1088 = tpu.vector_load %arg11[%get3A_1086, %get3A_1087] {strides = array<i32>} : memref<80x128xf32, #tpu.memory_space<vmem>>, vector<16xf32>,
          %mul3A_1089 = arith.mulf %get3A_1088, %gather3A_1053 : vector<16xf32>
          %swap3A_1090 = arith.index_cast %add3A_1057 : i32 to index
          %swap3A_1091 = arith.constant 64 : index
          %swap3A_1092 = tpu.vector_load %arg11[%swap3A_1090, %swap3A_1091] {strides = array<i32>} : memref<80x128xf32, #tpu.memory_space<vmem>>, vector<16xf32>,
          tpu.vector_store %arg11[%swap3A_1090, %swap3A_1091], %mul3A_1089 {strides = array<i32>} : memref<80x128xf32, #tpu.memory_space<vmem>>, vector<16xf32>,
          %get3A_1093 = arith.index_cast %add3A_1057 : i32 to index
          %get3A_1094 = arith.constant 80 : index
          %get3A_1095 = tpu.vector_load %arg11[%get3A_1093, %get3A_1094] {strides = array<i32>} : memref<80x128xf32, #tpu.memory_space<vmem>>, vector<16xf32>,
          %mul3A_1096 = arith.mulf %get3A_1095, %gather3A_1053 : vector<16xf32>
          %swap3A_1097 = arith.index_cast %add3A_1057 : i32 to index
          %swap3A_1098 = arith.constant 80 : index
          %swap3A_1099 = tpu.vector_load %arg11[%swap3A_1097, %swap3A_1098] {strides = array<i32>} : memref<80x128xf32, #tpu.memory_space<vmem>>, vector<16xf32>,
          tpu.vector_store %arg11[%swap3A_1097, %swap3A_1098], %mul3A_1096 {strides = array<i32>} : memref<80x128xf32, #tpu.memory_space<vmem>>, vector<16xf32>,
          %get3A_1100 = arith.index_cast %add3A_1057 : i32 to index
          %get3A_1101 = arith.constant 96 : index
          %get3A_1102 = tpu.vector_load %arg11[%get3A_1100, %get3A_1101] {strides = array<i32>} : memref<80x128xf32, #tpu.memory_space<vmem>>, vector<16xf32>,
          %mul3A_1103 = arith.mulf %get3A_1102, %gather3A_1053 : vector<16xf32>
          %swap3A_1104 = arith.index_cast %add3A_1057 : i32 to index
          %swap3A_1105 = arith.constant 96 : index
          %swap3A_1106 = tpu.vector_load %arg11[%swap3A_1104, %swap3A_1105] {strides = array<i32>} : memref<80x128xf32, #tpu.memory_space<vmem>>, vector<16xf32>,
          tpu.vector_store %arg11[%swap3A_1104, %swap3A_1105], %mul3A_1103 {strides = array<i32>} : memref<80x128xf32, #tpu.memory_space<vmem>>, vector<16xf32>,
          %get3A_1107 = arith.index_cast %add3A_1057 : i32 to index
          %get3A_1108 = arith.constant 112 : index
          %get3A_1109 = tpu.vector_load %arg11[%get3A_1107, %get3A_1108] {strides = array<i32>} : memref<80x128xf32, #tpu.memory_space<vmem>>, vector<16xf32>,
          %mul3A_1110 = arith.mulf %get3A_1109, %gather3A_1053 : vector<16xf32>
          %swap3A_1111 = arith.index_cast %add3A_1057 : i32 to index
          %swap3A_1112 = arith.constant 112 : index
          %swap3A_1113 = tpu.vector_load %arg11[%swap3A_1111, %swap3A_1112] {strides = array<i32>} : memref<80x128xf32, #tpu.memory_space<vmem>>, vector<16xf32>,
          tpu.vector_store %arg11[%swap3A_1111, %swap3A_1112], %mul3A_1110 {strides = array<i32>} : memref<80x128xf32, #tpu.memory_space<vmem>>, vector<16xf32>,
          %broadcast_in_dim3A_1114 = arith.constant 14 : i32
          %broadcast_in_dim3A_1115 = vector.broadcast %broadcast_in_dim3A_1114 : i32 to vector<16xi32>
          %broadcast_in_dim3A_1116 = vector.shape_cast %broadcast_in_dim3A_1115 : vector<16xi32> to vector<16x1xi32>
          %gather3A_1117 = vector.shape_cast %broadcast_in_dim3A_1116 : vector<16x1xi32> to vector<16xi32>
          %gather3A_1118 = tpu.dynamic_gather %get3A_201[%gather3A_1117] in [0] : vector<16xf32>, vector<16xi32> -> vector<16xf32>
          %mul3A_1119 = arith.constant 16 : i32
          %mul3A_1120 = arith.muli %add3A_195, %mul3A_1119 : i32
          %add3A_1121 = arith.constant 14 : i32
          %add3A_1122 = arith.addi %mul3A_1120, %add3A_1121 : i32
          %get3A_1123 = arith.index_cast %add3A_1122 : i32 to index
          %get3A_1124 = arith.constant 0 : index
          %get3A_1125 = tpu.vector_load %arg11[%get3A_1123, %get3A_1124] {strides = array<i32>} : memref<80x128xf32, #tpu.memory_space<vmem>>, vector<16xf32>,
          %mul3A_1126 = arith.mulf %get3A_1125, %gather3A_1118 : vector<16xf32>
          %swap3A_1127 = arith.index_cast %add3A_1122 : i32 to index
          %swap3A_1128 = arith.constant 0 : index
          %swap3A_1129 = tpu.vector_load %arg11[%swap3A_1127, %swap3A_1128] {strides = array<i32>} : memref<80x128xf32, #tpu.memory_space<vmem>>, vector<16xf32>,
          tpu.vector_store %arg11[%swap3A_1127, %swap3A_1128], %mul3A_1126 {strides = array<i32>} : memref<80x128xf32, #tpu.memory_space<vmem>>, vector<16xf32>,
          %get3A_1130 = arith.index_cast %add3A_1122 : i32 to index
          %get3A_1131 = arith.constant 16 : index
          %get3A_1132 = tpu.vector_load %arg11[%get3A_1130, %get3A_1131] {strides = array<i32>} : memref<80x128xf32, #tpu.memory_space<vmem>>, vector<16xf32>,
          %mul3A_1133 = arith.mulf %get3A_1132, %gather3A_1118 : vector<16xf32>
          %swap3A_1134 = arith.index_cast %add3A_1122 : i32 to index
          %swap3A_1135 = arith.constant 16 : index
          %swap3A_1136 = tpu.vector_load %arg11[%swap3A_1134, %swap3A_1135] {strides = array<i32>} : memref<80x128xf32, #tpu.memory_space<vmem>>, vector<16xf32>,
          tpu.vector_store %arg11[%swap3A_1134, %swap3A_1135], %mul3A_1133 {strides = array<i32>} : memref<80x128xf32, #tpu.memory_space<vmem>>, vector<16xf32>,
          %get3A_1137 = arith.index_cast %add3A_1122 : i32 to index
          %get3A_1138 = arith.constant 32 : index
          %get3A_1139 = tpu.vector_load %arg11[%get3A_1137, %get3A_1138] {strides = array<i32>} : memref<80x128xf32, #tpu.memory_space<vmem>>, vector<16xf32>,
          %mul3A_1140 = arith.mulf %get3A_1139, %gather3A_1118 : vector<16xf32>
          %swap3A_1141 = arith.index_cast %add3A_1122 : i32 to index
          %swap3A_1142 = arith.constant 32 : index
          %swap3A_1143 = tpu.vector_load %arg11[%swap3A_1141, %swap3A_1142] {strides = array<i32>} : memref<80x128xf32, #tpu.memory_space<vmem>>, vector<16xf32>,
          tpu.vector_store %arg11[%swap3A_1141, %swap3A_1142], %mul3A_1140 {strides = array<i32>} : memref<80x128xf32, #tpu.memory_space<vmem>>, vector<16xf32>,
          %get3A_1144 = arith.index_cast %add3A_1122 : i32 to index
          %get3A_1145 = arith.constant 48 : index
          %get3A_1146 = tpu.vector_load %arg11[%get3A_1144, %get3A_1145] {strides = array<i32>} : memref<80x128xf32, #tpu.memory_space<vmem>>, vector<16xf32>,
          %mul3A_1147 = arith.mulf %get3A_1146, %gather3A_1118 : vector<16xf32>
          %swap3A_1148 = arith.index_cast %add3A_1122 : i32 to index
          %swap3A_1149 = arith.constant 48 : index
          %swap3A_1150 = tpu.vector_load %arg11[%swap3A_1148, %swap3A_1149] {strides = array<i32>} : memref<80x128xf32, #tpu.memory_space<vmem>>, vector<16xf32>,
          tpu.vector_store %arg11[%swap3A_1148, %swap3A_1149], %mul3A_1147 {strides = array<i32>} : memref<80x128xf32, #tpu.memory_space<vmem>>, vector<16xf32>,
          %get3A_1151 = arith.index_cast %add3A_1122 : i32 to index
          %get3A_1152 = arith.constant 64 : index
          %get3A_1153 = tpu.vector_load %arg11[%get3A_1151, %get3A_1152] {strides = array<i32>} : memref<80x128xf32, #tpu.memory_space<vmem>>, vector<16xf32>,
          %mul3A_1154 = arith.mulf %get3A_1153, %gather3A_1118 : vector<16xf32>
          %swap3A_1155 = arith.index_cast %add3A_1122 : i32 to index
          %swap3A_1156 = arith.constant 64 : index
          %swap3A_1157 = tpu.vector_load %arg11[%swap3A_1155, %swap3A_1156] {strides = array<i32>} : memref<80x128xf32, #tpu.memory_space<vmem>>, vector<16xf32>,
          tpu.vector_store %arg11[%swap3A_1155, %swap3A_1156], %mul3A_1154 {strides = array<i32>} : memref<80x128xf32, #tpu.memory_space<vmem>>, vector<16xf32>,
          %get3A_1158 = arith.index_cast %add3A_1122 : i32 to index
          %get3A_1159 = arith.constant 80 : index
          %get3A_1160 = tpu.vector_load %arg11[%get3A_1158, %get3A_1159] {strides = array<i32>} : memref<80x128xf32, #tpu.memory_space<vmem>>, vector<16xf32>,
          %mul3A_1161 = arith.mulf %get3A_1160, %gather3A_1118 : vector<16xf32>
          %swap3A_1162 = arith.index_cast %add3A_1122 : i32 to index
          %swap3A_1163 = arith.constant 80 : index
          %swap3A_1164 = tpu.vector_load %arg11[%swap3A_1162, %swap3A_1163] {strides = array<i32>} : memref<80x128xf32, #tpu.memory_space<vmem>>, vector<16xf32>,
          tpu.vector_store %arg11[%swap3A_1162, %swap3A_1163], %mul3A_1161 {strides = array<i32>} : memref<80x128xf32, #tpu.memory_space<vmem>>, vector<16xf32>,
          %get3A_1165 = arith.index_cast %add3A_1122 : i32 to index
          %get3A_1166 = arith.constant 96 : index
          %get3A_1167 = tpu.vector_load %arg11[%get3A_1165, %get3A_1166] {strides = array<i32>} : memref<80x128xf32, #tpu.memory_space<vmem>>, vector<16xf32>,
          %mul3A_1168 = arith.mulf %get3A_1167, %gather3A_1118 : vector<16xf32>
          %swap3A_1169 = arith.index_cast %add3A_1122 : i32 to index
          %swap3A_1170 = arith.constant 96 : index
          %swap3A_1171 = tpu.vector_load %arg11[%swap3A_1169, %swap3A_1170] {strides = array<i32>} : memref<80x128xf32, #tpu.memory_space<vmem>>, vector<16xf32>,
          tpu.vector_store %arg11[%swap3A_1169, %swap3A_1170], %mul3A_1168 {strides = array<i32>} : memref<80x128xf32, #tpu.memory_space<vmem>>, vector<16xf32>,
          %get3A_1172 = arith.index_cast %add3A_1122 : i32 to index
          %get3A_1173 = arith.constant 112 : index
          %get3A_1174 = tpu.vector_load %arg11[%get3A_1172, %get3A_1173] {strides = array<i32>} : memref<80x128xf32, #tpu.memory_space<vmem>>, vector<16xf32>,
          %mul3A_1175 = arith.mulf %get3A_1174, %gather3A_1118 : vector<16xf32>
          %swap3A_1176 = arith.index_cast %add3A_1122 : i32 to index
          %swap3A_1177 = arith.constant 112 : index
          %swap3A_1178 = tpu.vector_load %arg11[%swap3A_1176, %swap3A_1177] {strides = array<i32>} : memref<80x128xf32, #tpu.memory_space<vmem>>, vector<16xf32>,
          tpu.vector_store %arg11[%swap3A_1176, %swap3A_1177], %mul3A_1175 {strides = array<i32>} : memref<80x128xf32, #tpu.memory_space<vmem>>, vector<16xf32>,
          %broadcast_in_dim3A_1179 = arith.constant 15 : i32
          %broadcast_in_dim3A_1180 = vector.broadcast %broadcast_in_dim3A_1179 : i32 to vector<16xi32>
          %broadcast_in_dim3A_1181 = vector.shape_cast %broadcast_in_dim3A_1180 : vector<16xi32> to vector<16x1xi32>
          %gather3A_1182 = vector.shape_cast %broadcast_in_dim3A_1181 : vector<16x1xi32> to vector<16xi32>
          %gather3A_1183 = tpu.dynamic_gather %get3A_201[%gather3A_1182] in [0] : vector<16xf32>, vector<16xi32> -> vector<16xf32>
          %mul3A_1184 = arith.constant 16 : i32
          %mul3A_1185 = arith.muli %add3A_195, %mul3A_1184 : i32
          %add3A_1186 = arith.constant 15 : i32
          %add3A_1187 = arith.addi %mul3A_1185, %add3A_1186 : i32
          %get3A_1188 = arith.index_cast %add3A_1187 : i32 to index
          %get3A_1189 = arith.constant 0 : index
          %get3A_1190 = tpu.vector_load %arg11[%get3A_1188, %get3A_1189] {strides = array<i32>} : memref<80x128xf32, #tpu.memory_space<vmem>>, vector<16xf32>,
          %mul3A_1191 = arith.mulf %get3A_1190, %gather3A_1183 : vector<16xf32>
          %swap3A_1192 = arith.index_cast %add3A_1187 : i32 to index
          %swap3A_1193 = arith.constant 0 : index
          %swap3A_1194 = tpu.vector_load %arg11[%swap3A_1192, %swap3A_1193] {strides = array<i32>} : memref<80x128xf32, #tpu.memory_space<vmem>>, vector<16xf32>,
          tpu.vector_store %arg11[%swap3A_1192, %swap3A_1193], %mul3A_1191 {strides = array<i32>} : memref<80x128xf32, #tpu.memory_space<vmem>>, vector<16xf32>,
          %get3A_1195 = arith.index_cast %add3A_1187 : i32 to index
          %get3A_1196 = arith.constant 16 : index
          %get3A_1197 = tpu.vector_load %arg11[%get3A_1195, %get3A_1196] {strides = array<i32>} : memref<80x128xf32, #tpu.memory_space<vmem>>, vector<16xf32>,
          %mul3A_1198 = arith.mulf %get3A_1197, %gather3A_1183 : vector<16xf32>
          %swap3A_1199 = arith.index_cast %add3A_1187 : i32 to index
          %swap3A_1200 = arith.constant 16 : index
          %swap3A_1201 = tpu.vector_load %arg11[%swap3A_1199, %swap3A_1200] {strides = array<i32>} : memref<80x128xf32, #tpu.memory_space<vmem>>, vector<16xf32>,
          tpu.vector_store %arg11[%swap3A_1199, %swap3A_1200], %mul3A_1198 {strides = array<i32>} : memref<80x128xf32, #tpu.memory_space<vmem>>, vector<16xf32>,
          %get3A_1202 = arith.index_cast %add3A_1187 : i32 to index
          %get3A_1203 = arith.constant 32 : index
          %get3A_1204 = tpu.vector_load %arg11[%get3A_1202, %get3A_1203] {strides = array<i32>} : memref<80x128xf32, #tpu.memory_space<vmem>>, vector<16xf32>,
          %mul3A_1205 = arith.mulf %get3A_1204, %gather3A_1183 : vector<16xf32>
          %swap3A_1206 = arith.index_cast %add3A_1187 : i32 to index
          %swap3A_1207 = arith.constant 32 : index
          %swap3A_1208 = tpu.vector_load %arg11[%swap3A_1206, %swap3A_1207] {strides = array<i32>} : memref<80x128xf32, #tpu.memory_space<vmem>>, vector<16xf32>,
          tpu.vector_store %arg11[%swap3A_1206, %swap3A_1207], %mul3A_1205 {strides = array<i32>} : memref<80x128xf32, #tpu.memory_space<vmem>>, vector<16xf32>,
          %get3A_1209 = arith.index_cast %add3A_1187 : i32 to index
          %get3A_1210 = arith.constant 48 : index
          %get3A_1211 = tpu.vector_load %arg11[%get3A_1209, %get3A_1210] {strides = array<i32>} : memref<80x128xf32, #tpu.memory_space<vmem>>, vector<16xf32>,
          %mul3A_1212 = arith.mulf %get3A_1211, %gather3A_1183 : vector<16xf32>
          %swap3A_1213 = arith.index_cast %add3A_1187 : i32 to index
          %swap3A_1214 = arith.constant 48 : index
          %swap3A_1215 = tpu.vector_load %arg11[%swap3A_1213, %swap3A_1214] {strides = array<i32>} : memref<80x128xf32, #tpu.memory_space<vmem>>, vector<16xf32>,
          tpu.vector_store %arg11[%swap3A_1213, %swap3A_1214], %mul3A_1212 {strides = array<i32>} : memref<80x128xf32, #tpu.memory_space<vmem>>, vector<16xf32>,
          %get3A_1216 = arith.index_cast %add3A_1187 : i32 to index
          %get3A_1217 = arith.constant 64 : index
          %get3A_1218 = tpu.vector_load %arg11[%get3A_1216, %get3A_1217] {strides = array<i32>} : memref<80x128xf32, #tpu.memory_space<vmem>>, vector<16xf32>,
          %mul3A_1219 = arith.mulf %get3A_1218, %gather3A_1183 : vector<16xf32>
          %swap3A_1220 = arith.index_cast %add3A_1187 : i32 to index
          %swap3A_1221 = arith.constant 64 : index
          %swap3A_1222 = tpu.vector_load %arg11[%swap3A_1220, %swap3A_1221] {strides = array<i32>} : memref<80x128xf32, #tpu.memory_space<vmem>>, vector<16xf32>,
          tpu.vector_store %arg11[%swap3A_1220, %swap3A_1221], %mul3A_1219 {strides = array<i32>} : memref<80x128xf32, #tpu.memory_space<vmem>>, vector<16xf32>,
          %get3A_1223 = arith.index_cast %add3A_1187 : i32 to index
          %get3A_1224 = arith.constant 80 : index
          %get3A_1225 = tpu.vector_load %arg11[%get3A_1223, %get3A_1224] {strides = array<i32>} : memref<80x128xf32, #tpu.memory_space<vmem>>, vector<16xf32>,
          %mul3A_1226 = arith.mulf %get3A_1225, %gather3A_1183 : vector<16xf32>
          %swap3A_1227 = arith.index_cast %add3A_1187 : i32 to index
          %swap3A_1228 = arith.constant 80 : index
          %swap3A_1229 = tpu.vector_load %arg11[%swap3A_1227, %swap3A_1228] {strides = array<i32>} : memref<80x128xf32, #tpu.memory_space<vmem>>, vector<16xf32>,
          tpu.vector_store %arg11[%swap3A_1227, %swap3A_1228], %mul3A_1226 {strides = array<i32>} : memref<80x128xf32, #tpu.memory_space<vmem>>, vector<16xf32>,
          %get3A_1230 = arith.index_cast %add3A_1187 : i32 to index
          %get3A_1231 = arith.constant 96 : index
          %get3A_1232 = tpu.vector_load %arg11[%get3A_1230, %get3A_1231] {strides = array<i32>} : memref<80x128xf32, #tpu.memory_space<vmem>>, vector<16xf32>,
          %mul3A_1233 = arith.mulf %get3A_1232, %gather3A_1183 : vector<16xf32>
          %swap3A_1234 = arith.index_cast %add3A_1187 : i32 to index
          %swap3A_1235 = arith.constant 96 : index
          %swap3A_1236 = tpu.vector_load %arg11[%swap3A_1234, %swap3A_1235] {strides = array<i32>} : memref<80x128xf32, #tpu.memory_space<vmem>>, vector<16xf32>,
          tpu.vector_store %arg11[%swap3A_1234, %swap3A_1235], %mul3A_1233 {strides = array<i32>} : memref<80x128xf32, #tpu.memory_space<vmem>>, vector<16xf32>,
          %get3A_1237 = arith.index_cast %add3A_1187 : i32 to index
          %get3A_1238 = arith.constant 112 : index
          %get3A_1239 = tpu.vector_load %arg11[%get3A_1237, %get3A_1238] {strides = array<i32>} : memref<80x128xf32, #tpu.memory_space<vmem>>, vector<16xf32>,
          %mul3A_1240 = arith.mulf %get3A_1239, %gather3A_1183 : vector<16xf32>
          %swap3A_1241 = arith.index_cast %add3A_1187 : i32 to index
          %swap3A_1242 = arith.constant 112 : index
          %swap3A_1243 = tpu.vector_load %arg11[%swap3A_1241, %swap3A_1242] {strides = array<i32>} : memref<80x128xf32, #tpu.memory_space<vmem>>, vector<16xf32>,
          tpu.vector_store %arg11[%swap3A_1241, %swap3A_1242], %mul3A_1240 {strides = array<i32>} : memref<80x128xf32, #tpu.memory_space<vmem>>, vector<16xf32>,
        }
        %scan3A_187 = arith.constant 5 : i32
        %dma_start3A_188 = arith.constant 0 : i32
        %dma_start3A_189 = arith.constant 0 : i32
        %dma_start3A_190 = tpu.memref_slice %arg14[%dma_start3A_188, %dma_start3A_189] : memref<10000x128xf32, #tpu.memory_space<vmem_shared>> -> memref<10000x128xf32, #tpu.memory_space<vmem_shared>>
        tpu.enqueue_indirect_dma source(%arg11 : memref<80x128xf32, #tpu.memory_space<vmem>>) target(%dma_start3A_190 : memref<10000x128xf32, #tpu.memory_space<vmem_shared>>) offsets(%arg13 : memref<80xi32, #tpu.memory_space<vmem>>) semaphore(%arg19 : memref<!tpu.dma_semaphore, #tpu.memory_space<semaphore_mem>>) {add = true}
      } else {
      }
    }
    %scan3A_67 = arith.constant 125 : i32
    %dma_wait3A_68 = arith.constant 0 : i32
    %dma_wait3A_69 = arith.constant 0 : i32
    %dma_wait3A_70 = tpu.memref_slice %arg14[%dma_wait3A_68, %dma_wait3A_69] : memref<10000x128xf32, #tpu.memory_space<vmem_shared>> -> memref<10000x128xf32, #tpu.memory_space<vmem_shared>>
    tpu.wait_indirect_dma semaphore(%arg18 : memref<!tpu.dma_semaphore, #tpu.memory_space<semaphore_mem>>) src(%arg10 : memref<80x128xf32, #tpu.memory_space<vmem>>) dst(%dma_wait3A_70 : memref<10000x128xf32, #tpu.memory_space<vmem_shared>>)
    %barrier3A_71 = arith.constant 0 : index
    tpu.barrier barrier_id(%barrier3A_71)
    "tpu.region"() ({
      %run_scoped3A = tpu.sem_alloc : memref<!tpu.dma_semaphore, #tpu.memory_space<semaphore_mem>>
      %dma_start3A_110 = arith.constant 0 : i32
      %dma_start3A_111 = tpu.memref_slice %arg6[%add3A, %dma_start3A_110] : memref<32x10000xf32, #tpu.memory_space<hbm>> -> memref<1x10000xf32, #tpu.memory_space<hbm>>
      %dma_start3A_112 = tpu.memref_squeeze %dma_start3A_111 : memref<1x10000xf32, #tpu.memory_space<hbm>> -> memref<10000xf32, #tpu.memory_space<hbm>>
      %dma_start3A_113 = arith.constant 0 : i32
      %dma_start3A_114 = tpu.memref_slice %arg6[%add3A, %dma_start3A_113] : memref<32x10000xf32, #tpu.memory_space<hbm>> -> memref<1x10000xf32, #tpu.memory_space<hbm>>
      %dma_start3A_115 = tpu.memref_squeeze %dma_start3A_114 : memref<1x10000xf32, #tpu.memory_space<hbm>> -> memref<10000xf32, #tpu.memory_space<hbm>>
      tpu.enqueue_dma source(%arg9 : memref<10000xf32, #tpu.memory_space<vmem>>) target(%dma_start3A_115 : memref<10000xf32, #tpu.memory_space<hbm>>) target_semaphore(%run_scoped3A : memref<!tpu.dma_semaphore, #tpu.memory_space<semaphore_mem>>)
      %dma_wait3A_116 = arith.constant 0 : i32
      %dma_wait3A_117 = tpu.memref_slice %arg6[%add3A, %dma_wait3A_116] : memref<32x10000xf32, #tpu.memory_space<hbm>> -> memref<1x10000xf32, #tpu.memory_space<hbm>>
      %dma_wait3A_118 = tpu.memref_squeeze %dma_wait3A_117 : memref<1x10000xf32, #tpu.memory_space<hbm>> -> memref<10000xf32, #tpu.memory_space<hbm>>
      %dma_wait3A_119 = arith.constant 0 : i32
      %dma_wait3A_120 = tpu.memref_slice %arg6[%add3A, %dma_wait3A_119] : memref<32x10000xf32, #tpu.memory_space<hbm>> -> memref<1x10000xf32, #tpu.memory_space<hbm>>
      %dma_wait3A_121 = tpu.memref_squeeze %dma_wait3A_120 : memref<1x10000xf32, #tpu.memory_space<hbm>> -> memref<10000xf32, #tpu.memory_space<hbm>>
      tpu.wait_dma2 semaphore(%run_scoped3A : memref<!tpu.dma_semaphore, #tpu.memory_space<semaphore_mem>>) src(%arg9 : memref<10000xf32, #tpu.memory_space<vmem>>) dst(%dma_wait3A_121 : memref<10000xf32, #tpu.memory_space<hbm>>)
      tpu.yield
    }) : () -> ()
    %add3A_72 = arith.constant 0 : i32
    %add3A_73 = arith.addi %mul3A_17, %add3A_72 : i32
    %add3A_74 = arith.constant 0 : i32
    %add3A_75 = arith.addi %mul3A_17, %add3A_74 : i32
    "tpu.region"() ({
      %run_scoped3A = tpu.sem_alloc : memref<!tpu.dma_semaphore, #tpu.memory_space<semaphore_mem>>
      %dma_start3A_110 = arith.constant 0 : i32
      %dma_start3A_111 = tpu.memref_slice %arg5[%arg0, %add3A_75, %dma_start3A_110] : memref<2x10000x128xf32, #tpu.memory_space<hbm>> -> memref<1x80x128xf32, #tpu.memory_space<hbm>>
      %dma_start3A_112 = tpu.memref_squeeze %dma_start3A_111 : memref<1x80x128xf32, #tpu.memory_space<hbm>> -> memref<80x128xf32, #tpu.memory_space<hbm>>
      %dma_start3A_113 = arith.constant 0 : i32
      %dma_start3A_114 = tpu.memref_slice %arg14[%add3A_73, %dma_start3A_113] : memref<10000x128xf32, #tpu.memory_space<vmem_shared>> -> memref<80x128xf32, #tpu.memory_space<vmem_shared>>
      tpu.enqueue_dma source(%dma_start3A_114 : memref<80x128xf32, #tpu.memory_space<vmem_shared>>) target(%dma_start3A_112 : memref<80x128xf32, #tpu.memory_space<hbm>>) target_semaphore(%run_scoped3A : memref<!tpu.dma_semaphore, #tpu.memory_space<semaphore_mem>>)
      %dma_wait3A_115 = arith.constant 0 : i32
      %dma_wait3A_116 = tpu.memref_slice %arg5[%arg0, %add3A_75, %dma_wait3A_115] : memref<2x10000x128xf32, #tpu.memory_space<hbm>> -> memref<1x80x128xf32, #tpu.memory_space<hbm>>
      %dma_wait3A_117 = tpu.memref_squeeze %dma_wait3A_116 : memref<1x80x128xf32, #tpu.memory_space<hbm>> -> memref<80x128xf32, #tpu.memory_space<hbm>>
      %dma_wait3A_118 = arith.constant 0 : i32
      %dma_wait3A_119 = tpu.memref_slice %arg14[%add3A_73, %dma_wait3A_118] : memref<10000x128xf32, #tpu.memory_space<vmem_shared>> -> memref<80x128xf32, #tpu.memory_space<vmem_shared>>
      tpu.wait_dma2 semaphore(%run_scoped3A : memref<!tpu.dma_semaphore, #tpu.memory_space<semaphore_mem>>) src(%dma_wait3A_119 : memref<80x128xf32, #tpu.memory_space<vmem_shared>>) dst(%dma_wait3A_117 : memref<80x128xf32, #tpu.memory_space<hbm>>)
      tpu.yield
    }) : () -> ()
    %add3A_76 = arith.constant 80 : i32
    %add3A_77 = arith.addi %mul3A_17, %add3A_76 : i32
    %add3A_78 = arith.constant 80 : i32
    %add3A_79 = arith.addi %mul3A_17, %add3A_78 : i32
    "tpu.region"() ({
      %run_scoped3A = tpu.sem_alloc : memref<!tpu.dma_semaphore, #tpu.memory_space<semaphore_mem>>
      %dma_start3A_110 = arith.constant 0 : i32
      %dma_start3A_111 = tpu.memref_slice %arg5[%arg0, %add3A_79, %dma_start3A_110] : memref<2x10000x128xf32, #tpu.memory_space<hbm>> -> memref<1x80x128xf32, #tpu.memory_space<hbm>>
      %dma_start3A_112 = tpu.memref_squeeze %dma_start3A_111 : memref<1x80x128xf32, #tpu.memory_space<hbm>> -> memref<80x128xf32, #tpu.memory_space<hbm>>
      %dma_start3A_113 = arith.constant 0 : i32
      %dma_start3A_114 = tpu.memref_slice %arg14[%add3A_77, %dma_start3A_113] : memref<10000x128xf32, #tpu.memory_space<vmem_shared>> -> memref<80x128xf32, #tpu.memory_space<vmem_shared>>
      tpu.enqueue_dma source(%dma_start3A_114 : memref<80x128xf32, #tpu.memory_space<vmem_shared>>) target(%dma_start3A_112 : memref<80x128xf32, #tpu.memory_space<hbm>>) target_semaphore(%run_scoped3A : memref<!tpu.dma_semaphore, #tpu.memory_space<semaphore_mem>>)
      %dma_wait3A_115 = arith.constant 0 : i32
      %dma_wait3A_116 = tpu.memref_slice %arg5[%arg0, %add3A_79, %dma_wait3A_115] : memref<2x10000x128xf32, #tpu.memory_space<hbm>> -> memref<1x80x128xf32, #tpu.memory_space<hbm>>
      %dma_wait3A_117 = tpu.memref_squeeze %dma_wait3A_116 : memref<1x80x128xf32, #tpu.memory_space<hbm>> -> memref<80x128xf32, #tpu.memory_space<hbm>>
      %dma_wait3A_118 = arith.constant 0 : i32
      %dma_wait3A_119 = tpu.memref_slice %arg14[%add3A_77, %dma_wait3A_118] : memref<10000x128xf32, #tpu.memory_space<vmem_shared>> -> memref<80x128xf32, #tpu.memory_space<vmem_shared>>
      tpu.wait_dma2 semaphore(%run_scoped3A : memref<!tpu.dma_semaphore, #tpu.memory_space<semaphore_mem>>) src(%dma_wait3A_119 : memref<80x128xf32, #tpu.memory_space<vmem_shared>>) dst(%dma_wait3A_117 : memref<80x128xf32, #tpu.memory_space<hbm>>)
      tpu.yield
    }) : () -> ()
    %add3A_80 = arith.constant 160 : i32
    %add3A_81 = arith.addi %mul3A_17, %add3A_80 : i32
    %add3A_82 = arith.constant 160 : i32
    %add3A_83 = arith.addi %mul3A_17, %add3A_82 : i32
    "tpu.region"() ({
      %run_scoped3A = tpu.sem_alloc : memref<!tpu.dma_semaphore, #tpu.memory_space<semaphore_mem>>
      %dma_start3A_110 = arith.constant 0 : i32
      %dma_start3A_111 = tpu.memref_slice %arg5[%arg0, %add3A_83, %dma_start3A_110] : memref<2x10000x128xf32, #tpu.memory_space<hbm>> -> memref<1x80x128xf32, #tpu.memory_space<hbm>>
      %dma_start3A_112 = tpu.memref_squeeze %dma_start3A_111 : memref<1x80x128xf32, #tpu.memory_space<hbm>> -> memref<80x128xf32, #tpu.memory_space<hbm>>
      %dma_start3A_113 = arith.constant 0 : i32
      %dma_start3A_114 = tpu.memref_slice %arg14[%add3A_81, %dma_start3A_113] : memref<10000x128xf32, #tpu.memory_space<vmem_shared>> -> memref<80x128xf32, #tpu.memory_space<vmem_shared>>
      tpu.enqueue_dma source(%dma_start3A_114 : memref<80x128xf32, #tpu.memory_space<vmem_shared>>) target(%dma_start3A_112 : memref<80x128xf32, #tpu.memory_space<hbm>>) target_semaphore(%run_scoped3A : memref<!tpu.dma_semaphore, #tpu.memory_space<semaphore_mem>>)
      %dma_wait3A_115 = arith.constant 0 : i32
      %dma_wait3A_116 = tpu.memref_slice %arg5[%arg0, %add3A_83, %dma_wait3A_115] : memref<2x10000x128xf32, #tpu.memory_space<hbm>> -> memref<1x80x128xf32, #tpu.memory_space<hbm>>
      %dma_wait3A_117 = tpu.memref_squeeze %dma_wait3A_116 : memref<1x80x128xf32, #tpu.memory_space<hbm>> -> memref<80x128xf32, #tpu.memory_space<hbm>>
      %dma_wait3A_118 = arith.constant 0 : i32
      %dma_wait3A_119 = tpu.memref_slice %arg14[%add3A_81, %dma_wait3A_118] : memref<10000x128xf32, #tpu.memory_space<vmem_shared>> -> memref<80x128xf32, #tpu.memory_space<vmem_shared>>
      tpu.wait_dma2 semaphore(%run_scoped3A : memref<!tpu.dma_semaphore, #tpu.memory_space<semaphore_mem>>) src(%dma_wait3A_119 : memref<80x128xf32, #tpu.memory_space<vmem_shared>>) dst(%dma_wait3A_117 : memref<80x128xf32, #tpu.memory_space<hbm>>)
      tpu.yield
    }) : () -> ()
    %add3A_84 = arith.constant 240 : i32
    %add3A_85 = arith.addi %mul3A_17, %add3A_84 : i32
    %add3A_86 = arith.constant 240 : i32
    %add3A_87 = arith.addi %mul3A_17, %add3A_86 : i32
    "tpu.region"() ({
      %run_scoped3A = tpu.sem_alloc : memref<!tpu.dma_semaphore, #tpu.memory_space<semaphore_mem>>
      %dma_start3A_110 = arith.constant 0 : i32
      %dma_start3A_111 = tpu.memref_slice %arg5[%arg0, %add3A_87, %dma_start3A_110] : memref<2x10000x128xf32, #tpu.memory_space<hbm>> -> memref<1x80x128xf32, #tpu.memory_space<hbm>>
      %dma_start3A_112 = tpu.memref_squeeze %dma_start3A_111 : memref<1x80x128xf32, #tpu.memory_space<hbm>> -> memref<80x128xf32, #tpu.memory_space<hbm>>
      %dma_start3A_113 = arith.constant 0 : i32
      %dma_start3A_114 = tpu.memref_slice %arg14[%add3A_85, %dma_start3A_113] : memref<10000x128xf32, #tpu.memory_space<vmem_shared>> -> memref<80x128xf32, #tpu.memory_space<vmem_shared>>
      tpu.enqueue_dma source(%dma_start3A_114 : memref<80x128xf32, #tpu.memory_space<vmem_shared>>) target(%dma_start3A_112 : memref<80x128xf32, #tpu.memory_space<hbm>>) target_semaphore(%run_scoped3A : memref<!tpu.dma_semaphore, #tpu.memory_space<semaphore_mem>>)
      %dma_wait3A_115 = arith.constant 0 : i32
      %dma_wait3A_116 = tpu.memref_slice %arg5[%arg0, %add3A_87, %dma_wait3A_115] : memref<2x10000x128xf32, #tpu.memory_space<hbm>> -> memref<1x80x128xf32, #tpu.memory_space<hbm>>
      %dma_wait3A_117 = tpu.memref_squeeze %dma_wait3A_116 : memref<1x80x128xf32, #tpu.memory_space<hbm>> -> memref<80x128xf32, #tpu.memory_space<hbm>>
      %dma_wait3A_118 = arith.constant 0 : i32
      %dma_wait3A_119 = tpu.memref_slice %arg14[%add3A_85, %dma_wait3A_118] : memref<10000x128xf32, #tpu.memory_space<vmem_shared>> -> memref<80x128xf32, #tpu.memory_space<vmem_shared>>
      tpu.wait_dma2 semaphore(%run_scoped3A : memref<!tpu.dma_semaphore, #tpu.memory_space<semaphore_mem>>) src(%dma_wait3A_119 : memref<80x128xf32, #tpu.memory_space<vmem_shared>>) dst(%dma_wait3A_117 : memref<80x128xf32, #tpu.memory_space<hbm>>)
      tpu.yield
    }) : () -> ()
    %add3A_88 = arith.constant 320 : i32
    %add3A_89 = arith.addi %mul3A_17, %add3A_88 : i32
    %add3A_90 = arith.constant 320 : i32
    %add3A_91 = arith.addi %mul3A_17, %add3A_90 : i32
    "tpu.region"() ({
      %run_scoped3A = tpu.sem_alloc : memref<!tpu.dma_semaphore, #tpu.memory_space<semaphore_mem>>
      %dma_start3A_110 = arith.constant 0 : i32
      %dma_start3A_111 = tpu.memref_slice %arg5[%arg0, %add3A_91, %dma_start3A_110] : memref<2x10000x128xf32, #tpu.memory_space<hbm>> -> memref<1x80x128xf32, #tpu.memory_space<hbm>>
      %dma_start3A_112 = tpu.memref_squeeze %dma_start3A_111 : memref<1x80x128xf32, #tpu.memory_space<hbm>> -> memref<80x128xf32, #tpu.memory_space<hbm>>
      %dma_start3A_113 = arith.constant 0 : i32
      %dma_start3A_114 = tpu.memref_slice %arg14[%add3A_89, %dma_start3A_113] : memref<10000x128xf32, #tpu.memory_space<vmem_shared>> -> memref<80x128xf32, #tpu.memory_space<vmem_shared>>
      tpu.enqueue_dma source(%dma_start3A_114 : memref<80x128xf32, #tpu.memory_space<vmem_shared>>) target(%dma_start3A_112 : memref<80x128xf32, #tpu.memory_space<hbm>>) target_semaphore(%run_scoped3A : memref<!tpu.dma_semaphore, #tpu.memory_space<semaphore_mem>>)
      %dma_wait3A_115 = arith.constant 0 : i32
      %dma_wait3A_116 = tpu.memref_slice %arg5[%arg0, %add3A_91, %dma_wait3A_115] : memref<2x10000x128xf32, #tpu.memory_space<hbm>> -> memref<1x80x128xf32, #tpu.memory_space<hbm>>
      %dma_wait3A_117 = tpu.memref_squeeze %dma_wait3A_116 : memref<1x80x128xf32, #tpu.memory_space<hbm>> -> memref<80x128xf32, #tpu.memory_space<hbm>>
      %dma_wait3A_118 = arith.constant 0 : i32
      %dma_wait3A_119 = tpu.memref_slice %arg14[%add3A_89, %dma_wait3A_118] : memref<10000x128xf32, #tpu.memory_space<vmem_shared>> -> memref<80x128xf32, #tpu.memory_space<vmem_shared>>
      tpu.wait_dma2 semaphore(%run_scoped3A : memref<!tpu.dma_semaphore, #tpu.memory_space<semaphore_mem>>) src(%dma_wait3A_119 : memref<80x128xf32, #tpu.memory_space<vmem_shared>>) dst(%dma_wait3A_117 : memref<80x128xf32, #tpu.memory_space<hbm>>)
      tpu.yield
    }) : () -> ()
    %add3A_92 = arith.constant 400 : i32
    %add3A_93 = arith.addi %mul3A_17, %add3A_92 : i32
    %add3A_94 = arith.constant 400 : i32
    %add3A_95 = arith.addi %mul3A_17, %add3A_94 : i32
    "tpu.region"() ({
      %run_scoped3A = tpu.sem_alloc : memref<!tpu.dma_semaphore, #tpu.memory_space<semaphore_mem>>
      %dma_start3A_110 = arith.constant 0 : i32
      %dma_start3A_111 = tpu.memref_slice %arg5[%arg0, %add3A_95, %dma_start3A_110] : memref<2x10000x128xf32, #tpu.memory_space<hbm>> -> memref<1x80x128xf32, #tpu.memory_space<hbm>>
      %dma_start3A_112 = tpu.memref_squeeze %dma_start3A_111 : memref<1x80x128xf32, #tpu.memory_space<hbm>> -> memref<80x128xf32, #tpu.memory_space<hbm>>
      %dma_start3A_113 = arith.constant 0 : i32
      %dma_start3A_114 = tpu.memref_slice %arg14[%add3A_93, %dma_start3A_113] : memref<10000x128xf32, #tpu.memory_space<vmem_shared>> -> memref<80x128xf32, #tpu.memory_space<vmem_shared>>
      tpu.enqueue_dma source(%dma_start3A_114 : memref<80x128xf32, #tpu.memory_space<vmem_shared>>) target(%dma_start3A_112 : memref<80x128xf32, #tpu.memory_space<hbm>>) target_semaphore(%run_scoped3A : memref<!tpu.dma_semaphore, #tpu.memory_space<semaphore_mem>>)
      %dma_wait3A_115 = arith.constant 0 : i32
      %dma_wait3A_116 = tpu.memref_slice %arg5[%arg0, %add3A_95, %dma_wait3A_115] : memref<2x10000x128xf32, #tpu.memory_space<hbm>> -> memref<1x80x128xf32, #tpu.memory_space<hbm>>
      %dma_wait3A_117 = tpu.memref_squeeze %dma_wait3A_116 : memref<1x80x128xf32, #tpu.memory_space<hbm>> -> memref<80x128xf32, #tpu.memory_space<hbm>>
      %dma_wait3A_118 = arith.constant 0 : i32
      %dma_wait3A_119 = tpu.memref_slice %arg14[%add3A_93, %dma_wait3A_118] : memref<10000x128xf32, #tpu.memory_space<vmem_shared>> -> memref<80x128xf32, #tpu.memory_space<vmem_shared>>
      tpu.wait_dma2 semaphore(%run_scoped3A : memref<!tpu.dma_semaphore, #tpu.memory_space<semaphore_mem>>) src(%dma_wait3A_119 : memref<80x128xf32, #tpu.memory_space<vmem_shared>>) dst(%dma_wait3A_117 : memref<80x128xf32, #tpu.memory_space<hbm>>)
      tpu.yield
    }) : () -> ()
    %add3A_96 = arith.constant 480 : i32
    %add3A_97 = arith.addi %mul3A_17, %add3A_96 : i32
    %add3A_98 = arith.constant 480 : i32
    %add3A_99 = arith.addi %mul3A_17, %add3A_98 : i32
    "tpu.region"() ({
      %run_scoped3A = tpu.sem_alloc : memref<!tpu.dma_semaphore, #tpu.memory_space<semaphore_mem>>
      %dma_start3A_110 = arith.constant 0 : i32
      %dma_start3A_111 = tpu.memref_slice %arg5[%arg0, %add3A_99, %dma_start3A_110] : memref<2x10000x128xf32, #tpu.memory_space<hbm>> -> memref<1x80x128xf32, #tpu.memory_space<hbm>>
      %dma_start3A_112 = tpu.memref_squeeze %dma_start3A_111 : memref<1x80x128xf32, #tpu.memory_space<hbm>> -> memref<80x128xf32, #tpu.memory_space<hbm>>
      %dma_start3A_113 = arith.constant 0 : i32
      %dma_start3A_114 = tpu.memref_slice %arg14[%add3A_97, %dma_start3A_113] : memref<10000x128xf32, #tpu.memory_space<vmem_shared>> -> memref<80x128xf32, #tpu.memory_space<vmem_shared>>
      tpu.enqueue_dma source(%dma_start3A_114 : memref<80x128xf32, #tpu.memory_space<vmem_shared>>) target(%dma_start3A_112 : memref<80x128xf32, #tpu.memory_space<hbm>>) target_semaphore(%run_scoped3A : memref<!tpu.dma_semaphore, #tpu.memory_space<semaphore_mem>>)
      %dma_wait3A_115 = arith.constant 0 : i32
      %dma_wait3A_116 = tpu.memref_slice %arg5[%arg0, %add3A_99, %dma_wait3A_115] : memref<2x10000x128xf32, #tpu.memory_space<hbm>> -> memref<1x80x128xf32, #tpu.memory_space<hbm>>
      %dma_wait3A_117 = tpu.memref_squeeze %dma_wait3A_116 : memref<1x80x128xf32, #tpu.memory_space<hbm>> -> memref<80x128xf32, #tpu.memory_space<hbm>>
      %dma_wait3A_118 = arith.constant 0 : i32
      %dma_wait3A_119 = tpu.memref_slice %arg14[%add3A_97, %dma_wait3A_118] : memref<10000x128xf32, #tpu.memory_space<vmem_shared>> -> memref<80x128xf32, #tpu.memory_space<vmem_shared>>
      tpu.wait_dma2 semaphore(%run_scoped3A : memref<!tpu.dma_semaphore, #tpu.memory_space<semaphore_mem>>) src(%dma_wait3A_119 : memref<80x128xf32, #tpu.memory_space<vmem_shared>>) dst(%dma_wait3A_117 : memref<80x128xf32, #tpu.memory_space<hbm>>)
      tpu.yield
    }) : () -> ()
    %lt3A_100 = arith.constant 15 : i32
    %lt3A_101 = arith.cmpi slt, %arg1, %lt3A_100 : i32
    %convert_element_type3A_102 = arith.extui %lt3A_101 : i1 to i32
    %cond3A_103 = arith.constant 0 : i32
    %cond3A_104 = arith.cmpi ne, %convert_element_type3A_102, %cond3A_103 : i32
    scf.if %cond3A_104 {
      %add3A_110 = arith.constant 560 : i32
      %add3A_111 = arith.addi %mul3A_17, %add3A_110 : i32
      %add3A_112 = arith.constant 560 : i32
      %add3A_113 = arith.addi %mul3A_17, %add3A_112 : i32
      "tpu.region"() ({
        %run_scoped3A = tpu.sem_alloc : memref<!tpu.dma_semaphore, #tpu.memory_space<semaphore_mem>>
        %dma_start3A_114 = arith.constant 0 : i32
        %dma_start3A_115 = tpu.memref_slice %arg5[%arg0, %add3A_113, %dma_start3A_114] : memref<2x10000x128xf32, #tpu.memory_space<hbm>> -> memref<1x64x128xf32, #tpu.memory_space<hbm>>
        %dma_start3A_116 = tpu.memref_squeeze %dma_start3A_115 : memref<1x64x128xf32, #tpu.memory_space<hbm>> -> memref<64x128xf32, #tpu.memory_space<hbm>>
        %dma_start3A_117 = arith.constant 0 : i32
        %dma_start3A_118 = tpu.memref_slice %arg14[%add3A_111, %dma_start3A_117] : memref<10000x128xf32, #tpu.memory_space<vmem_shared>> -> memref<64x128xf32, #tpu.memory_space<vmem_shared>>
        tpu.enqueue_dma source(%dma_start3A_118 : memref<64x128xf32, #tpu.memory_space<vmem_shared>>) target(%dma_start3A_116 : memref<64x128xf32, #tpu.memory_space<hbm>>) target_semaphore(%run_scoped3A : memref<!tpu.dma_semaphore, #tpu.memory_space<semaphore_mem>>)
        %dma_wait3A_119 = arith.constant 0 : i32
        %dma_wait3A_120 = tpu.memref_slice %arg5[%arg0, %add3A_113, %dma_wait3A_119] : memref<2x10000x128xf32, #tpu.memory_space<hbm>> -> memref<1x64x128xf32, #tpu.memory_space<hbm>>
        %dma_wait3A_121 = tpu.memref_squeeze %dma_wait3A_120 : memref<1x64x128xf32, #tpu.memory_space<hbm>> -> memref<64x128xf32, #tpu.memory_space<hbm>>
        %dma_wait3A_122 = arith.constant 0 : i32
        %dma_wait3A_123 = tpu.memref_slice %arg14[%add3A_111, %dma_wait3A_122] : memref<10000x128xf32, #tpu.memory_space<vmem_shared>> -> memref<64x128xf32, #tpu.memory_space<vmem_shared>>
        tpu.wait_dma2 semaphore(%run_scoped3A : memref<!tpu.dma_semaphore, #tpu.memory_space<semaphore_mem>>) src(%dma_wait3A_123 : memref<64x128xf32, #tpu.memory_space<vmem_shared>>) dst(%dma_wait3A_121 : memref<64x128xf32, #tpu.memory_space<hbm>>)
        tpu.yield
      }) : () -> ()
    } else {
    }
    %eq3A_105 = arith.constant 15 : i32
    %eq3A_106 = arith.cmpi eq, %arg1, %eq3A_105 : i32
    %convert_element_type3A_107 = arith.extui %eq3A_106 : i1 to i32
    %cond3A_108 = arith.constant 0 : i32
    %cond3A_109 = arith.cmpi ne, %convert_element_type3A_107, %cond3A_108 : i32
    scf.if %cond3A_109 {
      %add3A_110 = arith.constant 560 : i32
      %add3A_111 = arith.addi %mul3A_17, %add3A_110 : i32
      %add3A_112 = arith.constant 560 : i32
      %add3A_113 = arith.addi %mul3A_17, %add3A_112 : i32
      "tpu.region"() ({
        %run_scoped3A = tpu.sem_alloc : memref<!tpu.dma_semaphore, #tpu.memory_space<semaphore_mem>>
        %dma_start3A_114 = arith.constant 0 : i32
        %dma_start3A_115 = tpu.memref_slice %arg5[%arg0, %add3A_113, %dma_start3A_114] : memref<2x10000x128xf32, #tpu.memory_space<hbm>> -> memref<1x80x128xf32, #tpu.memory_space<hbm>>
        %dma_start3A_116 = tpu.memref_squeeze %dma_start3A_115 : memref<1x80x128xf32, #tpu.memory_space<hbm>> -> memref<80x128xf32, #tpu.memory_space<hbm>>
        %dma_start3A_117 = arith.constant 0 : i32
        %dma_start3A_118 = tpu.memref_slice %arg14[%add3A_111, %dma_start3A_117] : memref<10000x128xf32, #tpu.memory_space<vmem_shared>> -> memref<80x128xf32, #tpu.memory_space<vmem_shared>>
        tpu.enqueue_dma source(%dma_start3A_118 : memref<80x128xf32, #tpu.memory_space<vmem_shared>>) target(%dma_start3A_116 : memref<80x128xf32, #tpu.memory_space<hbm>>) target_semaphore(%run_scoped3A : memref<!tpu.dma_semaphore, #tpu.memory_space<semaphore_mem>>)
        %dma_wait3A_119 = arith.constant 0 : i32
        %dma_wait3A_120 = tpu.memref_slice %arg5[%arg0, %add3A_113, %dma_wait3A_119] : memref<2x10000x128xf32, #tpu.memory_space<hbm>> -> memref<1x80x128xf32, #tpu.memory_space<hbm>>
        %dma_wait3A_121 = tpu.memref_squeeze %dma_wait3A_120 : memref<1x80x128xf32, #tpu.memory_space<hbm>> -> memref<80x128xf32, #tpu.memory_space<hbm>>
        %dma_wait3A_122 = arith.constant 0 : i32
        %dma_wait3A_123 = tpu.memref_slice %arg14[%add3A_111, %dma_wait3A_122] : memref<10000x128xf32, #tpu.memory_space<vmem_shared>> -> memref<80x128xf32, #tpu.memory_space<vmem_shared>>
        tpu.wait_dma2 semaphore(%run_scoped3A : memref<!tpu.dma_semaphore, #tpu.memory_space<semaphore_mem>>) src(%dma_wait3A_123 : memref<80x128xf32, #tpu.memory_space<vmem_shared>>) dst(%dma_wait3A_121 : memref<80x128xf32, #tpu.memory_space<hbm>>)
        tpu.yield
      }) : () -> ()
    } else {
    }
    return
  }
}

module attributes {stable_mosaic.version = 14 : i64} {
  func.func @_pre_body(%arg0: i32, %arg1: memref<4000x128xf32, #tpu.memory_space<vmem>>, %arg2: memref<1x128xf32, #tpu.memory_space<vmem>>, %arg3: memref<128x8xf32, #tpu.memory_space<vmem>>, %arg4: memref<1000x128xf32, #tpu.memory_space<vmem>>, %arg5: memref<128x128xf32, #tpu.memory_space<vmem>>, %arg6: memref<128x128xf32, #tpu.memory_space<vmem>>, %arg7: memref<1x128xf32, #tpu.memory_space<vmem>>, %arg8: memref<4000x8xf32, #tpu.memory_space<vmem>>, %arg9: memref<1000x128xf32, #tpu.memory_space<vmem>>, %arg10: memref<1000x128xf32, #tpu.memory_space<vmem>>) attributes {dimension_semantics = [#tpu.dimension_semantics<arbitrary>], iteration_bounds = array<i64: 10>, scalar_prefetch = 0 : i64, scratch_operands = 0 : i64, tpu.core_type = #tpu.core_type<tc>, window_params = [{transform_indices = @transform_0, window_bounds = array<i64: 4000, 128>}, {pipeline_mode = #tpu.pipeline_mode<synchronous>, transform_indices = @transform_1, window_bounds = array<i64: 1, 128>}, {pipeline_mode = #tpu.pipeline_mode<synchronous>, transform_indices = @transform_2, window_bounds = array<i64: 128, 8>}, {transform_indices = @transform_3, window_bounds = array<i64: 1000, 128>}, {pipeline_mode = #tpu.pipeline_mode<synchronous>, transform_indices = @transform_4, window_bounds = array<i64: 128, 128>}, {pipeline_mode = #tpu.pipeline_mode<synchronous>, transform_indices = @transform_5, window_bounds = array<i64: 128, 128>}, {pipeline_mode = #tpu.pipeline_mode<synchronous>, transform_indices = @transform_6, window_bounds = array<i64: 1, 128>}, {transform_indices = @transform_7, window_bounds = array<i64: 4000, 8>}, {transform_indices = @transform_8, window_bounds = array<i64: 1000, 128>}, {transform_indices = @transform_9, window_bounds = array<i64: 1000, 128>}]} {
    %get3A = arith.constant 0 : index
    %get3A_0 = arith.constant 0 : index
    %get3A_1 = vector.load %arg1[%get3A, %get3A_0] : memref<4000x128xf32, #tpu.memory_space<vmem>>, vector<4000x128xf32>
    %get3A_2 = arith.constant 0 : index
    %get3A_3 = arith.constant 0 : index
    %get3A_4 = vector.load %arg2[%get3A_2, %get3A_3] : memref<1x128xf32, #tpu.memory_space<vmem>>, vector<1x128xf32>
    %mul3A = vector.broadcast %get3A_4 : vector<1x128xf32> to vector<4000x128xf32>
    %mul3A_5 = arith.mulf %get3A_1, %mul3A : vector<4000x128xf32>
    %get3A_6 = arith.constant 0 : index
    %get3A_7 = arith.constant 0 : index
    %get3A_8 = vector.load %arg3[%get3A_6, %get3A_7] : memref<128x8xf32, #tpu.memory_space<vmem>>, vector<128x8xf32>
    %dot_general3A = arith.constant dense<0.000000e+00> : vector<4000x8xf32>
    %dot_general3A_9 = tpu.matmul %mul3A_5, %get3A_8, %dot_general3A {dimension_numbers = #tpu.dot_dimension_numbers<[1], [0], [0], [1], [0, 0, 1, 1], [], []>, transpose_lhs_hint = false} : vector<4000x128xf32>, vector<128x8xf32>, vector<4000x8xf32> -> vector<4000x8xf32>
    %ge3A = arith.constant 0.000000e+00 : f32
    %ge3A_10 = vector.broadcast %ge3A : f32 to vector<4000x8xf32>
    %ge3A_11 = arith.cmpf oge, %dot_general3A_9, %ge3A_10 : vector<4000x8xf32>
    %mul3A_12 = arith.constant 2.000000e-01 : f32
    %mul3A_13 = vector.broadcast %mul3A_12 : f32 to vector<4000x8xf32>
    %mul3A_14 = arith.mulf %mul3A_13, %dot_general3A_9 : vector<4000x8xf32>
    %select_n3A = arith.select %ge3A_11, %dot_general3A_9, %mul3A_14 : vector<4000x8xi1>, vector<4000x8xf32>
    %exp3A = math.exp %select_n3A : vector<4000x8xf32>
    %swap3A = arith.constant 0 : index
    %swap3A_15 = arith.constant 0 : index
    %swap3A_16 = vector.load %arg8[%swap3A, %swap3A_15] : memref<4000x8xf32, #tpu.memory_space<vmem>>, vector<4000x8xf32>
    tpu.vector_store %arg8[%swap3A, %swap3A_15], %exp3A {strides = array<i32>} : memref<4000x8xf32, #tpu.memory_space<vmem>>, vector<4000x8xf32>,
    %get3A_17 = arith.constant 0 : index
    %get3A_18 = arith.constant 0 : index
    %get3A_19 = vector.load %arg4[%get3A_17, %get3A_18] : memref<1000x128xf32, #tpu.memory_space<vmem>>, vector<1000x128xf32>
    %get3A_20 = arith.constant 0 : index
    %get3A_21 = arith.constant 0 : index
    %get3A_22 = vector.load %arg5[%get3A_20, %get3A_21] : memref<128x128xf32, #tpu.memory_space<vmem>>, vector<128x128xf32>
    %dot_general3A_23 = arith.constant dense<0.000000e+00> : vector<1000x128xf32>
    %dot_general3A_24 = tpu.matmul %get3A_19, %get3A_22, %dot_general3A_23 {dimension_numbers = #tpu.dot_dimension_numbers<[1], [1], [0], [0], [0, 0, 1, 0], [], []>, transpose_lhs_hint = false} : vector<1000x128xf32>, vector<128x128xf32>, vector<1000x128xf32> -> vector<1000x128xf32>
    %swap3A_25 = arith.constant 0 : index
    %swap3A_26 = arith.constant 0 : index
    %swap3A_27 = vector.load %arg9[%swap3A_25, %swap3A_26] : memref<1000x128xf32, #tpu.memory_space<vmem>>, vector<1000x128xf32>
    tpu.vector_store %arg9[%swap3A_25, %swap3A_26], %dot_general3A_24 {strides = array<i32>} : memref<1000x128xf32, #tpu.memory_space<vmem>>, vector<1000x128xf32>,
    %get3A_28 = arith.constant 0 : index
    %get3A_29 = arith.constant 0 : index
    %get3A_30 = vector.load %arg6[%get3A_28, %get3A_29] : memref<128x128xf32, #tpu.memory_space<vmem>>, vector<128x128xf32>
    %dot_general3A_31 = arith.constant dense<0.000000e+00> : vector<1000x128xf32>
    %dot_general3A_32 = tpu.matmul %get3A_19, %get3A_30, %dot_general3A_31 {dimension_numbers = #tpu.dot_dimension_numbers<[1], [1], [0], [0], [0, 0, 1, 0], [], []>, transpose_lhs_hint = false} : vector<1000x128xf32>, vector<128x128xf32>, vector<1000x128xf32> -> vector<1000x128xf32>
    %get3A_33 = arith.constant 0 : index
    %get3A_34 = arith.constant 0 : index
    %get3A_35 = vector.load %arg7[%get3A_33, %get3A_34] : memref<1x128xf32, #tpu.memory_space<vmem>>, vector<1x128xf32>
    %add3A = vector.broadcast %get3A_35 : vector<1x128xf32> to vector<1000x128xf32>
    %add3A_36 = arith.addf %dot_general3A_32, %add3A : vector<1000x128xf32>
    %swap3A_37 = arith.constant 0 : index
    %swap3A_38 = arith.constant 0 : index
    %swap3A_39 = vector.load %arg10[%swap3A_37, %swap3A_38] : memref<1000x128xf32, #tpu.memory_space<vmem>>, vector<1000x128xf32>
    tpu.vector_store %arg10[%swap3A_37, %swap3A_38], %add3A_36 {strides = array<i32>} : memref<1000x128xf32, #tpu.memory_space<vmem>>, vector<1000x128xf32>,
    return
  }
  func.func @transform_0(%arg0: i32) -> (i32, i32) {
    %c0_i32 = arith.constant 0 : i32
    %c0_i32_0 = arith.constant 0 : i32
    return %arg0, %c0_i32 : i32, i32
  }
  func.func @transform_1(%arg0: i32) -> (i32, i32) {
    %c0_i32 = arith.constant 0 : i32
    %c0_i32_0 = arith.constant 0 : i32
    %c0_i32_1 = arith.constant 0 : i32
    return %c0_i32, %c0_i32_0 : i32, i32
  }
  func.func @transform_2(%arg0: i32) -> (i32, i32) {
    %c0_i32 = arith.constant 0 : i32
    %c0_i32_0 = arith.constant 0 : i32
    %c0_i32_1 = arith.constant 0 : i32
    return %c0_i32, %c0_i32_0 : i32, i32
  }
  func.func @transform_3(%arg0: i32) -> (i32, i32) {
    %c0_i32 = arith.constant 0 : i32
    %c0_i32_0 = arith.constant 0 : i32
    return %arg0, %c0_i32 : i32, i32
  }
  func.func @transform_4(%arg0: i32) -> (i32, i32) {
    %c0_i32 = arith.constant 0 : i32
    %c0_i32_0 = arith.constant 0 : i32
    %c0_i32_1 = arith.constant 0 : i32
    return %c0_i32, %c0_i32_0 : i32, i32
  }
  func.func @transform_5(%arg0: i32) -> (i32, i32) {
    %c0_i32 = arith.constant 0 : i32
    %c0_i32_0 = arith.constant 0 : i32
    %c0_i32_1 = arith.constant 0 : i32
    return %c0_i32, %c0_i32_0 : i32, i32
  }
  func.func @transform_6(%arg0: i32) -> (i32, i32) {
    %c0_i32 = arith.constant 0 : i32
    %c0_i32_0 = arith.constant 0 : i32
    %c0_i32_1 = arith.constant 0 : i32
    return %c0_i32, %c0_i32_0 : i32, i32
  }
  func.func @transform_7(%arg0: i32) -> (i32, i32) {
    %c0_i32 = arith.constant 0 : i32
    %c0_i32_0 = arith.constant 0 : i32
    return %arg0, %c0_i32 : i32, i32
  }
  func.func @transform_8(%arg0: i32) -> (i32, i32) {
    %c0_i32 = arith.constant 0 : i32
    %c0_i32_0 = arith.constant 0 : i32
    return %arg0, %c0_i32 : i32, i32
  }
  func.func @transform_9(%arg0: i32) -> (i32, i32) {
    %c0_i32 = arith.constant 0 : i32
    %c0_i32_0 = arith.constant 0 : i32
    return %arg0, %c0_i32 : i32, i32
  }
}

module attributes {stable_mosaic.version = 14 : i64} {
  func.func @_fin_body(%arg0: i32, %arg1: memref<1000x128xf32, #tpu.memory_space<vmem>>, %arg2: memref<2x1000x128xf32, #tpu.memory_space<vmem>>, %arg3: memref<1x32x1000xf32, #tpu.memory_space<vmem>>, %arg4: memref<1000x128xf32, #tpu.memory_space<vmem>>) attributes {dimension_semantics = [#tpu.dimension_semantics<arbitrary>], iteration_bounds = array<i64: 10>, scalar_prefetch = 0 : i64, scratch_operands = 0 : i64, tpu.core_type = #tpu.core_type<tc>, window_params = [{transform_indices = @transform_0, window_bounds = array<i64: 1000, 128>}, {transform_indices = @transform_1, window_bounds = array<i64: 2, 1000, 128>}, {transform_indices = @transform_2, window_bounds = array<i64: 1, 32, 1000>}, {transform_indices = @transform_3, window_bounds = array<i64: 1000, 128>}]} {
    %get3A = arith.constant 0 : index
    %get3A_0 = arith.constant 0 : index
    %get3A_1 = arith.constant 0 : index
    %get3A_2 = vector.load %arg3[%get3A, %get3A_0, %get3A_1] : memref<1x32x1000xf32, #tpu.memory_space<vmem>>, vector<1x32x1000xf32>
    %get3A_3 = vector.shape_cast %get3A_2 : vector<1x32x1000xf32> to vector<32x1000xf32>
    %reduce_sum3A = arith.constant dense<0.000000e+00> : vector<1000xf32>
    %reduce_sum3A_4 = vector.multi_reduction <add>, %get3A_3, %reduce_sum3A [0] : vector<32x1000xf32> to vector<1000xf32>
    %get3A_5 = arith.constant 0 : index
    %get3A_6 = arith.constant 0 : index
    %get3A_7 = arith.constant 0 : index
    %get3A_8 = vector.load %arg2[%get3A_5, %get3A_6, %get3A_7] : memref<2x1000x128xf32, #tpu.memory_space<vmem>>, vector<1x1000x128xf32>
    %get3A_9 = vector.shape_cast %get3A_8 : vector<1x1000x128xf32> to vector<1000x128xf32>
    %get3A_10 = arith.constant 1 : index
    %get3A_11 = arith.constant 0 : index
    %get3A_12 = arith.constant 0 : index
    %get3A_13 = vector.load %arg2[%get3A_10, %get3A_11, %get3A_12] : memref<2x1000x128xf32, #tpu.memory_space<vmem>>, vector<1x1000x128xf32>
    %get3A_14 = vector.shape_cast %get3A_13 : vector<1x1000x128xf32> to vector<1000x128xf32>
    %add3A = arith.addf %get3A_9, %get3A_14 : vector<1000x128xf32>
    %gt3A = arith.constant 0.000000e+00 : f32
    %gt3A_15 = vector.broadcast %gt3A : f32 to vector<1000xf32>
    %gt3A_16 = arith.cmpf ogt, %reduce_sum3A_4, %gt3A_15 : vector<1000xf32>
    %div3A = arith.constant 1.000000e+00 : f32
    %div3A_17 = vector.broadcast %div3A : f32 to vector<1000xf32>
    %div3A_18 = arith.divf %div3A_17, %reduce_sum3A_4 : vector<1000xf32>
    %jit3A = arith.constant 0.000000e+00 : f32
    %broadcast_in_dim3A = vector.broadcast %jit3A : f32 to vector<1000xf32>
    %select_n3A = arith.select %gt3A_16, %div3A_18, %broadcast_in_dim3A : vector<1000xi1>, vector<1000xf32>
    %get3A_19 = arith.constant 0 : index
    %get3A_20 = arith.constant 0 : index
    %get3A_21 = vector.load %arg1[%get3A_19, %get3A_20] : memref<1000x128xf32, #tpu.memory_space<vmem>>, vector<1000x128xf32>
    %broadcast_in_dim3A_22 = vector.shape_cast %select_n3A : vector<1000xf32> to vector<1000x1xf32>
    %mul3A = vector.broadcast %broadcast_in_dim3A_22 : vector<1000x1xf32> to vector<1000x128xf32>
    %mul3A_23 = arith.mulf %add3A, %mul3A : vector<1000x128xf32>
    %add3A_24 = arith.addf %get3A_21, %mul3A_23 : vector<1000x128xf32>
    %swap3A = arith.constant 0 : index
    %swap3A_25 = arith.constant 0 : index
    %swap3A_26 = vector.load %arg4[%swap3A, %swap3A_25] : memref<1000x128xf32, #tpu.memory_space<vmem>>, vector<1000x128xf32>
    tpu.vector_store %arg4[%swap3A, %swap3A_25], %add3A_24 {strides = array<i32>} : memref<1000x128xf32, #tpu.memory_space<vmem>>, vector<1000x128xf32>,
    return
  }
  func.func @transform_0(%arg0: i32) -> (i32, i32) {
    %c0_i32 = arith.constant 0 : i32
    %c0_i32_0 = arith.constant 0 : i32
    return %arg0, %c0_i32 : i32, i32
  }
  func.func @transform_1(%arg0: i32) -> (i32, i32, i32) {
    %c0_i32 = arith.constant 0 : i32
    %c0_i32_0 = arith.constant 0 : i32
    %c0_i32_1 = arith.constant 0 : i32
    return %c0_i32, %arg0, %c0_i32_0 : i32, i32, i32
  }
  func.func @transform_2(%arg0: i32) -> (i32, i32, i32) {
    %c0_i32 = arith.constant 0 : i32
    %c0_i32_0 = arith.constant 0 : i32
    %c0_i32_1 = arith.constant 0 : i32
    return %arg0, %c0_i32, %c0_i32_0 : i32, i32, i32
  }
  func.func @transform_3(%arg0: i32) -> (i32, i32) {
    %c0_i32 = arith.constant 0 : i32
    %c0_i32_0 = arith.constant 0 : i32
    return %arg0, %c0_i32 : i32, i32
  }
}

</mosaic_0001>

<sc_bundles>
// kernel: kernel.5.cloned.1.call-start
scs
__scs_entry_jumppad:
0x0: {  	(pc) =	sbr.rel $0x88, $3  }
0x1: {  	(tag) =	ssettag $0x0;
	lr =	simm.s32 $0x1  }
0x2: {  	[smem:$0x3F99] =	sst lr;
	_ =	strace $0xD0000000  }
0x3: {  	_ = 	snop  }
0x4: {  	_ = 	snop  }
0x5: {  	_ = 	snop  }
0x6: {  	_ = 	snop  }
0x7: {  	_ = 	snop  }
__scs_overlays_trampoline_lowered:
0x8: {  	[smem:$0x3FA8] =	sst s0  }
0x9: {  	[smem:$0x3FA9] =	sst s1  }
0xa: {  	[smem:$0x3FAA] =	sst s2  }
0xb: {  	[smem:$0x3FAB] =	sst s3  }
0xc: {  	[smem:$0x3FAC] =	sst s4  }
0xd: {  	[smem:$0x3FAD] =	sst s5  }
0xe: {  	[smem:$0x3FAE] =	sst s6  }
0xf: {  	[smem:$0x3FAF] =	sst s7  }
0x10: {  	[smem:$0x3FB0] =	sst s8  }
0x11: {  	[smem:$0x3FB1] =	sst s9;
	s0 =	simm.s32 @!p0 $0x0  }
0x12: {  	s1 =	sld [smem:$0x3F97];
	s0 =	simm.s32 @p0 $0x1  }
0x13: {  	[smem:$0x3FB2] =	sst s0;
	s0 =	simm.s32 @!p1 $0x0  }
0x14: {  	s2 =	sld [smem:$0x3F96];
	s0 =	simm.s32 @p1 $0x1  }
0x15: {  	[smem:$0x3FB3] =	sst s0;
	s0 =	simm.s32 @!p2 $0x0  }
0x16: {  	s3 =	sld [smem:$0x3FDB];
	s0 =	simm.s32 @p2 $0x1  }
0x17: {  	s4 =	simm.s32 $0x1BF5;
	[smem:$0x3FB5] =	sst s0  }
0x18: {  	s0 =	sld [smem:$0x3F98];
	_ =	swait.ge [sflag:s4], $0x0  }
0x19: {  	s7 =	sld [smem:$0x3F99]  }
0x1a: {  	s8 =	sadd.s32 $0xFFFFE003, lr  }
0x1b: {  	s9 =	sadd.s32 $0xFFFFFEF7, lr;
	s5 =	simm.s32 $0xFFFFFFFF;
	p2 =	slt.u32 s8, $0xFFFFF086  }
0x1c: {  	p1 =	slt.u32 s9, $0xF7A;
	s5 =	simm.s32 @!p2 $0x0  }
0x1d: {  	s5 =	simm.s32 @p1 $0x1;
	p0 =	seq.s32 s7, s2  }
0x1e: {  	s7 =	smul.u32 @!p0 $0xF7A, s2;
	p2 =	seq.s32 @!p0 s5, $0x0  }
0x1f: {  	s9 =	smul.u32 $0xF7A, s1;
	s8 =	simm.s32 @!p0 $0x1BF5;
	p2 =	por !p2, p0  }
0x20: {  	[sflag:s8] =	ssyncset.s32 @!p0 $0xFFFFF086;
	s6 =	sadd.s32 @!p0 s3, s7;
	s7 =	simm.s32 @!p0 $0x108  }
0x21: {  	s3 =	sadd.s32 s3, s9;
	s6 =	sadd.s32 @!p0 $0x88, s6;
	s7 =	simm.s32 @p2 $0x1082  }
0x22: {  	[simem:s7], [sflag:s8] =	dma.local @!p0 [hbm:s6], $0xF7A  }
0x23: {  	s9 =	sor.u32 $0xD0000000, s2;
	s6 =	simm.s32 $0x108;
	_ =	swait.ge @!p0 [sflag:s8], $0x0  }
0x24: {  	s3 =	sadd.s32 $0x88, s3;
	s6 =	simm.s32 @!p1 $0x1082;
	[sflag:s4] =	ssyncset.s32 $0xFFFFF086  }
0x25: {  	[simem:s6], [sflag:s4] =	dma.local [hbm:s3], $0xF7A  }
0x26: {  	[smem:$0x3F99] =	sst s1;
	(tag) =	ssettag s2;
	_ =	strace s9  }
0x27: {  	s1 =	sld [smem:$0x3FA9]  }
0x28: {  	s2 =	sld [smem:$0x3FAA]  }
0x29: {  	s4 =	sld [smem:$0x3FAC]  }
0x2a: {  	p0 =	seq.s32 s5, $0x0;
	s5 =	sld [smem:$0x3FAD]  }
0x2b: {  	s6 =	sld [smem:$0x3FAE]  }
0x2c: {  	s7 =	sld [smem:$0x3FAF]  }
0x2d: {  	s3 =	simm.s32 $0x108;
	s8 =	sld [smem:$0x3FB0]  }
0x2e: {  	s3 =	simm.s32 @!p0 $0x1082;
	s9 =	sld [smem:$0x3FB1]  }
0x2f: {  	lr =	sadd.s32 s0, s3;
	s0 =	sld [smem:$0x3FA8]  }
0x30: {  	s3 =	sld [smem:$0x3FAB]  }
0x31: {  	[smem:$0x3FB4] =	sst s10  }
0x32: {  	s10 =	sld [smem:$0x3FB2];
	_ =	sdelay $0x3  }
0x33: {  	p0 =	seq.s32 s10, $0x1;
	s10 =	sld [smem:$0x3FB4];
	_ =	sdelay $0x3  }
0x34: {  	[smem:$0x3FB4] =	sst s10  }
0x35: {  	s10 =	sld [smem:$0x3FB3];
	_ =	sdelay $0x3  }
0x36: {  	p1 =	seq.s32 s10, $0x1;
	s10 =	sld [smem:$0x3FB4];
	_ =	sdelay $0x3  }
0x37: {  	[smem:$0x3FB4] =	sst s10  }
0x38: {  	s10 =	sld [smem:$0x3FB5]  }
0x39: {  	_ = 	snop;
	(pc) =	sbr.ind lr, $3  }
0x3a: {  	_ = 	snop  }
0x3b: {  	_ = 	snop  }
0x3c: {  	p2 =	seq.s32 s10, $0x1;
	s10 =	sld [smem:$0x3FB4]  }
0x3d: {  	_ =	shalt  }
0x3e: {  	_ =	shalt  }
0x3f: {  	_ =	shalt  }
0x40: {  	_ =	shalt  }
0x41: {  	_ =	shalt  }
0x42: {  	_ =	shalt  }
0x43: {  	_ =	shalt  }
0x44: {  	_ =	shalt  }
0x45: {  	_ =	shalt  }
0x46: {  	_ =	shalt  }
0x47: {  	_ =	shalt  }
0x48: {  	_ =	shalt  }
0x49: {  	_ =	shalt  }
0x4a: {  	_ =	shalt  }
0x4b: {  	_ =	shalt  }
0x4c: {  	_ =	shalt  }
0x4d: {  	_ =	shalt  }
0x4e: {  	_ =	shalt  }
0x4f: {  	_ =	shalt  }
0x50: {  	_ =	shalt  }
0x51: {  	_ =	shalt  }
0x52: {  	_ =	shalt  }
0x53: {  	_ =	shalt  }
0x54: {  	_ =	shalt  }
0x55: {  	_ =	shalt  }
0x56: {  	_ =	shalt  }
0x57: {  	_ =	shalt  }
0x58: {  	_ =	shalt  }
0x59: {  	_ =	shalt  }
0x5a: {  	_ =	shalt  }
0x5b: {  	_ =	shalt  }
0x5c: {  	_ =	shalt  }
0x5d: {  	_ =	shalt  }
0x5e: {  	_ =	shalt  }
0x5f: {  	_ =	shalt  }
0x60: {  	_ =	shalt  }
0x61: {  	_ =	shalt  }
0x62: {  	_ =	shalt  }
0x63: {  	_ =	shalt  }
0x64: {  	_ =	shalt  }
0x65: {  	_ =	shalt  }
0x66: {  	_ =	shalt  }
0x67: {  	_ =	shalt  }
0x68: {  	_ =	shalt  }
0x69: {  	_ =	shalt  }
0x6a: {  	_ =	shalt  }
0x6b: {  	_ =	shalt  }
0x6c: {  	_ =	shalt  }
0x6d: {  	_ =	shalt  }
0x6e: {  	_ =	shalt  }
0x6f: {  	_ =	shalt  }
0x70: {  	_ =	shalt  }
0x71: {  	_ =	shalt  }
0x72: {  	_ =	shalt  }
0x73: {  	_ =	shalt  }
0x74: {  	_ =	shalt  }
0x75: {  	_ =	shalt  }
0x76: {  	_ =	shalt  }
0x77: {  	_ =	shalt  }
0x78: {  	_ =	shalt  }
0x79: {  	_ =	shalt  }
0x7a: {  	_ =	shalt  }
0x7b: {  	_ =	shalt  }
0x7c: {  	_ =	shalt  }
0x7d: {  	_ =	shalt  }
0x7e: {  	_ =	shalt  }
0x7f: {  	_ =	shalt  }
0x80: {  	_ =	shalt  }
0x81: {  	_ =	shalt  }
0x82: {  	_ =	shalt  }
0x83: {  	_ =	shalt  }
0x84: {  	_ =	shalt  }
0x85: {  	_ =	shalt  }
0x86: {  	_ =	shalt  }
0x87: {  	_ =	shalt  }
.Lfunc_end0:
.L_simem_size_0:
called_computation_lowered:
.L_overlay_start_0:
0x88: {  	s2 =	sld [smem:$0x3FD9]  }
0x89: {  	s3 =	sld [smem:$0x3FFE];
	_ =	sdelay $0x1  }
0x8a: {  	s1 =	srdreg.scid  }
0x8b: {  	s0 =	sand.u32 $0x1, s1  }
0x8c: {  	s17 =	sshll.u32 s0, $0xA;
	s2 =	sadd.s32 s3, s2  }
0x8d: {  	s2 =	sadd.s32 s2, s17  }
0x8e: {  	[smem:$0x3FC0] =	sst s2  }
0x8f: {  	_ = 	snop  }
0x90: {  	s2 =	sld [smem:$0x3FD0];
	(tm) =	ssettm $0x1  }
0x91: {  	s18 =	sld [smem:$0x3FFB];
	_ =	sdelay $0x3  }
0x92: {  	_ =	strace s18  }
0x93: {  	s3 =	sld [smem:$0x3FFC];
	_ =	sdelay $0x3  }
0x94: {  	_ =	strace s3  }
0x95: {  	s3 =	sld [smem:$0x3FFD];
	_ =	sdelay $0x3  }
0x96: {  	_ =	strace s3  }
0x97: {  	_ =	strace $0x8FFFFFFF  }
0x98: {  	s19 =	sld [smem:$0x3FDB];
	_ =	sdelay $0x1  }
0x99: {  	s4 =	simm.s32 $_scs_section_size  }
0x9a: {  	s5 =	simm.s32 $_size__tile_overlayer_lowered;
	s6 =	simm.s32 $_tile_overlayer_lowered  }
0x9b: {  	s22 =	simm.s32 $0x1BFF;
	s21 =	sshll.u32 s6, $0x1;
	s3 =	sadd.s32 s4, s19  }
0x9c: {  	s7 =	simm.s32 $0x0;
	s20 =	sshll.u32 s5, $0x1;
	s5 =	sadd.s32 s21, s3  }
0x9d: {  	[timem:s7], [sflag:s22] =	dma.local [hbm:s5], s20  }
0x9e: {  	_ =	swait.ge [sflag:s22], s20  }
0x9f: {  	s4 =	ssub.s32 $0x0, s20;
	[sflag:s22] =	ssyncset.done $0x0  }
0xa0: {  	[sflag:s22] =	ssyncadd.s32 s4;
	_ =	sdelay $0x1  }
0xa1: {  	s23 =	simm.s32 $0x1B8B  }
0xa2: {  	_ =	swait.ge [sflag:s23], $0x1  }
0xa3: {  	[sflag:s23] =	ssyncset.done $0x0  }
0xa4: {  	s25 =	simm.s32 $0x1B8E;
	s24 =	sld [smem:$0x3FFE];
	[sflag:s23] =	ssyncadd.s32 $0xFFFFFFFF  }
0xa5: {  	s26 =	simm.s32 $execute0_lowered;
	[smem:$0x3FD2] =	sst s25  }
0xa6: {  	s5 =	sshll.u32 s26, $0x1;
	_ =	strace $0x80000046;
	[dreg:$0x1] =	wrdreg $0xFFFFFFFF  }
0xa7: {  	s28 =	simm.s32 $_size_execute0_lowered;
	s3 =	sadd.s32 s3, s5;
	[dreg:$0x0] =	wrdreg $0x0  }
0xa8: {  	s5 =	sshll.u32 s28, $0x1;
	[dreg:$0x2] =	wrdreg s3  }
0xa9: {  	[dreg:$0x3] =	wrdreg s5  }
0xaa: {  	[dreg:$0x4] =	wrdreg $0xC0  }
0xab: {  	_ =	task [dreg:s7], $0x5FFFF  }
0xac: {  	[dreg:$0x1] =	wrdreg $0xFFFFFFFF  }
0xad: {  	[dreg:$0x0] =	wrdreg $0x60  }
0xae: {  	[dreg:$0x2] =	wrdreg s2  }
0xaf: {  	[dreg:$0x3] =	wrdreg s24  }
0xb0: {  	[dreg:$0x4] =	wrdreg $0xC7800  }
0xb1: {  	[dreg:$0x5] =	wrdreg $0x9  }
0xb2: {  	_ =	task.clear_ibuf [dreg:s7], $0x6FFFF;
	_ =	strace $0x90000046  }
0xb3: {  	s29 =	simm.s32 $0x9;
	_ =	strace $0x80000048  }
0xb4: {  	_ =	swait.ge [sflag:s29], $0x1  }
0xb5: {  	[sflag:s29] =	ssyncadd.s32 $0xFFFFFFFF  }
0xb6: {  	_ =	strace $0x90000048  }
0xb7: {  	_ =	sfence  }
0xb8: {  	s30 =	sld [smem:$0x0];
	_ =	sdelay $0x2  }
0xb9: {  	s31 =	sshll.u32 s1, $0xD;
	s1 =	sshrl.u32 s1, $0x2  }
0xba: {  	s3 =	sand.u32 $0x4000, s31;
	s1 =	sadd.s32 s1, s30  }
0xbb: {  	s0 =	sor.u32 s3, s0;
	s1 =	sshll.u32 s1, $0x11  }
0xbc: {  	s0 =	sor.u32 s1, s0  }
0xbd: {  	s0 =	sadd.s32 $0x8F2B, s0  }
0xbe: {  	[sflag:s0] =	ssyncadd.remote.s32 $0x1  }
0xbf: {  	_ =	sfence.sel $0xFFFF  }
0xc0: {  	[dreg:$0x0] =	wrdreg $0xFFFFFFFF;
	(pc) =	sbr.abs _section_cstart, $3  }
0xc1: {  	[dreg:$0x1] =	wrdreg $0xFFFFFFFF  }
0xc2: {  	_ =	task.clear_ibuf [dreg:s7], $0x2FFFF;
	_ =	strace $0x9FFFFFFF  }
0xc3: {  	(tm) =	ssettm $0x7FFFFFFF  }
tec
execute0_lowered:
.L_overlay_start_1:
0x0: {  	(tag) =	ssettag $0x1  }
0x1: {  	s1 =	rddreg [dreg:$0x0]  }
0x2: {  	s0 =	rddreg [dreg:$0x1]  }
0x3: {  	s3 =	rddreg [dreg:$0x2];
	s4 =	simm.s32 $0x0;
	s2 =	srdreg.scid  }
0x4: {  	s17 =	stileid.u32;
	[smem:$0x7FF] =	sst s4;
	s2 =	sand.u32 $0x1, s2  }
0x5: {  	s5 =	sshll.u32 s17, $0x1;
	s8 =	sshrl.u32 s17, $0x2;
	s11 =	smul.u32 $0x13800, s17  }
0x6: {  	s7 =	sadd.s32 $0x1FA00, s0;
	p0 =	seq.s32 s17, $0xF;
	s8 =	smul.u32 $0x13C00, s8  }
0x7: {  	s5 =	sor.u32 s2, s5;
	s9 =	ssub.s32 $0x2, s2;
	s2 =	smul.u32 $0x138800, s2  }
0x8: {  	s31 =	sadd.s32 $0x136000, s3;
	_ =	strace $0x80000047;
	s6 =	smul.u32 $0x2710, s5  }
0x9: {  	s5 =	sshll.u32 s5, $0x7;
	s10 =	sshrl.u32 s9, $0x1;
	s12 =	sadd.s32 $0x7800, s11  }
0xa: {  	s14 =	sadd.s32 $0xA000, s11;
	s15 =	sadd.s32 $0xC800, s11;
	s23 =	sadd.s32 $0xF000, s11  }
0xb: {  	s5 =	sand.u32 $0x380, s5;
	s13 =	sadd.s32 s11, s2;
	s24 =	sadd.s32 s2, s12  }
0xc: {  	s26 =	sadd.s32 s2, s14;
	s29 =	sadd.s32 s2, s15;
	s5 =	sor.u32 s8, s5  }
0xd: {  	s8 =	ssub.s32 s9, s10;
	s9 =	sadd.s32 $0x2800, s11;
	s10 =	sadd.s32 $0x5000, s11  }
0xe: {  	s13 =	sshrl.u32 s13, $0x3;
	s25 =	sshrl.u32 s24, $0x3;
	s28 =	sshrl.u32 s26, $0x3  }
0xf: {  	s30 =	sshrl.u32 s29, $0x3;
	s11 =	sadd.s32 $0x11800, s11;
	s16 =	sadd.s32 s2, s9  }
0x10: {  	s13 =	sadd.s32 s7, s13;
	s21 =	sadd.s32 s2, s10;
	s18 =	sadd.s32 s2, s11  }
0x11: {  	s5 =	sshrl.u32 s5, $0x3;
	s24 =	sadd.s32 s9, s3;
	s29 =	smax.u32 s8, $0x1  }
0x12: {  	s8 =	simm.s32 $0x2;
	s9 =	simm.s32 $0x3;
	[dreg:$0x4] =	wrdreg s13  }
0x13: {  	s20 =	sshrl.u32 s16, $0x3;
	s22 =	sshrl.u32 s21, $0x3;
	s16 =	sadd.s32 s2, s23  }
0x14: {  	s2 =	sshrl.u32 s2, $0x3;
	s21 =	smul.u32 $0x4E000, s17;
	[dreg:$0xe] =	wrdreg s24  }
0x15: {  	s5 =	sadd.s32 s5, s0;
	s23 =	sadd.s32 s23, s3;
	[dreg:$0x13] =	wrdreg s29  }
0x16: {  	s24 =	simm.s32 $0xB280;
	s13 =	sadd.s32 s7, s20;
	s2 =	sadd.s32 s7, s2  }
0x17: {  	s20 =	sshrl.u32 s6, $0x3;
	[dreg:$0x5] =	wrdreg s13;
	s13 =	sadd.s32 s7, s22  }
0x18: {  	s22 =	sshrl.u32 s21, $0x2;
	s21 =	sadd.s32 $0x4E200, s6;
	s2 =	sadd.s32 $0x26C00, s2  }
0x19: {  	s6 =	simm.s32 $0xC680;
	[dreg:$0x6] =	wrdreg s13;
	s13 =	sadd.s32 s7, s25  }
0x1a: {  	s25 =	sadd.s32 s10, s3;
	s26 =	sshrl.u32 s21, $0x3;
	[dreg:$0x12] =	wrdreg s2  }
0x1b: {  	s2 =	simm.s32 $0x6;
	s10 =	simm.s32 $0x4;
	[dreg:$0x7] =	wrdreg s13  }
0x1c: {  	s13 =	sadd.s32 s7, s28;
	[dreg:$0xf] =	wrdreg s25;
	s28 =	sadd.s32 $0x15C00, s5  }
0x1d: {  	s5 =	simm.s32 $0x1;
	[dreg:$0x8] =	wrdreg s13;
	s13 =	sadd.s32 s7, s30  }
0x1e: {  	s25 =	simm.s32 $0x0;
	[dreg:$0x9] =	wrdreg s13;
	s13 =	sshrl.u32 s16, $0x3  }
0x1f: {  	[dreg:$0x11] =	wrdreg s28;
	s16 =	sshrl.u32 s18, $0x3;
	s13 =	sadd.s32 s7, s13  }
0x20: {  	s19 =	sadd.s32 s7, s16;
	s16 =	sadd.s32 s22, s3;
	[dreg:$0xa] =	wrdreg s13  }
0x21: {  	s22 =	sadd.s32 s15, s3;
	s15 =	simm.s32 $0x9E80;
	[dreg:$0xb] =	wrdreg s19  }
0x22: {  	s13 =	sadd.s32 $0x2200, s0;
	s0 =	sadd.s32 s20, s0;
	s19 =	sadd.s32 s12, s3  }
0x23: {  	v0 =	vimm.f32 $0.0e+00;
	v1 =	vimm.s32 $0x0;
	s30 =	sadd.s32 $0x11800, s16;
	s12 =	simm.s32 $0x50;
	s7 =	sadd.s32 s13, s20  }
.Ltmp0:
0x24: {  	v2 =	vimm.s32 $0x1;
	v3 =	vimm.s32 $0x2;
	v4 =	vimm.s32 $0x3;
	s0 =	sadd.s32 $0x9E600, s0;
	[dreg:$0x15] =	wrdreg s30;
	(pc) =	sbr.rel .LBB2_1-.Ltmp0, $4  }
0x25: {  	v5 =	vimm.s32 $0x4;
	v6 =	vimm.s32 $0x5;
	v7 =	vimm.s32 $0x6;
	s20 =	sadd.s32 s14, s3;
	[dreg:$0xd] =	wrdreg s0;
	s0 =	sadd.s32 s13, s26  }
0x26: {  	v8 =	vimm.s32 $0x7;
	v9 =	vimm.s32 $0x8;
	v10 =	vimm.s32 $0x9;
	s14 =	simm.s32 $0xC700;
	[dreg:$0x10] =	wrdreg s0;
	s0 =	sadd.s32 s11, s3  }
0x27: {  	v11 =	vimm.s32 $0xA;
	v12 =	vimm.s32 $0xB;
	v13 =	vimm.s32 $0xC;
	[dreg:$0xc] =	wrdreg s7;
	s7 =	simm.s32 $0x28;
	s0 =	sshrl.u32 @!p0 s0, $0x3  }
0x28: {  	v14 =	vimm.s32 $0xD;
	v15 =	vimm.s32 $0xE;
	v16 =	vimm.s32 $0xF;
	s11 =	simm.s32 $0x4F00;
	[dreg:$0x14] =	wrdreg s0;
	s0 =	simm.s32 $0x7680  }
.LBB2_14:
0x29: {  	_ =	swait.ge [sflag:s10], $0x2800  }
0x2a: {  	[sflag:s10] =	ssyncset.done $0x0  }
0x2b: {  	[sflag:s10] =	ssyncadd.s32 $0xFFFFD800  }
0x2c: {  	[bflag:$0x0] =	sbarrier.arrive $0xFFFF  }
0x2d: {  	s18 =	simm.s32 $0x80;
	s26 =	simm.s32 $0x400;
	s17 =	rddreg [dreg:$0x11]  }
0x2e: {  	[hbm4b:s17+s18] =	stream.strided.scatter [tilespmem:s11], [sflag:$0x6], $0x2780, s26, s18, $0x38;
	v63 =	vld [tilespmem:$0x0]  }
0x2f: {  	s18 =	stileid.u32;
	_ =	swait.ge [sflag:s2], $0x2780  }
0x30: {  	s26 =	sshrl.u32 s16, $0x3;
	s17 =	sshll.u32 s18, $0x6;
	[sflag:s2] =	ssyncset.done $0x0  }
0x31: {  	s17 =	sor.u32 $0x1C06, s17;
	s28 =	rddreg [dreg:$0x4];
	[sflag:s2] =	ssyncadd.s32 $0xFFFFD880  }
0x32: {  	[hbm:s28], [sflag:s17] =	dma.local [spmem:s26], $0x500  }
0x33: {  	_ =	swait.ge [sflag:s2], $0x500  }
0x34: {  	[sflag:s2] =	ssyncset.done $0x0;
	s29 =	rddreg [dreg:$0xe]  }
0x35: {  	s30 =	rddreg [dreg:$0x5];
	[sflag:s2] =	ssyncadd.s32 $0xFFFFFB00;
	s18 =	sshrl.u32 s29, $0x3  }
0x36: {  	[hbm:s30], [sflag:s17] =	dma.local [spmem:s18], $0x500  }
0x37: {  	_ =	swait.ge [sflag:s2], $0x500  }
0x38: {  	[sflag:s2] =	ssyncset.done $0x0;
	s26 =	rddreg [dreg:$0xf]  }
0x39: {  	s28 =	rddreg [dreg:$0x6];
	[sflag:s2] =	ssyncadd.s32 $0xFFFFFB00;
	s18 =	sshrl.u32 s26, $0x3  }
0x3a: {  	[hbm:s28], [sflag:s17] =	dma.local [spmem:s18], $0x500  }
0x3b: {  	_ =	swait.ge [sflag:s2], $0x500  }
0x3c: {  	[sflag:s2] =	ssyncset.done $0x0  }
0x3d: {  	s29 =	sshrl.u32 s19, $0x3;
	s30 =	rddreg [dreg:$0x7];
	[sflag:s2] =	ssyncadd.s32 $0xFFFFFB00  }
0x3e: {  	[hbm:s30], [sflag:s17] =	dma.local [spmem:s29], $0x500  }
0x3f: {  	_ =	swait.ge [sflag:s2], $0x500  }
0x40: {  	[sflag:s2] =	ssyncset.done $0x0  }
0x41: {  	s26 =	sshrl.u32 s20, $0x3;
	s28 =	rddreg [dreg:$0x8];
	[sflag:s2] =	ssyncadd.s32 $0xFFFFFB00  }
0x42: {  	[hbm:s28], [sflag:s17] =	dma.local [spmem:s26], $0x500  }
0x43: {  	_ =	swait.ge [sflag:s2], $0x500  }
0x44: {  	[sflag:s2] =	ssyncset.done $0x0  }
0x45: {  	s29 =	sshrl.u32 s22, $0x3;
	s30 =	rddreg [dreg:$0x9];
	[sflag:s2] =	ssyncadd.s32 $0xFFFFFB00  }
0x46: {  	[hbm:s30], [sflag:s17] =	dma.local [spmem:s29], $0x500  }
0x47: {  	_ =	swait.ge [sflag:s2], $0x500  }
0x48: {  	[sflag:s2] =	ssyncset.done $0x0  }
0x49: {  	s28 =	sshrl.u32 s23, $0x3;
	s29 =	rddreg [dreg:$0xa];
	[sflag:s2] =	ssyncadd.s32 $0xFFFFFB00  }
0x4a: {  	[hbm:s29], [sflag:s17] =	dma.local [spmem:s28], $0x500  }
0x4b: {  	_ =	swait.ge [sflag:s2], $0x500  }
0x4c: {  	[sflag:s2] =	ssyncset.done $0x0  }
0x4d: {  	s18 =	sshrl.u32 @p0 s31, $0x3;
	s26 =	rddreg [dreg:$0x12];
	[sflag:s2] =	ssyncadd.s32 $0xFFFFFB00  }
0x4e: {  	[hbm:s26], [sflag:s17] =	dma.local @p0 [spmem:s18], $0x500  }
0x4f: {  	s18 =	simm.s32 @p0 $0x6  }
0x50: {  	_ =	swait.ge @p0 [sflag:s18], $0x500  }
0x51: {  	[sflag:s18] =	ssyncset.done @p0 $0x0;
	s26 =	rddreg [dreg:$0x14]  }
0x52: {  	[sflag:s18] =	ssyncadd.s32 @p0 $0xFFFFFB00;
	s18 =	rddreg [dreg:$0xb]  }
0x53: {  	[hbm:s18], [sflag:s17] =	dma.local @!p0 [spmem:s26], $0x400  }
0x54: {  	s17 =	simm.s32 @!p0 $0x6  }
0x55: {  	_ =	swait.ge @!p0 [sflag:s17], $0x400  }
0x56: {  	s25 =	sadd.s32 $0x1, s25;
	s30 =	rddreg [dreg:$0x13]  }
0x57: {  	p1 =	sne.s32 s25, s30  }
.Ltmp1:
0x58: {  	_ = 	snop;
	(pc) =	sbr.rel @!p1 .LBB2_15-.Ltmp1, $3  }
0x59: {  	_ =	sdelay $0x1  }
0x5a: {  	[sflag:s17] =	ssyncset.done @!p0 $0x0  }
0x5b: {  	[sflag:s17] =	ssyncadd.s32 @!p0 $0xFFFFFC00  }
.LBB2_1:
0x5c: {  	s17 =	rddreg [dreg:$0xc]  }
0x5d: {  	[tilespmem:s4], [sflag:$0x1] =	stream.linear.gather [hbm4b:s17+s4], $0x2710, $0x38;
	v63 =	vld [tilespmem:$0x0]  }
0x5e: {  	s30 =	rddreg [dreg:$0xd];
	s18 =	simm.s32 $0x2780;
	s26 =	simm.s32 $0x0  }
0x5f: {  	[tilespmem:s18], [sflag:$0x1] =	stream.linear.gather [hbm4b:s30+s4], $0x2710, $0x38;
	v63 =	vld [tilespmem:$0x0]  }
.LBB2_2:
0x60: {  	p1 =	sne.s32 s26, $0x9C00  }
.Ltmp2:
0x61: {  	_ = 	snop;
	(pc) =	sbr.rel @p1 .LBB2_2-.Ltmp2, $3  }
0x62: {  	_ =	sdelay $0x1  }
0x63: {  	s28 =	sshra.s32 s26, $0x2  }
0x64: {  	s26 =	sadd.s32 $0x40, s26;
	[tilespmem:s28+$0x4F00] =	vst v0  }
0x65: {  	s26 =	simm.s32 $0x0;
	s28 =	simm.s32 $0x200  }
.LBB2_4:
0x66: {  	p1 =	sne.s32 s28, $0x9E00;
	[tilespmem:s26+$0x76F0] =	vst v0  }
0x67: {  	[tilespmem:s26+$0x7680] =	vst v0  }
0x68: {  	[tilespmem:s26+$0x7690] =	vst v0  }
.Ltmp3:
0x69: {  	[tilespmem:s26+$0x76A0] =	vst v0;
	(pc) =	sbr.rel @p1 .LBB2_4-.Ltmp3, $4  }
0x6a: {  	[tilespmem:s26+$0x76B0] =	vst v0  }
0x6b: {  	[tilespmem:s26+$0x76C0] =	vst v0  }
0x6c: {  	[tilespmem:s26+$0x76D0] =	vst v0  }
0x6d: {  	[tilespmem:s26+$0x76E0] =	vst v0;
	s26 =	sshra.s32 s28, $0x2;
	s28 =	sadd.s32 $0x200, s28  }
0x6e: {  	[tilespmem:s26+$0x76F0] =	vst v0  }
0x6f: {  	[tilespmem:s26+$0x7680] =	vst v0  }
0x70: {  	[tilespmem:s26+$0x7690] =	vst v0  }
0x71: {  	[tilespmem:s26+$0x76A0] =	vst v0  }
0x72: {  	[tilespmem:s26+$0x76B0] =	vst v0  }
0x73: {  	[tilespmem:s26+$0x76C0] =	vst v0  }
0x74: {  	[tilespmem:s26+$0x76D0] =	vst v0  }
0x75: {  	[tilespmem:s26+$0x76E0] =	vst v0  }
0x76: {  	[spmem:s16] =	stream.linear.scatter [tilespmem:s0], [sflag:$0x6], $0x2800, $0x38;
	v63 =	vld [tilespmem:$0x0]  }
0x77: {  	_ =	swait.ge [sflag:s2], $0x2800  }
0x78: {  	[sflag:s2] =	ssyncset.done $0x0  }
0x79: {  	s17 =	rddreg [dreg:$0xe];
	[sflag:s2] =	ssyncadd.s32 $0xFFFFD800  }
0x7a: {  	[spmem:s17] =	stream.linear.scatter [tilespmem:s0], [sflag:$0x6], $0x2800, $0x38;
	v63 =	vld [tilespmem:$0x0]  }
0x7b: {  	_ =	swait.ge [sflag:s2], $0x2800  }
0x7c: {  	[sflag:s2] =	ssyncset.done $0x0  }
0x7d: {  	s28 =	rddreg [dreg:$0xf];
	[sflag:s2] =	ssyncadd.s32 $0xFFFFD800  }
0x7e: {  	[spmem:s28] =	stream.linear.scatter [tilespmem:s0], [sflag:$0x6], $0x2800, $0x38;
	v63 =	vld [tilespmem:$0x0]  }
0x7f: {  	_ =	swait.ge [sflag:s2], $0x2800  }
0x80: {  	[sflag:s2] =	ssyncset.done $0x0  }
0x81: {  	[sflag:s2] =	ssyncadd.s32 $0xFFFFD800  }
0x82: {  	[spmem:s19] =	stream.linear.scatter [tilespmem:s0], [sflag:$0x6], $0x2800, $0x38;
	v63 =	vld [tilespmem:$0x0]  }
0x83: {  	_ =	swait.ge [sflag:s2], $0x2800  }
0x84: {  	[sflag:s2] =	ssyncset.done $0x0  }
0x85: {  	[sflag:s2] =	ssyncadd.s32 $0xFFFFD800  }
0x86: {  	[spmem:s20] =	stream.linear.scatter [tilespmem:s0], [sflag:$0x6], $0x2800, $0x38;
	v63 =	vld [tilespmem:$0x0]  }
0x87: {  	_ =	swait.ge [sflag:s2], $0x2800  }
0x88: {  	[sflag:s2] =	ssyncset.done $0x0  }
0x89: {  	[sflag:s2] =	ssyncadd.s32 $0xFFFFD800  }
0x8a: {  	[spmem:s22] =	stream.linear.scatter [tilespmem:s0], [sflag:$0x6], $0x2800, $0x38;
	v63 =	vld [tilespmem:$0x0]  }
0x8b: {  	_ =	swait.ge [sflag:s2], $0x2800  }
0x8c: {  	[sflag:s2] =	ssyncset.done $0x0  }
0x8d: {  	[sflag:s2] =	ssyncadd.s32 $0xFFFFD800  }
0x8e: {  	[spmem:s23] =	stream.linear.scatter [tilespmem:s0], [sflag:$0x6], $0x2800, $0x38;
	v63 =	vld [tilespmem:$0x0]  }
0x8f: {  	_ =	swait.ge [sflag:s2], $0x2800  }
0x90: {  	[sflag:s2] =	ssyncset.done $0x0  }
0x91: {  	s26 =	simm.s32 @p0 $0x7680;
	[sflag:s2] =	ssyncadd.s32 $0xFFFFD800  }
0x92: {  	[spmem:s31] =	stream.linear.scatter @p0 [tilespmem:s26], [sflag:$0x6], $0x2800, $0x38;
	v63 =	vld [tilespmem:$0x0]  }
0x93: {  	s26 =	simm.s32 @p0 $0x6  }
0x94: {  	_ =	swait.ge @p0 [sflag:s26], $0x2800  }
0x95: {  	[sflag:s26] =	ssyncset.done @p0 $0x0  }
0x96: {  	s17 =	rddreg [dreg:$0x15];
	[sflag:s26] =	ssyncadd.s32 @p0 $0xFFFFD800;
	s26 =	simm.s32 @!p0 $0x7680  }
0x97: {  	[spmem:s17] =	stream.linear.scatter @!p0 [tilespmem:s26], [sflag:$0x6], $0x2000, $0x38;
	v63 =	vld [tilespmem:$0x0]  }
0x98: {  	s26 =	simm.s32 @!p0 $0x6  }
0x99: {  	_ =	swait.ge @!p0 [sflag:s26], $0x2000  }
0x9a: {  	[sflag:s26] =	ssyncset.done @!p0 $0x0  }
0x9b: {  	[sflag:s26] =	ssyncadd.s32 @!p0 $0xFFFFE000  }
0x9c: {  	[bflag:$0x0] =	sbarrier.arrive $0xFFFF  }
0x9d: {  	_ =	swait.ge [sflag:s5], $0x2710  }
0x9e: {  	[sflag:s5] =	ssyncset.done $0x0  }
0x9f: {  	[sflag:s5] =	ssyncadd.s32 $0xFFFFD8F0  }
0xa0: {  	_ =	swait.ge [sflag:s5], $0x2710  }
0xa1: {  	[sflag:s5] =	ssyncset.done $0x0  }
0xa2: {  	s26 =	simm.s32 $0x0;
	s29 =	rddreg [dreg:$0x10];
	[sflag:s5] =	ssyncadd.s32 $0xFFFFD8F0  }
0xa3: {  	[tilespmem:s6], [sflag:$0x3] =	stream.linear.gather [hbm4b:s29+s26], $0x50, $0x38;
	v63 =	vld [tilespmem:$0x0]  }
.Ltmp4:
0xa4: {  	_ = 	snop;
	(pc) =	sbr.rel .LBB2_6-.Ltmp4, $4  }
0xa5: {  	_ = 	snop  }
0xa6: {  	[tilespmem:s0], [sflag:$0x2] =	stream.indirect.gather [hbm4b:s1+s7], $0x80, s26, s7, $0xb8;
	v63 =	vld [tilespmem:$0x0]  }
0xa7: {  	s30 =	simm.s32 $0x8A80  }
0xa8: {  	[tilespmem:s30], [sflag:$0x2] =	stream.indirect.gather [hbm4b:s1+s7], $0x80, s7, s7, $0xb8;
	v63 =	vld [tilespmem:$0x0]  }
.LBB2_13:
0xa9: {  	s26 =	sadd.s32 $0x1, s26  }
0xaa: {  	p1 =	sne.s32 s26, $0x7D  }
.Ltmp5:
0xab: {  	_ = 	snop;
	(pc) =	sbr.rel @!p1 .LBB2_14-.Ltmp5, $1  }
0xac: {  	_ =	sdelay $0x3  }
.LBB2_6:
0xad: {  	s28 =	sand.u32 $0x1, s26  }
0xae: {  	p1 =	seq.s32 s28, $0x1  }
.Ltmp6:
0xaf: {  	_ = 	snop;
	(pc) =	sbr.rel @p1 .LBB2_10-.Ltmp6, $1  }
0xb0: {  	_ =	sdelay $0x3  }
0xb1: {  	_ =	swait.ge [sflag:s8], $0x1400  }
0xb2: {  	[sflag:s8] =	ssyncset.done $0x0  }
0xb3: {  	[sflag:s8] =	ssyncadd.s32 $0xFFFFEC00  }
0xb4: {  	_ =	swait.ge [sflag:s8], $0x1400  }
0xb5: {  	[sflag:s8] =	ssyncset.done $0x0  }
0xb6: {  	[sflag:s8] =	ssyncadd.s32 $0xFFFFEC00  }
0xb7: {  	_ =	swait.ge [sflag:s9], $0x50  }
0xb8: {  	p1 =	seq.s32 s26, $0x0;
	[sflag:s9] =	ssyncset.done $0x0  }
0xb9: {  	s29 =	simm.s32 @!p1 $0x5;
	[sflag:s9] =	ssyncadd.s32 $0xFFFFFFB0  }
0xba: {  	p2 =	seq.s32 @!p1 s26, $0x7C;
	_ =	swait.ge @!p1 [sflag:s29], $0x2800  }
0xbb: {  	p2 =	por p1, !p2;
	[sflag:s29] =	ssyncset.done @!p1 $0x0  }
0xbc: {  	[sflag:s29] =	ssyncadd.s32 @!p1 $0xFFFFD800;
	s29 =	smul.u32 @p2 $0x50, s26;
	_ =	sdelay $0x1  }
0xbd: {  	s30 =	sadd.s32 @p2 $0x50, s29  }
0xbe: {  	s17 =	sadd.s32 @p2 s21, s30  }
0xbf: {  	s17 =	sshrl.u32 @p2 s17, $0x3  }
0xc0: {  	s17 =	sadd.s32 @p2 s13, s17  }
0xc1: {  	[tilespmem:s14], [sflag:$0x3] =	stream.linear.gather @p2 [hbm4b:s17+s4], $0x50, $0x38;
	v63 =	vld [tilespmem:$0x0]  }
0xc2: {  	_ = 	snop  }
0xc3: {  	[tilespmem:s15], [sflag:$0x2] =	stream.indirect.gather @p2 [hbm4b:s1+s7], $0x80, s30, s7, $0xb8;
	v63 =	vld [tilespmem:$0x0]  }
0xc4: {  	s17 =	sadd.s32 @p2 $0x78, s29;
	s30 =	smul.u32 $0x140, s26  }
0xc5: {  	[tilespmem:s24], [sflag:$0x2] =	stream.indirect.gather @p2 [hbm4b:s1+s7], $0x80, s17, s7, $0xb8;
	v63 =	vld [tilespmem:$0x0]  }
0xc6: {  	s17 =	sshra.s32 s30, $0x2  }
0xc7: {  	s17 =	sadd.s32 $0x2780, s17  }
0xc8: {  	s29 =	simm.s32 $0x0;
	v17 =	vmov s17  }
.LBB2_8:
0xc9: {  	s17 =	sshll.u32 s29, $0x4  }
0xca: {  	v19 =	vld [tilespmem:s17+$0xC680];
	_ =	sdelay $0x2  }
0xcb: {  	v18 =	vld.idx.msk [tilespmem:v17+s17+$0x0 ss:$0x1], $0xffff;
	_ =	sdelay $0x3  }
0xcc: {  	s30 =	sshll.u32 s29, $0xB  }
0xcd: {  	s30 =	sand.u32 $0x3FFFF800, s30;
	[tilespmem:v19+s11+$0x0] =	vst.idx.add.f32.msk $0xffff, v18  }
0xce: {  	v19 =	vld [tilespmem:s30+$0x7680]  }
0xcf: {  	v20 =	vld [tilespmem:s30+$0x7690]  }
0xd0: {  	v21 =	vld [tilespmem:s30+$0x76A0]  }
0xd1: {  	v22 =	vperm.xlane v18, v1;
	v23 =	vld [tilespmem:s30+$0x76B0]  }
0xd2: {  	v24 =	vld [tilespmem:s30+$0x76C0]  }
0xd3: {  	v25 =	vld [tilespmem:s30+$0x76D0];
	v19 =	vmul.f32 v19, v22  }
0xd4: {  	v26 =	vld [tilespmem:s30+$0x76E0];
	v20 =	vmul.f32 v20, v22  }
0xd5: {  	v34 =	vld [tilespmem:s30+$0x76F0];
	[tilespmem:s30+$0x7680] =	vst v19;
	v19 =	vmul.f32 v21, v22  }
0xd6: {  	v36 =	vld [tilespmem:s30+$0x7700];
	v35 =	vmul.f32 v23, v22;
	[tilespmem:s30+$0x7690] =	vst v20  }
0xd7: {  	v37 =	vld [tilespmem:s30+$0x7710];
	[tilespmem:s30+$0x76A0] =	vst v19;
	v19 =	vmul.f32 v24, v22  }
0xd8: {  	v39 =	vld [tilespmem:s30+$0x7720];
	v38 =	vmul.f32 v25, v22;
	[tilespmem:s30+$0x76B0] =	vst v35  }
0xd9: {  	v40 =	vperm.xlane v18, v2;
	v27 =	vld [tilespmem:s30+$0x7730];
	[tilespmem:s30+$0x76C0] =	vst v19;
	v19 =	vmul.f32 v26, v22  }
0xda: {  	v42 =	vld [tilespmem:s30+$0x7740];
	v41 =	vmul.f32 v34, v22;
	[tilespmem:s30+$0x76D0] =	vst v38  }
0xdb: {  	v43 =	vld [tilespmem:s30+$0x7750];
	[tilespmem:s30+$0x76E0] =	vst v19;
	v19 =	vmul.f32 v36, v40  }
0xdc: {  	v45 =	vld [tilespmem:s30+$0x7760];
	v44 =	vmul.f32 v37, v40;
	[tilespmem:s30+$0x76F0] =	vst v41  }
0xdd: {  	v46 =	vld [tilespmem:s30+$0x7770];
	[tilespmem:s30+$0x7700] =	vst v19;
	v19 =	vmul.f32 v39, v40  }
0xde: {  	v48 =	vld [tilespmem:s30+$0x7780];
	v47 =	vmul.f32 v27, v40;
	[tilespmem:s30+$0x7710] =	vst v44  }
0xdf: {  	v49 =	vld [tilespmem:s30+$0x7790];
	[tilespmem:s30+$0x7720] =	vst v19;
	v19 =	vmul.f32 v42, v40  }
0xe0: {  	v51 =	vld [tilespmem:s30+$0x77A0];
	v50 =	vmul.f32 v43, v40;
	[tilespmem:s30+$0x7730] =	vst v47  }
0xe1: {  	v52 =	vperm.xlane v18, v3;
	v53 =	vld [tilespmem:s30+$0x77B0];
	[tilespmem:s30+$0x7740] =	vst v19;
	v19 =	vmul.f32 v45, v40  }
0xe2: {  	v55 =	vld [tilespmem:s30+$0x77C0];
	v54 =	vmul.f32 v46, v40;
	[tilespmem:s30+$0x7750] =	vst v50  }
0xe3: {  	v56 =	vld [tilespmem:s30+$0x77D0];
	[tilespmem:s30+$0x7760] =	vst v19;
	v19 =	vmul.f32 v48, v52  }
0xe4: {  	v58 =	vld [tilespmem:s30+$0x77E0];
	v57 =	vmul.f32 v49, v52;
	[tilespmem:s30+$0x7770] =	vst v54  }
0xe5: {  	v59 =	vld [tilespmem:s30+$0x77F0];
	[tilespmem:s30+$0x7780] =	vst v19;
	v19 =	vmul.f32 v51, v52  }
0xe6: {  	v61 =	vld [tilespmem:s30+$0x7800];
	v60 =	vmul.f32 v53, v52;
	[tilespmem:s30+$0x7790] =	vst v57  }
0xe7: {  	v62 =	vld [tilespmem:s30+$0x7810];
	[tilespmem:s30+$0x77A0] =	vst v19;
	v19 =	vmul.f32 v55, v52  }
0xe8: {  	v31 =	vld [tilespmem:s30+$0x7820];
	v30 =	vmul.f32 v56, v52;
	[tilespmem:s30+$0x77B0] =	vst v60  }
0xe9: {  	v32 =	vperm.xlane v18, v4;
	v36 =	vld [tilespmem:s30+$0x7850];
	[tilespmem:s30+$0x77C0] =	vst v19;
	v19 =	vmul.f32 v58, v52  }
0xea: {  	v34 =	vmul.f32 v59, v52;
	[tilespmem:s30+$0x77D0] =	vst v30;
	v35 =	vld [tilespmem:s30+$0x7840]  }
0xeb: {  	v33 =	vld [tilespmem:s30+$0x7830];
	[tilespmem:s30+$0x77E0] =	vst v19;
	v19 =	vmul.f32 v61, v32  }
0xec: {  	v37 =	vmul.f32 v62, v32;
	[tilespmem:s30+$0x77F0] =	vst v34;
	v38 =	vld [tilespmem:s30+$0x7860]  }
0xed: {  	v39 =	vld [tilespmem:s30+$0x7870];
	[tilespmem:s30+$0x7800] =	vst v19;
	v19 =	vmul.f32 v31, v32  }
0xee: {  	[tilespmem:s30+$0x7810] =	vst v37;
	v41 =	vld [tilespmem:s30+$0x7880];
	v43 =	vmul.f32 v36, v32  }
0xef: {  	v46 =	vld [tilespmem:s30+$0x78B0];
	[tilespmem:s30+$0x7820] =	vst v19;
	v19 =	vmul.f32 v35, v32  }
0xf0: {  	v44 =	vld [tilespmem:s30+$0x78A0];
	v40 =	vmul.f32 v33, v32;
	[tilespmem:s30+$0x7850] =	vst v43  }
0xf1: {  	v49 =	vld [tilespmem:s30+$0x78D0];
	v45 =	vperm.xlane v18, v5;
	[tilespmem:s30+$0x7840] =	vst v19;
	v19 =	vmul.f32 v38, v32  }
0xf2: {  	v47 =	vmul.f32 v39, v32;
	[tilespmem:s30+$0x7830] =	vst v40;
	v48 =	vld [tilespmem:s30+$0x78C0]  }
0xf3: {  	v42 =	vld [tilespmem:s30+$0x7890];
	[tilespmem:s30+$0x7860] =	vst v19;
	v19 =	vmul.f32 v41, v45  }
0xf4: {  	v53 =	vmul.f32 v46, v45;
	[tilespmem:s30+$0x7870] =	vst v47;
	v51 =	vld [tilespmem:s30+$0x78E0]  }
0xf5: {  	v40 =	vld [tilespmem:s30+$0x79D0];
	[tilespmem:s30+$0x7880] =	vst v19;
	v19 =	vmul.f32 v44, v45  }
0xf6: {  	v54 =	vld [tilespmem:s30+$0x7900];
	v56 =	vmul.f32 v49, v45;
	[tilespmem:s30+$0x78B0] =	vst v53  }
0xf7: {  	v62 =	vld [tilespmem:s30+$0x7950];
	[tilespmem:s30+$0x78A0] =	vst v19;
	v19 =	vmul.f32 v48, v45  }
0xf8: {  	v57 =	vld [tilespmem:s30+$0x7920];
	v36 =	vperm.xlane v18, v7;
	v50 =	vmul.f32 v42, v45;
	[tilespmem:s30+$0x78D0] =	vst v56  }
0xf9: {  	v55 =	vld [tilespmem:s30+$0x7910];
	v58 =	vperm.xlane v18, v6;
	[tilespmem:s30+$0x78C0] =	vst v19;
	v19 =	vmul.f32 v51, v45  }
0xfa: {  	[tilespmem:s30+$0x7890] =	vst v50;
	v47 =	vmul.f32 v40, v36;
	v61 =	vld [tilespmem:s30+$0x7940]  }
0xfb: {  	v59 =	vld [tilespmem:s30+$0x7930];
	[tilespmem:s30+$0x78E0] =	vst v19;
	v19 =	vmul.f32 v54, v58  }
0xfc: {  	v29 =	vld [tilespmem:s30+$0x7960];
	[tilespmem:s30+$0x79D0] =	vst v47;
	v34 =	vmul.f32 v62, v58  }
0xfd: {  	v52 =	vld [tilespmem:s30+$0x78F0];
	[tilespmem:s30+$0x7900] =	vst v19;
	v19 =	vmul.f32 v57, v58  }
0xfe: {  	v28 =	vmul.f32 v55, v58;
	[tilespmem:s30+$0x7950] =	vst v34;
	v32 =	vld [tilespmem:s30+$0x7980]  }
0xff: {  	v56 =	vld [tilespmem:s30+$0x7A70];
	[tilespmem:s30+$0x7920] =	vst v19;
	v19 =	vmul.f32 v61, v58  }
0x100: {  	v31 =	vmul.f32 v59, v58;
	[tilespmem:s30+$0x7910] =	vst v28;
	v35 =	vld [tilespmem:s30+$0x79A0]  }
0x101: {  	v53 =	vld [tilespmem:s30+$0x7A50];
	[tilespmem:s30+$0x7940] =	vst v19;
	v19 =	vmul.f32 v29, v58  }
0x102: {  	v39 =	vld [tilespmem:s30+$0x79C0];
	v49 =	vperm.xlane v18, v8;
	v60 =	vmul.f32 v52, v45;
	[tilespmem:s30+$0x7930] =	vst v31  }
0x103: {  	v30 =	vld [tilespmem:s30+$0x7970];
	[tilespmem:s30+$0x7960] =	vst v19;
	v19 =	vmul.f32 v32, v36  }
0x104: {  	v42 =	vld [tilespmem:s30+$0x79E0];
	v31 =	vmul.f32 v56, v49;
	[tilespmem:s30+$0x78F0] =	vst v60  }
0x105: {  	v59 =	vld [tilespmem:s30+$0x7A90];
	[tilespmem:s30+$0x7980] =	vst v19;
	v19 =	vmul.f32 v35, v36  }
0x106: {  	v60 =	vmul.f32 v53, v49;
	[tilespmem:s30+$0x7A70] =	vst v31;
	v45 =	vld [tilespmem:s30+$0x7A00]  }
0x107: {  	v33 =	vld [tilespmem:s30+$0x7990];
	[tilespmem:s30+$0x79A0] =	vst v19;
	v19 =	vmul.f32 v39, v36  }
0x108: {  	v62 =	vperm.xlane v18, v9;
	v38 =	vmul.f32 v30, v58;
	[tilespmem:s30+$0x7A50] =	vst v60;
	v48 =	vld [tilespmem:s30+$0x7A20]  }
0x109: {  	v37 =	vld [tilespmem:s30+$0x79B0];
	[tilespmem:s30+$0x79C0] =	vst v19;
	v19 =	vmul.f32 v42, v36  }
0x10a: {  	v52 =	vld [tilespmem:s30+$0x7A40];
	v34 =	vmul.f32 v59, v62;
	[tilespmem:s30+$0x7970] =	vst v38  }
0x10b: {  	v30 =	vld [tilespmem:s30+$0x7AB0];
	[tilespmem:s30+$0x79E0] =	vst v19;
	v19 =	vmul.f32 v45, v49  }
0x10c: {  	v55 =	vld [tilespmem:s30+$0x7A60];
	v41 =	vmul.f32 v33, v36;
	[tilespmem:s30+$0x7A90] =	vst v34  }
0x10d: {  	v33 =	vld [tilespmem:s30+$0x7AD0];
	[tilespmem:s30+$0x7A00] =	vst v19;
	v19 =	vmul.f32 v48, v49  }
0x10e: {  	[tilespmem:s30+$0x7990] =	vst v41;
	v44 =	vmul.f32 v37, v36;
	v58 =	vld [tilespmem:s30+$0x7A80]  }
0x10f: {  	v43 =	vld [tilespmem:s30+$0x79F0];
	[tilespmem:s30+$0x7A20] =	vst v19;
	v19 =	vmul.f32 v52, v49  }
0x110: {  	v37 =	vmul.f32 v30, v62;
	[tilespmem:s30+$0x79B0] =	vst v44;
	v61 =	vld [tilespmem:s30+$0x7AA0]  }
0x111: {  	v46 =	vld [tilespmem:s30+$0x7A10];
	[tilespmem:s30+$0x7A40] =	vst v19;
	v19 =	vmul.f32 v55, v49  }
0x112: {  	[tilespmem:s30+$0x7AB0] =	vst v37;
	v40 =	vmul.f32 v33, v62;
	v32 =	vld [tilespmem:s30+$0x7AC0]  }
0x113: {  	v50 =	vld [tilespmem:s30+$0x7A30];
	[tilespmem:s30+$0x7A60] =	vst v19;
	v19 =	vmul.f32 v58, v62  }
0x114: {  	v51 =	vmul.f32 v43, v36;
	[tilespmem:s30+$0x7AD0] =	vst v40;
	v35 =	vld [tilespmem:s30+$0x7AE0]  }
0x115: {  	v43 =	vld [tilespmem:s30+$0x7B30];
	[tilespmem:s30+$0x7A80] =	vst v19;
	v19 =	vmul.f32 v61, v62  }
0x116: {  	v38 =	vld [tilespmem:s30+$0x7B00];
	[tilespmem:s30+$0x79F0] =	vst v51;
	v54 =	vmul.f32 v46, v49  }
0x117: {  	v46 =	vld [tilespmem:s30+$0x7B50];
	[tilespmem:s30+$0x7AA0] =	vst v19;
	v19 =	vmul.f32 v32, v62  }
0x118: {  	v41 =	vld [tilespmem:s30+$0x7B20];
	[tilespmem:s30+$0x7A10] =	vst v54;
	v57 =	vmul.f32 v50, v49;
	v42 =	vperm.xlane v18, v10  }
0x119: {  	v39 =	vld [tilespmem:s30+$0x7B10];
	[tilespmem:s30+$0x7AC0] =	vst v19;
	v19 =	vmul.f32 v35, v62  }
0x11a: {  	[tilespmem:s30+$0x7A30] =	vst v57;
	v45 =	vld [tilespmem:s30+$0x7B40];
	v50 =	vmul.f32 v43, v42  }
0x11b: {  	v36 =	vld [tilespmem:s30+$0x7AF0];
	[tilespmem:s30+$0x7AE0] =	vst v19;
	v19 =	vmul.f32 v38, v42  }
0x11c: {  	v53 =	vmul.f32 v46, v42;
	v48 =	vld [tilespmem:s30+$0x7B60];
	[tilespmem:s30+$0x7B30] =	vst v50  }
0x11d: {  	v56 =	vld [tilespmem:s30+$0x7BB0];
	[tilespmem:s30+$0x7B00] =	vst v19;
	v19 =	vmul.f32 v41, v42  }
0x11e: {  	v51 =	vld [tilespmem:s30+$0x7B80];
	v47 =	vmul.f32 v39, v42;
	[tilespmem:s30+$0x7B50] =	vst v53  }
0x11f: {  	v59 =	vld [tilespmem:s30+$0x7BD0];
	[tilespmem:s30+$0x7B20] =	vst v19;
	v19 =	vmul.f32 v45, v42  }
0x120: {  	v54 =	vld [tilespmem:s30+$0x7BA0];
	v44 =	vmul.f32 v36, v62;
	[tilespmem:s30+$0x7B10] =	vst v47;
	v55 =	vperm.xlane v18, v11  }
0x121: {  	v52 =	vld [tilespmem:s30+$0x7B90];
	[tilespmem:s30+$0x7B40] =	vst v19;
	v19 =	vmul.f32 v48, v42  }
0x122: {  	[tilespmem:s30+$0x7AF0] =	vst v44;
	v58 =	vld [tilespmem:s30+$0x7BC0];
	v30 =	vmul.f32 v56, v55  }
0x123: {  	v49 =	vld [tilespmem:s30+$0x7B70];
	[tilespmem:s30+$0x7B60] =	vst v19;
	v19 =	vmul.f32 v51, v55  }
0x124: {  	v33 =	vmul.f32 v59, v55;
	v61 =	vld [tilespmem:s30+$0x7BE0];
	[tilespmem:s30+$0x7BB0] =	vst v30  }
0x125: {  	v36 =	vld [tilespmem:s30+$0x7C30];
	[tilespmem:s30+$0x7B80] =	vst v19;
	v19 =	vmul.f32 v54, v55  }
0x126: {  	v31 =	vld [tilespmem:s30+$0x7C00];
	v60 =	vmul.f32 v52, v55;
	[tilespmem:s30+$0x7BD0] =	vst v33  }
0x127: {  	v39 =	vld [tilespmem:s30+$0x7C50];
	[tilespmem:s30+$0x7BA0] =	vst v19;
	v19 =	vmul.f32 v58, v55  }
0x128: {  	v34 =	vld [tilespmem:s30+$0x7C20];
	v57 =	vmul.f32 v49, v42;
	[tilespmem:s30+$0x7B90] =	vst v60;
	v35 =	vperm.xlane v18, v12  }
0x129: {  	v32 =	vld [tilespmem:s30+$0x7C10];
	[tilespmem:s30+$0x7BC0] =	vst v19;
	v19 =	vmul.f32 v61, v55  }
0x12a: {  	[tilespmem:s30+$0x7B70] =	vst v57;
	v38 =	vld [tilespmem:s30+$0x7C40];
	v43 =	vmul.f32 v36, v35  }
0x12b: {  	v62 =	vld [tilespmem:s30+$0x7BF0];
	[tilespmem:s30+$0x7BE0] =	vst v19;
	v19 =	vmul.f32 v31, v35  }
0x12c: {  	v46 =	vmul.f32 v39, v35;
	v41 =	vld [tilespmem:s30+$0x7C60];
	[tilespmem:s30+$0x7C30] =	vst v43  }
0x12d: {  	v49 =	vld [tilespmem:s30+$0x7CB0];
	[tilespmem:s30+$0x7C00] =	vst v19;
	v19 =	vmul.f32 v34, v35  }
0x12e: {  	v44 =	vld [tilespmem:s30+$0x7C80];
	v40 =	vmul.f32 v32, v35;
	[tilespmem:s30+$0x7C50] =	vst v46  }
0x12f: {  	v52 =	vld [tilespmem:s30+$0x7CD0];
	[tilespmem:s30+$0x7C20] =	vst v19;
	v19 =	vmul.f32 v38, v35  }
0x130: {  	v47 =	vld [tilespmem:s30+$0x7CA0];
	v37 =	vmul.f32 v62, v55;
	[tilespmem:s30+$0x7C10] =	vst v40;
	v48 =	vperm.xlane v18, v13  }
0x131: {  	v45 =	vld [tilespmem:s30+$0x7C90];
	[tilespmem:s30+$0x7C40] =	vst v19;
	v19 =	vmul.f32 v41, v35  }
0x132: {  	[tilespmem:s30+$0x7BF0] =	vst v37;
	v51 =	vld [tilespmem:s30+$0x7CC0];
	v56 =	vmul.f32 v49, v48  }
0x133: {  	v42 =	vld [tilespmem:s30+$0x7C70];
	[tilespmem:s30+$0x7C60] =	vst v19;
	v19 =	vmul.f32 v44, v48  }
0x134: {  	v59 =	vmul.f32 v52, v48;
	v54 =	vld [tilespmem:s30+$0x7CE0];
	[tilespmem:s30+$0x7CB0] =	vst v56  }
0x135: {  	v62 =	vld [tilespmem:s30+$0x7D30];
	[tilespmem:s30+$0x7C80] =	vst v19;
	v19 =	vmul.f32 v47, v48  }
0x136: {  	v57 =	vld [tilespmem:s30+$0x7D00];
	v53 =	vmul.f32 v45, v48;
	[tilespmem:s30+$0x7CD0] =	vst v59  }
0x137: {  	v32 =	vld [tilespmem:s30+$0x7D50];
	[tilespmem:s30+$0x7CA0] =	vst v19;
	v19 =	vmul.f32 v51, v48  }
0x138: {  	v60 =	vld [tilespmem:s30+$0x7D20];
	v50 =	vmul.f32 v42, v35;
	[tilespmem:s30+$0x7C90] =	vst v53;
	v61 =	vperm.xlane v18, v14  }
0x139: {  	v58 =	vld [tilespmem:s30+$0x7D10];
	[tilespmem:s30+$0x7CC0] =	vst v19;
	v19 =	vmul.f32 v54, v48  }
0x13a: {  	[tilespmem:s30+$0x7C70] =	vst v50;
	v31 =	vld [tilespmem:s30+$0x7D40];
	v36 =	vmul.f32 v62, v61  }
0x13b: {  	v55 =	vld [tilespmem:s30+$0x7CF0];
	[tilespmem:s30+$0x7CE0] =	vst v19;
	v19 =	vmul.f32 v57, v61  }
0x13c: {  	v39 =	vmul.f32 v32, v61;
	v34 =	vld [tilespmem:s30+$0x7D60];
	[tilespmem:s30+$0x7D30] =	vst v36  }
0x13d: {  	v42 =	vld [tilespmem:s30+$0x7DB0];
	[tilespmem:s30+$0x7D00] =	vst v19;
	v19 =	vmul.f32 v60, v61  }
0x13e: {  	v37 =	vld [tilespmem:s30+$0x7D80];
	v33 =	vmul.f32 v58, v61;
	[tilespmem:s30+$0x7D50] =	vst v39  }
0x13f: {  	v45 =	vld [tilespmem:s30+$0x7DD0];
	[tilespmem:s30+$0x7D20] =	vst v19;
	v19 =	vmul.f32 v31, v61  }
0x140: {  	v40 =	vld [tilespmem:s30+$0x7DA0];
	v30 =	vmul.f32 v55, v48;
	[tilespmem:s30+$0x7D10] =	vst v33;
	v41 =	vperm.xlane v18, v15  }
0x141: {  	v38 =	vld [tilespmem:s30+$0x7D90];
	[tilespmem:s30+$0x7D40] =	vst v19;
	v19 =	vmul.f32 v34, v61  }
0x142: {  	[tilespmem:s30+$0x7CF0] =	vst v30;
	v44 =	vld [tilespmem:s30+$0x7DC0];
	v49 =	vmul.f32 v42, v41  }
0x143: {  	v35 =	vld [tilespmem:s30+$0x7D70];
	[tilespmem:s30+$0x7D60] =	vst v19;
	v19 =	vmul.f32 v37, v41  }
0x144: {  	v52 =	vmul.f32 v45, v41;
	v47 =	vld [tilespmem:s30+$0x7DE0];
	[tilespmem:s30+$0x7DB0] =	vst v49  }
0x145: {  	v51 =	vld [tilespmem:s30+$0x7E10];
	[tilespmem:s30+$0x7D80] =	vst v19;
	v19 =	vmul.f32 v40, v41  }
0x146: {  	v50 =	vld [tilespmem:s30+$0x7E00];
	v46 =	vmul.f32 v38, v41;
	[tilespmem:s30+$0x7DD0] =	vst v52  }
0x147: {  	v48 =	vld [tilespmem:s30+$0x7DF0];
	[tilespmem:s30+$0x7DA0] =	vst v19;
	v19 =	vmul.f32 v44, v41  }
0x148: {  	v53 =	vld [tilespmem:s30+$0x7E20];
	v18 =	vperm.xlane v18, v16;
	v43 =	vmul.f32 v35, v61;
	[tilespmem:s30+$0x7D90] =	vst v46  }
0x149: {  	v57 =	vld [tilespmem:s30+$0x7E50];
	[tilespmem:s30+$0x7DC0] =	vst v19;
	v19 =	vmul.f32 v47, v41  }
0x14a: {  	v56 =	vld [tilespmem:s30+$0x7E40];
	[tilespmem:s30+$0x7D70] =	vst v43;
	v58 =	vmul.f32 v51, v18  }
0x14b: {  	v54 =	vld [tilespmem:s30+$0x7E30];
	[tilespmem:s30+$0x7DE0] =	vst v19;
	v19 =	vmul.f32 v50, v18  }
0x14c: {  	v59 =	vld [tilespmem:s30+$0x7E60];
	v55 =	vmul.f32 v48, v41;
	[tilespmem:s30+$0x7E10] =	vst v58  }
0x14d: {  	v60 =	vld [tilespmem:s30+$0x7E70];
	[tilespmem:s30+$0x7E00] =	vst v19;
	v19 =	vmul.f32 v53, v18  }
0x14e: {  	[tilespmem:s30+$0x7DF0] =	vst v55;
	v62 =	vmul.f32 v57, v18  }
0x14f: {  	p1 =	sne.s32 s29, $0x4;
	[tilespmem:s30+$0x7E20] =	vst v19;
	v19 =	vmul.f32 v56, v18  }
.Ltmp7:
0x150: {  	v61 =	vmul.f32 v54, v18;
	[tilespmem:s30+$0x7E50] =	vst v62;
	(pc) =	sbr.rel @p1 .LBB2_8-.Ltmp7, $4  }
0x151: {  	[tilespmem:s30+$0x7E40] =	vst v19;
	v19 =	vmul.f32 v59, v18  }
0x152: {  	[tilespmem:s30+$0x7E30] =	vst v61;
	v18 =	vmul.f32 v60, v18  }
0x153: {  	[tilespmem:s30+$0x7E60] =	vst v19  }
0x154: {  	s29 =	sadd.s32 $0x1, s29;
	[tilespmem:s30+$0x7E70] =	vst v18  }
0x155: {  	p1 =	seq.s32 s28, $0x0  }
.Ltmp8:
0x156: {  	_ = 	snop;
	(pc) =	sbr.rel @p1 .LBB2_13-.Ltmp8, $2  }
0x157: {  	_ =	sdelay $0x2  }
0x158: {  	[spmem:s3] =	stream.indirect.scatter.add.f32 [tilespmem:s0], [sflag:$0x4], $0x80, s6, s12, $0xb8;
	v63 =	vld [tilespmem:$0x0]  }
.LBB2_10:
0x159: {  	_ =	swait.ge [sflag:s8], $0x1400  }
0x15a: {  	[sflag:s8] =	ssyncset.done $0x0  }
0x15b: {  	[sflag:s8] =	ssyncadd.s32 $0xFFFFEC00  }
0x15c: {  	_ =	swait.ge [sflag:s8], $0x1400  }
0x15d: {  	[sflag:s8] =	ssyncset.done $0x0  }
0x15e: {  	p1 =	seq.s32 s26, $0x7C;
	[sflag:s8] =	ssyncadd.s32 $0xFFFFEC00  }
0x15f: {  	s17 =	smul.u32 @!p1 $0x50, s26;
	_ =	swait.ge [sflag:s9], $0x50  }
0x160: {  	[sflag:s9] =	ssyncset.done $0x0  }
0x161: {  	s28 =	sadd.s32 @!p1 $0x50, s17;
	[sflag:s9] =	ssyncadd.s32 $0xFFFFFFB0  }
0x162: {  	s29 =	sadd.s32 @!p1 s21, s28;
	_ =	swait.ge [sflag:s10], $0x2800  }
0x163: {  	s30 =	simm.s32 @!p1 $0x0;
	s29 =	sshrl.u32 @!p1 s29, $0x3;
	[sflag:s10] =	ssyncset.done $0x0  }
0x164: {  	s18 =	simm.s32 @!p1 $0xC680;
	s29 =	sadd.s32 @!p1 s13, s29;
	[sflag:s10] =	ssyncadd.s32 $0xFFFFD800  }
0x165: {  	[tilespmem:s18], [sflag:$0x3] =	stream.linear.gather @!p1 [hbm4b:s29+s30], $0x50, $0x38;
	v63 =	vld [tilespmem:$0x0]  }
0x166: {  	s18 =	simm.s32 @!p1 $0x28;
	s29 =	simm.s32 @!p1 $0x7680;
	s30 =	smul.u32 $0x140, s26  }
0x167: {  	[tilespmem:s29], [sflag:$0x2] =	stream.indirect.gather @!p1 [hbm4b:s1+s18], $0x80, s28, s18, $0xb8;
	v63 =	vld [tilespmem:$0x0]  }
0x168: {  	s17 =	sadd.s32 @!p1 $0x78, s17;
	s28 =	simm.s32 @!p1 $0x8A80;
	s30 =	sshra.s32 s30, $0x2  }
0x169: {  	[tilespmem:s28], [sflag:$0x2] =	stream.indirect.gather @!p1 [hbm4b:s1+s18], $0x80, s17, s18, $0xb8;
	v63 =	vld [tilespmem:$0x0]  }
0x16a: {  	s17 =	sadd.s32 $0x2780, s30  }
0x16b: {  	s28 =	simm.s32 $0x0;
	v17 =	vmov s17  }
.LBB2_11:
0x16c: {  	s17 =	sshll.u32 s28, $0x4  }
0x16d: {  	v19 =	vld [tilespmem:s17+$0xC700];
	_ =	sdelay $0x2  }
0x16e: {  	v18 =	vld.idx.msk [tilespmem:v17+s17+$0x0 ss:$0x1], $0xffff;
	_ =	sdelay $0x3  }
0x16f: {  	s30 =	sshll.u32 s28, $0xB  }
0x170: {  	s29 =	sand.u32 $0x3FFFF800, s30;
	[tilespmem:v19+s11+$0x0] =	vst.idx.add.f32.msk $0xffff, v18  }
0x171: {  	v19 =	vld [tilespmem:s29+$0x9E80]  }
0x172: {  	v20 =	vld [tilespmem:s29+$0x9E90]  }
0x173: {  	v21 =	vld [tilespmem:s29+$0x9EA0]  }
0x174: {  	v22 =	vperm.xlane v18, v1;
	v23 =	vld [tilespmem:s29+$0x9EB0]  }
0x175: {  	v24 =	vld [tilespmem:s29+$0x9EC0]  }
0x176: {  	v25 =	vld [tilespmem:s29+$0x9ED0];
	v19 =	vmul.f32 v19, v22  }
0x177: {  	v26 =	vld [tilespmem:s29+$0x9EE0];
	v20 =	vmul.f32 v20, v22  }
0x178: {  	v34 =	vld [tilespmem:s29+$0x9EF0];
	[tilespmem:s29+$0x9E80] =	vst v19;
	v19 =	vmul.f32 v21, v22  }
0x179: {  	v36 =	vld [tilespmem:s29+$0x9F00];
	v35 =	vmul.f32 v23, v22;
	[tilespmem:s29+$0x9E90] =	vst v20  }
0x17a: {  	v37 =	vld [tilespmem:s29+$0x9F10];
	[tilespmem:s29+$0x9EA0] =	vst v19;
	v19 =	vmul.f32 v24, v22  }
0x17b: {  	v39 =	vld [tilespmem:s29+$0x9F20];
	v38 =	vmul.f32 v25, v22;
	[tilespmem:s29+$0x9EB0] =	vst v35  }
0x17c: {  	v40 =	vperm.xlane v18, v2;
	v27 =	vld [tilespmem:s29+$0x9F30];
	[tilespmem:s29+$0x9EC0] =	vst v19;
	v19 =	vmul.f32 v26, v22  }
0x17d: {  	v42 =	vld [tilespmem:s29+$0x9F40];
	v41 =	vmul.f32 v34, v22;
	[tilespmem:s29+$0x9ED0] =	vst v38  }
0x17e: {  	v43 =	vld [tilespmem:s29+$0x9F50];
	[tilespmem:s29+$0x9EE0] =	vst v19;
	v19 =	vmul.f32 v36, v40  }
0x17f: {  	v45 =	vld [tilespmem:s29+$0x9F60];
	v44 =	vmul.f32 v37, v40;
	[tilespmem:s29+$0x9EF0] =	vst v41  }
0x180: {  	v46 =	vld [tilespmem:s29+$0x9F70];
	[tilespmem:s29+$0x9F00] =	vst v19;
	v19 =	vmul.f32 v39, v40  }
0x181: {  	v48 =	vld [tilespmem:s29+$0x9F80];
	v47 =	vmul.f32 v27, v40;
	[tilespmem:s29+$0x9F10] =	vst v44  }
0x182: {  	v49 =	vld [tilespmem:s29+$0x9F90];
	[tilespmem:s29+$0x9F20] =	vst v19;
	v19 =	vmul.f32 v42, v40  }
0x183: {  	v51 =	vld [tilespmem:s29+$0x9FA0];
	v50 =	vmul.f32 v43, v40;
	[tilespmem:s29+$0x9F30] =	vst v47  }
0x184: {  	v52 =	vperm.xlane v18, v3;
	v53 =	vld [tilespmem:s29+$0x9FB0];
	[tilespmem:s29+$0x9F40] =	vst v19;
	v19 =	vmul.f32 v45, v40  }
0x185: {  	v55 =	vld [tilespmem:s29+$0x9FC0];
	v54 =	vmul.f32 v46, v40;
	[tilespmem:s29+$0x9F50] =	vst v50  }
0x186: {  	v56 =	vld [tilespmem:s29+$0x9FD0];
	[tilespmem:s29+$0x9F60] =	vst v19;
	v19 =	vmul.f32 v48, v52  }
0x187: {  	v58 =	vld [tilespmem:s29+$0x9FE0];
	v57 =	vmul.f32 v49, v52;
	[tilespmem:s29+$0x9F70] =	vst v54  }
0x188: {  	v59 =	vld [tilespmem:s29+$0x9FF0];
	[tilespmem:s29+$0x9F80] =	vst v19;
	v19 =	vmul.f32 v51, v52  }
0x189: {  	v61 =	vld [tilespmem:s29+$0xA000];
	v60 =	vmul.f32 v53, v52;
	[tilespmem:s29+$0x9F90] =	vst v57  }
0x18a: {  	v62 =	vld [tilespmem:s29+$0xA010];
	[tilespmem:s29+$0x9FA0] =	vst v19;
	v19 =	vmul.f32 v55, v52  }
0x18b: {  	v31 =	vld [tilespmem:s29+$0xA020];
	v30 =	vmul.f32 v56, v52;
	[tilespmem:s29+$0x9FB0] =	vst v60  }
0x18c: {  	v32 =	vperm.xlane v18, v4;
	v36 =	vld [tilespmem:s29+$0xA050];
	[tilespmem:s29+$0x9FC0] =	vst v19;
	v19 =	vmul.f32 v58, v52  }
0x18d: {  	v34 =	vmul.f32 v59, v52;
	[tilespmem:s29+$0x9FD0] =	vst v30;
	v35 =	vld [tilespmem:s29+$0xA040]  }
0x18e: {  	v33 =	vld [tilespmem:s29+$0xA030];
	[tilespmem:s29+$0x9FE0] =	vst v19;
	v19 =	vmul.f32 v61, v32  }
0x18f: {  	v37 =	vmul.f32 v62, v32;
	[tilespmem:s29+$0x9FF0] =	vst v34;
	v38 =	vld [tilespmem:s29+$0xA060]  }
0x190: {  	v39 =	vld [tilespmem:s29+$0xA070];
	[tilespmem:s29+$0xA000] =	vst v19;
	v19 =	vmul.f32 v31, v32  }
0x191: {  	[tilespmem:s29+$0xA010] =	vst v37;
	v41 =	vld [tilespmem:s29+$0xA080];
	v43 =	vmul.f32 v36, v32  }
0x192: {  	v46 =	vld [tilespmem:s29+$0xA0B0];
	[tilespmem:s29+$0xA020] =	vst v19;
	v19 =	vmul.f32 v35, v32  }
0x193: {  	v44 =	vld [tilespmem:s29+$0xA0A0];
	v40 =	vmul.f32 v33, v32;
	[tilespmem:s29+$0xA050] =	vst v43  }
0x194: {  	v49 =	vld [tilespmem:s29+$0xA0D0];
	v45 =	vperm.xlane v18, v5;
	[tilespmem:s29+$0xA040] =	vst v19;
	v19 =	vmul.f32 v38, v32  }
0x195: {  	v47 =	vmul.f32 v39, v32;
	[tilespmem:s29+$0xA030] =	vst v40;
	v48 =	vld [tilespmem:s29+$0xA0C0]  }
0x196: {  	v42 =	vld [tilespmem:s29+$0xA090];
	[tilespmem:s29+$0xA060] =	vst v19;
	v19 =	vmul.f32 v41, v45  }
0x197: {  	v53 =	vmul.f32 v46, v45;
	[tilespmem:s29+$0xA070] =	vst v47;
	v51 =	vld [tilespmem:s29+$0xA0E0]  }
0x198: {  	v40 =	vld [tilespmem:s29+$0xA1D0];
	[tilespmem:s29+$0xA080] =	vst v19;
	v19 =	vmul.f32 v44, v45  }
0x199: {  	v54 =	vld [tilespmem:s29+$0xA100];
	v56 =	vmul.f32 v49, v45;
	[tilespmem:s29+$0xA0B0] =	vst v53  }
0x19a: {  	v62 =	vld [tilespmem:s29+$0xA150];
	[tilespmem:s29+$0xA0A0] =	vst v19;
	v19 =	vmul.f32 v48, v45  }
0x19b: {  	v57 =	vld [tilespmem:s29+$0xA120];
	v36 =	vperm.xlane v18, v7;
	v50 =	vmul.f32 v42, v45;
	[tilespmem:s29+$0xA0D0] =	vst v56  }
0x19c: {  	v55 =	vld [tilespmem:s29+$0xA110];
	v58 =	vperm.xlane v18, v6;
	[tilespmem:s29+$0xA0C0] =	vst v19;
	v19 =	vmul.f32 v51, v45  }
0x19d: {  	[tilespmem:s29+$0xA090] =	vst v50;
	v47 =	vmul.f32 v40, v36;
	v61 =	vld [tilespmem:s29+$0xA140]  }
0x19e: {  	v59 =	vld [tilespmem:s29+$0xA130];
	[tilespmem:s29+$0xA0E0] =	vst v19;
	v19 =	vmul.f32 v54, v58  }
0x19f: {  	v29 =	vld [tilespmem:s29+$0xA160];
	[tilespmem:s29+$0xA1D0] =	vst v47;
	v34 =	vmul.f32 v62, v58  }
0x1a0: {  	v52 =	vld [tilespmem:s29+$0xA0F0];
	[tilespmem:s29+$0xA100] =	vst v19;
	v19 =	vmul.f32 v57, v58  }
0x1a1: {  	v28 =	vmul.f32 v55, v58;
	[tilespmem:s29+$0xA150] =	vst v34;
	v32 =	vld [tilespmem:s29+$0xA180]  }
0x1a2: {  	v56 =	vld [tilespmem:s29+$0xA270];
	[tilespmem:s29+$0xA120] =	vst v19;
	v19 =	vmul.f32 v61, v58  }
0x1a3: {  	v31 =	vmul.f32 v59, v58;
	[tilespmem:s29+$0xA110] =	vst v28;
	v35 =	vld [tilespmem:s29+$0xA1A0]  }
0x1a4: {  	v53 =	vld [tilespmem:s29+$0xA250];
	[tilespmem:s29+$0xA140] =	vst v19;
	v19 =	vmul.f32 v29, v58  }
0x1a5: {  	v39 =	vld [tilespmem:s29+$0xA1C0];
	v49 =	vperm.xlane v18, v8;
	v60 =	vmul.f32 v52, v45;
	[tilespmem:s29+$0xA130] =	vst v31  }
0x1a6: {  	v30 =	vld [tilespmem:s29+$0xA170];
	[tilespmem:s29+$0xA160] =	vst v19;
	v19 =	vmul.f32 v32, v36  }
0x1a7: {  	v42 =	vld [tilespmem:s29+$0xA1E0];
	v31 =	vmul.f32 v56, v49;
	[tilespmem:s29+$0xA0F0] =	vst v60  }
0x1a8: {  	v59 =	vld [tilespmem:s29+$0xA290];
	[tilespmem:s29+$0xA180] =	vst v19;
	v19 =	vmul.f32 v35, v36  }
0x1a9: {  	v60 =	vmul.f32 v53, v49;
	[tilespmem:s29+$0xA270] =	vst v31;
	v45 =	vld [tilespmem:s29+$0xA200]  }
0x1aa: {  	v33 =	vld [tilespmem:s29+$0xA190];
	[tilespmem:s29+$0xA1A0] =	vst v19;
	v19 =	vmul.f32 v39, v36  }
0x1ab: {  	v62 =	vperm.xlane v18, v9;
	v38 =	vmul.f32 v30, v58;
	[tilespmem:s29+$0xA250] =	vst v60;
	v48 =	vld [tilespmem:s29+$0xA220]  }
0x1ac: {  	v37 =	vld [tilespmem:s29+$0xA1B0];
	[tilespmem:s29+$0xA1C0] =	vst v19;
	v19 =	vmul.f32 v42, v36  }
0x1ad: {  	v52 =	vld [tilespmem:s29+$0xA240];
	v34 =	vmul.f32 v59, v62;
	[tilespmem:s29+$0xA170] =	vst v38  }
0x1ae: {  	v30 =	vld [tilespmem:s29+$0xA2B0];
	[tilespmem:s29+$0xA1E0] =	vst v19;
	v19 =	vmul.f32 v45, v49  }
0x1af: {  	v55 =	vld [tilespmem:s29+$0xA260];
	v41 =	vmul.f32 v33, v36;
	[tilespmem:s29+$0xA290] =	vst v34  }
0x1b0: {  	v33 =	vld [tilespmem:s29+$0xA2D0];
	[tilespmem:s29+$0xA200] =	vst v19;
	v19 =	vmul.f32 v48, v49  }
0x1b1: {  	[tilespmem:s29+$0xA190] =	vst v41;
	v44 =	vmul.f32 v37, v36;
	v58 =	vld [tilespmem:s29+$0xA280]  }
0x1b2: {  	v43 =	vld [tilespmem:s29+$0xA1F0];
	[tilespmem:s29+$0xA220] =	vst v19;
	v19 =	vmul.f32 v52, v49  }
0x1b3: {  	v37 =	vmul.f32 v30, v62;
	[tilespmem:s29+$0xA1B0] =	vst v44;
	v61 =	vld [tilespmem:s29+$0xA2A0]  }
0x1b4: {  	v46 =	vld [tilespmem:s29+$0xA210];
	[tilespmem:s29+$0xA240] =	vst v19;
	v19 =	vmul.f32 v55, v49  }
0x1b5: {  	[tilespmem:s29+$0xA2B0] =	vst v37;
	v40 =	vmul.f32 v33, v62;
	v32 =	vld [tilespmem:s29+$0xA2C0]  }
0x1b6: {  	v50 =	vld [tilespmem:s29+$0xA230];
	[tilespmem:s29+$0xA260] =	vst v19;
	v19 =	vmul.f32 v58, v62  }
0x1b7: {  	v51 =	vmul.f32 v43, v36;
	[tilespmem:s29+$0xA2D0] =	vst v40;
	v35 =	vld [tilespmem:s29+$0xA2E0]  }
0x1b8: {  	v43 =	vld [tilespmem:s29+$0xA330];
	[tilespmem:s29+$0xA280] =	vst v19;
	v19 =	vmul.f32 v61, v62  }
0x1b9: {  	v38 =	vld [tilespmem:s29+$0xA300];
	[tilespmem:s29+$0xA1F0] =	vst v51;
	v54 =	vmul.f32 v46, v49  }
0x1ba: {  	v46 =	vld [tilespmem:s29+$0xA350];
	[tilespmem:s29+$0xA2A0] =	vst v19;
	v19 =	vmul.f32 v32, v62  }
0x1bb: {  	v41 =	vld [tilespmem:s29+$0xA320];
	[tilespmem:s29+$0xA210] =	vst v54;
	v57 =	vmul.f32 v50, v49;
	v42 =	vperm.xlane v18, v10  }
0x1bc: {  	v39 =	vld [tilespmem:s29+$0xA310];
	[tilespmem:s29+$0xA2C0] =	vst v19;
	v19 =	vmul.f32 v35, v62  }
0x1bd: {  	[tilespmem:s29+$0xA230] =	vst v57;
	v45 =	vld [tilespmem:s29+$0xA340];
	v50 =	vmul.f32 v43, v42  }
0x1be: {  	v36 =	vld [tilespmem:s29+$0xA2F0];
	[tilespmem:s29+$0xA2E0] =	vst v19;
	v19 =	vmul.f32 v38, v42  }
0x1bf: {  	v53 =	vmul.f32 v46, v42;
	v48 =	vld [tilespmem:s29+$0xA360];
	[tilespmem:s29+$0xA330] =	vst v50  }
0x1c0: {  	v56 =	vld [tilespmem:s29+$0xA3B0];
	[tilespmem:s29+$0xA300] =	vst v19;
	v19 =	vmul.f32 v41, v42  }
0x1c1: {  	v51 =	vld [tilespmem:s29+$0xA380];
	v47 =	vmul.f32 v39, v42;
	[tilespmem:s29+$0xA350] =	vst v53  }
0x1c2: {  	v59 =	vld [tilespmem:s29+$0xA3D0];
	[tilespmem:s29+$0xA320] =	vst v19;
	v19 =	vmul.f32 v45, v42  }
0x1c3: {  	v54 =	vld [tilespmem:s29+$0xA3A0];
	v44 =	vmul.f32 v36, v62;
	[tilespmem:s29+$0xA310] =	vst v47;
	v55 =	vperm.xlane v18, v11  }
0x1c4: {  	v52 =	vld [tilespmem:s29+$0xA390];
	[tilespmem:s29+$0xA340] =	vst v19;
	v19 =	vmul.f32 v48, v42  }
0x1c5: {  	[tilespmem:s29+$0xA2F0] =	vst v44;
	v58 =	vld [tilespmem:s29+$0xA3C0];
	v30 =	vmul.f32 v56, v55  }
0x1c6: {  	v49 =	vld [tilespmem:s29+$0xA370];
	[tilespmem:s29+$0xA360] =	vst v19;
	v19 =	vmul.f32 v51, v55  }
0x1c7: {  	v33 =	vmul.f32 v59, v55;
	v61 =	vld [tilespmem:s29+$0xA3E0];
	[tilespmem:s29+$0xA3B0] =	vst v30  }
0x1c8: {  	v36 =	vld [tilespmem:s29+$0xA430];
	[tilespmem:s29+$0xA380] =	vst v19;
	v19 =	vmul.f32 v54, v55  }
0x1c9: {  	v31 =	vld [tilespmem:s29+$0xA400];
	v60 =	vmul.f32 v52, v55;
	[tilespmem:s29+$0xA3D0] =	vst v33  }
0x1ca: {  	v39 =	vld [tilespmem:s29+$0xA450];
	[tilespmem:s29+$0xA3A0] =	vst v19;
	v19 =	vmul.f32 v58, v55  }
0x1cb: {  	v34 =	vld [tilespmem:s29+$0xA420];
	v57 =	vmul.f32 v49, v42;
	[tilespmem:s29+$0xA390] =	vst v60;
	v35 =	vperm.xlane v18, v12  }
0x1cc: {  	v32 =	vld [tilespmem:s29+$0xA410];
	[tilespmem:s29+$0xA3C0] =	vst v19;
	v19 =	vmul.f32 v61, v55  }
0x1cd: {  	[tilespmem:s29+$0xA370] =	vst v57;
	v38 =	vld [tilespmem:s29+$0xA440];
	v43 =	vmul.f32 v36, v35  }
0x1ce: {  	v62 =	vld [tilespmem:s29+$0xA3F0];
	[tilespmem:s29+$0xA3E0] =	vst v19;
	v19 =	vmul.f32 v31, v35  }
0x1cf: {  	v46 =	vmul.f32 v39, v35;
	v41 =	vld [tilespmem:s29+$0xA460];
	[tilespmem:s29+$0xA430] =	vst v43  }
0x1d0: {  	v49 =	vld [tilespmem:s29+$0xA4B0];
	[tilespmem:s29+$0xA400] =	vst v19;
	v19 =	vmul.f32 v34, v35  }
0x1d1: {  	v44 =	vld [tilespmem:s29+$0xA480];
	v40 =	vmul.f32 v32, v35;
	[tilespmem:s29+$0xA450] =	vst v46  }
0x1d2: {  	v52 =	vld [tilespmem:s29+$0xA4D0];
	[tilespmem:s29+$0xA420] =	vst v19;
	v19 =	vmul.f32 v38, v35  }
0x1d3: {  	v47 =	vld [tilespmem:s29+$0xA4A0];
	v37 =	vmul.f32 v62, v55;
	[tilespmem:s29+$0xA410] =	vst v40;
	v48 =	vperm.xlane v18, v13  }
0x1d4: {  	v45 =	vld [tilespmem:s29+$0xA490];
	[tilespmem:s29+$0xA440] =	vst v19;
	v19 =	vmul.f32 v41, v35  }
0x1d5: {  	[tilespmem:s29+$0xA3F0] =	vst v37;
	v51 =	vld [tilespmem:s29+$0xA4C0];
	v56 =	vmul.f32 v49, v48  }
0x1d6: {  	v42 =	vld [tilespmem:s29+$0xA470];
	[tilespmem:s29+$0xA460] =	vst v19;
	v19 =	vmul.f32 v44, v48  }
0x1d7: {  	v59 =	vmul.f32 v52, v48;
	v54 =	vld [tilespmem:s29+$0xA4E0];
	[tilespmem:s29+$0xA4B0] =	vst v56  }
0x1d8: {  	v62 =	vld [tilespmem:s29+$0xA530];
	[tilespmem:s29+$0xA480] =	vst v19;
	v19 =	vmul.f32 v47, v48  }
0x1d9: {  	v57 =	vld [tilespmem:s29+$0xA500];
	v53 =	vmul.f32 v45, v48;
	[tilespmem:s29+$0xA4D0] =	vst v59  }
0x1da: {  	v32 =	vld [tilespmem:s29+$0xA550];
	[tilespmem:s29+$0xA4A0] =	vst v19;
	v19 =	vmul.f32 v51, v48  }
0x1db: {  	v60 =	vld [tilespmem:s29+$0xA520];
	v50 =	vmul.f32 v42, v35;
	[tilespmem:s29+$0xA490] =	vst v53;
	v61 =	vperm.xlane v18, v14  }
0x1dc: {  	v58 =	vld [tilespmem:s29+$0xA510];
	[tilespmem:s29+$0xA4C0] =	vst v19;
	v19 =	vmul.f32 v54, v48  }
0x1dd: {  	[tilespmem:s29+$0xA470] =	vst v50;
	v31 =	vld [tilespmem:s29+$0xA540];
	v36 =	vmul.f32 v62, v61  }
0x1de: {  	v55 =	vld [tilespmem:s29+$0xA4F0];
	[tilespmem:s29+$0xA4E0] =	vst v19;
	v19 =	vmul.f32 v57, v61  }
0x1df: {  	v39 =	vmul.f32 v32, v61;
	v34 =	vld [tilespmem:s29+$0xA560];
	[tilespmem:s29+$0xA530] =	vst v36  }
0x1e0: {  	v42 =	vld [tilespmem:s29+$0xA5B0];
	[tilespmem:s29+$0xA500] =	vst v19;
	v19 =	vmul.f32 v60, v61  }
0x1e1: {  	v37 =	vld [tilespmem:s29+$0xA580];
	v33 =	vmul.f32 v58, v61;
	[tilespmem:s29+$0xA550] =	vst v39  }
0x1e2: {  	v45 =	vld [tilespmem:s29+$0xA5D0];
	[tilespmem:s29+$0xA520] =	vst v19;
	v19 =	vmul.f32 v31, v61  }
0x1e3: {  	v40 =	vld [tilespmem:s29+$0xA5A0];
	v30 =	vmul.f32 v55, v48;
	[tilespmem:s29+$0xA510] =	vst v33;
	v41 =	vperm.xlane v18, v15  }
0x1e4: {  	v38 =	vld [tilespmem:s29+$0xA590];
	[tilespmem:s29+$0xA540] =	vst v19;
	v19 =	vmul.f32 v34, v61  }
0x1e5: {  	[tilespmem:s29+$0xA4F0] =	vst v30;
	v44 =	vld [tilespmem:s29+$0xA5C0];
	v49 =	vmul.f32 v42, v41  }
0x1e6: {  	v35 =	vld [tilespmem:s29+$0xA570];
	[tilespmem:s29+$0xA560] =	vst v19;
	v19 =	vmul.f32 v37, v41  }
0x1e7: {  	v52 =	vmul.f32 v45, v41;
	v47 =	vld [tilespmem:s29+$0xA5E0];
	[tilespmem:s29+$0xA5B0] =	vst v49  }
0x1e8: {  	v51 =	vld [tilespmem:s29+$0xA610];
	[tilespmem:s29+$0xA580] =	vst v19;
	v19 =	vmul.f32 v40, v41  }
0x1e9: {  	v50 =	vld [tilespmem:s29+$0xA600];
	v46 =	vmul.f32 v38, v41;
	[tilespmem:s29+$0xA5D0] =	vst v52  }
0x1ea: {  	v48 =	vld [tilespmem:s29+$0xA5F0];
	[tilespmem:s29+$0xA5A0] =	vst v19;
	v19 =	vmul.f32 v44, v41  }
0x1eb: {  	v53 =	vld [tilespmem:s29+$0xA620];
	v18 =	vperm.xlane v18, v16;
	v43 =	vmul.f32 v35, v61;
	[tilespmem:s29+$0xA590] =	vst v46  }
0x1ec: {  	v57 =	vld [tilespmem:s29+$0xA650];
	[tilespmem:s29+$0xA5C0] =	vst v19;
	v19 =	vmul.f32 v47, v41  }
0x1ed: {  	v56 =	vld [tilespmem:s29+$0xA640];
	[tilespmem:s29+$0xA570] =	vst v43;
	v58 =	vmul.f32 v51, v18  }
0x1ee: {  	v54 =	vld [tilespmem:s29+$0xA630];
	[tilespmem:s29+$0xA5E0] =	vst v19;
	v19 =	vmul.f32 v50, v18  }
0x1ef: {  	v59 =	vld [tilespmem:s29+$0xA660];
	v55 =	vmul.f32 v48, v41;
	[tilespmem:s29+$0xA610] =	vst v58  }
0x1f0: {  	v60 =	vld [tilespmem:s29+$0xA670];
	[tilespmem:s29+$0xA600] =	vst v19;
	v19 =	vmul.f32 v53, v18  }
0x1f1: {  	[tilespmem:s29+$0xA5F0] =	vst v55;
	v62 =	vmul.f32 v57, v18  }
0x1f2: {  	p1 =	sne.s32 s28, $0x4;
	[tilespmem:s29+$0xA620] =	vst v19;
	v19 =	vmul.f32 v56, v18  }
.Ltmp9:
0x1f3: {  	v61 =	vmul.f32 v54, v18;
	[tilespmem:s29+$0xA650] =	vst v62;
	(pc) =	sbr.rel @p1 .LBB2_11-.Ltmp9, $4  }
0x1f4: {  	[tilespmem:s29+$0xA640] =	vst v19;
	v19 =	vmul.f32 v59, v18  }
0x1f5: {  	[tilespmem:s29+$0xA630] =	vst v61;
	v18 =	vmul.f32 v60, v18  }
0x1f6: {  	[tilespmem:s29+$0xA660] =	vst v19  }
0x1f7: {  	s28 =	sadd.s32 $0x1, s28;
	[tilespmem:s29+$0xA670] =	vst v18  }
.Ltmp10:
0x1f8: {  	(pc) =	sbr.rel .LBB2_13-.Ltmp10, $2  }
0x1f9: {  	_ =	sdelay $0x2  }
0x1fa: {  	[spmem:s3] =	stream.indirect.scatter.add.f32 [tilespmem:s15], [sflag:$0x5], $0x80, s14, s12, $0xb8;
	v63 =	vld [tilespmem:$0x0]  }
.LBB2_15:
0x1fb: {  	_ =	sfence.sel $0x180000  }
0x1fc: {  	[bflag:$0x0] =	sbarrier.arrive $0xFFFF  }
0x1fd: {  	_ =	strace $0x90000047  }
0x1fe: {  	s0 =	stileid.u32;
	[bflag:$0x2] =	sbarrier.arrive $0xFFFF  }
0x1ff: {  	p0 =	sne.s32 s0, $0x0;
	s0 =	rddreg [dreg:$0x3]  }
0x200: {  	s0 =	sadd.s32 @!p0 $0x100000, s0  }
0x201: {  	[sflag:s0] =	ssyncadd.tile.s32 @!p0 $0x1;
	_ =	shalt  }
.Lfunc_end2:
_tile_overlayer_lowered:
.L_overlay_start_2:
0x202: {  	(tag) =	ssettag $0x2  }
0x203: {  	s0 =	rddreg [dreg:$0x0];
	s2 =	stileid.u32  }
0x204: {  	s1 =	rddreg [dreg:$0x1];
	p0 =	sne.s32 s2, $0x0  }
0x205: {  	s3 =	rddreg [dreg:$0x2];
	[bflag:$0x3] =	sbarrier.arrive $0xFFFF;
	s2 =	simm.s32 @!p0 $0x1C06  }
0x206: {  	[timem:s3], [sflag:s2] =	dma.local @!p0 [hbm:s0], s1  }
0x207: {  	s0 =	simm.s32 @!p0 $0x6  }
0x208: {  	_ =	swait.ge @!p0 [sflag:s0], s1  }
0x209: {  	s1 =	ssub.s32 @!p0 $0x0, s1;
	[sflag:s0] =	ssyncset.done @!p0 $0x0  }
0x20a: {  	[sflag:s0] =	ssyncadd.s32 @!p0 s1  }
0x20b: {  	[bflag:$0x3] =	sbarrier.arrive $0xFFFF  }
0x20c: {  	_ =	shalt  }

</sc_bundles>
